<compile_context>
chip_gen: v7x
topology: tpu7x:2x2x1
jax: 0.10.2.dev20260603
libtpu: 0.0.44.dev20260713+nightly
codegen_flags: <defaults>
</compile_context>

<pallas_src>
import functools

import jax
import jax.numpy as jnp
from jax import lax
from jax.experimental import pallas as pl
from jax.experimental.pallas import tpu as pltpu
from jax.experimental.pallas import tpu_sc as plsc

N = 10000
DEG = 32
E = N * DEG
D_COORD = 3
HIDDEN = 64
D_FEAT = 128
DW = D_FEAT + 16

_NC = 2
_NS = 16
_NW = _NC * _NS
_NSPLIT = 2
_CH = 40
_G = 5

_NB = 200
_EB = _NB * DEG


def _make_sc_body(per_w):
    nchunk = per_w // _CH
    ngrp = nchunk // _G
    npair = ngrp // 2

    def _sc_gather_body(table_hbm, idx_hbm, out_hbm, idx_v, rows_v,
                        sg0, sg1, sw0, sw1):
        c = lax.axis_index("c")
        s = lax.axis_index("s")
        wid = s * _NC + c
        base = wid * per_w

        pltpu.sync_copy(idx_hbm.at[pl.ds(base, per_w)], idx_v)

        sg = (sg0, sg1)
        sw = (sw0, sw1)

        def gather(bank, b, chunk):
            return pltpu.make_async_copy(
                table_hbm.at[idx_v.at[pl.ds(chunk * _CH, _CH)]],
                rows_v.at[bank, b], sg[bank])

        def wback(bank, b, chunk):
            return pltpu.make_async_copy(
                rows_v.at[bank, b],
                out_hbm.at[pl.ds(base + chunk * _CH, _CH)], sw[bank])

        for b in range(_G):
            gather(0, b, b).start()

        def body(p, carry):
            ga = 2 * p
            gb = 2 * p + 1
            for b in range(_G):
                gather(0, b, ga * _G + b).wait()
            @pl.when(p > 0)
            def _():
                for b in range(_G):
                    wback(1, b, (gb - 2) * _G + b).wait()
            for b in range(_G):
                gather(1, b, gb * _G + b).start()
            for b in range(_G):
                wback(0, b, ga * _G + b).start()
            for b in range(_G):
                wback(0, b, ga * _G + b).wait()
            @pl.when(ga + 2 < ngrp)
            def _():
                for b in range(_G):
                    gather(0, b, (ga + 2) * _G + b).start()
            for b in range(_G):
                gather(1, b, gb * _G + b).wait()
            for b in range(_G):
                wback(1, b, gb * _G + b).start()
            return carry

        lax.fori_loop(0, npair, body, 0)
        for b in range(_G):
            wback(1, b, (2 * npair - 1) * _G + b).wait()
        if ngrp % 2:
            gt = ngrp - 1
            for b in range(_G):
                gather(0, b, gt * _G + b).wait()
            for b in range(_G):
                wback(0, b, gt * _G + b).start()
            for b in range(_G):
                wback(0, b, gt * _G + b).wait()

    return _sc_gather_body


@functools.cache
def _get_sc_gather(e_part):
    per_w = e_part // _NW
    return functools.partial(
        pl.kernel,
        mesh=plsc.VectorSubcoreMesh(core_axis_name="c", subcore_axis_name="s"),
        out_type=jax.ShapeDtypeStruct((e_part, DW), jnp.float32),
        scratch_types=[
            pltpu.VMEM((per_w,), jnp.int32),
            pltpu.VMEM((2, _G, _CH, DW), jnp.float32),
            pltpu.SemaphoreType.DMA,
            pltpu.SemaphoreType.DMA,
            pltpu.SemaphoreType.DMA,
            pltpu.SemaphoreType.DMA,
        ],
        compiler_params=pltpu.CompilerParams(use_tc_tiling_on_sc=False),
    )(_make_sc_body(per_w))


def _gelu(x):
    u = 0.7978845608028654 * (x + 0.044715 * x * x * x)
    return 0.5 * x * (1.0 + jnp.tanh(u))


def _tc_body(g_ref, y_ref, w1_ref, b1_ref, w2_ref, b2_ref, o_ref):
    y_blk = y_ref[...]
    g_blk = g_ref[...]
    f_nbr = g_blk[:, :D_FEAT]
    y_nbr = g_blk[:, D_FEAT:D_FEAT + D_COORD]
    w1 = w1_ref[...]
    b1 = b1_ref[...]
    w2 = w2_ref[...]
    b2 = b2_ref[...]

    y_self = jnp.broadcast_to(y_blk[:, None, :],
                              (_NB, DEG, D_COORD)).reshape(_EB, D_COORD)

    quad = jnp.concatenate(
        [y_nbr * y_nbr, y_nbr * y_self, y_self * y_self], axis=1)
    srow = lax.broadcasted_iota(jnp.int32, (3 * D_COORD, D_FEAT), 0)
    s_kk = jnp.where(srow < 3, 1.0, 0.0)
    s_kq = jnp.where((srow >= 3) & (srow < 6), 1.0, 0.0)
    s_qq = jnp.where(srow >= 6, 1.0, 0.0)
    kk = jnp.dot(quad, s_kk, preferred_element_type=jnp.float32)
    kq = jnp.dot(quad, s_kq, preferred_element_type=jnp.float32)
    qq = jnp.dot(quad, s_qq, preferred_element_type=jnp.float32)
    score = kq * (lax.rsqrt(jnp.maximum(kk, 1e-24)) *
                  lax.rsqrt(jnp.maximum(qq, 1e-24)))
    p = jnp.exp(score)

    agg = jnp.concatenate([y_nbr, y_self], axis=1)
    z = jnp.dot(agg, w1, preferred_element_type=jnp.float32) + b1
    h = jnp.dot(_gelu(z), w2, preferred_element_type=jnp.float32) + b2

    w = h * f_nbr * p
    seg = jnp.sum(w.reshape(_NB, DEG, D_FEAT), axis=1)
    denom = jnp.sum(p.reshape(_NB, DEG, D_FEAT), axis=1)
    o_ref[...] = seg / denom


def _make_tc(interpret=False, n_nodes=N):
    return pl.pallas_call(
        _tc_body,
        grid=(n_nodes // _NB,),
        in_specs=[
            pl.BlockSpec((_EB, DW), lambda i: (i, 0)),
            pl.BlockSpec((_NB, D_COORD), lambda i: (i, 0)),
            pl.BlockSpec((2 * D_COORD, HIDDEN), lambda i: (0, 0)),
            pl.BlockSpec((1, HIDDEN), lambda i: (0, 0)),
            pl.BlockSpec((HIDDEN, D_FEAT), lambda i: (0, 0)),
            pl.BlockSpec((1, D_FEAT), lambda i: (0, 0)),
        ],
        out_specs=pl.BlockSpec((_NB, D_FEAT), lambda i: (i, 0)),
        out_shape=jax.ShapeDtypeStruct((n_nodes, D_FEAT), jnp.float32),
        interpret=interpret,
    )


@functools.cache
def _get_tc(n_nodes):
    return _make_tc(n_nodes=n_nodes)


def kernel(y, f_y, W1, b1, W2, b2, neighbors_index, neighbors_row_splits):
    idx = neighbors_index.astype(jnp.int32)
    ypad = jnp.pad(y, ((0, 0), (0, DW - D_FEAT - D_COORD)))
    table = jnp.concatenate([f_y, ypad], axis=1)
    b1r = b1.reshape(1, HIDDEN)
    b2r = b2.reshape(1, D_FEAT)
    n_s = N // _NSPLIT
    e_s = E // _NSPLIT
    parts = []
    for s in range(_NSPLIT):
        idx_s = lax.slice(idx, (s * e_s,), ((s + 1) * e_s,))
        g_s = _get_sc_gather(e_s)(table, idx_s)
        y_s = lax.slice(y, (s * n_s, 0), ((s + 1) * n_s, D_COORD))
        parts.append(_get_tc(n_s)(g_s, y_s, W1, b1r, W2, b2r))
    return jnp.concatenate(parts, axis=0)

# --- scband reference (transcript-rebuilt; emitter-appended) ---
"""Pipeline reference for scband-agno-82575041233033 (READ-ONLY COPY).

The authoritative reference and input builder live on the scoring server;
editing this copy changes nothing except your own understanding.
"""

import jax, jax.numpy as jnp
import numpy as np

N = 10000
DEG = 32
E = N * DEG
D_COORD = 3
HIDDEN = 64
D_FEAT = 128


def setup_inputs(seed: int = 0) -> dict:
    key = jax.random.key(seed)
    k1, k2, k3, k4, k5, k6 = jax.random.split(key, 6)
    y = jax.random.normal(k1, (N, D_COORD), dtype=jnp.float32)
    f_y = jax.random.normal(k2, (N, D_FEAT), dtype=jnp.float32)
    neighbors_index = jax.random.randint(k3, (E,), 0, N)
    neighbors_row_splits = jnp.arange(N + 1, dtype=jnp.int32) * DEG
    in_dim = 2 * D_COORD
    W1 = jax.random.normal(k4, (in_dim, HIDDEN), dtype=jnp.float32) / np.sqrt(in_dim)
    b1 = jnp.zeros((HIDDEN,), dtype=jnp.float32)
    W2 = jax.random.normal(k5, (HIDDEN, D_FEAT), dtype=jnp.float32) / np.sqrt(HIDDEN)
    b2 = jnp.zeros((D_FEAT,), dtype=jnp.float32)
    return {"y": y, "f_y": f_y, "W1": W1, "b1": b1, "W2": W2, "b2": b2,
            "neighbors_index": neighbors_index, "neighbors_row_splits": neighbors_row_splits}


def reference(y, f_y, W1, b1, W2, b2, neighbors_index, neighbors_row_splits):
    num_reps = neighbors_row_splits[1:] - neighbors_row_splits[:-1]
    n_query = neighbors_row_splits.shape[0] - 1
    # gather neighbor coords and features (SparseCore gather)
    rep_features = y[neighbors_index]                  # [E, d_coord]
    in_features = f_y[neighbors_index]                 # [E, d_feat]
    self_features = jnp.repeat(y, num_reps, axis=0, total_repeat_length=E)  # x = y
    seg = jnp.repeat(jnp.arange(n_query), num_reps, total_repeat_length=E)
    # cosine attention over coordinates
    q = self_features[:, :D_COORD]
    k = rep_features[:, :D_COORD]
    qn = q / jnp.maximum(jnp.linalg.norm(q, axis=-1, keepdims=True), 1e-12)
    kn = k / jnp.maximum(jnp.linalg.norm(k, axis=-1, keepdims=True), 1e-12)
    scores = jnp.sum(qn * kn, axis=-1)                 # [E]
    # segment softmax (segment_csr max/sum equivalents)
    maxv = jax.ops.segment_max(scores, seg, num_segments=n_query)
    scores = scores - maxv[seg]
    expv = jnp.exp(scores)
    sumv = jax.ops.segment_sum(expv, seg, num_segments=n_query)
    attn = expv / sumv[seg]
    # kernel MLP k(x, y) on concatenated coords (transform_type='linear')
    agg = jnp.concatenate([rep_features, self_features], axis=-1)  # [E, 2*d_coord]
    h = jax.nn.gelu(agg @ W1 + b1, approximate=False) @ W2 + b2    # [E, d_feat]
    h = h * in_features          # k(x,y) * f(y)
    h = h * attn[:, None]        # attention weighting
    out = jax.ops.segment_sum(h, seg, num_segments=n_query)       # segment_csr reduce
    return out

if __name__ == "__main__":
    import jax
    _d = setup_inputs()
    print(jax.jit(kernel)(*tuple(_d.values())))

</pallas_src>

<mosaic_0001>
#map = affine_map<(d0, d1) -> (0, 0)>
#map1 = affine_map<(d0, d1) -> (0)>
module attributes {stable_mosaic.version = 14 : i64} {
  func.func @_sc_gather_body(%arg0: i32, %arg1: i32, %arg2: memref<10000x144xf32, #tpu.memory_space<hbm>>, %arg3: memref<160000xi32, #tpu.memory_space<hbm>>, %arg4: memref<160000x144xf32, #tpu.memory_space<hbm>>, %arg5: memref<5000xi32, #tpu.memory_space<vmem>>, %arg6: memref<2x5x40x144xf32, #tpu.memory_space<vmem>>, %arg7: memref<!tpu.dma_semaphore, #tpu.memory_space<semaphore_mem>>, %arg8: memref<!tpu.dma_semaphore, #tpu.memory_space<semaphore_mem>>, %arg9: memref<!tpu.dma_semaphore, #tpu.memory_space<semaphore_mem>>, %arg10: memref<!tpu.dma_semaphore, #tpu.memory_space<semaphore_mem>>) attributes {dimension_semantics = [#tpu.dimension_semantics<core_parallel>, #tpu.dimension_semantics<subcore_parallel>], iteration_bounds = array<i64: 2, 16>, scalar_prefetch = 0 : i64, scratch_operands = 6 : i64, tpu.core_type = #tpu.core_type<sc_vector_subcore>, window_params = [{transform_indices = #map}, {transform_indices = #map1}, {transform_indices = #map}]} {
    %mul3A = arith.constant 2 : i32
    %mul3A_0 = arith.muli %arg1, %mul3A : i32
    %add3A = arith.addi %mul3A_0, %arg0 : i32
    %mul3A_1 = arith.constant 5000 : i32
    %mul3A_2 = arith.muli %add3A, %mul3A_1 : i32
    "tpu.region"() ({
      %run_scoped3A = tpu.sem_alloc : memref<!tpu.dma_semaphore, #tpu.memory_space<semaphore_mem>>
      %dma_start3A_356 = tpu.memref_slice %arg3[%mul3A_2] : memref<160000xi32, #tpu.memory_space<hbm>> -> memref<5000xi32, #tpu.memory_space<hbm>>
      %dma_start3A_357 = tpu.memref_slice %arg3[%mul3A_2] : memref<160000xi32, #tpu.memory_space<hbm>> -> memref<5000xi32, #tpu.memory_space<hbm>>
      tpu.enqueue_dma source(%dma_start3A_357 : memref<5000xi32, #tpu.memory_space<hbm>>) target(%arg5 : memref<5000xi32, #tpu.memory_space<vmem>>) target_semaphore(%run_scoped3A : memref<!tpu.dma_semaphore, #tpu.memory_space<semaphore_mem>>)
      %dma_wait3A_358 = tpu.memref_slice %arg3[%mul3A_2] : memref<160000xi32, #tpu.memory_space<hbm>> -> memref<5000xi32, #tpu.memory_space<hbm>>
      %dma_wait3A_359 = tpu.memref_slice %arg3[%mul3A_2] : memref<160000xi32, #tpu.memory_space<hbm>> -> memref<5000xi32, #tpu.memory_space<hbm>>
      tpu.wait_dma2 semaphore(%run_scoped3A : memref<!tpu.dma_semaphore, #tpu.memory_space<semaphore_mem>>) src(%dma_wait3A_359 : memref<5000xi32, #tpu.memory_space<hbm>>) dst(%arg5 : memref<5000xi32, #tpu.memory_space<vmem>>)
      tpu.yield
    }) : () -> ()
    %dma_start3A = arith.constant 0 : i32
    %dma_start3A_3 = arith.constant 0 : i32
    %dma_start3A_4 = arith.constant 0 : i32
    %dma_start3A_5 = arith.constant 0 : i32
    %dma_start3A_6 = tpu.memref_slice %arg6[%dma_start3A, %dma_start3A_3, %dma_start3A_4, %dma_start3A_5] : memref<2x5x40x144xf32, #tpu.memory_space<vmem>> -> memref<1x1x40x144xf32, #tpu.memory_space<vmem>>
    %dma_start3A_7 = tpu.memref_squeeze %dma_start3A_6 : memref<1x1x40x144xf32, #tpu.memory_space<vmem>> -> memref<40x144xf32, #tpu.memory_space<vmem>>
    %dma_start3A_8 = arith.constant 0 : i32
    %dma_start3A_9 = tpu.memref_slice %arg5[%dma_start3A_8] : memref<5000xi32, #tpu.memory_space<vmem>> -> memref<40xi32, #tpu.memory_space<vmem>>
    %dma_start3A_10 = arith.constant 0 : i32
    %dma_start3A_11 = arith.constant 0 : i32
    %dma_start3A_12 = tpu.memref_slice %arg2[%dma_start3A_10, %dma_start3A_11] : memref<10000x144xf32, #tpu.memory_space<hbm>> -> memref<10000x144xf32, #tpu.memory_space<hbm>>
    tpu.enqueue_indirect_dma source(%dma_start3A_12 : memref<10000x144xf32, #tpu.memory_space<hbm>>) target(%dma_start3A_7 : memref<40x144xf32, #tpu.memory_space<vmem>>) offsets(%dma_start3A_9 : memref<40xi32, #tpu.memory_space<vmem>>) semaphore(%arg7 : memref<!tpu.dma_semaphore, #tpu.memory_space<semaphore_mem>>)
    %dma_start3A_13 = arith.constant 0 : i32
    %dma_start3A_14 = arith.constant 1 : i32
    %dma_start3A_15 = arith.constant 0 : i32
    %dma_start3A_16 = arith.constant 0 : i32
    %dma_start3A_17 = tpu.memref_slice %arg6[%dma_start3A_13, %dma_start3A_14, %dma_start3A_15, %dma_start3A_16] : memref<2x5x40x144xf32, #tpu.memory_space<vmem>> -> memref<1x1x40x144xf32, #tpu.memory_space<vmem>>
    %dma_start3A_18 = tpu.memref_squeeze %dma_start3A_17 : memref<1x1x40x144xf32, #tpu.memory_space<vmem>> -> memref<40x144xf32, #tpu.memory_space<vmem>>
    %dma_start3A_19 = arith.constant 40 : i32
    %dma_start3A_20 = tpu.memref_slice %arg5[%dma_start3A_19] : memref<5000xi32, #tpu.memory_space<vmem>> -> memref<40xi32, #tpu.memory_space<vmem>>
    %dma_start3A_21 = arith.constant 0 : i32
    %dma_start3A_22 = arith.constant 0 : i32
    %dma_start3A_23 = tpu.memref_slice %arg2[%dma_start3A_21, %dma_start3A_22] : memref<10000x144xf32, #tpu.memory_space<hbm>> -> memref<10000x144xf32, #tpu.memory_space<hbm>>
    tpu.enqueue_indirect_dma source(%dma_start3A_23 : memref<10000x144xf32, #tpu.memory_space<hbm>>) target(%dma_start3A_18 : memref<40x144xf32, #tpu.memory_space<vmem>>) offsets(%dma_start3A_20 : memref<40xi32, #tpu.memory_space<vmem>>) semaphore(%arg7 : memref<!tpu.dma_semaphore, #tpu.memory_space<semaphore_mem>>)
    %dma_start3A_24 = arith.constant 0 : i32
    %dma_start3A_25 = arith.constant 2 : i32
    %dma_start3A_26 = arith.constant 0 : i32
    %dma_start3A_27 = arith.constant 0 : i32
    %dma_start3A_28 = tpu.memref_slice %arg6[%dma_start3A_24, %dma_start3A_25, %dma_start3A_26, %dma_start3A_27] : memref<2x5x40x144xf32, #tpu.memory_space<vmem>> -> memref<1x1x40x144xf32, #tpu.memory_space<vmem>>
    %dma_start3A_29 = tpu.memref_squeeze %dma_start3A_28 : memref<1x1x40x144xf32, #tpu.memory_space<vmem>> -> memref<40x144xf32, #tpu.memory_space<vmem>>
    %dma_start3A_30 = arith.constant 80 : i32
    %dma_start3A_31 = tpu.memref_slice %arg5[%dma_start3A_30] : memref<5000xi32, #tpu.memory_space<vmem>> -> memref<40xi32, #tpu.memory_space<vmem>>
    %dma_start3A_32 = arith.constant 0 : i32
    %dma_start3A_33 = arith.constant 0 : i32
    %dma_start3A_34 = tpu.memref_slice %arg2[%dma_start3A_32, %dma_start3A_33] : memref<10000x144xf32, #tpu.memory_space<hbm>> -> memref<10000x144xf32, #tpu.memory_space<hbm>>
    tpu.enqueue_indirect_dma source(%dma_start3A_34 : memref<10000x144xf32, #tpu.memory_space<hbm>>) target(%dma_start3A_29 : memref<40x144xf32, #tpu.memory_space<vmem>>) offsets(%dma_start3A_31 : memref<40xi32, #tpu.memory_space<vmem>>) semaphore(%arg7 : memref<!tpu.dma_semaphore, #tpu.memory_space<semaphore_mem>>)
    %dma_start3A_35 = arith.constant 0 : i32
    %dma_start3A_36 = arith.constant 3 : i32
    %dma_start3A_37 = arith.constant 0 : i32
    %dma_start3A_38 = arith.constant 0 : i32
    %dma_start3A_39 = tpu.memref_slice %arg6[%dma_start3A_35, %dma_start3A_36, %dma_start3A_37, %dma_start3A_38] : memref<2x5x40x144xf32, #tpu.memory_space<vmem>> -> memref<1x1x40x144xf32, #tpu.memory_space<vmem>>
    %dma_start3A_40 = tpu.memref_squeeze %dma_start3A_39 : memref<1x1x40x144xf32, #tpu.memory_space<vmem>> -> memref<40x144xf32, #tpu.memory_space<vmem>>
    %dma_start3A_41 = arith.constant 120 : i32
    %dma_start3A_42 = tpu.memref_slice %arg5[%dma_start3A_41] : memref<5000xi32, #tpu.memory_space<vmem>> -> memref<40xi32, #tpu.memory_space<vmem>>
    %dma_start3A_43 = arith.constant 0 : i32
    %dma_start3A_44 = arith.constant 0 : i32
    %dma_start3A_45 = tpu.memref_slice %arg2[%dma_start3A_43, %dma_start3A_44] : memref<10000x144xf32, #tpu.memory_space<hbm>> -> memref<10000x144xf32, #tpu.memory_space<hbm>>
    tpu.enqueue_indirect_dma source(%dma_start3A_45 : memref<10000x144xf32, #tpu.memory_space<hbm>>) target(%dma_start3A_40 : memref<40x144xf32, #tpu.memory_space<vmem>>) offsets(%dma_start3A_42 : memref<40xi32, #tpu.memory_space<vmem>>) semaphore(%arg7 : memref<!tpu.dma_semaphore, #tpu.memory_space<semaphore_mem>>)
    %dma_start3A_46 = arith.constant 0 : i32
    %dma_start3A_47 = arith.constant 4 : i32
    %dma_start3A_48 = arith.constant 0 : i32
    %dma_start3A_49 = arith.constant 0 : i32
    %dma_start3A_50 = tpu.memref_slice %arg6[%dma_start3A_46, %dma_start3A_47, %dma_start3A_48, %dma_start3A_49] : memref<2x5x40x144xf32, #tpu.memory_space<vmem>> -> memref<1x1x40x144xf32, #tpu.memory_space<vmem>>
    %dma_start3A_51 = tpu.memref_squeeze %dma_start3A_50 : memref<1x1x40x144xf32, #tpu.memory_space<vmem>> -> memref<40x144xf32, #tpu.memory_space<vmem>>
    %dma_start3A_52 = arith.constant 160 : i32
    %dma_start3A_53 = tpu.memref_slice %arg5[%dma_start3A_52] : memref<5000xi32, #tpu.memory_space<vmem>> -> memref<40xi32, #tpu.memory_space<vmem>>
    %dma_start3A_54 = arith.constant 0 : i32
    %dma_start3A_55 = arith.constant 0 : i32
    %dma_start3A_56 = tpu.memref_slice %arg2[%dma_start3A_54, %dma_start3A_55] : memref<10000x144xf32, #tpu.memory_space<hbm>> -> memref<10000x144xf32, #tpu.memory_space<hbm>>
    tpu.enqueue_indirect_dma source(%dma_start3A_56 : memref<10000x144xf32, #tpu.memory_space<hbm>>) target(%dma_start3A_51 : memref<40x144xf32, #tpu.memory_space<vmem>>) offsets(%dma_start3A_53 : memref<40xi32, #tpu.memory_space<vmem>>) semaphore(%arg7 : memref<!tpu.dma_semaphore, #tpu.memory_space<semaphore_mem>>)
    %scan3A = arith.constant 0 : i32
    %scan3A_57 = arith.constant 0 : i32
    %scan3A_58 = arith.constant 12 : i32
    %scan3A_59 = arith.addi %scan3A_57, %scan3A_58 : i32
    %scan3A_60 = arith.constant 1 : i32
    scf.for %scan3A_356 = %scan3A_57 to %scan3A_59 step %scan3A_60  : i32 {
      %mul3A_357 = arith.constant 2 : i32
      %mul3A_358 = arith.muli %mul3A_357, %scan3A_356 : i32
      %mul3A_359 = arith.constant 2 : i32
      %mul3A_360 = arith.muli %mul3A_359, %scan3A_356 : i32
      %add3A_361 = arith.constant 1 : i32
      %add3A_362 = arith.addi %mul3A_360, %add3A_361 : i32
      %mul3A_363 = arith.constant 5 : i32
      %mul3A_364 = arith.muli %mul3A_358, %mul3A_363 : i32
      %add3A_365 = arith.constant 0 : i32
      %add3A_366 = arith.addi %mul3A_364, %add3A_365 : i32
      %mul3A_367 = arith.constant 40 : i32
      %mul3A_368 = arith.muli %add3A_366, %mul3A_367 : i32
      %dma_wait3A_369 = arith.constant 0 : i32
      %dma_wait3A_370 = arith.constant 0 : i32
      %dma_wait3A_371 = arith.constant 0 : i32
      %dma_wait3A_372 = arith.constant 0 : i32
      %dma_wait3A_373 = tpu.memref_slice %arg6[%dma_wait3A_369, %dma_wait3A_370, %dma_wait3A_371, %dma_wait3A_372] : memref<2x5x40x144xf32, #tpu.memory_space<vmem>> -> memref<1x1x40x144xf32, #tpu.memory_space<vmem>>
      %dma_wait3A_374 = tpu.memref_squeeze %dma_wait3A_373 : memref<1x1x40x144xf32, #tpu.memory_space<vmem>> -> memref<40x144xf32, #tpu.memory_space<vmem>>
      %dma_wait3A_375 = tpu.memref_slice %arg5[%mul3A_368] : memref<5000xi32, #tpu.memory_space<vmem>> -> memref<40xi32, #tpu.memory_space<vmem>>
      %dma_wait3A_376 = arith.constant 0 : i32
      %dma_wait3A_377 = arith.constant 0 : i32
      %dma_wait3A_378 = tpu.memref_slice %arg2[%dma_wait3A_376, %dma_wait3A_377] : memref<10000x144xf32, #tpu.memory_space<hbm>> -> memref<10000x144xf32, #tpu.memory_space<hbm>>
      tpu.wait_indirect_dma semaphore(%arg7 : memref<!tpu.dma_semaphore, #tpu.memory_space<semaphore_mem>>) src(%dma_wait3A_378 : memref<10000x144xf32, #tpu.memory_space<hbm>>) dst(%dma_wait3A_374 : memref<40x144xf32, #tpu.memory_space<vmem>>)
      %mul3A_379 = arith.constant 5 : i32
      %mul3A_380 = arith.muli %mul3A_358, %mul3A_379 : i32
      %add3A_381 = arith.constant 1 : i32
      %add3A_382 = arith.addi %mul3A_380, %add3A_381 : i32
      %mul3A_383 = arith.constant 40 : i32
      %mul3A_384 = arith.muli %add3A_382, %mul3A_383 : i32
      %dma_wait3A_385 = arith.constant 0 : i32
      %dma_wait3A_386 = arith.constant 1 : i32
      %dma_wait3A_387 = arith.constant 0 : i32
      %dma_wait3A_388 = arith.constant 0 : i32
      %dma_wait3A_389 = tpu.memref_slice %arg6[%dma_wait3A_385, %dma_wait3A_386, %dma_wait3A_387, %dma_wait3A_388] : memref<2x5x40x144xf32, #tpu.memory_space<vmem>> -> memref<1x1x40x144xf32, #tpu.memory_space<vmem>>
      %dma_wait3A_390 = tpu.memref_squeeze %dma_wait3A_389 : memref<1x1x40x144xf32, #tpu.memory_space<vmem>> -> memref<40x144xf32, #tpu.memory_space<vmem>>
      %dma_wait3A_391 = tpu.memref_slice %arg5[%mul3A_384] : memref<5000xi32, #tpu.memory_space<vmem>> -> memref<40xi32, #tpu.memory_space<vmem>>
      %dma_wait3A_392 = arith.constant 0 : i32
      %dma_wait3A_393 = arith.constant 0 : i32
      %dma_wait3A_394 = tpu.memref_slice %arg2[%dma_wait3A_392, %dma_wait3A_393] : memref<10000x144xf32, #tpu.memory_space<hbm>> -> memref<10000x144xf32, #tpu.memory_space<hbm>>
      tpu.wait_indirect_dma semaphore(%arg7 : memref<!tpu.dma_semaphore, #tpu.memory_space<semaphore_mem>>) src(%dma_wait3A_394 : memref<10000x144xf32, #tpu.memory_space<hbm>>) dst(%dma_wait3A_390 : memref<40x144xf32, #tpu.memory_space<vmem>>)
      %mul3A_395 = arith.constant 5 : i32
      %mul3A_396 = arith.muli %mul3A_358, %mul3A_395 : i32
      %add3A_397 = arith.constant 2 : i32
      %add3A_398 = arith.addi %mul3A_396, %add3A_397 : i32
      %mul3A_399 = arith.constant 40 : i32
      %mul3A_400 = arith.muli %add3A_398, %mul3A_399 : i32
      %dma_wait3A_401 = arith.constant 0 : i32
      %dma_wait3A_402 = arith.constant 2 : i32
      %dma_wait3A_403 = arith.constant 0 : i32
      %dma_wait3A_404 = arith.constant 0 : i32
      %dma_wait3A_405 = tpu.memref_slice %arg6[%dma_wait3A_401, %dma_wait3A_402, %dma_wait3A_403, %dma_wait3A_404] : memref<2x5x40x144xf32, #tpu.memory_space<vmem>> -> memref<1x1x40x144xf32, #tpu.memory_space<vmem>>
      %dma_wait3A_406 = tpu.memref_squeeze %dma_wait3A_405 : memref<1x1x40x144xf32, #tpu.memory_space<vmem>> -> memref<40x144xf32, #tpu.memory_space<vmem>>
      %dma_wait3A_407 = tpu.memref_slice %arg5[%mul3A_400] : memref<5000xi32, #tpu.memory_space<vmem>> -> memref<40xi32, #tpu.memory_space<vmem>>
      %dma_wait3A_408 = arith.constant 0 : i32
      %dma_wait3A_409 = arith.constant 0 : i32
      %dma_wait3A_410 = tpu.memref_slice %arg2[%dma_wait3A_408, %dma_wait3A_409] : memref<10000x144xf32, #tpu.memory_space<hbm>> -> memref<10000x144xf32, #tpu.memory_space<hbm>>
      tpu.wait_indirect_dma semaphore(%arg7 : memref<!tpu.dma_semaphore, #tpu.memory_space<semaphore_mem>>) src(%dma_wait3A_410 : memref<10000x144xf32, #tpu.memory_space<hbm>>) dst(%dma_wait3A_406 : memref<40x144xf32, #tpu.memory_space<vmem>>)
      %mul3A_411 = arith.constant 5 : i32
      %mul3A_412 = arith.muli %mul3A_358, %mul3A_411 : i32
      %add3A_413 = arith.constant 3 : i32
      %add3A_414 = arith.addi %mul3A_412, %add3A_413 : i32
      %mul3A_415 = arith.constant 40 : i32
      %mul3A_416 = arith.muli %add3A_414, %mul3A_415 : i32
      %dma_wait3A_417 = arith.constant 0 : i32
      %dma_wait3A_418 = arith.constant 3 : i32
      %dma_wait3A_419 = arith.constant 0 : i32
      %dma_wait3A_420 = arith.constant 0 : i32
      %dma_wait3A_421 = tpu.memref_slice %arg6[%dma_wait3A_417, %dma_wait3A_418, %dma_wait3A_419, %dma_wait3A_420] : memref<2x5x40x144xf32, #tpu.memory_space<vmem>> -> memref<1x1x40x144xf32, #tpu.memory_space<vmem>>
      %dma_wait3A_422 = tpu.memref_squeeze %dma_wait3A_421 : memref<1x1x40x144xf32, #tpu.memory_space<vmem>> -> memref<40x144xf32, #tpu.memory_space<vmem>>
      %dma_wait3A_423 = tpu.memref_slice %arg5[%mul3A_416] : memref<5000xi32, #tpu.memory_space<vmem>> -> memref<40xi32, #tpu.memory_space<vmem>>
      %dma_wait3A_424 = arith.constant 0 : i32
      %dma_wait3A_425 = arith.constant 0 : i32
      %dma_wait3A_426 = tpu.memref_slice %arg2[%dma_wait3A_424, %dma_wait3A_425] : memref<10000x144xf32, #tpu.memory_space<hbm>> -> memref<10000x144xf32, #tpu.memory_space<hbm>>
      tpu.wait_indirect_dma semaphore(%arg7 : memref<!tpu.dma_semaphore, #tpu.memory_space<semaphore_mem>>) src(%dma_wait3A_426 : memref<10000x144xf32, #tpu.memory_space<hbm>>) dst(%dma_wait3A_422 : memref<40x144xf32, #tpu.memory_space<vmem>>)
      %mul3A_427 = arith.constant 5 : i32
      %mul3A_428 = arith.muli %mul3A_358, %mul3A_427 : i32
      %add3A_429 = arith.constant 4 : i32
      %add3A_430 = arith.addi %mul3A_428, %add3A_429 : i32
      %mul3A_431 = arith.constant 40 : i32
      %mul3A_432 = arith.muli %add3A_430, %mul3A_431 : i32
      %dma_wait3A_433 = arith.constant 0 : i32
      %dma_wait3A_434 = arith.constant 4 : i32
      %dma_wait3A_435 = arith.constant 0 : i32
      %dma_wait3A_436 = arith.constant 0 : i32
      %dma_wait3A_437 = tpu.memref_slice %arg6[%dma_wait3A_433, %dma_wait3A_434, %dma_wait3A_435, %dma_wait3A_436] : memref<2x5x40x144xf32, #tpu.memory_space<vmem>> -> memref<1x1x40x144xf32, #tpu.memory_space<vmem>>
      %dma_wait3A_438 = tpu.memref_squeeze %dma_wait3A_437 : memref<1x1x40x144xf32, #tpu.memory_space<vmem>> -> memref<40x144xf32, #tpu.memory_space<vmem>>
      %dma_wait3A_439 = tpu.memref_slice %arg5[%mul3A_432] : memref<5000xi32, #tpu.memory_space<vmem>> -> memref<40xi32, #tpu.memory_space<vmem>>
      %dma_wait3A_440 = arith.constant 0 : i32
      %dma_wait3A_441 = arith.constant 0 : i32
      %dma_wait3A_442 = tpu.memref_slice %arg2[%dma_wait3A_440, %dma_wait3A_441] : memref<10000x144xf32, #tpu.memory_space<hbm>> -> memref<10000x144xf32, #tpu.memory_space<hbm>>
      tpu.wait_indirect_dma semaphore(%arg7 : memref<!tpu.dma_semaphore, #tpu.memory_space<semaphore_mem>>) src(%dma_wait3A_442 : memref<10000x144xf32, #tpu.memory_space<hbm>>) dst(%dma_wait3A_438 : memref<40x144xf32, #tpu.memory_space<vmem>>)
      %gt3A = arith.constant 0 : i32
      %gt3A_443 = arith.cmpi sgt, %scan3A_356, %gt3A : i32
      %convert_element_type3A = arith.extui %gt3A_443 : i1 to i32
      %cond3A = arith.constant 0 : i32
      %cond3A_444 = arith.cmpi ne, %convert_element_type3A, %cond3A : i32
      scf.if %cond3A_444 {
        %sub3A = arith.constant 2 : i32
        %sub3A_926 = arith.subi %add3A_362, %sub3A : i32
        %mul3A_927 = arith.constant 5 : i32
        %mul3A_928 = arith.muli %sub3A_926, %mul3A_927 : i32
        %add3A_929 = arith.constant 0 : i32
        %add3A_930 = arith.addi %mul3A_928, %add3A_929 : i32
        %mul3A_931 = arith.constant 40 : i32
        %mul3A_932 = arith.muli %add3A_930, %mul3A_931 : i32
        %add3A_933 = arith.addi %mul3A_2, %mul3A_932 : i32
        %dma_wait3A_934 = arith.constant 1 : i32
        %dma_wait3A_935 = arith.constant 0 : i32
        %dma_wait3A_936 = arith.constant 0 : i32
        %dma_wait3A_937 = arith.constant 0 : i32
        %dma_wait3A_938 = tpu.memref_slice %arg6[%dma_wait3A_934, %dma_wait3A_935, %dma_wait3A_936, %dma_wait3A_937] : memref<2x5x40x144xf32, #tpu.memory_space<vmem>> -> memref<1x1x40x144xf32, #tpu.memory_space<vmem>>
        %dma_wait3A_939 = tpu.memref_squeeze %dma_wait3A_938 : memref<1x1x40x144xf32, #tpu.memory_space<vmem>> -> memref<40x144xf32, #tpu.memory_space<vmem>>
        %dma_wait3A_940 = arith.constant 0 : i32
        %dma_wait3A_941 = tpu.memref_slice %arg4[%add3A_933, %dma_wait3A_940] : memref<160000x144xf32, #tpu.memory_space<hbm>> -> memref<40x144xf32, #tpu.memory_space<hbm>>
        %dma_wait3A_942 = arith.constant 0 : i32
        %dma_wait3A_943 = tpu.memref_slice %arg4[%add3A_933, %dma_wait3A_942] : memref<160000x144xf32, #tpu.memory_space<hbm>> -> memref<40x144xf32, #tpu.memory_space<hbm>>
        %dma_wait3A_944 = arith.constant 0 : i32
        %dma_wait3A_945 = arith.constant 0 : i32
        %dma_wait3A_946 = tpu.memref_slice %arg6[%dma_wait3A_934, %dma_wait3A_935, %dma_wait3A_944, %dma_wait3A_945] : memref<2x5x40x144xf32, #tpu.memory_space<vmem>> -> memref<1x1x40x144xf32, #tpu.memory_space<vmem>>
        %dma_wait3A_947 = tpu.memref_squeeze %dma_wait3A_946 : memref<1x1x40x144xf32, #tpu.memory_space<vmem>> -> memref<40x144xf32, #tpu.memory_space<vmem>>
        tpu.wait_dma2 semaphore(%arg10 : memref<!tpu.dma_semaphore, #tpu.memory_space<semaphore_mem>>) src(%dma_wait3A_947 : memref<40x144xf32, #tpu.memory_space<vmem>>) dst(%dma_wait3A_943 : memref<40x144xf32, #tpu.memory_space<hbm>>)
        %sub3A_948 = arith.constant 2 : i32
        %sub3A_949 = arith.subi %add3A_362, %sub3A_948 : i32
        %mul3A_950 = arith.constant 5 : i32
        %mul3A_951 = arith.muli %sub3A_949, %mul3A_950 : i32
        %add3A_952 = arith.constant 1 : i32
        %add3A_953 = arith.addi %mul3A_951, %add3A_952 : i32
        %mul3A_954 = arith.constant 40 : i32
        %mul3A_955 = arith.muli %add3A_953, %mul3A_954 : i32
        %add3A_956 = arith.addi %mul3A_2, %mul3A_955 : i32
        %dma_wait3A_957 = arith.constant 1 : i32
        %dma_wait3A_958 = arith.constant 1 : i32
        %dma_wait3A_959 = arith.constant 0 : i32
        %dma_wait3A_960 = arith.constant 0 : i32
        %dma_wait3A_961 = tpu.memref_slice %arg6[%dma_wait3A_957, %dma_wait3A_958, %dma_wait3A_959, %dma_wait3A_960] : memref<2x5x40x144xf32, #tpu.memory_space<vmem>> -> memref<1x1x40x144xf32, #tpu.memory_space<vmem>>
        %dma_wait3A_962 = tpu.memref_squeeze %dma_wait3A_961 : memref<1x1x40x144xf32, #tpu.memory_space<vmem>> -> memref<40x144xf32, #tpu.memory_space<vmem>>
        %dma_wait3A_963 = arith.constant 0 : i32
        %dma_wait3A_964 = tpu.memref_slice %arg4[%add3A_956, %dma_wait3A_963] : memref<160000x144xf32, #tpu.memory_space<hbm>> -> memref<40x144xf32, #tpu.memory_space<hbm>>
        %dma_wait3A_965 = arith.constant 0 : i32
        %dma_wait3A_966 = tpu.memref_slice %arg4[%add3A_956, %dma_wait3A_965] : memref<160000x144xf32, #tpu.memory_space<hbm>> -> memref<40x144xf32, #tpu.memory_space<hbm>>
        %dma_wait3A_967 = arith.constant 0 : i32
        %dma_wait3A_968 = arith.constant 0 : i32
        %dma_wait3A_969 = tpu.memref_slice %arg6[%dma_wait3A_957, %dma_wait3A_958, %dma_wait3A_967, %dma_wait3A_968] : memref<2x5x40x144xf32, #tpu.memory_space<vmem>> -> memref<1x1x40x144xf32, #tpu.memory_space<vmem>>
        %dma_wait3A_970 = tpu.memref_squeeze %dma_wait3A_969 : memref<1x1x40x144xf32, #tpu.memory_space<vmem>> -> memref<40x144xf32, #tpu.memory_space<vmem>>
        tpu.wait_dma2 semaphore(%arg10 : memref<!tpu.dma_semaphore, #tpu.memory_space<semaphore_mem>>) src(%dma_wait3A_970 : memref<40x144xf32, #tpu.memory_space<vmem>>) dst(%dma_wait3A_966 : memref<40x144xf32, #tpu.memory_space<hbm>>)
        %sub3A_971 = arith.constant 2 : i32
        %sub3A_972 = arith.subi %add3A_362, %sub3A_971 : i32
        %mul3A_973 = arith.constant 5 : i32
        %mul3A_974 = arith.muli %sub3A_972, %mul3A_973 : i32
        %add3A_975 = arith.constant 2 : i32
        %add3A_976 = arith.addi %mul3A_974, %add3A_975 : i32
        %mul3A_977 = arith.constant 40 : i32
        %mul3A_978 = arith.muli %add3A_976, %mul3A_977 : i32
        %add3A_979 = arith.addi %mul3A_2, %mul3A_978 : i32
        %dma_wait3A_980 = arith.constant 1 : i32
        %dma_wait3A_981 = arith.constant 2 : i32
        %dma_wait3A_982 = arith.constant 0 : i32
        %dma_wait3A_983 = arith.constant 0 : i32
        %dma_wait3A_984 = tpu.memref_slice %arg6[%dma_wait3A_980, %dma_wait3A_981, %dma_wait3A_982, %dma_wait3A_983] : memref<2x5x40x144xf32, #tpu.memory_space<vmem>> -> memref<1x1x40x144xf32, #tpu.memory_space<vmem>>
        %dma_wait3A_985 = tpu.memref_squeeze %dma_wait3A_984 : memref<1x1x40x144xf32, #tpu.memory_space<vmem>> -> memref<40x144xf32, #tpu.memory_space<vmem>>
        %dma_wait3A_986 = arith.constant 0 : i32
        %dma_wait3A_987 = tpu.memref_slice %arg4[%add3A_979, %dma_wait3A_986] : memref<160000x144xf32, #tpu.memory_space<hbm>> -> memref<40x144xf32, #tpu.memory_space<hbm>>
        %dma_wait3A_988 = arith.constant 0 : i32
        %dma_wait3A_989 = tpu.memref_slice %arg4[%add3A_979, %dma_wait3A_988] : memref<160000x144xf32, #tpu.memory_space<hbm>> -> memref<40x144xf32, #tpu.memory_space<hbm>>
        %dma_wait3A_990 = arith.constant 0 : i32
        %dma_wait3A_991 = arith.constant 0 : i32
        %dma_wait3A_992 = tpu.memref_slice %arg6[%dma_wait3A_980, %dma_wait3A_981, %dma_wait3A_990, %dma_wait3A_991] : memref<2x5x40x144xf32, #tpu.memory_space<vmem>> -> memref<1x1x40x144xf32, #tpu.memory_space<vmem>>
        %dma_wait3A_993 = tpu.memref_squeeze %dma_wait3A_992 : memref<1x1x40x144xf32, #tpu.memory_space<vmem>> -> memref<40x144xf32, #tpu.memory_space<vmem>>
        tpu.wait_dma2 semaphore(%arg10 : memref<!tpu.dma_semaphore, #tpu.memory_space<semaphore_mem>>) src(%dma_wait3A_993 : memref<40x144xf32, #tpu.memory_space<vmem>>) dst(%dma_wait3A_989 : memref<40x144xf32, #tpu.memory_space<hbm>>)
        %sub3A_994 = arith.constant 2 : i32
        %sub3A_995 = arith.subi %add3A_362, %sub3A_994 : i32
        %mul3A_996 = arith.constant 5 : i32
        %mul3A_997 = arith.muli %sub3A_995, %mul3A_996 : i32
        %add3A_998 = arith.constant 3 : i32
        %add3A_999 = arith.addi %mul3A_997, %add3A_998 : i32
        %mul3A_1000 = arith.constant 40 : i32
        %mul3A_1001 = arith.muli %add3A_999, %mul3A_1000 : i32
        %add3A_1002 = arith.addi %mul3A_2, %mul3A_1001 : i32
        %dma_wait3A_1003 = arith.constant 1 : i32
        %dma_wait3A_1004 = arith.constant 3 : i32
        %dma_wait3A_1005 = arith.constant 0 : i32
        %dma_wait3A_1006 = arith.constant 0 : i32
        %dma_wait3A_1007 = tpu.memref_slice %arg6[%dma_wait3A_1003, %dma_wait3A_1004, %dma_wait3A_1005, %dma_wait3A_1006] : memref<2x5x40x144xf32, #tpu.memory_space<vmem>> -> memref<1x1x40x144xf32, #tpu.memory_space<vmem>>
        %dma_wait3A_1008 = tpu.memref_squeeze %dma_wait3A_1007 : memref<1x1x40x144xf32, #tpu.memory_space<vmem>> -> memref<40x144xf32, #tpu.memory_space<vmem>>
        %dma_wait3A_1009 = arith.constant 0 : i32
        %dma_wait3A_1010 = tpu.memref_slice %arg4[%add3A_1002, %dma_wait3A_1009] : memref<160000x144xf32, #tpu.memory_space<hbm>> -> memref<40x144xf32, #tpu.memory_space<hbm>>
        %dma_wait3A_1011 = arith.constant 0 : i32
        %dma_wait3A_1012 = tpu.memref_slice %arg4[%add3A_1002, %dma_wait3A_1011] : memref<160000x144xf32, #tpu.memory_space<hbm>> -> memref<40x144xf32, #tpu.memory_space<hbm>>
        %dma_wait3A_1013 = arith.constant 0 : i32
        %dma_wait3A_1014 = arith.constant 0 : i32
        %dma_wait3A_1015 = tpu.memref_slice %arg6[%dma_wait3A_1003, %dma_wait3A_1004, %dma_wait3A_1013, %dma_wait3A_1014] : memref<2x5x40x144xf32, #tpu.memory_space<vmem>> -> memref<1x1x40x144xf32, #tpu.memory_space<vmem>>
        %dma_wait3A_1016 = tpu.memref_squeeze %dma_wait3A_1015 : memref<1x1x40x144xf32, #tpu.memory_space<vmem>> -> memref<40x144xf32, #tpu.memory_space<vmem>>
        tpu.wait_dma2 semaphore(%arg10 : memref<!tpu.dma_semaphore, #tpu.memory_space<semaphore_mem>>) src(%dma_wait3A_1016 : memref<40x144xf32, #tpu.memory_space<vmem>>) dst(%dma_wait3A_1012 : memref<40x144xf32, #tpu.memory_space<hbm>>)
        %sub3A_1017 = arith.constant 2 : i32
        %sub3A_1018 = arith.subi %add3A_362, %sub3A_1017 : i32
        %mul3A_1019 = arith.constant 5 : i32
        %mul3A_1020 = arith.muli %sub3A_1018, %mul3A_1019 : i32
        %add3A_1021 = arith.constant 4 : i32
        %add3A_1022 = arith.addi %mul3A_1020, %add3A_1021 : i32
        %mul3A_1023 = arith.constant 40 : i32
        %mul3A_1024 = arith.muli %add3A_1022, %mul3A_1023 : i32
        %add3A_1025 = arith.addi %mul3A_2, %mul3A_1024 : i32
        %dma_wait3A_1026 = arith.constant 1 : i32
        %dma_wait3A_1027 = arith.constant 4 : i32
        %dma_wait3A_1028 = arith.constant 0 : i32
        %dma_wait3A_1029 = arith.constant 0 : i32
        %dma_wait3A_1030 = tpu.memref_slice %arg6[%dma_wait3A_1026, %dma_wait3A_1027, %dma_wait3A_1028, %dma_wait3A_1029] : memref<2x5x40x144xf32, #tpu.memory_space<vmem>> -> memref<1x1x40x144xf32, #tpu.memory_space<vmem>>
        %dma_wait3A_1031 = tpu.memref_squeeze %dma_wait3A_1030 : memref<1x1x40x144xf32, #tpu.memory_space<vmem>> -> memref<40x144xf32, #tpu.memory_space<vmem>>
        %dma_wait3A_1032 = arith.constant 0 : i32
        %dma_wait3A_1033 = tpu.memref_slice %arg4[%add3A_1025, %dma_wait3A_1032] : memref<160000x144xf32, #tpu.memory_space<hbm>> -> memref<40x144xf32, #tpu.memory_space<hbm>>
        %dma_wait3A_1034 = arith.constant 0 : i32
        %dma_wait3A_1035 = tpu.memref_slice %arg4[%add3A_1025, %dma_wait3A_1034] : memref<160000x144xf32, #tpu.memory_space<hbm>> -> memref<40x144xf32, #tpu.memory_space<hbm>>
        %dma_wait3A_1036 = arith.constant 0 : i32
        %dma_wait3A_1037 = arith.constant 0 : i32
        %dma_wait3A_1038 = tpu.memref_slice %arg6[%dma_wait3A_1026, %dma_wait3A_1027, %dma_wait3A_1036, %dma_wait3A_1037] : memref<2x5x40x144xf32, #tpu.memory_space<vmem>> -> memref<1x1x40x144xf32, #tpu.memory_space<vmem>>
        %dma_wait3A_1039 = tpu.memref_squeeze %dma_wait3A_1038 : memref<1x1x40x144xf32, #tpu.memory_space<vmem>> -> memref<40x144xf32, #tpu.memory_space<vmem>>
        tpu.wait_dma2 semaphore(%arg10 : memref<!tpu.dma_semaphore, #tpu.memory_space<semaphore_mem>>) src(%dma_wait3A_1039 : memref<40x144xf32, #tpu.memory_space<vmem>>) dst(%dma_wait3A_1035 : memref<40x144xf32, #tpu.memory_space<hbm>>)
      } else {
      }
      %mul3A_445 = arith.constant 5 : i32
      %mul3A_446 = arith.muli %add3A_362, %mul3A_445 : i32
      %add3A_447 = arith.constant 0 : i32
      %add3A_448 = arith.addi %mul3A_446, %add3A_447 : i32
      %mul3A_449 = arith.constant 40 : i32
      %mul3A_450 = arith.muli %add3A_448, %mul3A_449 : i32
      %dma_start3A_451 = arith.constant 1 : i32
      %dma_start3A_452 = arith.constant 0 : i32
      %dma_start3A_453 = arith.constant 0 : i32
      %dma_start3A_454 = arith.constant 0 : i32
      %dma_start3A_455 = tpu.memref_slice %arg6[%dma_start3A_451, %dma_start3A_452, %dma_start3A_453, %dma_start3A_454] : memref<2x5x40x144xf32, #tpu.memory_space<vmem>> -> memref<1x1x40x144xf32, #tpu.memory_space<vmem>>
      %dma_start3A_456 = tpu.memref_squeeze %dma_start3A_455 : memref<1x1x40x144xf32, #tpu.memory_space<vmem>> -> memref<40x144xf32, #tpu.memory_space<vmem>>
      %dma_start3A_457 = tpu.memref_slice %arg5[%mul3A_450] : memref<5000xi32, #tpu.memory_space<vmem>> -> memref<40xi32, #tpu.memory_space<vmem>>
      %dma_start3A_458 = arith.constant 0 : i32
      %dma_start3A_459 = arith.constant 0 : i32
      %dma_start3A_460 = tpu.memref_slice %arg2[%dma_start3A_458, %dma_start3A_459] : memref<10000x144xf32, #tpu.memory_space<hbm>> -> memref<10000x144xf32, #tpu.memory_space<hbm>>
      tpu.enqueue_indirect_dma source(%dma_start3A_460 : memref<10000x144xf32, #tpu.memory_space<hbm>>) target(%dma_start3A_456 : memref<40x144xf32, #tpu.memory_space<vmem>>) offsets(%dma_start3A_457 : memref<40xi32, #tpu.memory_space<vmem>>) semaphore(%arg8 : memref<!tpu.dma_semaphore, #tpu.memory_space<semaphore_mem>>)
      %mul3A_461 = arith.constant 5 : i32
      %mul3A_462 = arith.muli %add3A_362, %mul3A_461 : i32
      %add3A_463 = arith.constant 1 : i32
      %add3A_464 = arith.addi %mul3A_462, %add3A_463 : i32
      %mul3A_465 = arith.constant 40 : i32
      %mul3A_466 = arith.muli %add3A_464, %mul3A_465 : i32
      %dma_start3A_467 = arith.constant 1 : i32
      %dma_start3A_468 = arith.constant 1 : i32
      %dma_start3A_469 = arith.constant 0 : i32
      %dma_start3A_470 = arith.constant 0 : i32
      %dma_start3A_471 = tpu.memref_slice %arg6[%dma_start3A_467, %dma_start3A_468, %dma_start3A_469, %dma_start3A_470] : memref<2x5x40x144xf32, #tpu.memory_space<vmem>> -> memref<1x1x40x144xf32, #tpu.memory_space<vmem>>
      %dma_start3A_472 = tpu.memref_squeeze %dma_start3A_471 : memref<1x1x40x144xf32, #tpu.memory_space<vmem>> -> memref<40x144xf32, #tpu.memory_space<vmem>>
      %dma_start3A_473 = tpu.memref_slice %arg5[%mul3A_466] : memref<5000xi32, #tpu.memory_space<vmem>> -> memref<40xi32, #tpu.memory_space<vmem>>
      %dma_start3A_474 = arith.constant 0 : i32
      %dma_start3A_475 = arith.constant 0 : i32
      %dma_start3A_476 = tpu.memref_slice %arg2[%dma_start3A_474, %dma_start3A_475] : memref<10000x144xf32, #tpu.memory_space<hbm>> -> memref<10000x144xf32, #tpu.memory_space<hbm>>
      tpu.enqueue_indirect_dma source(%dma_start3A_476 : memref<10000x144xf32, #tpu.memory_space<hbm>>) target(%dma_start3A_472 : memref<40x144xf32, #tpu.memory_space<vmem>>) offsets(%dma_start3A_473 : memref<40xi32, #tpu.memory_space<vmem>>) semaphore(%arg8 : memref<!tpu.dma_semaphore, #tpu.memory_space<semaphore_mem>>)
      %mul3A_477 = arith.constant 5 : i32
      %mul3A_478 = arith.muli %add3A_362, %mul3A_477 : i32
      %add3A_479 = arith.constant 2 : i32
      %add3A_480 = arith.addi %mul3A_478, %add3A_479 : i32
      %mul3A_481 = arith.constant 40 : i32
      %mul3A_482 = arith.muli %add3A_480, %mul3A_481 : i32
      %dma_start3A_483 = arith.constant 1 : i32
      %dma_start3A_484 = arith.constant 2 : i32
      %dma_start3A_485 = arith.constant 0 : i32
      %dma_start3A_486 = arith.constant 0 : i32
      %dma_start3A_487 = tpu.memref_slice %arg6[%dma_start3A_483, %dma_start3A_484, %dma_start3A_485, %dma_start3A_486] : memref<2x5x40x144xf32, #tpu.memory_space<vmem>> -> memref<1x1x40x144xf32, #tpu.memory_space<vmem>>
      %dma_start3A_488 = tpu.memref_squeeze %dma_start3A_487 : memref<1x1x40x144xf32, #tpu.memory_space<vmem>> -> memref<40x144xf32, #tpu.memory_space<vmem>>
      %dma_start3A_489 = tpu.memref_slice %arg5[%mul3A_482] : memref<5000xi32, #tpu.memory_space<vmem>> -> memref<40xi32, #tpu.memory_space<vmem>>
      %dma_start3A_490 = arith.constant 0 : i32
      %dma_start3A_491 = arith.constant 0 : i32
      %dma_start3A_492 = tpu.memref_slice %arg2[%dma_start3A_490, %dma_start3A_491] : memref<10000x144xf32, #tpu.memory_space<hbm>> -> memref<10000x144xf32, #tpu.memory_space<hbm>>
      tpu.enqueue_indirect_dma source(%dma_start3A_492 : memref<10000x144xf32, #tpu.memory_space<hbm>>) target(%dma_start3A_488 : memref<40x144xf32, #tpu.memory_space<vmem>>) offsets(%dma_start3A_489 : memref<40xi32, #tpu.memory_space<vmem>>) semaphore(%arg8 : memref<!tpu.dma_semaphore, #tpu.memory_space<semaphore_mem>>)
      %mul3A_493 = arith.constant 5 : i32
      %mul3A_494 = arith.muli %add3A_362, %mul3A_493 : i32
      %add3A_495 = arith.constant 3 : i32
      %add3A_496 = arith.addi %mul3A_494, %add3A_495 : i32
      %mul3A_497 = arith.constant 40 : i32
      %mul3A_498 = arith.muli %add3A_496, %mul3A_497 : i32
      %dma_start3A_499 = arith.constant 1 : i32
      %dma_start3A_500 = arith.constant 3 : i32
      %dma_start3A_501 = arith.constant 0 : i32
      %dma_start3A_502 = arith.constant 0 : i32
      %dma_start3A_503 = tpu.memref_slice %arg6[%dma_start3A_499, %dma_start3A_500, %dma_start3A_501, %dma_start3A_502] : memref<2x5x40x144xf32, #tpu.memory_space<vmem>> -> memref<1x1x40x144xf32, #tpu.memory_space<vmem>>
      %dma_start3A_504 = tpu.memref_squeeze %dma_start3A_503 : memref<1x1x40x144xf32, #tpu.memory_space<vmem>> -> memref<40x144xf32, #tpu.memory_space<vmem>>
      %dma_start3A_505 = tpu.memref_slice %arg5[%mul3A_498] : memref<5000xi32, #tpu.memory_space<vmem>> -> memref<40xi32, #tpu.memory_space<vmem>>
      %dma_start3A_506 = arith.constant 0 : i32
      %dma_start3A_507 = arith.constant 0 : i32
      %dma_start3A_508 = tpu.memref_slice %arg2[%dma_start3A_506, %dma_start3A_507] : memref<10000x144xf32, #tpu.memory_space<hbm>> -> memref<10000x144xf32, #tpu.memory_space<hbm>>
      tpu.enqueue_indirect_dma source(%dma_start3A_508 : memref<10000x144xf32, #tpu.memory_space<hbm>>) target(%dma_start3A_504 : memref<40x144xf32, #tpu.memory_space<vmem>>) offsets(%dma_start3A_505 : memref<40xi32, #tpu.memory_space<vmem>>) semaphore(%arg8 : memref<!tpu.dma_semaphore, #tpu.memory_space<semaphore_mem>>)
      %mul3A_509 = arith.constant 5 : i32
      %mul3A_510 = arith.muli %add3A_362, %mul3A_509 : i32
      %add3A_511 = arith.constant 4 : i32
      %add3A_512 = arith.addi %mul3A_510, %add3A_511 : i32
      %mul3A_513 = arith.constant 40 : i32
      %mul3A_514 = arith.muli %add3A_512, %mul3A_513 : i32
      %dma_start3A_515 = arith.constant 1 : i32
      %dma_start3A_516 = arith.constant 4 : i32
      %dma_start3A_517 = arith.constant 0 : i32
      %dma_start3A_518 = arith.constant 0 : i32
      %dma_start3A_519 = tpu.memref_slice %arg6[%dma_start3A_515, %dma_start3A_516, %dma_start3A_517, %dma_start3A_518] : memref<2x5x40x144xf32, #tpu.memory_space<vmem>> -> memref<1x1x40x144xf32, #tpu.memory_space<vmem>>
      %dma_start3A_520 = tpu.memref_squeeze %dma_start3A_519 : memref<1x1x40x144xf32, #tpu.memory_space<vmem>> -> memref<40x144xf32, #tpu.memory_space<vmem>>
      %dma_start3A_521 = tpu.memref_slice %arg5[%mul3A_514] : memref<5000xi32, #tpu.memory_space<vmem>> -> memref<40xi32, #tpu.memory_space<vmem>>
      %dma_start3A_522 = arith.constant 0 : i32
      %dma_start3A_523 = arith.constant 0 : i32
      %dma_start3A_524 = tpu.memref_slice %arg2[%dma_start3A_522, %dma_start3A_523] : memref<10000x144xf32, #tpu.memory_space<hbm>> -> memref<10000x144xf32, #tpu.memory_space<hbm>>
      tpu.enqueue_indirect_dma source(%dma_start3A_524 : memref<10000x144xf32, #tpu.memory_space<hbm>>) target(%dma_start3A_520 : memref<40x144xf32, #tpu.memory_space<vmem>>) offsets(%dma_start3A_521 : memref<40xi32, #tpu.memory_space<vmem>>) semaphore(%arg8 : memref<!tpu.dma_semaphore, #tpu.memory_space<semaphore_mem>>)
      %mul3A_525 = arith.constant 5 : i32
      %mul3A_526 = arith.muli %mul3A_358, %mul3A_525 : i32
      %add3A_527 = arith.constant 0 : i32
      %add3A_528 = arith.addi %mul3A_526, %add3A_527 : i32
      %mul3A_529 = arith.constant 40 : i32
      %mul3A_530 = arith.muli %add3A_528, %mul3A_529 : i32
      %add3A_531 = arith.addi %mul3A_2, %mul3A_530 : i32
      %dma_start3A_532 = arith.constant 0 : i32
      %dma_start3A_533 = arith.constant 0 : i32
      %dma_start3A_534 = arith.constant 0 : i32
      %dma_start3A_535 = arith.constant 0 : i32
      %dma_start3A_536 = tpu.memref_slice %arg6[%dma_start3A_532, %dma_start3A_533, %dma_start3A_534, %dma_start3A_535] : memref<2x5x40x144xf32, #tpu.memory_space<vmem>> -> memref<1x1x40x144xf32, #tpu.memory_space<vmem>>
      %dma_start3A_537 = tpu.memref_squeeze %dma_start3A_536 : memref<1x1x40x144xf32, #tpu.memory_space<vmem>> -> memref<40x144xf32, #tpu.memory_space<vmem>>
      %dma_start3A_538 = arith.constant 0 : i32
      %dma_start3A_539 = tpu.memref_slice %arg4[%add3A_531, %dma_start3A_538] : memref<160000x144xf32, #tpu.memory_space<hbm>> -> memref<40x144xf32, #tpu.memory_space<hbm>>
      %dma_start3A_540 = arith.constant 0 : i32
      %dma_start3A_541 = tpu.memref_slice %arg4[%add3A_531, %dma_start3A_540] : memref<160000x144xf32, #tpu.memory_space<hbm>> -> memref<40x144xf32, #tpu.memory_space<hbm>>
      %dma_start3A_542 = arith.constant 0 : i32
      %dma_start3A_543 = arith.constant 0 : i32
      %dma_start3A_544 = tpu.memref_slice %arg6[%dma_start3A_532, %dma_start3A_533, %dma_start3A_542, %dma_start3A_543] : memref<2x5x40x144xf32, #tpu.memory_space<vmem>> -> memref<1x1x40x144xf32, #tpu.memory_space<vmem>>
      %dma_start3A_545 = tpu.memref_squeeze %dma_start3A_544 : memref<1x1x40x144xf32, #tpu.memory_space<vmem>> -> memref<40x144xf32, #tpu.memory_space<vmem>>
      tpu.enqueue_dma source(%dma_start3A_545 : memref<40x144xf32, #tpu.memory_space<vmem>>) target(%dma_start3A_541 : memref<40x144xf32, #tpu.memory_space<hbm>>) target_semaphore(%arg9 : memref<!tpu.dma_semaphore, #tpu.memory_space<semaphore_mem>>)
      %mul3A_546 = arith.constant 5 : i32
      %mul3A_547 = arith.muli %mul3A_358, %mul3A_546 : i32
      %add3A_548 = arith.constant 1 : i32
      %add3A_549 = arith.addi %mul3A_547, %add3A_548 : i32
      %mul3A_550 = arith.constant 40 : i32
      %mul3A_551 = arith.muli %add3A_549, %mul3A_550 : i32
      %add3A_552 = arith.addi %mul3A_2, %mul3A_551 : i32
      %dma_start3A_553 = arith.constant 0 : i32
      %dma_start3A_554 = arith.constant 1 : i32
      %dma_start3A_555 = arith.constant 0 : i32
      %dma_start3A_556 = arith.constant 0 : i32
      %dma_start3A_557 = tpu.memref_slice %arg6[%dma_start3A_553, %dma_start3A_554, %dma_start3A_555, %dma_start3A_556] : memref<2x5x40x144xf32, #tpu.memory_space<vmem>> -> memref<1x1x40x144xf32, #tpu.memory_space<vmem>>
      %dma_start3A_558 = tpu.memref_squeeze %dma_start3A_557 : memref<1x1x40x144xf32, #tpu.memory_space<vmem>> -> memref<40x144xf32, #tpu.memory_space<vmem>>
      %dma_start3A_559 = arith.constant 0 : i32
      %dma_start3A_560 = tpu.memref_slice %arg4[%add3A_552, %dma_start3A_559] : memref<160000x144xf32, #tpu.memory_space<hbm>> -> memref<40x144xf32, #tpu.memory_space<hbm>>
      %dma_start3A_561 = arith.constant 0 : i32
      %dma_start3A_562 = tpu.memref_slice %arg4[%add3A_552, %dma_start3A_561] : memref<160000x144xf32, #tpu.memory_space<hbm>> -> memref<40x144xf32, #tpu.memory_space<hbm>>
      %dma_start3A_563 = arith.constant 0 : i32
      %dma_start3A_564 = arith.constant 0 : i32
      %dma_start3A_565 = tpu.memref_slice %arg6[%dma_start3A_553, %dma_start3A_554, %dma_start3A_563, %dma_start3A_564] : memref<2x5x40x144xf32, #tpu.memory_space<vmem>> -> memref<1x1x40x144xf32, #tpu.memory_space<vmem>>
      %dma_start3A_566 = tpu.memref_squeeze %dma_start3A_565 : memref<1x1x40x144xf32, #tpu.memory_space<vmem>> -> memref<40x144xf32, #tpu.memory_space<vmem>>
      tpu.enqueue_dma source(%dma_start3A_566 : memref<40x144xf32, #tpu.memory_space<vmem>>) target(%dma_start3A_562 : memref<40x144xf32, #tpu.memory_space<hbm>>) target_semaphore(%arg9 : memref<!tpu.dma_semaphore, #tpu.memory_space<semaphore_mem>>)
      %mul3A_567 = arith.constant 5 : i32
      %mul3A_568 = arith.muli %mul3A_358, %mul3A_567 : i32
      %add3A_569 = arith.constant 2 : i32
      %add3A_570 = arith.addi %mul3A_568, %add3A_569 : i32
      %mul3A_571 = arith.constant 40 : i32
      %mul3A_572 = arith.muli %add3A_570, %mul3A_571 : i32
      %add3A_573 = arith.addi %mul3A_2, %mul3A_572 : i32
      %dma_start3A_574 = arith.constant 0 : i32
      %dma_start3A_575 = arith.constant 2 : i32
      %dma_start3A_576 = arith.constant 0 : i32
      %dma_start3A_577 = arith.constant 0 : i32
      %dma_start3A_578 = tpu.memref_slice %arg6[%dma_start3A_574, %dma_start3A_575, %dma_start3A_576, %dma_start3A_577] : memref<2x5x40x144xf32, #tpu.memory_space<vmem>> -> memref<1x1x40x144xf32, #tpu.memory_space<vmem>>
      %dma_start3A_579 = tpu.memref_squeeze %dma_start3A_578 : memref<1x1x40x144xf32, #tpu.memory_space<vmem>> -> memref<40x144xf32, #tpu.memory_space<vmem>>
      %dma_start3A_580 = arith.constant 0 : i32
      %dma_start3A_581 = tpu.memref_slice %arg4[%add3A_573, %dma_start3A_580] : memref<160000x144xf32, #tpu.memory_space<hbm>> -> memref<40x144xf32, #tpu.memory_space<hbm>>
      %dma_start3A_582 = arith.constant 0 : i32
      %dma_start3A_583 = tpu.memref_slice %arg4[%add3A_573, %dma_start3A_582] : memref<160000x144xf32, #tpu.memory_space<hbm>> -> memref<40x144xf32, #tpu.memory_space<hbm>>
      %dma_start3A_584 = arith.constant 0 : i32
      %dma_start3A_585 = arith.constant 0 : i32
      %dma_start3A_586 = tpu.memref_slice %arg6[%dma_start3A_574, %dma_start3A_575, %dma_start3A_584, %dma_start3A_585] : memref<2x5x40x144xf32, #tpu.memory_space<vmem>> -> memref<1x1x40x144xf32, #tpu.memory_space<vmem>>
      %dma_start3A_587 = tpu.memref_squeeze %dma_start3A_586 : memref<1x1x40x144xf32, #tpu.memory_space<vmem>> -> memref<40x144xf32, #tpu.memory_space<vmem>>
      tpu.enqueue_dma source(%dma_start3A_587 : memref<40x144xf32, #tpu.memory_space<vmem>>) target(%dma_start3A_583 : memref<40x144xf32, #tpu.memory_space<hbm>>) target_semaphore(%arg9 : memref<!tpu.dma_semaphore, #tpu.memory_space<semaphore_mem>>)
      %mul3A_588 = arith.constant 5 : i32
      %mul3A_589 = arith.muli %mul3A_358, %mul3A_588 : i32
      %add3A_590 = arith.constant 3 : i32
      %add3A_591 = arith.addi %mul3A_589, %add3A_590 : i32
      %mul3A_592 = arith.constant 40 : i32
      %mul3A_593 = arith.muli %add3A_591, %mul3A_592 : i32
      %add3A_594 = arith.addi %mul3A_2, %mul3A_593 : i32
      %dma_start3A_595 = arith.constant 0 : i32
      %dma_start3A_596 = arith.constant 3 : i32
      %dma_start3A_597 = arith.constant 0 : i32
      %dma_start3A_598 = arith.constant 0 : i32
      %dma_start3A_599 = tpu.memref_slice %arg6[%dma_start3A_595, %dma_start3A_596, %dma_start3A_597, %dma_start3A_598] : memref<2x5x40x144xf32, #tpu.memory_space<vmem>> -> memref<1x1x40x144xf32, #tpu.memory_space<vmem>>
      %dma_start3A_600 = tpu.memref_squeeze %dma_start3A_599 : memref<1x1x40x144xf32, #tpu.memory_space<vmem>> -> memref<40x144xf32, #tpu.memory_space<vmem>>
      %dma_start3A_601 = arith.constant 0 : i32
      %dma_start3A_602 = tpu.memref_slice %arg4[%add3A_594, %dma_start3A_601] : memref<160000x144xf32, #tpu.memory_space<hbm>> -> memref<40x144xf32, #tpu.memory_space<hbm>>
      %dma_start3A_603 = arith.constant 0 : i32
      %dma_start3A_604 = tpu.memref_slice %arg4[%add3A_594, %dma_start3A_603] : memref<160000x144xf32, #tpu.memory_space<hbm>> -> memref<40x144xf32, #tpu.memory_space<hbm>>
      %dma_start3A_605 = arith.constant 0 : i32
      %dma_start3A_606 = arith.constant 0 : i32
      %dma_start3A_607 = tpu.memref_slice %arg6[%dma_start3A_595, %dma_start3A_596, %dma_start3A_605, %dma_start3A_606] : memref<2x5x40x144xf32, #tpu.memory_space<vmem>> -> memref<1x1x40x144xf32, #tpu.memory_space<vmem>>
      %dma_start3A_608 = tpu.memref_squeeze %dma_start3A_607 : memref<1x1x40x144xf32, #tpu.memory_space<vmem>> -> memref<40x144xf32, #tpu.memory_space<vmem>>
      tpu.enqueue_dma source(%dma_start3A_608 : memref<40x144xf32, #tpu.memory_space<vmem>>) target(%dma_start3A_604 : memref<40x144xf32, #tpu.memory_space<hbm>>) target_semaphore(%arg9 : memref<!tpu.dma_semaphore, #tpu.memory_space<semaphore_mem>>)
      %mul3A_609 = arith.constant 5 : i32
      %mul3A_610 = arith.muli %mul3A_358, %mul3A_609 : i32
      %add3A_611 = arith.constant 4 : i32
      %add3A_612 = arith.addi %mul3A_610, %add3A_611 : i32
      %mul3A_613 = arith.constant 40 : i32
      %mul3A_614 = arith.muli %add3A_612, %mul3A_613 : i32
      %add3A_615 = arith.addi %mul3A_2, %mul3A_614 : i32
      %dma_start3A_616 = arith.constant 0 : i32
      %dma_start3A_617 = arith.constant 4 : i32
      %dma_start3A_618 = arith.constant 0 : i32
      %dma_start3A_619 = arith.constant 0 : i32
      %dma_start3A_620 = tpu.memref_slice %arg6[%dma_start3A_616, %dma_start3A_617, %dma_start3A_618, %dma_start3A_619] : memref<2x5x40x144xf32, #tpu.memory_space<vmem>> -> memref<1x1x40x144xf32, #tpu.memory_space<vmem>>
      %dma_start3A_621 = tpu.memref_squeeze %dma_start3A_620 : memref<1x1x40x144xf32, #tpu.memory_space<vmem>> -> memref<40x144xf32, #tpu.memory_space<vmem>>
      %dma_start3A_622 = arith.constant 0 : i32
      %dma_start3A_623 = tpu.memref_slice %arg4[%add3A_615, %dma_start3A_622] : memref<160000x144xf32, #tpu.memory_space<hbm>> -> memref<40x144xf32, #tpu.memory_space<hbm>>
      %dma_start3A_624 = arith.constant 0 : i32
      %dma_start3A_625 = tpu.memref_slice %arg4[%add3A_615, %dma_start3A_624] : memref<160000x144xf32, #tpu.memory_space<hbm>> -> memref<40x144xf32, #tpu.memory_space<hbm>>
      %dma_start3A_626 = arith.constant 0 : i32
      %dma_start3A_627 = arith.constant 0 : i32
      %dma_start3A_628 = tpu.memref_slice %arg6[%dma_start3A_616, %dma_start3A_617, %dma_start3A_626, %dma_start3A_627] : memref<2x5x40x144xf32, #tpu.memory_space<vmem>> -> memref<1x1x40x144xf32, #tpu.memory_space<vmem>>
      %dma_start3A_629 = tpu.memref_squeeze %dma_start3A_628 : memref<1x1x40x144xf32, #tpu.memory_space<vmem>> -> memref<40x144xf32, #tpu.memory_space<vmem>>
      tpu.enqueue_dma source(%dma_start3A_629 : memref<40x144xf32, #tpu.memory_space<vmem>>) target(%dma_start3A_625 : memref<40x144xf32, #tpu.memory_space<hbm>>) target_semaphore(%arg9 : memref<!tpu.dma_semaphore, #tpu.memory_space<semaphore_mem>>)
      %mul3A_630 = arith.constant 5 : i32
      %mul3A_631 = arith.muli %mul3A_358, %mul3A_630 : i32
      %add3A_632 = arith.constant 0 : i32
      %add3A_633 = arith.addi %mul3A_631, %add3A_632 : i32
      %mul3A_634 = arith.constant 40 : i32
      %mul3A_635 = arith.muli %add3A_633, %mul3A_634 : i32
      %add3A_636 = arith.addi %mul3A_2, %mul3A_635 : i32
      %dma_wait3A_637 = arith.constant 0 : i32
      %dma_wait3A_638 = arith.constant 0 : i32
      %dma_wait3A_639 = arith.constant 0 : i32
      %dma_wait3A_640 = arith.constant 0 : i32
      %dma_wait3A_641 = tpu.memref_slice %arg6[%dma_wait3A_637, %dma_wait3A_638, %dma_wait3A_639, %dma_wait3A_640] : memref<2x5x40x144xf32, #tpu.memory_space<vmem>> -> memref<1x1x40x144xf32, #tpu.memory_space<vmem>>
      %dma_wait3A_642 = tpu.memref_squeeze %dma_wait3A_641 : memref<1x1x40x144xf32, #tpu.memory_space<vmem>> -> memref<40x144xf32, #tpu.memory_space<vmem>>
      %dma_wait3A_643 = arith.constant 0 : i32
      %dma_wait3A_644 = tpu.memref_slice %arg4[%add3A_636, %dma_wait3A_643] : memref<160000x144xf32, #tpu.memory_space<hbm>> -> memref<40x144xf32, #tpu.memory_space<hbm>>
      %dma_wait3A_645 = arith.constant 0 : i32
      %dma_wait3A_646 = tpu.memref_slice %arg4[%add3A_636, %dma_wait3A_645] : memref<160000x144xf32, #tpu.memory_space<hbm>> -> memref<40x144xf32, #tpu.memory_space<hbm>>
      %dma_wait3A_647 = arith.constant 0 : i32
      %dma_wait3A_648 = arith.constant 0 : i32
      %dma_wait3A_649 = tpu.memref_slice %arg6[%dma_wait3A_637, %dma_wait3A_638, %dma_wait3A_647, %dma_wait3A_648] : memref<2x5x40x144xf32, #tpu.memory_space<vmem>> -> memref<1x1x40x144xf32, #tpu.memory_space<vmem>>
      %dma_wait3A_650 = tpu.memref_squeeze %dma_wait3A_649 : memref<1x1x40x144xf32, #tpu.memory_space<vmem>> -> memref<40x144xf32, #tpu.memory_space<vmem>>
      tpu.wait_dma2 semaphore(%arg9 : memref<!tpu.dma_semaphore, #tpu.memory_space<semaphore_mem>>) src(%dma_wait3A_650 : memref<40x144xf32, #tpu.memory_space<vmem>>) dst(%dma_wait3A_646 : memref<40x144xf32, #tpu.memory_space<hbm>>)
      %mul3A_651 = arith.constant 5 : i32
      %mul3A_652 = arith.muli %mul3A_358, %mul3A_651 : i32
      %add3A_653 = arith.constant 1 : i32
      %add3A_654 = arith.addi %mul3A_652, %add3A_653 : i32
      %mul3A_655 = arith.constant 40 : i32
      %mul3A_656 = arith.muli %add3A_654, %mul3A_655 : i32
      %add3A_657 = arith.addi %mul3A_2, %mul3A_656 : i32
      %dma_wait3A_658 = arith.constant 0 : i32
      %dma_wait3A_659 = arith.constant 1 : i32
      %dma_wait3A_660 = arith.constant 0 : i32
      %dma_wait3A_661 = arith.constant 0 : i32
      %dma_wait3A_662 = tpu.memref_slice %arg6[%dma_wait3A_658, %dma_wait3A_659, %dma_wait3A_660, %dma_wait3A_661] : memref<2x5x40x144xf32, #tpu.memory_space<vmem>> -> memref<1x1x40x144xf32, #tpu.memory_space<vmem>>
      %dma_wait3A_663 = tpu.memref_squeeze %dma_wait3A_662 : memref<1x1x40x144xf32, #tpu.memory_space<vmem>> -> memref<40x144xf32, #tpu.memory_space<vmem>>
      %dma_wait3A_664 = arith.constant 0 : i32
      %dma_wait3A_665 = tpu.memref_slice %arg4[%add3A_657, %dma_wait3A_664] : memref<160000x144xf32, #tpu.memory_space<hbm>> -> memref<40x144xf32, #tpu.memory_space<hbm>>
      %dma_wait3A_666 = arith.constant 0 : i32
      %dma_wait3A_667 = tpu.memref_slice %arg4[%add3A_657, %dma_wait3A_666] : memref<160000x144xf32, #tpu.memory_space<hbm>> -> memref<40x144xf32, #tpu.memory_space<hbm>>
      %dma_wait3A_668 = arith.constant 0 : i32
      %dma_wait3A_669 = arith.constant 0 : i32
      %dma_wait3A_670 = tpu.memref_slice %arg6[%dma_wait3A_658, %dma_wait3A_659, %dma_wait3A_668, %dma_wait3A_669] : memref<2x5x40x144xf32, #tpu.memory_space<vmem>> -> memref<1x1x40x144xf32, #tpu.memory_space<vmem>>
      %dma_wait3A_671 = tpu.memref_squeeze %dma_wait3A_670 : memref<1x1x40x144xf32, #tpu.memory_space<vmem>> -> memref<40x144xf32, #tpu.memory_space<vmem>>
      tpu.wait_dma2 semaphore(%arg9 : memref<!tpu.dma_semaphore, #tpu.memory_space<semaphore_mem>>) src(%dma_wait3A_671 : memref<40x144xf32, #tpu.memory_space<vmem>>) dst(%dma_wait3A_667 : memref<40x144xf32, #tpu.memory_space<hbm>>)
      %mul3A_672 = arith.constant 5 : i32
      %mul3A_673 = arith.muli %mul3A_358, %mul3A_672 : i32
      %add3A_674 = arith.constant 2 : i32
      %add3A_675 = arith.addi %mul3A_673, %add3A_674 : i32
      %mul3A_676 = arith.constant 40 : i32
      %mul3A_677 = arith.muli %add3A_675, %mul3A_676 : i32
      %add3A_678 = arith.addi %mul3A_2, %mul3A_677 : i32
      %dma_wait3A_679 = arith.constant 0 : i32
      %dma_wait3A_680 = arith.constant 2 : i32
      %dma_wait3A_681 = arith.constant 0 : i32
      %dma_wait3A_682 = arith.constant 0 : i32
      %dma_wait3A_683 = tpu.memref_slice %arg6[%dma_wait3A_679, %dma_wait3A_680, %dma_wait3A_681, %dma_wait3A_682] : memref<2x5x40x144xf32, #tpu.memory_space<vmem>> -> memref<1x1x40x144xf32, #tpu.memory_space<vmem>>
      %dma_wait3A_684 = tpu.memref_squeeze %dma_wait3A_683 : memref<1x1x40x144xf32, #tpu.memory_space<vmem>> -> memref<40x144xf32, #tpu.memory_space<vmem>>
      %dma_wait3A_685 = arith.constant 0 : i32
      %dma_wait3A_686 = tpu.memref_slice %arg4[%add3A_678, %dma_wait3A_685] : memref<160000x144xf32, #tpu.memory_space<hbm>> -> memref<40x144xf32, #tpu.memory_space<hbm>>
      %dma_wait3A_687 = arith.constant 0 : i32
      %dma_wait3A_688 = tpu.memref_slice %arg4[%add3A_678, %dma_wait3A_687] : memref<160000x144xf32, #tpu.memory_space<hbm>> -> memref<40x144xf32, #tpu.memory_space<hbm>>
      %dma_wait3A_689 = arith.constant 0 : i32
      %dma_wait3A_690 = arith.constant 0 : i32
      %dma_wait3A_691 = tpu.memref_slice %arg6[%dma_wait3A_679, %dma_wait3A_680, %dma_wait3A_689, %dma_wait3A_690] : memref<2x5x40x144xf32, #tpu.memory_space<vmem>> -> memref<1x1x40x144xf32, #tpu.memory_space<vmem>>
      %dma_wait3A_692 = tpu.memref_squeeze %dma_wait3A_691 : memref<1x1x40x144xf32, #tpu.memory_space<vmem>> -> memref<40x144xf32, #tpu.memory_space<vmem>>
      tpu.wait_dma2 semaphore(%arg9 : memref<!tpu.dma_semaphore, #tpu.memory_space<semaphore_mem>>) src(%dma_wait3A_692 : memref<40x144xf32, #tpu.memory_space<vmem>>) dst(%dma_wait3A_688 : memref<40x144xf32, #tpu.memory_space<hbm>>)
      %mul3A_693 = arith.constant 5 : i32
      %mul3A_694 = arith.muli %mul3A_358, %mul3A_693 : i32
      %add3A_695 = arith.constant 3 : i32
      %add3A_696 = arith.addi %mul3A_694, %add3A_695 : i32
      %mul3A_697 = arith.constant 40 : i32
      %mul3A_698 = arith.muli %add3A_696, %mul3A_697 : i32
      %add3A_699 = arith.addi %mul3A_2, %mul3A_698 : i32
      %dma_wait3A_700 = arith.constant 0 : i32
      %dma_wait3A_701 = arith.constant 3 : i32
      %dma_wait3A_702 = arith.constant 0 : i32
      %dma_wait3A_703 = arith.constant 0 : i32
      %dma_wait3A_704 = tpu.memref_slice %arg6[%dma_wait3A_700, %dma_wait3A_701, %dma_wait3A_702, %dma_wait3A_703] : memref<2x5x40x144xf32, #tpu.memory_space<vmem>> -> memref<1x1x40x144xf32, #tpu.memory_space<vmem>>
      %dma_wait3A_705 = tpu.memref_squeeze %dma_wait3A_704 : memref<1x1x40x144xf32, #tpu.memory_space<vmem>> -> memref<40x144xf32, #tpu.memory_space<vmem>>
      %dma_wait3A_706 = arith.constant 0 : i32
      %dma_wait3A_707 = tpu.memref_slice %arg4[%add3A_699, %dma_wait3A_706] : memref<160000x144xf32, #tpu.memory_space<hbm>> -> memref<40x144xf32, #tpu.memory_space<hbm>>
      %dma_wait3A_708 = arith.constant 0 : i32
      %dma_wait3A_709 = tpu.memref_slice %arg4[%add3A_699, %dma_wait3A_708] : memref<160000x144xf32, #tpu.memory_space<hbm>> -> memref<40x144xf32, #tpu.memory_space<hbm>>
      %dma_wait3A_710 = arith.constant 0 : i32
      %dma_wait3A_711 = arith.constant 0 : i32
      %dma_wait3A_712 = tpu.memref_slice %arg6[%dma_wait3A_700, %dma_wait3A_701, %dma_wait3A_710, %dma_wait3A_711] : memref<2x5x40x144xf32, #tpu.memory_space<vmem>> -> memref<1x1x40x144xf32, #tpu.memory_space<vmem>>
      %dma_wait3A_713 = tpu.memref_squeeze %dma_wait3A_712 : memref<1x1x40x144xf32, #tpu.memory_space<vmem>> -> memref<40x144xf32, #tpu.memory_space<vmem>>
      tpu.wait_dma2 semaphore(%arg9 : memref<!tpu.dma_semaphore, #tpu.memory_space<semaphore_mem>>) src(%dma_wait3A_713 : memref<40x144xf32, #tpu.memory_space<vmem>>) dst(%dma_wait3A_709 : memref<40x144xf32, #tpu.memory_space<hbm>>)
      %mul3A_714 = arith.constant 5 : i32
      %mul3A_715 = arith.muli %mul3A_358, %mul3A_714 : i32
      %add3A_716 = arith.constant 4 : i32
      %add3A_717 = arith.addi %mul3A_715, %add3A_716 : i32
      %mul3A_718 = arith.constant 40 : i32
      %mul3A_719 = arith.muli %add3A_717, %mul3A_718 : i32
      %add3A_720 = arith.addi %mul3A_2, %mul3A_719 : i32
      %dma_wait3A_721 = arith.constant 0 : i32
      %dma_wait3A_722 = arith.constant 4 : i32
      %dma_wait3A_723 = arith.constant 0 : i32
      %dma_wait3A_724 = arith.constant 0 : i32
      %dma_wait3A_725 = tpu.memref_slice %arg6[%dma_wait3A_721, %dma_wait3A_722, %dma_wait3A_723, %dma_wait3A_724] : memref<2x5x40x144xf32, #tpu.memory_space<vmem>> -> memref<1x1x40x144xf32, #tpu.memory_space<vmem>>
      %dma_wait3A_726 = tpu.memref_squeeze %dma_wait3A_725 : memref<1x1x40x144xf32, #tpu.memory_space<vmem>> -> memref<40x144xf32, #tpu.memory_space<vmem>>
      %dma_wait3A_727 = arith.constant 0 : i32
      %dma_wait3A_728 = tpu.memref_slice %arg4[%add3A_720, %dma_wait3A_727] : memref<160000x144xf32, #tpu.memory_space<hbm>> -> memref<40x144xf32, #tpu.memory_space<hbm>>
      %dma_wait3A_729 = arith.constant 0 : i32
      %dma_wait3A_730 = tpu.memref_slice %arg4[%add3A_720, %dma_wait3A_729] : memref<160000x144xf32, #tpu.memory_space<hbm>> -> memref<40x144xf32, #tpu.memory_space<hbm>>
      %dma_wait3A_731 = arith.constant 0 : i32
      %dma_wait3A_732 = arith.constant 0 : i32
      %dma_wait3A_733 = tpu.memref_slice %arg6[%dma_wait3A_721, %dma_wait3A_722, %dma_wait3A_731, %dma_wait3A_732] : memref<2x5x40x144xf32, #tpu.memory_space<vmem>> -> memref<1x1x40x144xf32, #tpu.memory_space<vmem>>
      %dma_wait3A_734 = tpu.memref_squeeze %dma_wait3A_733 : memref<1x1x40x144xf32, #tpu.memory_space<vmem>> -> memref<40x144xf32, #tpu.memory_space<vmem>>
      tpu.wait_dma2 semaphore(%arg9 : memref<!tpu.dma_semaphore, #tpu.memory_space<semaphore_mem>>) src(%dma_wait3A_734 : memref<40x144xf32, #tpu.memory_space<vmem>>) dst(%dma_wait3A_730 : memref<40x144xf32, #tpu.memory_space<hbm>>)
      %add3A_735 = arith.constant 2 : i32
      %add3A_736 = arith.addi %mul3A_358, %add3A_735 : i32
      %lt3A = arith.constant 25 : i32
      %lt3A_737 = arith.cmpi slt, %add3A_736, %lt3A : i32
      %convert_element_type3A_738 = arith.extui %lt3A_737 : i1 to i32
      %cond3A_739 = arith.constant 0 : i32
      %cond3A_740 = arith.cmpi ne, %convert_element_type3A_738, %cond3A_739 : i32
      scf.if %cond3A_740 {
        %add3A_926 = arith.constant 2 : i32
        %add3A_927 = arith.addi %mul3A_358, %add3A_926 : i32
        %mul3A_928 = arith.constant 5 : i32
        %mul3A_929 = arith.muli %add3A_927, %mul3A_928 : i32
        %add3A_930 = arith.constant 0 : i32
        %add3A_931 = arith.addi %mul3A_929, %add3A_930 : i32
        %mul3A_932 = arith.constant 40 : i32
        %mul3A_933 = arith.muli %add3A_931, %mul3A_932 : i32
        %dma_start3A_934 = arith.constant 0 : i32
        %dma_start3A_935 = arith.constant 0 : i32
        %dma_start3A_936 = arith.constant 0 : i32
        %dma_start3A_937 = arith.constant 0 : i32
        %dma_start3A_938 = tpu.memref_slice %arg6[%dma_start3A_934, %dma_start3A_935, %dma_start3A_936, %dma_start3A_937] : memref<2x5x40x144xf32, #tpu.memory_space<vmem>> -> memref<1x1x40x144xf32, #tpu.memory_space<vmem>>
        %dma_start3A_939 = tpu.memref_squeeze %dma_start3A_938 : memref<1x1x40x144xf32, #tpu.memory_space<vmem>> -> memref<40x144xf32, #tpu.memory_space<vmem>>
        %dma_start3A_940 = tpu.memref_slice %arg5[%mul3A_933] : memref<5000xi32, #tpu.memory_space<vmem>> -> memref<40xi32, #tpu.memory_space<vmem>>
        %dma_start3A_941 = arith.constant 0 : i32
        %dma_start3A_942 = arith.constant 0 : i32
        %dma_start3A_943 = tpu.memref_slice %arg2[%dma_start3A_941, %dma_start3A_942] : memref<10000x144xf32, #tpu.memory_space<hbm>> -> memref<10000x144xf32, #tpu.memory_space<hbm>>
        tpu.enqueue_indirect_dma source(%dma_start3A_943 : memref<10000x144xf32, #tpu.memory_space<hbm>>) target(%dma_start3A_939 : memref<40x144xf32, #tpu.memory_space<vmem>>) offsets(%dma_start3A_940 : memref<40xi32, #tpu.memory_space<vmem>>) semaphore(%arg7 : memref<!tpu.dma_semaphore, #tpu.memory_space<semaphore_mem>>)
        %add3A_944 = arith.constant 2 : i32
        %add3A_945 = arith.addi %mul3A_358, %add3A_944 : i32
        %mul3A_946 = arith.constant 5 : i32
        %mul3A_947 = arith.muli %add3A_945, %mul3A_946 : i32
        %add3A_948 = arith.constant 1 : i32
        %add3A_949 = arith.addi %mul3A_947, %add3A_948 : i32
        %mul3A_950 = arith.constant 40 : i32
        %mul3A_951 = arith.muli %add3A_949, %mul3A_950 : i32
        %dma_start3A_952 = arith.constant 0 : i32
        %dma_start3A_953 = arith.constant 1 : i32
        %dma_start3A_954 = arith.constant 0 : i32
        %dma_start3A_955 = arith.constant 0 : i32
        %dma_start3A_956 = tpu.memref_slice %arg6[%dma_start3A_952, %dma_start3A_953, %dma_start3A_954, %dma_start3A_955] : memref<2x5x40x144xf32, #tpu.memory_space<vmem>> -> memref<1x1x40x144xf32, #tpu.memory_space<vmem>>
        %dma_start3A_957 = tpu.memref_squeeze %dma_start3A_956 : memref<1x1x40x144xf32, #tpu.memory_space<vmem>> -> memref<40x144xf32, #tpu.memory_space<vmem>>
        %dma_start3A_958 = tpu.memref_slice %arg5[%mul3A_951] : memref<5000xi32, #tpu.memory_space<vmem>> -> memref<40xi32, #tpu.memory_space<vmem>>
        %dma_start3A_959 = arith.constant 0 : i32
        %dma_start3A_960 = arith.constant 0 : i32
        %dma_start3A_961 = tpu.memref_slice %arg2[%dma_start3A_959, %dma_start3A_960] : memref<10000x144xf32, #tpu.memory_space<hbm>> -> memref<10000x144xf32, #tpu.memory_space<hbm>>
        tpu.enqueue_indirect_dma source(%dma_start3A_961 : memref<10000x144xf32, #tpu.memory_space<hbm>>) target(%dma_start3A_957 : memref<40x144xf32, #tpu.memory_space<vmem>>) offsets(%dma_start3A_958 : memref<40xi32, #tpu.memory_space<vmem>>) semaphore(%arg7 : memref<!tpu.dma_semaphore, #tpu.memory_space<semaphore_mem>>)
        %add3A_962 = arith.constant 2 : i32
        %add3A_963 = arith.addi %mul3A_358, %add3A_962 : i32
        %mul3A_964 = arith.constant 5 : i32
        %mul3A_965 = arith.muli %add3A_963, %mul3A_964 : i32
        %add3A_966 = arith.constant 2 : i32
        %add3A_967 = arith.addi %mul3A_965, %add3A_966 : i32
        %mul3A_968 = arith.constant 40 : i32
        %mul3A_969 = arith.muli %add3A_967, %mul3A_968 : i32
        %dma_start3A_970 = arith.constant 0 : i32
        %dma_start3A_971 = arith.constant 2 : i32
        %dma_start3A_972 = arith.constant 0 : i32
        %dma_start3A_973 = arith.constant 0 : i32
        %dma_start3A_974 = tpu.memref_slice %arg6[%dma_start3A_970, %dma_start3A_971, %dma_start3A_972, %dma_start3A_973] : memref<2x5x40x144xf32, #tpu.memory_space<vmem>> -> memref<1x1x40x144xf32, #tpu.memory_space<vmem>>
        %dma_start3A_975 = tpu.memref_squeeze %dma_start3A_974 : memref<1x1x40x144xf32, #tpu.memory_space<vmem>> -> memref<40x144xf32, #tpu.memory_space<vmem>>
        %dma_start3A_976 = tpu.memref_slice %arg5[%mul3A_969] : memref<5000xi32, #tpu.memory_space<vmem>> -> memref<40xi32, #tpu.memory_space<vmem>>
        %dma_start3A_977 = arith.constant 0 : i32
        %dma_start3A_978 = arith.constant 0 : i32
        %dma_start3A_979 = tpu.memref_slice %arg2[%dma_start3A_977, %dma_start3A_978] : memref<10000x144xf32, #tpu.memory_space<hbm>> -> memref<10000x144xf32, #tpu.memory_space<hbm>>
        tpu.enqueue_indirect_dma source(%dma_start3A_979 : memref<10000x144xf32, #tpu.memory_space<hbm>>) target(%dma_start3A_975 : memref<40x144xf32, #tpu.memory_space<vmem>>) offsets(%dma_start3A_976 : memref<40xi32, #tpu.memory_space<vmem>>) semaphore(%arg7 : memref<!tpu.dma_semaphore, #tpu.memory_space<semaphore_mem>>)
        %add3A_980 = arith.constant 2 : i32
        %add3A_981 = arith.addi %mul3A_358, %add3A_980 : i32
        %mul3A_982 = arith.constant 5 : i32
        %mul3A_983 = arith.muli %add3A_981, %mul3A_982 : i32
        %add3A_984 = arith.constant 3 : i32
        %add3A_985 = arith.addi %mul3A_983, %add3A_984 : i32
        %mul3A_986 = arith.constant 40 : i32
        %mul3A_987 = arith.muli %add3A_985, %mul3A_986 : i32
        %dma_start3A_988 = arith.constant 0 : i32
        %dma_start3A_989 = arith.constant 3 : i32
        %dma_start3A_990 = arith.constant 0 : i32
        %dma_start3A_991 = arith.constant 0 : i32
        %dma_start3A_992 = tpu.memref_slice %arg6[%dma_start3A_988, %dma_start3A_989, %dma_start3A_990, %dma_start3A_991] : memref<2x5x40x144xf32, #tpu.memory_space<vmem>> -> memref<1x1x40x144xf32, #tpu.memory_space<vmem>>
        %dma_start3A_993 = tpu.memref_squeeze %dma_start3A_992 : memref<1x1x40x144xf32, #tpu.memory_space<vmem>> -> memref<40x144xf32, #tpu.memory_space<vmem>>
        %dma_start3A_994 = tpu.memref_slice %arg5[%mul3A_987] : memref<5000xi32, #tpu.memory_space<vmem>> -> memref<40xi32, #tpu.memory_space<vmem>>
        %dma_start3A_995 = arith.constant 0 : i32
        %dma_start3A_996 = arith.constant 0 : i32
        %dma_start3A_997 = tpu.memref_slice %arg2[%dma_start3A_995, %dma_start3A_996] : memref<10000x144xf32, #tpu.memory_space<hbm>> -> memref<10000x144xf32, #tpu.memory_space<hbm>>
        tpu.enqueue_indirect_dma source(%dma_start3A_997 : memref<10000x144xf32, #tpu.memory_space<hbm>>) target(%dma_start3A_993 : memref<40x144xf32, #tpu.memory_space<vmem>>) offsets(%dma_start3A_994 : memref<40xi32, #tpu.memory_space<vmem>>) semaphore(%arg7 : memref<!tpu.dma_semaphore, #tpu.memory_space<semaphore_mem>>)
        %add3A_998 = arith.constant 2 : i32
        %add3A_999 = arith.addi %mul3A_358, %add3A_998 : i32
        %mul3A_1000 = arith.constant 5 : i32
        %mul3A_1001 = arith.muli %add3A_999, %mul3A_1000 : i32
        %add3A_1002 = arith.constant 4 : i32
        %add3A_1003 = arith.addi %mul3A_1001, %add3A_1002 : i32
        %mul3A_1004 = arith.constant 40 : i32
        %mul3A_1005 = arith.muli %add3A_1003, %mul3A_1004 : i32
        %dma_start3A_1006 = arith.constant 0 : i32
        %dma_start3A_1007 = arith.constant 4 : i32
        %dma_start3A_1008 = arith.constant 0 : i32
        %dma_start3A_1009 = arith.constant 0 : i32
        %dma_start3A_1010 = tpu.memref_slice %arg6[%dma_start3A_1006, %dma_start3A_1007, %dma_start3A_1008, %dma_start3A_1009] : memref<2x5x40x144xf32, #tpu.memory_space<vmem>> -> memref<1x1x40x144xf32, #tpu.memory_space<vmem>>
        %dma_start3A_1011 = tpu.memref_squeeze %dma_start3A_1010 : memref<1x1x40x144xf32, #tpu.memory_space<vmem>> -> memref<40x144xf32, #tpu.memory_space<vmem>>
        %dma_start3A_1012 = tpu.memref_slice %arg5[%mul3A_1005] : memref<5000xi32, #tpu.memory_space<vmem>> -> memref<40xi32, #tpu.memory_space<vmem>>
        %dma_start3A_1013 = arith.constant 0 : i32
        %dma_start3A_1014 = arith.constant 0 : i32
        %dma_start3A_1015 = tpu.memref_slice %arg2[%dma_start3A_1013, %dma_start3A_1014] : memref<10000x144xf32, #tpu.memory_space<hbm>> -> memref<10000x144xf32, #tpu.memory_space<hbm>>
        tpu.enqueue_indirect_dma source(%dma_start3A_1015 : memref<10000x144xf32, #tpu.memory_space<hbm>>) target(%dma_start3A_1011 : memref<40x144xf32, #tpu.memory_space<vmem>>) offsets(%dma_start3A_1012 : memref<40xi32, #tpu.memory_space<vmem>>) semaphore(%arg7 : memref<!tpu.dma_semaphore, #tpu.memory_space<semaphore_mem>>)
      } else {
      }
      %mul3A_741 = arith.constant 5 : i32
      %mul3A_742 = arith.muli %add3A_362, %mul3A_741 : i32
      %add3A_743 = arith.constant 0 : i32
      %add3A_744 = arith.addi %mul3A_742, %add3A_743 : i32
      %mul3A_745 = arith.constant 40 : i32
      %mul3A_746 = arith.muli %add3A_744, %mul3A_745 : i32
      %dma_wait3A_747 = arith.constant 1 : i32
      %dma_wait3A_748 = arith.constant 0 : i32
      %dma_wait3A_749 = arith.constant 0 : i32
      %dma_wait3A_750 = arith.constant 0 : i32
      %dma_wait3A_751 = tpu.memref_slice %arg6[%dma_wait3A_747, %dma_wait3A_748, %dma_wait3A_749, %dma_wait3A_750] : memref<2x5x40x144xf32, #tpu.memory_space<vmem>> -> memref<1x1x40x144xf32, #tpu.memory_space<vmem>>
      %dma_wait3A_752 = tpu.memref_squeeze %dma_wait3A_751 : memref<1x1x40x144xf32, #tpu.memory_space<vmem>> -> memref<40x144xf32, #tpu.memory_space<vmem>>
      %dma_wait3A_753 = tpu.memref_slice %arg5[%mul3A_746] : memref<5000xi32, #tpu.memory_space<vmem>> -> memref<40xi32, #tpu.memory_space<vmem>>
      %dma_wait3A_754 = arith.constant 0 : i32
      %dma_wait3A_755 = arith.constant 0 : i32
      %dma_wait3A_756 = tpu.memref_slice %arg2[%dma_wait3A_754, %dma_wait3A_755] : memref<10000x144xf32, #tpu.memory_space<hbm>> -> memref<10000x144xf32, #tpu.memory_space<hbm>>
      tpu.wait_indirect_dma semaphore(%arg8 : memref<!tpu.dma_semaphore, #tpu.memory_space<semaphore_mem>>) src(%dma_wait3A_756 : memref<10000x144xf32, #tpu.memory_space<hbm>>) dst(%dma_wait3A_752 : memref<40x144xf32, #tpu.memory_space<vmem>>)
      %mul3A_757 = arith.constant 5 : i32
      %mul3A_758 = arith.muli %add3A_362, %mul3A_757 : i32
      %add3A_759 = arith.constant 1 : i32
      %add3A_760 = arith.addi %mul3A_758, %add3A_759 : i32
      %mul3A_761 = arith.constant 40 : i32
      %mul3A_762 = arith.muli %add3A_760, %mul3A_761 : i32
      %dma_wait3A_763 = arith.constant 1 : i32
      %dma_wait3A_764 = arith.constant 1 : i32
      %dma_wait3A_765 = arith.constant 0 : i32
      %dma_wait3A_766 = arith.constant 0 : i32
      %dma_wait3A_767 = tpu.memref_slice %arg6[%dma_wait3A_763, %dma_wait3A_764, %dma_wait3A_765, %dma_wait3A_766] : memref<2x5x40x144xf32, #tpu.memory_space<vmem>> -> memref<1x1x40x144xf32, #tpu.memory_space<vmem>>
      %dma_wait3A_768 = tpu.memref_squeeze %dma_wait3A_767 : memref<1x1x40x144xf32, #tpu.memory_space<vmem>> -> memref<40x144xf32, #tpu.memory_space<vmem>>
      %dma_wait3A_769 = tpu.memref_slice %arg5[%mul3A_762] : memref<5000xi32, #tpu.memory_space<vmem>> -> memref<40xi32, #tpu.memory_space<vmem>>
      %dma_wait3A_770 = arith.constant 0 : i32
      %dma_wait3A_771 = arith.constant 0 : i32
      %dma_wait3A_772 = tpu.memref_slice %arg2[%dma_wait3A_770, %dma_wait3A_771] : memref<10000x144xf32, #tpu.memory_space<hbm>> -> memref<10000x144xf32, #tpu.memory_space<hbm>>
      tpu.wait_indirect_dma semaphore(%arg8 : memref<!tpu.dma_semaphore, #tpu.memory_space<semaphore_mem>>) src(%dma_wait3A_772 : memref<10000x144xf32, #tpu.memory_space<hbm>>) dst(%dma_wait3A_768 : memref<40x144xf32, #tpu.memory_space<vmem>>)
      %mul3A_773 = arith.constant 5 : i32
      %mul3A_774 = arith.muli %add3A_362, %mul3A_773 : i32
      %add3A_775 = arith.constant 2 : i32
      %add3A_776 = arith.addi %mul3A_774, %add3A_775 : i32
      %mul3A_777 = arith.constant 40 : i32
      %mul3A_778 = arith.muli %add3A_776, %mul3A_777 : i32
      %dma_wait3A_779 = arith.constant 1 : i32
      %dma_wait3A_780 = arith.constant 2 : i32
      %dma_wait3A_781 = arith.constant 0 : i32
      %dma_wait3A_782 = arith.constant 0 : i32
      %dma_wait3A_783 = tpu.memref_slice %arg6[%dma_wait3A_779, %dma_wait3A_780, %dma_wait3A_781, %dma_wait3A_782] : memref<2x5x40x144xf32, #tpu.memory_space<vmem>> -> memref<1x1x40x144xf32, #tpu.memory_space<vmem>>
      %dma_wait3A_784 = tpu.memref_squeeze %dma_wait3A_783 : memref<1x1x40x144xf32, #tpu.memory_space<vmem>> -> memref<40x144xf32, #tpu.memory_space<vmem>>
      %dma_wait3A_785 = tpu.memref_slice %arg5[%mul3A_778] : memref<5000xi32, #tpu.memory_space<vmem>> -> memref<40xi32, #tpu.memory_space<vmem>>
      %dma_wait3A_786 = arith.constant 0 : i32
      %dma_wait3A_787 = arith.constant 0 : i32
      %dma_wait3A_788 = tpu.memref_slice %arg2[%dma_wait3A_786, %dma_wait3A_787] : memref<10000x144xf32, #tpu.memory_space<hbm>> -> memref<10000x144xf32, #tpu.memory_space<hbm>>
      tpu.wait_indirect_dma semaphore(%arg8 : memref<!tpu.dma_semaphore, #tpu.memory_space<semaphore_mem>>) src(%dma_wait3A_788 : memref<10000x144xf32, #tpu.memory_space<hbm>>) dst(%dma_wait3A_784 : memref<40x144xf32, #tpu.memory_space<vmem>>)
      %mul3A_789 = arith.constant 5 : i32
      %mul3A_790 = arith.muli %add3A_362, %mul3A_789 : i32
      %add3A_791 = arith.constant 3 : i32
      %add3A_792 = arith.addi %mul3A_790, %add3A_791 : i32
      %mul3A_793 = arith.constant 40 : i32
      %mul3A_794 = arith.muli %add3A_792, %mul3A_793 : i32
      %dma_wait3A_795 = arith.constant 1 : i32
      %dma_wait3A_796 = arith.constant 3 : i32
      %dma_wait3A_797 = arith.constant 0 : i32
      %dma_wait3A_798 = arith.constant 0 : i32
      %dma_wait3A_799 = tpu.memref_slice %arg6[%dma_wait3A_795, %dma_wait3A_796, %dma_wait3A_797, %dma_wait3A_798] : memref<2x5x40x144xf32, #tpu.memory_space<vmem>> -> memref<1x1x40x144xf32, #tpu.memory_space<vmem>>
      %dma_wait3A_800 = tpu.memref_squeeze %dma_wait3A_799 : memref<1x1x40x144xf32, #tpu.memory_space<vmem>> -> memref<40x144xf32, #tpu.memory_space<vmem>>
      %dma_wait3A_801 = tpu.memref_slice %arg5[%mul3A_794] : memref<5000xi32, #tpu.memory_space<vmem>> -> memref<40xi32, #tpu.memory_space<vmem>>
      %dma_wait3A_802 = arith.constant 0 : i32
      %dma_wait3A_803 = arith.constant 0 : i32
      %dma_wait3A_804 = tpu.memref_slice %arg2[%dma_wait3A_802, %dma_wait3A_803] : memref<10000x144xf32, #tpu.memory_space<hbm>> -> memref<10000x144xf32, #tpu.memory_space<hbm>>
      tpu.wait_indirect_dma semaphore(%arg8 : memref<!tpu.dma_semaphore, #tpu.memory_space<semaphore_mem>>) src(%dma_wait3A_804 : memref<10000x144xf32, #tpu.memory_space<hbm>>) dst(%dma_wait3A_800 : memref<40x144xf32, #tpu.memory_space<vmem>>)
      %mul3A_805 = arith.constant 5 : i32
      %mul3A_806 = arith.muli %add3A_362, %mul3A_805 : i32
      %add3A_807 = arith.constant 4 : i32
      %add3A_808 = arith.addi %mul3A_806, %add3A_807 : i32
      %mul3A_809 = arith.constant 40 : i32
      %mul3A_810 = arith.muli %add3A_808, %mul3A_809 : i32
      %dma_wait3A_811 = arith.constant 1 : i32
      %dma_wait3A_812 = arith.constant 4 : i32
      %dma_wait3A_813 = arith.constant 0 : i32
      %dma_wait3A_814 = arith.constant 0 : i32
      %dma_wait3A_815 = tpu.memref_slice %arg6[%dma_wait3A_811, %dma_wait3A_812, %dma_wait3A_813, %dma_wait3A_814] : memref<2x5x40x144xf32, #tpu.memory_space<vmem>> -> memref<1x1x40x144xf32, #tpu.memory_space<vmem>>
      %dma_wait3A_816 = tpu.memref_squeeze %dma_wait3A_815 : memref<1x1x40x144xf32, #tpu.memory_space<vmem>> -> memref<40x144xf32, #tpu.memory_space<vmem>>
      %dma_wait3A_817 = tpu.memref_slice %arg5[%mul3A_810] : memref<5000xi32, #tpu.memory_space<vmem>> -> memref<40xi32, #tpu.memory_space<vmem>>
      %dma_wait3A_818 = arith.constant 0 : i32
      %dma_wait3A_819 = arith.constant 0 : i32
      %dma_wait3A_820 = tpu.memref_slice %arg2[%dma_wait3A_818, %dma_wait3A_819] : memref<10000x144xf32, #tpu.memory_space<hbm>> -> memref<10000x144xf32, #tpu.memory_space<hbm>>
      tpu.wait_indirect_dma semaphore(%arg8 : memref<!tpu.dma_semaphore, #tpu.memory_space<semaphore_mem>>) src(%dma_wait3A_820 : memref<10000x144xf32, #tpu.memory_space<hbm>>) dst(%dma_wait3A_816 : memref<40x144xf32, #tpu.memory_space<vmem>>)
      %mul3A_821 = arith.constant 5 : i32
      %mul3A_822 = arith.muli %add3A_362, %mul3A_821 : i32
      %add3A_823 = arith.constant 0 : i32
      %add3A_824 = arith.addi %mul3A_822, %add3A_823 : i32
      %mul3A_825 = arith.constant 40 : i32
      %mul3A_826 = arith.muli %add3A_824, %mul3A_825 : i32
      %add3A_827 = arith.addi %mul3A_2, %mul3A_826 : i32
      %dma_start3A_828 = arith.constant 1 : i32
      %dma_start3A_829 = arith.constant 0 : i32
      %dma_start3A_830 = arith.constant 0 : i32
      %dma_start3A_831 = arith.constant 0 : i32
      %dma_start3A_832 = tpu.memref_slice %arg6[%dma_start3A_828, %dma_start3A_829, %dma_start3A_830, %dma_start3A_831] : memref<2x5x40x144xf32, #tpu.memory_space<vmem>> -> memref<1x1x40x144xf32, #tpu.memory_space<vmem>>
      %dma_start3A_833 = tpu.memref_squeeze %dma_start3A_832 : memref<1x1x40x144xf32, #tpu.memory_space<vmem>> -> memref<40x144xf32, #tpu.memory_space<vmem>>
      %dma_start3A_834 = arith.constant 0 : i32
      %dma_start3A_835 = tpu.memref_slice %arg4[%add3A_827, %dma_start3A_834] : memref<160000x144xf32, #tpu.memory_space<hbm>> -> memref<40x144xf32, #tpu.memory_space<hbm>>
      %dma_start3A_836 = arith.constant 0 : i32
      %dma_start3A_837 = tpu.memref_slice %arg4[%add3A_827, %dma_start3A_836] : memref<160000x144xf32, #tpu.memory_space<hbm>> -> memref<40x144xf32, #tpu.memory_space<hbm>>
      %dma_start3A_838 = arith.constant 0 : i32
      %dma_start3A_839 = arith.constant 0 : i32
      %dma_start3A_840 = tpu.memref_slice %arg6[%dma_start3A_828, %dma_start3A_829, %dma_start3A_838, %dma_start3A_839] : memref<2x5x40x144xf32, #tpu.memory_space<vmem>> -> memref<1x1x40x144xf32, #tpu.memory_space<vmem>>
      %dma_start3A_841 = tpu.memref_squeeze %dma_start3A_840 : memref<1x1x40x144xf32, #tpu.memory_space<vmem>> -> memref<40x144xf32, #tpu.memory_space<vmem>>
      tpu.enqueue_dma source(%dma_start3A_841 : memref<40x144xf32, #tpu.memory_space<vmem>>) target(%dma_start3A_837 : memref<40x144xf32, #tpu.memory_space<hbm>>) target_semaphore(%arg10 : memref<!tpu.dma_semaphore, #tpu.memory_space<semaphore_mem>>)
      %mul3A_842 = arith.constant 5 : i32
      %mul3A_843 = arith.muli %add3A_362, %mul3A_842 : i32
      %add3A_844 = arith.constant 1 : i32
      %add3A_845 = arith.addi %mul3A_843, %add3A_844 : i32
      %mul3A_846 = arith.constant 40 : i32
      %mul3A_847 = arith.muli %add3A_845, %mul3A_846 : i32
      %add3A_848 = arith.addi %mul3A_2, %mul3A_847 : i32
      %dma_start3A_849 = arith.constant 1 : i32
      %dma_start3A_850 = arith.constant 1 : i32
      %dma_start3A_851 = arith.constant 0 : i32
      %dma_start3A_852 = arith.constant 0 : i32
      %dma_start3A_853 = tpu.memref_slice %arg6[%dma_start3A_849, %dma_start3A_850, %dma_start3A_851, %dma_start3A_852] : memref<2x5x40x144xf32, #tpu.memory_space<vmem>> -> memref<1x1x40x144xf32, #tpu.memory_space<vmem>>
      %dma_start3A_854 = tpu.memref_squeeze %dma_start3A_853 : memref<1x1x40x144xf32, #tpu.memory_space<vmem>> -> memref<40x144xf32, #tpu.memory_space<vmem>>
      %dma_start3A_855 = arith.constant 0 : i32
      %dma_start3A_856 = tpu.memref_slice %arg4[%add3A_848, %dma_start3A_855] : memref<160000x144xf32, #tpu.memory_space<hbm>> -> memref<40x144xf32, #tpu.memory_space<hbm>>
      %dma_start3A_857 = arith.constant 0 : i32
      %dma_start3A_858 = tpu.memref_slice %arg4[%add3A_848, %dma_start3A_857] : memref<160000x144xf32, #tpu.memory_space<hbm>> -> memref<40x144xf32, #tpu.memory_space<hbm>>
      %dma_start3A_859 = arith.constant 0 : i32
      %dma_start3A_860 = arith.constant 0 : i32
      %dma_start3A_861 = tpu.memref_slice %arg6[%dma_start3A_849, %dma_start3A_850, %dma_start3A_859, %dma_start3A_860] : memref<2x5x40x144xf32, #tpu.memory_space<vmem>> -> memref<1x1x40x144xf32, #tpu.memory_space<vmem>>
      %dma_start3A_862 = tpu.memref_squeeze %dma_start3A_861 : memref<1x1x40x144xf32, #tpu.memory_space<vmem>> -> memref<40x144xf32, #tpu.memory_space<vmem>>
      tpu.enqueue_dma source(%dma_start3A_862 : memref<40x144xf32, #tpu.memory_space<vmem>>) target(%dma_start3A_858 : memref<40x144xf32, #tpu.memory_space<hbm>>) target_semaphore(%arg10 : memref<!tpu.dma_semaphore, #tpu.memory_space<semaphore_mem>>)
      %mul3A_863 = arith.constant 5 : i32
      %mul3A_864 = arith.muli %add3A_362, %mul3A_863 : i32
      %add3A_865 = arith.constant 2 : i32
      %add3A_866 = arith.addi %mul3A_864, %add3A_865 : i32
      %mul3A_867 = arith.constant 40 : i32
      %mul3A_868 = arith.muli %add3A_866, %mul3A_867 : i32
      %add3A_869 = arith.addi %mul3A_2, %mul3A_868 : i32
      %dma_start3A_870 = arith.constant 1 : i32
      %dma_start3A_871 = arith.constant 2 : i32
      %dma_start3A_872 = arith.constant 0 : i32
      %dma_start3A_873 = arith.constant 0 : i32
      %dma_start3A_874 = tpu.memref_slice %arg6[%dma_start3A_870, %dma_start3A_871, %dma_start3A_872, %dma_start3A_873] : memref<2x5x40x144xf32, #tpu.memory_space<vmem>> -> memref<1x1x40x144xf32, #tpu.memory_space<vmem>>
      %dma_start3A_875 = tpu.memref_squeeze %dma_start3A_874 : memref<1x1x40x144xf32, #tpu.memory_space<vmem>> -> memref<40x144xf32, #tpu.memory_space<vmem>>
      %dma_start3A_876 = arith.constant 0 : i32
      %dma_start3A_877 = tpu.memref_slice %arg4[%add3A_869, %dma_start3A_876] : memref<160000x144xf32, #tpu.memory_space<hbm>> -> memref<40x144xf32, #tpu.memory_space<hbm>>
      %dma_start3A_878 = arith.constant 0 : i32
      %dma_start3A_879 = tpu.memref_slice %arg4[%add3A_869, %dma_start3A_878] : memref<160000x144xf32, #tpu.memory_space<hbm>> -> memref<40x144xf32, #tpu.memory_space<hbm>>
      %dma_start3A_880 = arith.constant 0 : i32
      %dma_start3A_881 = arith.constant 0 : i32
      %dma_start3A_882 = tpu.memref_slice %arg6[%dma_start3A_870, %dma_start3A_871, %dma_start3A_880, %dma_start3A_881] : memref<2x5x40x144xf32, #tpu.memory_space<vmem>> -> memref<1x1x40x144xf32, #tpu.memory_space<vmem>>
      %dma_start3A_883 = tpu.memref_squeeze %dma_start3A_882 : memref<1x1x40x144xf32, #tpu.memory_space<vmem>> -> memref<40x144xf32, #tpu.memory_space<vmem>>
      tpu.enqueue_dma source(%dma_start3A_883 : memref<40x144xf32, #tpu.memory_space<vmem>>) target(%dma_start3A_879 : memref<40x144xf32, #tpu.memory_space<hbm>>) target_semaphore(%arg10 : memref<!tpu.dma_semaphore, #tpu.memory_space<semaphore_mem>>)
      %mul3A_884 = arith.constant 5 : i32
      %mul3A_885 = arith.muli %add3A_362, %mul3A_884 : i32
      %add3A_886 = arith.constant 3 : i32
      %add3A_887 = arith.addi %mul3A_885, %add3A_886 : i32
      %mul3A_888 = arith.constant 40 : i32
      %mul3A_889 = arith.muli %add3A_887, %mul3A_888 : i32
      %add3A_890 = arith.addi %mul3A_2, %mul3A_889 : i32
      %dma_start3A_891 = arith.constant 1 : i32
      %dma_start3A_892 = arith.constant 3 : i32
      %dma_start3A_893 = arith.constant 0 : i32
      %dma_start3A_894 = arith.constant 0 : i32
      %dma_start3A_895 = tpu.memref_slice %arg6[%dma_start3A_891, %dma_start3A_892, %dma_start3A_893, %dma_start3A_894] : memref<2x5x40x144xf32, #tpu.memory_space<vmem>> -> memref<1x1x40x144xf32, #tpu.memory_space<vmem>>
      %dma_start3A_896 = tpu.memref_squeeze %dma_start3A_895 : memref<1x1x40x144xf32, #tpu.memory_space<vmem>> -> memref<40x144xf32, #tpu.memory_space<vmem>>
      %dma_start3A_897 = arith.constant 0 : i32
      %dma_start3A_898 = tpu.memref_slice %arg4[%add3A_890, %dma_start3A_897] : memref<160000x144xf32, #tpu.memory_space<hbm>> -> memref<40x144xf32, #tpu.memory_space<hbm>>
      %dma_start3A_899 = arith.constant 0 : i32
      %dma_start3A_900 = tpu.memref_slice %arg4[%add3A_890, %dma_start3A_899] : memref<160000x144xf32, #tpu.memory_space<hbm>> -> memref<40x144xf32, #tpu.memory_space<hbm>>
      %dma_start3A_901 = arith.constant 0 : i32
      %dma_start3A_902 = arith.constant 0 : i32
      %dma_start3A_903 = tpu.memref_slice %arg6[%dma_start3A_891, %dma_start3A_892, %dma_start3A_901, %dma_start3A_902] : memref<2x5x40x144xf32, #tpu.memory_space<vmem>> -> memref<1x1x40x144xf32, #tpu.memory_space<vmem>>
      %dma_start3A_904 = tpu.memref_squeeze %dma_start3A_903 : memref<1x1x40x144xf32, #tpu.memory_space<vmem>> -> memref<40x144xf32, #tpu.memory_space<vmem>>
      tpu.enqueue_dma source(%dma_start3A_904 : memref<40x144xf32, #tpu.memory_space<vmem>>) target(%dma_start3A_900 : memref<40x144xf32, #tpu.memory_space<hbm>>) target_semaphore(%arg10 : memref<!tpu.dma_semaphore, #tpu.memory_space<semaphore_mem>>)
      %mul3A_905 = arith.constant 5 : i32
      %mul3A_906 = arith.muli %add3A_362, %mul3A_905 : i32
      %add3A_907 = arith.constant 4 : i32
      %add3A_908 = arith.addi %mul3A_906, %add3A_907 : i32
      %mul3A_909 = arith.constant 40 : i32
      %mul3A_910 = arith.muli %add3A_908, %mul3A_909 : i32
      %add3A_911 = arith.addi %mul3A_2, %mul3A_910 : i32
      %dma_start3A_912 = arith.constant 1 : i32
      %dma_start3A_913 = arith.constant 4 : i32
      %dma_start3A_914 = arith.constant 0 : i32
      %dma_start3A_915 = arith.constant 0 : i32
      %dma_start3A_916 = tpu.memref_slice %arg6[%dma_start3A_912, %dma_start3A_913, %dma_start3A_914, %dma_start3A_915] : memref<2x5x40x144xf32, #tpu.memory_space<vmem>> -> memref<1x1x40x144xf32, #tpu.memory_space<vmem>>
      %dma_start3A_917 = tpu.memref_squeeze %dma_start3A_916 : memref<1x1x40x144xf32, #tpu.memory_space<vmem>> -> memref<40x144xf32, #tpu.memory_space<vmem>>
      %dma_start3A_918 = arith.constant 0 : i32
      %dma_start3A_919 = tpu.memref_slice %arg4[%add3A_911, %dma_start3A_918] : memref<160000x144xf32, #tpu.memory_space<hbm>> -> memref<40x144xf32, #tpu.memory_space<hbm>>
      %dma_start3A_920 = arith.constant 0 : i32
      %dma_start3A_921 = tpu.memref_slice %arg4[%add3A_911, %dma_start3A_920] : memref<160000x144xf32, #tpu.memory_space<hbm>> -> memref<40x144xf32, #tpu.memory_space<hbm>>
      %dma_start3A_922 = arith.constant 0 : i32
      %dma_start3A_923 = arith.constant 0 : i32
      %dma_start3A_924 = tpu.memref_slice %arg6[%dma_start3A_912, %dma_start3A_913, %dma_start3A_922, %dma_start3A_923] : memref<2x5x40x144xf32, #tpu.memory_space<vmem>> -> memref<1x1x40x144xf32, #tpu.memory_space<vmem>>
      %dma_start3A_925 = tpu.memref_squeeze %dma_start3A_924 : memref<1x1x40x144xf32, #tpu.memory_space<vmem>> -> memref<40x144xf32, #tpu.memory_space<vmem>>
      tpu.enqueue_dma source(%dma_start3A_925 : memref<40x144xf32, #tpu.memory_space<vmem>>) target(%dma_start3A_921 : memref<40x144xf32, #tpu.memory_space<hbm>>) target_semaphore(%arg10 : memref<!tpu.dma_semaphore, #tpu.memory_space<semaphore_mem>>)
    }
    %scan3A_61 = arith.constant 12 : i32
    %add3A_62 = arith.constant 4600 : i32
    %add3A_63 = arith.addi %mul3A_2, %add3A_62 : i32
    %dma_wait3A = arith.constant 1 : i32
    %dma_wait3A_64 = arith.constant 0 : i32
    %dma_wait3A_65 = arith.constant 0 : i32
    %dma_wait3A_66 = arith.constant 0 : i32
    %dma_wait3A_67 = tpu.memref_slice %arg6[%dma_wait3A, %dma_wait3A_64, %dma_wait3A_65, %dma_wait3A_66] : memref<2x5x40x144xf32, #tpu.memory_space<vmem>> -> memref<1x1x40x144xf32, #tpu.memory_space<vmem>>
    %dma_wait3A_68 = tpu.memref_squeeze %dma_wait3A_67 : memref<1x1x40x144xf32, #tpu.memory_space<vmem>> -> memref<40x144xf32, #tpu.memory_space<vmem>>
    %dma_wait3A_69 = arith.constant 0 : i32
    %dma_wait3A_70 = tpu.memref_slice %arg4[%add3A_63, %dma_wait3A_69] : memref<160000x144xf32, #tpu.memory_space<hbm>> -> memref<40x144xf32, #tpu.memory_space<hbm>>
    %dma_wait3A_71 = arith.constant 0 : i32
    %dma_wait3A_72 = tpu.memref_slice %arg4[%add3A_63, %dma_wait3A_71] : memref<160000x144xf32, #tpu.memory_space<hbm>> -> memref<40x144xf32, #tpu.memory_space<hbm>>
    %dma_wait3A_73 = arith.constant 0 : i32
    %dma_wait3A_74 = arith.constant 0 : i32
    %dma_wait3A_75 = tpu.memref_slice %arg6[%dma_wait3A, %dma_wait3A_64, %dma_wait3A_73, %dma_wait3A_74] : memref<2x5x40x144xf32, #tpu.memory_space<vmem>> -> memref<1x1x40x144xf32, #tpu.memory_space<vmem>>
    %dma_wait3A_76 = tpu.memref_squeeze %dma_wait3A_75 : memref<1x1x40x144xf32, #tpu.memory_space<vmem>> -> memref<40x144xf32, #tpu.memory_space<vmem>>
    tpu.wait_dma2 semaphore(%arg10 : memref<!tpu.dma_semaphore, #tpu.memory_space<semaphore_mem>>) src(%dma_wait3A_76 : memref<40x144xf32, #tpu.memory_space<vmem>>) dst(%dma_wait3A_72 : memref<40x144xf32, #tpu.memory_space<hbm>>)
    %add3A_77 = arith.constant 4640 : i32
    %add3A_78 = arith.addi %mul3A_2, %add3A_77 : i32
    %dma_wait3A_79 = arith.constant 1 : i32
    %dma_wait3A_80 = arith.constant 1 : i32
    %dma_wait3A_81 = arith.constant 0 : i32
    %dma_wait3A_82 = arith.constant 0 : i32
    %dma_wait3A_83 = tpu.memref_slice %arg6[%dma_wait3A_79, %dma_wait3A_80, %dma_wait3A_81, %dma_wait3A_82] : memref<2x5x40x144xf32, #tpu.memory_space<vmem>> -> memref<1x1x40x144xf32, #tpu.memory_space<vmem>>
    %dma_wait3A_84 = tpu.memref_squeeze %dma_wait3A_83 : memref<1x1x40x144xf32, #tpu.memory_space<vmem>> -> memref<40x144xf32, #tpu.memory_space<vmem>>
    %dma_wait3A_85 = arith.constant 0 : i32
    %dma_wait3A_86 = tpu.memref_slice %arg4[%add3A_78, %dma_wait3A_85] : memref<160000x144xf32, #tpu.memory_space<hbm>> -> memref<40x144xf32, #tpu.memory_space<hbm>>
    %dma_wait3A_87 = arith.constant 0 : i32
    %dma_wait3A_88 = tpu.memref_slice %arg4[%add3A_78, %dma_wait3A_87] : memref<160000x144xf32, #tpu.memory_space<hbm>> -> memref<40x144xf32, #tpu.memory_space<hbm>>
    %dma_wait3A_89 = arith.constant 0 : i32
    %dma_wait3A_90 = arith.constant 0 : i32
    %dma_wait3A_91 = tpu.memref_slice %arg6[%dma_wait3A_79, %dma_wait3A_80, %dma_wait3A_89, %dma_wait3A_90] : memref<2x5x40x144xf32, #tpu.memory_space<vmem>> -> memref<1x1x40x144xf32, #tpu.memory_space<vmem>>
    %dma_wait3A_92 = tpu.memref_squeeze %dma_wait3A_91 : memref<1x1x40x144xf32, #tpu.memory_space<vmem>> -> memref<40x144xf32, #tpu.memory_space<vmem>>
    tpu.wait_dma2 semaphore(%arg10 : memref<!tpu.dma_semaphore, #tpu.memory_space<semaphore_mem>>) src(%dma_wait3A_92 : memref<40x144xf32, #tpu.memory_space<vmem>>) dst(%dma_wait3A_88 : memref<40x144xf32, #tpu.memory_space<hbm>>)
    %add3A_93 = arith.constant 4680 : i32
    %add3A_94 = arith.addi %mul3A_2, %add3A_93 : i32
    %dma_wait3A_95 = arith.constant 1 : i32
    %dma_wait3A_96 = arith.constant 2 : i32
    %dma_wait3A_97 = arith.constant 0 : i32
    %dma_wait3A_98 = arith.constant 0 : i32
    %dma_wait3A_99 = tpu.memref_slice %arg6[%dma_wait3A_95, %dma_wait3A_96, %dma_wait3A_97, %dma_wait3A_98] : memref<2x5x40x144xf32, #tpu.memory_space<vmem>> -> memref<1x1x40x144xf32, #tpu.memory_space<vmem>>
    %dma_wait3A_100 = tpu.memref_squeeze %dma_wait3A_99 : memref<1x1x40x144xf32, #tpu.memory_space<vmem>> -> memref<40x144xf32, #tpu.memory_space<vmem>>
    %dma_wait3A_101 = arith.constant 0 : i32
    %dma_wait3A_102 = tpu.memref_slice %arg4[%add3A_94, %dma_wait3A_101] : memref<160000x144xf32, #tpu.memory_space<hbm>> -> memref<40x144xf32, #tpu.memory_space<hbm>>
    %dma_wait3A_103 = arith.constant 0 : i32
    %dma_wait3A_104 = tpu.memref_slice %arg4[%add3A_94, %dma_wait3A_103] : memref<160000x144xf32, #tpu.memory_space<hbm>> -> memref<40x144xf32, #tpu.memory_space<hbm>>
    %dma_wait3A_105 = arith.constant 0 : i32
    %dma_wait3A_106 = arith.constant 0 : i32
    %dma_wait3A_107 = tpu.memref_slice %arg6[%dma_wait3A_95, %dma_wait3A_96, %dma_wait3A_105, %dma_wait3A_106] : memref<2x5x40x144xf32, #tpu.memory_space<vmem>> -> memref<1x1x40x144xf32, #tpu.memory_space<vmem>>
    %dma_wait3A_108 = tpu.memref_squeeze %dma_wait3A_107 : memref<1x1x40x144xf32, #tpu.memory_space<vmem>> -> memref<40x144xf32, #tpu.memory_space<vmem>>
    tpu.wait_dma2 semaphore(%arg10 : memref<!tpu.dma_semaphore, #tpu.memory_space<semaphore_mem>>) src(%dma_wait3A_108 : memref<40x144xf32, #tpu.memory_space<vmem>>) dst(%dma_wait3A_104 : memref<40x144xf32, #tpu.memory_space<hbm>>)
    %add3A_109 = arith.constant 4720 : i32
    %add3A_110 = arith.addi %mul3A_2, %add3A_109 : i32
    %dma_wait3A_111 = arith.constant 1 : i32
    %dma_wait3A_112 = arith.constant 3 : i32
    %dma_wait3A_113 = arith.constant 0 : i32
    %dma_wait3A_114 = arith.constant 0 : i32
    %dma_wait3A_115 = tpu.memref_slice %arg6[%dma_wait3A_111, %dma_wait3A_112, %dma_wait3A_113, %dma_wait3A_114] : memref<2x5x40x144xf32, #tpu.memory_space<vmem>> -> memref<1x1x40x144xf32, #tpu.memory_space<vmem>>
    %dma_wait3A_116 = tpu.memref_squeeze %dma_wait3A_115 : memref<1x1x40x144xf32, #tpu.memory_space<vmem>> -> memref<40x144xf32, #tpu.memory_space<vmem>>
    %dma_wait3A_117 = arith.constant 0 : i32
    %dma_wait3A_118 = tpu.memref_slice %arg4[%add3A_110, %dma_wait3A_117] : memref<160000x144xf32, #tpu.memory_space<hbm>> -> memref<40x144xf32, #tpu.memory_space<hbm>>
    %dma_wait3A_119 = arith.constant 0 : i32
    %dma_wait3A_120 = tpu.memref_slice %arg4[%add3A_110, %dma_wait3A_119] : memref<160000x144xf32, #tpu.memory_space<hbm>> -> memref<40x144xf32, #tpu.memory_space<hbm>>
    %dma_wait3A_121 = arith.constant 0 : i32
    %dma_wait3A_122 = arith.constant 0 : i32
    %dma_wait3A_123 = tpu.memref_slice %arg6[%dma_wait3A_111, %dma_wait3A_112, %dma_wait3A_121, %dma_wait3A_122] : memref<2x5x40x144xf32, #tpu.memory_space<vmem>> -> memref<1x1x40x144xf32, #tpu.memory_space<vmem>>
    %dma_wait3A_124 = tpu.memref_squeeze %dma_wait3A_123 : memref<1x1x40x144xf32, #tpu.memory_space<vmem>> -> memref<40x144xf32, #tpu.memory_space<vmem>>
    tpu.wait_dma2 semaphore(%arg10 : memref<!tpu.dma_semaphore, #tpu.memory_space<semaphore_mem>>) src(%dma_wait3A_124 : memref<40x144xf32, #tpu.memory_space<vmem>>) dst(%dma_wait3A_120 : memref<40x144xf32, #tpu.memory_space<hbm>>)
    %add3A_125 = arith.constant 4760 : i32
    %add3A_126 = arith.addi %mul3A_2, %add3A_125 : i32
    %dma_wait3A_127 = arith.constant 1 : i32
    %dma_wait3A_128 = arith.constant 4 : i32
    %dma_wait3A_129 = arith.constant 0 : i32
    %dma_wait3A_130 = arith.constant 0 : i32
    %dma_wait3A_131 = tpu.memref_slice %arg6[%dma_wait3A_127, %dma_wait3A_128, %dma_wait3A_129, %dma_wait3A_130] : memref<2x5x40x144xf32, #tpu.memory_space<vmem>> -> memref<1x1x40x144xf32, #tpu.memory_space<vmem>>
    %dma_wait3A_132 = tpu.memref_squeeze %dma_wait3A_131 : memref<1x1x40x144xf32, #tpu.memory_space<vmem>> -> memref<40x144xf32, #tpu.memory_space<vmem>>
    %dma_wait3A_133 = arith.constant 0 : i32
    %dma_wait3A_134 = tpu.memref_slice %arg4[%add3A_126, %dma_wait3A_133] : memref<160000x144xf32, #tpu.memory_space<hbm>> -> memref<40x144xf32, #tpu.memory_space<hbm>>
    %dma_wait3A_135 = arith.constant 0 : i32
    %dma_wait3A_136 = tpu.memref_slice %arg4[%add3A_126, %dma_wait3A_135] : memref<160000x144xf32, #tpu.memory_space<hbm>> -> memref<40x144xf32, #tpu.memory_space<hbm>>
    %dma_wait3A_137 = arith.constant 0 : i32
    %dma_wait3A_138 = arith.constant 0 : i32
    %dma_wait3A_139 = tpu.memref_slice %arg6[%dma_wait3A_127, %dma_wait3A_128, %dma_wait3A_137, %dma_wait3A_138] : memref<2x5x40x144xf32, #tpu.memory_space<vmem>> -> memref<1x1x40x144xf32, #tpu.memory_space<vmem>>
    %dma_wait3A_140 = tpu.memref_squeeze %dma_wait3A_139 : memref<1x1x40x144xf32, #tpu.memory_space<vmem>> -> memref<40x144xf32, #tpu.memory_space<vmem>>
    tpu.wait_dma2 semaphore(%arg10 : memref<!tpu.dma_semaphore, #tpu.memory_space<semaphore_mem>>) src(%dma_wait3A_140 : memref<40x144xf32, #tpu.memory_space<vmem>>) dst(%dma_wait3A_136 : memref<40x144xf32, #tpu.memory_space<hbm>>)
    %dma_wait3A_141 = arith.constant 0 : i32
    %dma_wait3A_142 = arith.constant 0 : i32
    %dma_wait3A_143 = arith.constant 0 : i32
    %dma_wait3A_144 = arith.constant 0 : i32
    %dma_wait3A_145 = tpu.memref_slice %arg6[%dma_wait3A_141, %dma_wait3A_142, %dma_wait3A_143, %dma_wait3A_144] : memref<2x5x40x144xf32, #tpu.memory_space<vmem>> -> memref<1x1x40x144xf32, #tpu.memory_space<vmem>>
    %dma_wait3A_146 = tpu.memref_squeeze %dma_wait3A_145 : memref<1x1x40x144xf32, #tpu.memory_space<vmem>> -> memref<40x144xf32, #tpu.memory_space<vmem>>
    %dma_wait3A_147 = arith.constant 4800 : i32
    %dma_wait3A_148 = tpu.memref_slice %arg5[%dma_wait3A_147] : memref<5000xi32, #tpu.memory_space<vmem>> -> memref<40xi32, #tpu.memory_space<vmem>>
    %dma_wait3A_149 = arith.constant 0 : i32
    %dma_wait3A_150 = arith.constant 0 : i32
    %dma_wait3A_151 = tpu.memref_slice %arg2[%dma_wait3A_149, %dma_wait3A_150] : memref<10000x144xf32, #tpu.memory_space<hbm>> -> memref<10000x144xf32, #tpu.memory_space<hbm>>
    tpu.wait_indirect_dma semaphore(%arg7 : memref<!tpu.dma_semaphore, #tpu.memory_space<semaphore_mem>>) src(%dma_wait3A_151 : memref<10000x144xf32, #tpu.memory_space<hbm>>) dst(%dma_wait3A_146 : memref<40x144xf32, #tpu.memory_space<vmem>>)
    %dma_wait3A_152 = arith.constant 0 : i32
    %dma_wait3A_153 = arith.constant 1 : i32
    %dma_wait3A_154 = arith.constant 0 : i32
    %dma_wait3A_155 = arith.constant 0 : i32
    %dma_wait3A_156 = tpu.memref_slice %arg6[%dma_wait3A_152, %dma_wait3A_153, %dma_wait3A_154, %dma_wait3A_155] : memref<2x5x40x144xf32, #tpu.memory_space<vmem>> -> memref<1x1x40x144xf32, #tpu.memory_space<vmem>>
    %dma_wait3A_157 = tpu.memref_squeeze %dma_wait3A_156 : memref<1x1x40x144xf32, #tpu.memory_space<vmem>> -> memref<40x144xf32, #tpu.memory_space<vmem>>
    %dma_wait3A_158 = arith.constant 4840 : i32
    %dma_wait3A_159 = tpu.memref_slice %arg5[%dma_wait3A_158] : memref<5000xi32, #tpu.memory_space<vmem>> -> memref<40xi32, #tpu.memory_space<vmem>>
    %dma_wait3A_160 = arith.constant 0 : i32
    %dma_wait3A_161 = arith.constant 0 : i32
    %dma_wait3A_162 = tpu.memref_slice %arg2[%dma_wait3A_160, %dma_wait3A_161] : memref<10000x144xf32, #tpu.memory_space<hbm>> -> memref<10000x144xf32, #tpu.memory_space<hbm>>
    tpu.wait_indirect_dma semaphore(%arg7 : memref<!tpu.dma_semaphore, #tpu.memory_space<semaphore_mem>>) src(%dma_wait3A_162 : memref<10000x144xf32, #tpu.memory_space<hbm>>) dst(%dma_wait3A_157 : memref<40x144xf32, #tpu.memory_space<vmem>>)
    %dma_wait3A_163 = arith.constant 0 : i32
    %dma_wait3A_164 = arith.constant 2 : i32
    %dma_wait3A_165 = arith.constant 0 : i32
    %dma_wait3A_166 = arith.constant 0 : i32
    %dma_wait3A_167 = tpu.memref_slice %arg6[%dma_wait3A_163, %dma_wait3A_164, %dma_wait3A_165, %dma_wait3A_166] : memref<2x5x40x144xf32, #tpu.memory_space<vmem>> -> memref<1x1x40x144xf32, #tpu.memory_space<vmem>>
    %dma_wait3A_168 = tpu.memref_squeeze %dma_wait3A_167 : memref<1x1x40x144xf32, #tpu.memory_space<vmem>> -> memref<40x144xf32, #tpu.memory_space<vmem>>
    %dma_wait3A_169 = arith.constant 4880 : i32
    %dma_wait3A_170 = tpu.memref_slice %arg5[%dma_wait3A_169] : memref<5000xi32, #tpu.memory_space<vmem>> -> memref<40xi32, #tpu.memory_space<vmem>>
    %dma_wait3A_171 = arith.constant 0 : i32
    %dma_wait3A_172 = arith.constant 0 : i32
    %dma_wait3A_173 = tpu.memref_slice %arg2[%dma_wait3A_171, %dma_wait3A_172] : memref<10000x144xf32, #tpu.memory_space<hbm>> -> memref<10000x144xf32, #tpu.memory_space<hbm>>
    tpu.wait_indirect_dma semaphore(%arg7 : memref<!tpu.dma_semaphore, #tpu.memory_space<semaphore_mem>>) src(%dma_wait3A_173 : memref<10000x144xf32, #tpu.memory_space<hbm>>) dst(%dma_wait3A_168 : memref<40x144xf32, #tpu.memory_space<vmem>>)
    %dma_wait3A_174 = arith.constant 0 : i32
    %dma_wait3A_175 = arith.constant 3 : i32
    %dma_wait3A_176 = arith.constant 0 : i32
    %dma_wait3A_177 = arith.constant 0 : i32
    %dma_wait3A_178 = tpu.memref_slice %arg6[%dma_wait3A_174, %dma_wait3A_175, %dma_wait3A_176, %dma_wait3A_177] : memref<2x5x40x144xf32, #tpu.memory_space<vmem>> -> memref<1x1x40x144xf32, #tpu.memory_space<vmem>>
    %dma_wait3A_179 = tpu.memref_squeeze %dma_wait3A_178 : memref<1x1x40x144xf32, #tpu.memory_space<vmem>> -> memref<40x144xf32, #tpu.memory_space<vmem>>
    %dma_wait3A_180 = arith.constant 4920 : i32
    %dma_wait3A_181 = tpu.memref_slice %arg5[%dma_wait3A_180] : memref<5000xi32, #tpu.memory_space<vmem>> -> memref<40xi32, #tpu.memory_space<vmem>>
    %dma_wait3A_182 = arith.constant 0 : i32
    %dma_wait3A_183 = arith.constant 0 : i32
    %dma_wait3A_184 = tpu.memref_slice %arg2[%dma_wait3A_182, %dma_wait3A_183] : memref<10000x144xf32, #tpu.memory_space<hbm>> -> memref<10000x144xf32, #tpu.memory_space<hbm>>
    tpu.wait_indirect_dma semaphore(%arg7 : memref<!tpu.dma_semaphore, #tpu.memory_space<semaphore_mem>>) src(%dma_wait3A_184 : memref<10000x144xf32, #tpu.memory_space<hbm>>) dst(%dma_wait3A_179 : memref<40x144xf32, #tpu.memory_space<vmem>>)
    %dma_wait3A_185 = arith.constant 0 : i32
    %dma_wait3A_186 = arith.constant 4 : i32
    %dma_wait3A_187 = arith.constant 0 : i32
    %dma_wait3A_188 = arith.constant 0 : i32
    %dma_wait3A_189 = tpu.memref_slice %arg6[%dma_wait3A_185, %dma_wait3A_186, %dma_wait3A_187, %dma_wait3A_188] : memref<2x5x40x144xf32, #tpu.memory_space<vmem>> -> memref<1x1x40x144xf32, #tpu.memory_space<vmem>>
    %dma_wait3A_190 = tpu.memref_squeeze %dma_wait3A_189 : memref<1x1x40x144xf32, #tpu.memory_space<vmem>> -> memref<40x144xf32, #tpu.memory_space<vmem>>
    %dma_wait3A_191 = arith.constant 4960 : i32
    %dma_wait3A_192 = tpu.memref_slice %arg5[%dma_wait3A_191] : memref<5000xi32, #tpu.memory_space<vmem>> -> memref<40xi32, #tpu.memory_space<vmem>>
    %dma_wait3A_193 = arith.constant 0 : i32
    %dma_wait3A_194 = arith.constant 0 : i32
    %dma_wait3A_195 = tpu.memref_slice %arg2[%dma_wait3A_193, %dma_wait3A_194] : memref<10000x144xf32, #tpu.memory_space<hbm>> -> memref<10000x144xf32, #tpu.memory_space<hbm>>
    tpu.wait_indirect_dma semaphore(%arg7 : memref<!tpu.dma_semaphore, #tpu.memory_space<semaphore_mem>>) src(%dma_wait3A_195 : memref<10000x144xf32, #tpu.memory_space<hbm>>) dst(%dma_wait3A_190 : memref<40x144xf32, #tpu.memory_space<vmem>>)
    %add3A_196 = arith.constant 4800 : i32
    %add3A_197 = arith.addi %mul3A_2, %add3A_196 : i32
    %dma_start3A_198 = arith.constant 0 : i32
    %dma_start3A_199 = arith.constant 0 : i32
    %dma_start3A_200 = arith.constant 0 : i32
    %dma_start3A_201 = arith.constant 0 : i32
    %dma_start3A_202 = tpu.memref_slice %arg6[%dma_start3A_198, %dma_start3A_199, %dma_start3A_200, %dma_start3A_201] : memref<2x5x40x144xf32, #tpu.memory_space<vmem>> -> memref<1x1x40x144xf32, #tpu.memory_space<vmem>>
    %dma_start3A_203 = tpu.memref_squeeze %dma_start3A_202 : memref<1x1x40x144xf32, #tpu.memory_space<vmem>> -> memref<40x144xf32, #tpu.memory_space<vmem>>
    %dma_start3A_204 = arith.constant 0 : i32
    %dma_start3A_205 = tpu.memref_slice %arg4[%add3A_197, %dma_start3A_204] : memref<160000x144xf32, #tpu.memory_space<hbm>> -> memref<40x144xf32, #tpu.memory_space<hbm>>
    %dma_start3A_206 = arith.constant 0 : i32
    %dma_start3A_207 = tpu.memref_slice %arg4[%add3A_197, %dma_start3A_206] : memref<160000x144xf32, #tpu.memory_space<hbm>> -> memref<40x144xf32, #tpu.memory_space<hbm>>
    %dma_start3A_208 = arith.constant 0 : i32
    %dma_start3A_209 = arith.constant 0 : i32
    %dma_start3A_210 = tpu.memref_slice %arg6[%dma_start3A_198, %dma_start3A_199, %dma_start3A_208, %dma_start3A_209] : memref<2x5x40x144xf32, #tpu.memory_space<vmem>> -> memref<1x1x40x144xf32, #tpu.memory_space<vmem>>
    %dma_start3A_211 = tpu.memref_squeeze %dma_start3A_210 : memref<1x1x40x144xf32, #tpu.memory_space<vmem>> -> memref<40x144xf32, #tpu.memory_space<vmem>>
    tpu.enqueue_dma source(%dma_start3A_211 : memref<40x144xf32, #tpu.memory_space<vmem>>) target(%dma_start3A_207 : memref<40x144xf32, #tpu.memory_space<hbm>>) target_semaphore(%arg9 : memref<!tpu.dma_semaphore, #tpu.memory_space<semaphore_mem>>)
    %add3A_212 = arith.constant 4840 : i32
    %add3A_213 = arith.addi %mul3A_2, %add3A_212 : i32
    %dma_start3A_214 = arith.constant 0 : i32
    %dma_start3A_215 = arith.constant 1 : i32
    %dma_start3A_216 = arith.constant 0 : i32
    %dma_start3A_217 = arith.constant 0 : i32
    %dma_start3A_218 = tpu.memref_slice %arg6[%dma_start3A_214, %dma_start3A_215, %dma_start3A_216, %dma_start3A_217] : memref<2x5x40x144xf32, #tpu.memory_space<vmem>> -> memref<1x1x40x144xf32, #tpu.memory_space<vmem>>
    %dma_start3A_219 = tpu.memref_squeeze %dma_start3A_218 : memref<1x1x40x144xf32, #tpu.memory_space<vmem>> -> memref<40x144xf32, #tpu.memory_space<vmem>>
    %dma_start3A_220 = arith.constant 0 : i32
    %dma_start3A_221 = tpu.memref_slice %arg4[%add3A_213, %dma_start3A_220] : memref<160000x144xf32, #tpu.memory_space<hbm>> -> memref<40x144xf32, #tpu.memory_space<hbm>>
    %dma_start3A_222 = arith.constant 0 : i32
    %dma_start3A_223 = tpu.memref_slice %arg4[%add3A_213, %dma_start3A_222] : memref<160000x144xf32, #tpu.memory_space<hbm>> -> memref<40x144xf32, #tpu.memory_space<hbm>>
    %dma_start3A_224 = arith.constant 0 : i32
    %dma_start3A_225 = arith.constant 0 : i32
    %dma_start3A_226 = tpu.memref_slice %arg6[%dma_start3A_214, %dma_start3A_215, %dma_start3A_224, %dma_start3A_225] : memref<2x5x40x144xf32, #tpu.memory_space<vmem>> -> memref<1x1x40x144xf32, #tpu.memory_space<vmem>>
    %dma_start3A_227 = tpu.memref_squeeze %dma_start3A_226 : memref<1x1x40x144xf32, #tpu.memory_space<vmem>> -> memref<40x144xf32, #tpu.memory_space<vmem>>
    tpu.enqueue_dma source(%dma_start3A_227 : memref<40x144xf32, #tpu.memory_space<vmem>>) target(%dma_start3A_223 : memref<40x144xf32, #tpu.memory_space<hbm>>) target_semaphore(%arg9 : memref<!tpu.dma_semaphore, #tpu.memory_space<semaphore_mem>>)
    %add3A_228 = arith.constant 4880 : i32
    %add3A_229 = arith.addi %mul3A_2, %add3A_228 : i32
    %dma_start3A_230 = arith.constant 0 : i32
    %dma_start3A_231 = arith.constant 2 : i32
    %dma_start3A_232 = arith.constant 0 : i32
    %dma_start3A_233 = arith.constant 0 : i32
    %dma_start3A_234 = tpu.memref_slice %arg6[%dma_start3A_230, %dma_start3A_231, %dma_start3A_232, %dma_start3A_233] : memref<2x5x40x144xf32, #tpu.memory_space<vmem>> -> memref<1x1x40x144xf32, #tpu.memory_space<vmem>>
    %dma_start3A_235 = tpu.memref_squeeze %dma_start3A_234 : memref<1x1x40x144xf32, #tpu.memory_space<vmem>> -> memref<40x144xf32, #tpu.memory_space<vmem>>
    %dma_start3A_236 = arith.constant 0 : i32
    %dma_start3A_237 = tpu.memref_slice %arg4[%add3A_229, %dma_start3A_236] : memref<160000x144xf32, #tpu.memory_space<hbm>> -> memref<40x144xf32, #tpu.memory_space<hbm>>
    %dma_start3A_238 = arith.constant 0 : i32
    %dma_start3A_239 = tpu.memref_slice %arg4[%add3A_229, %dma_start3A_238] : memref<160000x144xf32, #tpu.memory_space<hbm>> -> memref<40x144xf32, #tpu.memory_space<hbm>>
    %dma_start3A_240 = arith.constant 0 : i32
    %dma_start3A_241 = arith.constant 0 : i32
    %dma_start3A_242 = tpu.memref_slice %arg6[%dma_start3A_230, %dma_start3A_231, %dma_start3A_240, %dma_start3A_241] : memref<2x5x40x144xf32, #tpu.memory_space<vmem>> -> memref<1x1x40x144xf32, #tpu.memory_space<vmem>>
    %dma_start3A_243 = tpu.memref_squeeze %dma_start3A_242 : memref<1x1x40x144xf32, #tpu.memory_space<vmem>> -> memref<40x144xf32, #tpu.memory_space<vmem>>
    tpu.enqueue_dma source(%dma_start3A_243 : memref<40x144xf32, #tpu.memory_space<vmem>>) target(%dma_start3A_239 : memref<40x144xf32, #tpu.memory_space<hbm>>) target_semaphore(%arg9 : memref<!tpu.dma_semaphore, #tpu.memory_space<semaphore_mem>>)
    %add3A_244 = arith.constant 4920 : i32
    %add3A_245 = arith.addi %mul3A_2, %add3A_244 : i32
    %dma_start3A_246 = arith.constant 0 : i32
    %dma_start3A_247 = arith.constant 3 : i32
    %dma_start3A_248 = arith.constant 0 : i32
    %dma_start3A_249 = arith.constant 0 : i32
    %dma_start3A_250 = tpu.memref_slice %arg6[%dma_start3A_246, %dma_start3A_247, %dma_start3A_248, %dma_start3A_249] : memref<2x5x40x144xf32, #tpu.memory_space<vmem>> -> memref<1x1x40x144xf32, #tpu.memory_space<vmem>>
    %dma_start3A_251 = tpu.memref_squeeze %dma_start3A_250 : memref<1x1x40x144xf32, #tpu.memory_space<vmem>> -> memref<40x144xf32, #tpu.memory_space<vmem>>
    %dma_start3A_252 = arith.constant 0 : i32
    %dma_start3A_253 = tpu.memref_slice %arg4[%add3A_245, %dma_start3A_252] : memref<160000x144xf32, #tpu.memory_space<hbm>> -> memref<40x144xf32, #tpu.memory_space<hbm>>
    %dma_start3A_254 = arith.constant 0 : i32
    %dma_start3A_255 = tpu.memref_slice %arg4[%add3A_245, %dma_start3A_254] : memref<160000x144xf32, #tpu.memory_space<hbm>> -> memref<40x144xf32, #tpu.memory_space<hbm>>
    %dma_start3A_256 = arith.constant 0 : i32
    %dma_start3A_257 = arith.constant 0 : i32
    %dma_start3A_258 = tpu.memref_slice %arg6[%dma_start3A_246, %dma_start3A_247, %dma_start3A_256, %dma_start3A_257] : memref<2x5x40x144xf32, #tpu.memory_space<vmem>> -> memref<1x1x40x144xf32, #tpu.memory_space<vmem>>
    %dma_start3A_259 = tpu.memref_squeeze %dma_start3A_258 : memref<1x1x40x144xf32, #tpu.memory_space<vmem>> -> memref<40x144xf32, #tpu.memory_space<vmem>>
    tpu.enqueue_dma source(%dma_start3A_259 : memref<40x144xf32, #tpu.memory_space<vmem>>) target(%dma_start3A_255 : memref<40x144xf32, #tpu.memory_space<hbm>>) target_semaphore(%arg9 : memref<!tpu.dma_semaphore, #tpu.memory_space<semaphore_mem>>)
    %add3A_260 = arith.constant 4960 : i32
    %add3A_261 = arith.addi %mul3A_2, %add3A_260 : i32
    %dma_start3A_262 = arith.constant 0 : i32
    %dma_start3A_263 = arith.constant 4 : i32
    %dma_start3A_264 = arith.constant 0 : i32
    %dma_start3A_265 = arith.constant 0 : i32
    %dma_start3A_266 = tpu.memref_slice %arg6[%dma_start3A_262, %dma_start3A_263, %dma_start3A_264, %dma_start3A_265] : memref<2x5x40x144xf32, #tpu.memory_space<vmem>> -> memref<1x1x40x144xf32, #tpu.memory_space<vmem>>
    %dma_start3A_267 = tpu.memref_squeeze %dma_start3A_266 : memref<1x1x40x144xf32, #tpu.memory_space<vmem>> -> memref<40x144xf32, #tpu.memory_space<vmem>>
    %dma_start3A_268 = arith.constant 0 : i32
    %dma_start3A_269 = tpu.memref_slice %arg4[%add3A_261, %dma_start3A_268] : memref<160000x144xf32, #tpu.memory_space<hbm>> -> memref<40x144xf32, #tpu.memory_space<hbm>>
    %dma_start3A_270 = arith.constant 0 : i32
    %dma_start3A_271 = tpu.memref_slice %arg4[%add3A_261, %dma_start3A_270] : memref<160000x144xf32, #tpu.memory_space<hbm>> -> memref<40x144xf32, #tpu.memory_space<hbm>>
    %dma_start3A_272 = arith.constant 0 : i32
    %dma_start3A_273 = arith.constant 0 : i32
    %dma_start3A_274 = tpu.memref_slice %arg6[%dma_start3A_262, %dma_start3A_263, %dma_start3A_272, %dma_start3A_273] : memref<2x5x40x144xf32, #tpu.memory_space<vmem>> -> memref<1x1x40x144xf32, #tpu.memory_space<vmem>>
    %dma_start3A_275 = tpu.memref_squeeze %dma_start3A_274 : memref<1x1x40x144xf32, #tpu.memory_space<vmem>> -> memref<40x144xf32, #tpu.memory_space<vmem>>
    tpu.enqueue_dma source(%dma_start3A_275 : memref<40x144xf32, #tpu.memory_space<vmem>>) target(%dma_start3A_271 : memref<40x144xf32, #tpu.memory_space<hbm>>) target_semaphore(%arg9 : memref<!tpu.dma_semaphore, #tpu.memory_space<semaphore_mem>>)
    %add3A_276 = arith.constant 4800 : i32
    %add3A_277 = arith.addi %mul3A_2, %add3A_276 : i32
    %dma_wait3A_278 = arith.constant 0 : i32
    %dma_wait3A_279 = arith.constant 0 : i32
    %dma_wait3A_280 = arith.constant 0 : i32
    %dma_wait3A_281 = arith.constant 0 : i32
    %dma_wait3A_282 = tpu.memref_slice %arg6[%dma_wait3A_278, %dma_wait3A_279, %dma_wait3A_280, %dma_wait3A_281] : memref<2x5x40x144xf32, #tpu.memory_space<vmem>> -> memref<1x1x40x144xf32, #tpu.memory_space<vmem>>
    %dma_wait3A_283 = tpu.memref_squeeze %dma_wait3A_282 : memref<1x1x40x144xf32, #tpu.memory_space<vmem>> -> memref<40x144xf32, #tpu.memory_space<vmem>>
    %dma_wait3A_284 = arith.constant 0 : i32
    %dma_wait3A_285 = tpu.memref_slice %arg4[%add3A_277, %dma_wait3A_284] : memref<160000x144xf32, #tpu.memory_space<hbm>> -> memref<40x144xf32, #tpu.memory_space<hbm>>
    %dma_wait3A_286 = arith.constant 0 : i32
    %dma_wait3A_287 = tpu.memref_slice %arg4[%add3A_277, %dma_wait3A_286] : memref<160000x144xf32, #tpu.memory_space<hbm>> -> memref<40x144xf32, #tpu.memory_space<hbm>>
    %dma_wait3A_288 = arith.constant 0 : i32
    %dma_wait3A_289 = arith.constant 0 : i32
    %dma_wait3A_290 = tpu.memref_slice %arg6[%dma_wait3A_278, %dma_wait3A_279, %dma_wait3A_288, %dma_wait3A_289] : memref<2x5x40x144xf32, #tpu.memory_space<vmem>> -> memref<1x1x40x144xf32, #tpu.memory_space<vmem>>
    %dma_wait3A_291 = tpu.memref_squeeze %dma_wait3A_290 : memref<1x1x40x144xf32, #tpu.memory_space<vmem>> -> memref<40x144xf32, #tpu.memory_space<vmem>>
    tpu.wait_dma2 semaphore(%arg9 : memref<!tpu.dma_semaphore, #tpu.memory_space<semaphore_mem>>) src(%dma_wait3A_291 : memref<40x144xf32, #tpu.memory_space<vmem>>) dst(%dma_wait3A_287 : memref<40x144xf32, #tpu.memory_space<hbm>>)
    %add3A_292 = arith.constant 4840 : i32
    %add3A_293 = arith.addi %mul3A_2, %add3A_292 : i32
    %dma_wait3A_294 = arith.constant 0 : i32
    %dma_wait3A_295 = arith.constant 1 : i32
    %dma_wait3A_296 = arith.constant 0 : i32
    %dma_wait3A_297 = arith.constant 0 : i32
    %dma_wait3A_298 = tpu.memref_slice %arg6[%dma_wait3A_294, %dma_wait3A_295, %dma_wait3A_296, %dma_wait3A_297] : memref<2x5x40x144xf32, #tpu.memory_space<vmem>> -> memref<1x1x40x144xf32, #tpu.memory_space<vmem>>
    %dma_wait3A_299 = tpu.memref_squeeze %dma_wait3A_298 : memref<1x1x40x144xf32, #tpu.memory_space<vmem>> -> memref<40x144xf32, #tpu.memory_space<vmem>>
    %dma_wait3A_300 = arith.constant 0 : i32
    %dma_wait3A_301 = tpu.memref_slice %arg4[%add3A_293, %dma_wait3A_300] : memref<160000x144xf32, #tpu.memory_space<hbm>> -> memref<40x144xf32, #tpu.memory_space<hbm>>
    %dma_wait3A_302 = arith.constant 0 : i32
    %dma_wait3A_303 = tpu.memref_slice %arg4[%add3A_293, %dma_wait3A_302] : memref<160000x144xf32, #tpu.memory_space<hbm>> -> memref<40x144xf32, #tpu.memory_space<hbm>>
    %dma_wait3A_304 = arith.constant 0 : i32
    %dma_wait3A_305 = arith.constant 0 : i32
    %dma_wait3A_306 = tpu.memref_slice %arg6[%dma_wait3A_294, %dma_wait3A_295, %dma_wait3A_304, %dma_wait3A_305] : memref<2x5x40x144xf32, #tpu.memory_space<vmem>> -> memref<1x1x40x144xf32, #tpu.memory_space<vmem>>
    %dma_wait3A_307 = tpu.memref_squeeze %dma_wait3A_306 : memref<1x1x40x144xf32, #tpu.memory_space<vmem>> -> memref<40x144xf32, #tpu.memory_space<vmem>>
    tpu.wait_dma2 semaphore(%arg9 : memref<!tpu.dma_semaphore, #tpu.memory_space<semaphore_mem>>) src(%dma_wait3A_307 : memref<40x144xf32, #tpu.memory_space<vmem>>) dst(%dma_wait3A_303 : memref<40x144xf32, #tpu.memory_space<hbm>>)
    %add3A_308 = arith.constant 4880 : i32
    %add3A_309 = arith.addi %mul3A_2, %add3A_308 : i32
    %dma_wait3A_310 = arith.constant 0 : i32
    %dma_wait3A_311 = arith.constant 2 : i32
    %dma_wait3A_312 = arith.constant 0 : i32
    %dma_wait3A_313 = arith.constant 0 : i32
    %dma_wait3A_314 = tpu.memref_slice %arg6[%dma_wait3A_310, %dma_wait3A_311, %dma_wait3A_312, %dma_wait3A_313] : memref<2x5x40x144xf32, #tpu.memory_space<vmem>> -> memref<1x1x40x144xf32, #tpu.memory_space<vmem>>
    %dma_wait3A_315 = tpu.memref_squeeze %dma_wait3A_314 : memref<1x1x40x144xf32, #tpu.memory_space<vmem>> -> memref<40x144xf32, #tpu.memory_space<vmem>>
    %dma_wait3A_316 = arith.constant 0 : i32
    %dma_wait3A_317 = tpu.memref_slice %arg4[%add3A_309, %dma_wait3A_316] : memref<160000x144xf32, #tpu.memory_space<hbm>> -> memref<40x144xf32, #tpu.memory_space<hbm>>
    %dma_wait3A_318 = arith.constant 0 : i32
    %dma_wait3A_319 = tpu.memref_slice %arg4[%add3A_309, %dma_wait3A_318] : memref<160000x144xf32, #tpu.memory_space<hbm>> -> memref<40x144xf32, #tpu.memory_space<hbm>>
    %dma_wait3A_320 = arith.constant 0 : i32
    %dma_wait3A_321 = arith.constant 0 : i32
    %dma_wait3A_322 = tpu.memref_slice %arg6[%dma_wait3A_310, %dma_wait3A_311, %dma_wait3A_320, %dma_wait3A_321] : memref<2x5x40x144xf32, #tpu.memory_space<vmem>> -> memref<1x1x40x144xf32, #tpu.memory_space<vmem>>
    %dma_wait3A_323 = tpu.memref_squeeze %dma_wait3A_322 : memref<1x1x40x144xf32, #tpu.memory_space<vmem>> -> memref<40x144xf32, #tpu.memory_space<vmem>>
    tpu.wait_dma2 semaphore(%arg9 : memref<!tpu.dma_semaphore, #tpu.memory_space<semaphore_mem>>) src(%dma_wait3A_323 : memref<40x144xf32, #tpu.memory_space<vmem>>) dst(%dma_wait3A_319 : memref<40x144xf32, #tpu.memory_space<hbm>>)
    %add3A_324 = arith.constant 4920 : i32
    %add3A_325 = arith.addi %mul3A_2, %add3A_324 : i32
    %dma_wait3A_326 = arith.constant 0 : i32
    %dma_wait3A_327 = arith.constant 3 : i32
    %dma_wait3A_328 = arith.constant 0 : i32
    %dma_wait3A_329 = arith.constant 0 : i32
    %dma_wait3A_330 = tpu.memref_slice %arg6[%dma_wait3A_326, %dma_wait3A_327, %dma_wait3A_328, %dma_wait3A_329] : memref<2x5x40x144xf32, #tpu.memory_space<vmem>> -> memref<1x1x40x144xf32, #tpu.memory_space<vmem>>
    %dma_wait3A_331 = tpu.memref_squeeze %dma_wait3A_330 : memref<1x1x40x144xf32, #tpu.memory_space<vmem>> -> memref<40x144xf32, #tpu.memory_space<vmem>>
    %dma_wait3A_332 = arith.constant 0 : i32
    %dma_wait3A_333 = tpu.memref_slice %arg4[%add3A_325, %dma_wait3A_332] : memref<160000x144xf32, #tpu.memory_space<hbm>> -> memref<40x144xf32, #tpu.memory_space<hbm>>
    %dma_wait3A_334 = arith.constant 0 : i32
    %dma_wait3A_335 = tpu.memref_slice %arg4[%add3A_325, %dma_wait3A_334] : memref<160000x144xf32, #tpu.memory_space<hbm>> -> memref<40x144xf32, #tpu.memory_space<hbm>>
    %dma_wait3A_336 = arith.constant 0 : i32
    %dma_wait3A_337 = arith.constant 0 : i32
    %dma_wait3A_338 = tpu.memref_slice %arg6[%dma_wait3A_326, %dma_wait3A_327, %dma_wait3A_336, %dma_wait3A_337] : memref<2x5x40x144xf32, #tpu.memory_space<vmem>> -> memref<1x1x40x144xf32, #tpu.memory_space<vmem>>
    %dma_wait3A_339 = tpu.memref_squeeze %dma_wait3A_338 : memref<1x1x40x144xf32, #tpu.memory_space<vmem>> -> memref<40x144xf32, #tpu.memory_space<vmem>>
    tpu.wait_dma2 semaphore(%arg9 : memref<!tpu.dma_semaphore, #tpu.memory_space<semaphore_mem>>) src(%dma_wait3A_339 : memref<40x144xf32, #tpu.memory_space<vmem>>) dst(%dma_wait3A_335 : memref<40x144xf32, #tpu.memory_space<hbm>>)
    %add3A_340 = arith.constant 4960 : i32
    %add3A_341 = arith.addi %mul3A_2, %add3A_340 : i32
    %dma_wait3A_342 = arith.constant 0 : i32
    %dma_wait3A_343 = arith.constant 4 : i32
    %dma_wait3A_344 = arith.constant 0 : i32
    %dma_wait3A_345 = arith.constant 0 : i32
    %dma_wait3A_346 = tpu.memref_slice %arg6[%dma_wait3A_342, %dma_wait3A_343, %dma_wait3A_344, %dma_wait3A_345] : memref<2x5x40x144xf32, #tpu.memory_space<vmem>> -> memref<1x1x40x144xf32, #tpu.memory_space<vmem>>
    %dma_wait3A_347 = tpu.memref_squeeze %dma_wait3A_346 : memref<1x1x40x144xf32, #tpu.memory_space<vmem>> -> memref<40x144xf32, #tpu.memory_space<vmem>>
    %dma_wait3A_348 = arith.constant 0 : i32
    %dma_wait3A_349 = tpu.memref_slice %arg4[%add3A_341, %dma_wait3A_348] : memref<160000x144xf32, #tpu.memory_space<hbm>> -> memref<40x144xf32, #tpu.memory_space<hbm>>
    %dma_wait3A_350 = arith.constant 0 : i32
    %dma_wait3A_351 = tpu.memref_slice %arg4[%add3A_341, %dma_wait3A_350] : memref<160000x144xf32, #tpu.memory_space<hbm>> -> memref<40x144xf32, #tpu.memory_space<hbm>>
    %dma_wait3A_352 = arith.constant 0 : i32
    %dma_wait3A_353 = arith.constant 0 : i32
    %dma_wait3A_354 = tpu.memref_slice %arg6[%dma_wait3A_342, %dma_wait3A_343, %dma_wait3A_352, %dma_wait3A_353] : memref<2x5x40x144xf32, #tpu.memory_space<vmem>> -> memref<1x1x40x144xf32, #tpu.memory_space<vmem>>
    %dma_wait3A_355 = tpu.memref_squeeze %dma_wait3A_354 : memref<1x1x40x144xf32, #tpu.memory_space<vmem>> -> memref<40x144xf32, #tpu.memory_space<vmem>>
    tpu.wait_dma2 semaphore(%arg9 : memref<!tpu.dma_semaphore, #tpu.memory_space<semaphore_mem>>) src(%dma_wait3A_355 : memref<40x144xf32, #tpu.memory_space<vmem>>) dst(%dma_wait3A_351 : memref<40x144xf32, #tpu.memory_space<hbm>>)
    return
  }
}

#map = affine_map<(d0, d1) -> (0, 0)>
#map1 = affine_map<(d0, d1) -> (0)>
module attributes {stable_mosaic.version = 14 : i64} {
  func.func @_sc_gather_body(%arg0: i32, %arg1: i32, %arg2: memref<10000x144xf32, #tpu.memory_space<hbm>>, %arg3: memref<160000xi32, #tpu.memory_space<hbm>>, %arg4: memref<160000x144xf32, #tpu.memory_space<hbm>>, %arg5: memref<5000xi32, #tpu.memory_space<vmem>>, %arg6: memref<2x5x40x144xf32, #tpu.memory_space<vmem>>, %arg7: memref<!tpu.dma_semaphore, #tpu.memory_space<semaphore_mem>>, %arg8: memref<!tpu.dma_semaphore, #tpu.memory_space<semaphore_mem>>, %arg9: memref<!tpu.dma_semaphore, #tpu.memory_space<semaphore_mem>>, %arg10: memref<!tpu.dma_semaphore, #tpu.memory_space<semaphore_mem>>) attributes {dimension_semantics = [#tpu.dimension_semantics<core_parallel>, #tpu.dimension_semantics<subcore_parallel>], iteration_bounds = array<i64: 2, 16>, scalar_prefetch = 0 : i64, scratch_operands = 6 : i64, tpu.core_type = #tpu.core_type<sc_vector_subcore>, window_params = [{transform_indices = #map}, {transform_indices = #map1}, {transform_indices = #map}]} {
    %mul3A = arith.constant 2 : i32
    %mul3A_0 = arith.muli %arg1, %mul3A : i32
    %add3A = arith.addi %mul3A_0, %arg0 : i32
    %mul3A_1 = arith.constant 5000 : i32
    %mul3A_2 = arith.muli %add3A, %mul3A_1 : i32
    "tpu.region"() ({
      %run_scoped3A = tpu.sem_alloc : memref<!tpu.dma_semaphore, #tpu.memory_space<semaphore_mem>>
      %dma_start3A_356 = tpu.memref_slice %arg3[%mul3A_2] : memref<160000xi32, #tpu.memory_space<hbm>> -> memref<5000xi32, #tpu.memory_space<hbm>>
      %dma_start3A_357 = tpu.memref_slice %arg3[%mul3A_2] : memref<160000xi32, #tpu.memory_space<hbm>> -> memref<5000xi32, #tpu.memory_space<hbm>>
      tpu.enqueue_dma source(%dma_start3A_357 : memref<5000xi32, #tpu.memory_space<hbm>>) target(%arg5 : memref<5000xi32, #tpu.memory_space<vmem>>) target_semaphore(%run_scoped3A : memref<!tpu.dma_semaphore, #tpu.memory_space<semaphore_mem>>)
      %dma_wait3A_358 = tpu.memref_slice %arg3[%mul3A_2] : memref<160000xi32, #tpu.memory_space<hbm>> -> memref<5000xi32, #tpu.memory_space<hbm>>
      %dma_wait3A_359 = tpu.memref_slice %arg3[%mul3A_2] : memref<160000xi32, #tpu.memory_space<hbm>> -> memref<5000xi32, #tpu.memory_space<hbm>>
      tpu.wait_dma2 semaphore(%run_scoped3A : memref<!tpu.dma_semaphore, #tpu.memory_space<semaphore_mem>>) src(%dma_wait3A_359 : memref<5000xi32, #tpu.memory_space<hbm>>) dst(%arg5 : memref<5000xi32, #tpu.memory_space<vmem>>)
      tpu.yield
    }) : () -> ()
    %dma_start3A = arith.constant 0 : i32
    %dma_start3A_3 = arith.constant 0 : i32
    %dma_start3A_4 = arith.constant 0 : i32
    %dma_start3A_5 = arith.constant 0 : i32
    %dma_start3A_6 = tpu.memref_slice %arg6[%dma_start3A, %dma_start3A_3, %dma_start3A_4, %dma_start3A_5] : memref<2x5x40x144xf32, #tpu.memory_space<vmem>> -> memref<1x1x40x144xf32, #tpu.memory_space<vmem>>
    %dma_start3A_7 = tpu.memref_squeeze %dma_start3A_6 : memref<1x1x40x144xf32, #tpu.memory_space<vmem>> -> memref<40x144xf32, #tpu.memory_space<vmem>>
    %dma_start3A_8 = arith.constant 0 : i32
    %dma_start3A_9 = tpu.memref_slice %arg5[%dma_start3A_8] : memref<5000xi32, #tpu.memory_space<vmem>> -> memref<40xi32, #tpu.memory_space<vmem>>
    %dma_start3A_10 = arith.constant 0 : i32
    %dma_start3A_11 = arith.constant 0 : i32
    %dma_start3A_12 = tpu.memref_slice %arg2[%dma_start3A_10, %dma_start3A_11] : memref<10000x144xf32, #tpu.memory_space<hbm>> -> memref<10000x144xf32, #tpu.memory_space<hbm>>
    tpu.enqueue_indirect_dma source(%dma_start3A_12 : memref<10000x144xf32, #tpu.memory_space<hbm>>) target(%dma_start3A_7 : memref<40x144xf32, #tpu.memory_space<vmem>>) offsets(%dma_start3A_9 : memref<40xi32, #tpu.memory_space<vmem>>) semaphore(%arg7 : memref<!tpu.dma_semaphore, #tpu.memory_space<semaphore_mem>>)
    %dma_start3A_13 = arith.constant 0 : i32
    %dma_start3A_14 = arith.constant 1 : i32
    %dma_start3A_15 = arith.constant 0 : i32
    %dma_start3A_16 = arith.constant 0 : i32
    %dma_start3A_17 = tpu.memref_slice %arg6[%dma_start3A_13, %dma_start3A_14, %dma_start3A_15, %dma_start3A_16] : memref<2x5x40x144xf32, #tpu.memory_space<vmem>> -> memref<1x1x40x144xf32, #tpu.memory_space<vmem>>
    %dma_start3A_18 = tpu.memref_squeeze %dma_start3A_17 : memref<1x1x40x144xf32, #tpu.memory_space<vmem>> -> memref<40x144xf32, #tpu.memory_space<vmem>>
    %dma_start3A_19 = arith.constant 40 : i32
    %dma_start3A_20 = tpu.memref_slice %arg5[%dma_start3A_19] : memref<5000xi32, #tpu.memory_space<vmem>> -> memref<40xi32, #tpu.memory_space<vmem>>
    %dma_start3A_21 = arith.constant 0 : i32
    %dma_start3A_22 = arith.constant 0 : i32
    %dma_start3A_23 = tpu.memref_slice %arg2[%dma_start3A_21, %dma_start3A_22] : memref<10000x144xf32, #tpu.memory_space<hbm>> -> memref<10000x144xf32, #tpu.memory_space<hbm>>
    tpu.enqueue_indirect_dma source(%dma_start3A_23 : memref<10000x144xf32, #tpu.memory_space<hbm>>) target(%dma_start3A_18 : memref<40x144xf32, #tpu.memory_space<vmem>>) offsets(%dma_start3A_20 : memref<40xi32, #tpu.memory_space<vmem>>) semaphore(%arg7 : memref<!tpu.dma_semaphore, #tpu.memory_space<semaphore_mem>>)
    %dma_start3A_24 = arith.constant 0 : i32
    %dma_start3A_25 = arith.constant 2 : i32
    %dma_start3A_26 = arith.constant 0 : i32
    %dma_start3A_27 = arith.constant 0 : i32
    %dma_start3A_28 = tpu.memref_slice %arg6[%dma_start3A_24, %dma_start3A_25, %dma_start3A_26, %dma_start3A_27] : memref<2x5x40x144xf32, #tpu.memory_space<vmem>> -> memref<1x1x40x144xf32, #tpu.memory_space<vmem>>
    %dma_start3A_29 = tpu.memref_squeeze %dma_start3A_28 : memref<1x1x40x144xf32, #tpu.memory_space<vmem>> -> memref<40x144xf32, #tpu.memory_space<vmem>>
    %dma_start3A_30 = arith.constant 80 : i32
    %dma_start3A_31 = tpu.memref_slice %arg5[%dma_start3A_30] : memref<5000xi32, #tpu.memory_space<vmem>> -> memref<40xi32, #tpu.memory_space<vmem>>
    %dma_start3A_32 = arith.constant 0 : i32
    %dma_start3A_33 = arith.constant 0 : i32
    %dma_start3A_34 = tpu.memref_slice %arg2[%dma_start3A_32, %dma_start3A_33] : memref<10000x144xf32, #tpu.memory_space<hbm>> -> memref<10000x144xf32, #tpu.memory_space<hbm>>
    tpu.enqueue_indirect_dma source(%dma_start3A_34 : memref<10000x144xf32, #tpu.memory_space<hbm>>) target(%dma_start3A_29 : memref<40x144xf32, #tpu.memory_space<vmem>>) offsets(%dma_start3A_31 : memref<40xi32, #tpu.memory_space<vmem>>) semaphore(%arg7 : memref<!tpu.dma_semaphore, #tpu.memory_space<semaphore_mem>>)
    %dma_start3A_35 = arith.constant 0 : i32
    %dma_start3A_36 = arith.constant 3 : i32
    %dma_start3A_37 = arith.constant 0 : i32
    %dma_start3A_38 = arith.constant 0 : i32
    %dma_start3A_39 = tpu.memref_slice %arg6[%dma_start3A_35, %dma_start3A_36, %dma_start3A_37, %dma_start3A_38] : memref<2x5x40x144xf32, #tpu.memory_space<vmem>> -> memref<1x1x40x144xf32, #tpu.memory_space<vmem>>
    %dma_start3A_40 = tpu.memref_squeeze %dma_start3A_39 : memref<1x1x40x144xf32, #tpu.memory_space<vmem>> -> memref<40x144xf32, #tpu.memory_space<vmem>>
    %dma_start3A_41 = arith.constant 120 : i32
    %dma_start3A_42 = tpu.memref_slice %arg5[%dma_start3A_41] : memref<5000xi32, #tpu.memory_space<vmem>> -> memref<40xi32, #tpu.memory_space<vmem>>
    %dma_start3A_43 = arith.constant 0 : i32
    %dma_start3A_44 = arith.constant 0 : i32
    %dma_start3A_45 = tpu.memref_slice %arg2[%dma_start3A_43, %dma_start3A_44] : memref<10000x144xf32, #tpu.memory_space<hbm>> -> memref<10000x144xf32, #tpu.memory_space<hbm>>
    tpu.enqueue_indirect_dma source(%dma_start3A_45 : memref<10000x144xf32, #tpu.memory_space<hbm>>) target(%dma_start3A_40 : memref<40x144xf32, #tpu.memory_space<vmem>>) offsets(%dma_start3A_42 : memref<40xi32, #tpu.memory_space<vmem>>) semaphore(%arg7 : memref<!tpu.dma_semaphore, #tpu.memory_space<semaphore_mem>>)
    %dma_start3A_46 = arith.constant 0 : i32
    %dma_start3A_47 = arith.constant 4 : i32
    %dma_start3A_48 = arith.constant 0 : i32
    %dma_start3A_49 = arith.constant 0 : i32
    %dma_start3A_50 = tpu.memref_slice %arg6[%dma_start3A_46, %dma_start3A_47, %dma_start3A_48, %dma_start3A_49] : memref<2x5x40x144xf32, #tpu.memory_space<vmem>> -> memref<1x1x40x144xf32, #tpu.memory_space<vmem>>
    %dma_start3A_51 = tpu.memref_squeeze %dma_start3A_50 : memref<1x1x40x144xf32, #tpu.memory_space<vmem>> -> memref<40x144xf32, #tpu.memory_space<vmem>>
    %dma_start3A_52 = arith.constant 160 : i32
    %dma_start3A_53 = tpu.memref_slice %arg5[%dma_start3A_52] : memref<5000xi32, #tpu.memory_space<vmem>> -> memref<40xi32, #tpu.memory_space<vmem>>
    %dma_start3A_54 = arith.constant 0 : i32
    %dma_start3A_55 = arith.constant 0 : i32
    %dma_start3A_56 = tpu.memref_slice %arg2[%dma_start3A_54, %dma_start3A_55] : memref<10000x144xf32, #tpu.memory_space<hbm>> -> memref<10000x144xf32, #tpu.memory_space<hbm>>
    tpu.enqueue_indirect_dma source(%dma_start3A_56 : memref<10000x144xf32, #tpu.memory_space<hbm>>) target(%dma_start3A_51 : memref<40x144xf32, #tpu.memory_space<vmem>>) offsets(%dma_start3A_53 : memref<40xi32, #tpu.memory_space<vmem>>) semaphore(%arg7 : memref<!tpu.dma_semaphore, #tpu.memory_space<semaphore_mem>>)
    %scan3A = arith.constant 0 : i32
    %scan3A_57 = arith.constant 0 : i32
    %scan3A_58 = arith.constant 12 : i32
    %scan3A_59 = arith.addi %scan3A_57, %scan3A_58 : i32
    %scan3A_60 = arith.constant 1 : i32
    scf.for %scan3A_356 = %scan3A_57 to %scan3A_59 step %scan3A_60  : i32 {
      %mul3A_357 = arith.constant 2 : i32
      %mul3A_358 = arith.muli %mul3A_357, %scan3A_356 : i32
      %mul3A_359 = arith.constant 2 : i32
      %mul3A_360 = arith.muli %mul3A_359, %scan3A_356 : i32
      %add3A_361 = arith.constant 1 : i32
      %add3A_362 = arith.addi %mul3A_360, %add3A_361 : i32
      %mul3A_363 = arith.constant 5 : i32
      %mul3A_364 = arith.muli %mul3A_358, %mul3A_363 : i32
      %add3A_365 = arith.constant 0 : i32
      %add3A_366 = arith.addi %mul3A_364, %add3A_365 : i32
      %mul3A_367 = arith.constant 40 : i32
      %mul3A_368 = arith.muli %add3A_366, %mul3A_367 : i32
      %dma_wait3A_369 = arith.constant 0 : i32
      %dma_wait3A_370 = arith.constant 0 : i32
      %dma_wait3A_371 = arith.constant 0 : i32
      %dma_wait3A_372 = arith.constant 0 : i32
      %dma_wait3A_373 = tpu.memref_slice %arg6[%dma_wait3A_369, %dma_wait3A_370, %dma_wait3A_371, %dma_wait3A_372] : memref<2x5x40x144xf32, #tpu.memory_space<vmem>> -> memref<1x1x40x144xf32, #tpu.memory_space<vmem>>
      %dma_wait3A_374 = tpu.memref_squeeze %dma_wait3A_373 : memref<1x1x40x144xf32, #tpu.memory_space<vmem>> -> memref<40x144xf32, #tpu.memory_space<vmem>>
      %dma_wait3A_375 = tpu.memref_slice %arg5[%mul3A_368] : memref<5000xi32, #tpu.memory_space<vmem>> -> memref<40xi32, #tpu.memory_space<vmem>>
      %dma_wait3A_376 = arith.constant 0 : i32
      %dma_wait3A_377 = arith.constant 0 : i32
      %dma_wait3A_378 = tpu.memref_slice %arg2[%dma_wait3A_376, %dma_wait3A_377] : memref<10000x144xf32, #tpu.memory_space<hbm>> -> memref<10000x144xf32, #tpu.memory_space<hbm>>
      tpu.wait_indirect_dma semaphore(%arg7 : memref<!tpu.dma_semaphore, #tpu.memory_space<semaphore_mem>>) src(%dma_wait3A_378 : memref<10000x144xf32, #tpu.memory_space<hbm>>) dst(%dma_wait3A_374 : memref<40x144xf32, #tpu.memory_space<vmem>>)
      %mul3A_379 = arith.constant 5 : i32
      %mul3A_380 = arith.muli %mul3A_358, %mul3A_379 : i32
      %add3A_381 = arith.constant 1 : i32
      %add3A_382 = arith.addi %mul3A_380, %add3A_381 : i32
      %mul3A_383 = arith.constant 40 : i32
      %mul3A_384 = arith.muli %add3A_382, %mul3A_383 : i32
      %dma_wait3A_385 = arith.constant 0 : i32
      %dma_wait3A_386 = arith.constant 1 : i32
      %dma_wait3A_387 = arith.constant 0 : i32
      %dma_wait3A_388 = arith.constant 0 : i32
      %dma_wait3A_389 = tpu.memref_slice %arg6[%dma_wait3A_385, %dma_wait3A_386, %dma_wait3A_387, %dma_wait3A_388] : memref<2x5x40x144xf32, #tpu.memory_space<vmem>> -> memref<1x1x40x144xf32, #tpu.memory_space<vmem>>
      %dma_wait3A_390 = tpu.memref_squeeze %dma_wait3A_389 : memref<1x1x40x144xf32, #tpu.memory_space<vmem>> -> memref<40x144xf32, #tpu.memory_space<vmem>>
      %dma_wait3A_391 = tpu.memref_slice %arg5[%mul3A_384] : memref<5000xi32, #tpu.memory_space<vmem>> -> memref<40xi32, #tpu.memory_space<vmem>>
      %dma_wait3A_392 = arith.constant 0 : i32
      %dma_wait3A_393 = arith.constant 0 : i32
      %dma_wait3A_394 = tpu.memref_slice %arg2[%dma_wait3A_392, %dma_wait3A_393] : memref<10000x144xf32, #tpu.memory_space<hbm>> -> memref<10000x144xf32, #tpu.memory_space<hbm>>
      tpu.wait_indirect_dma semaphore(%arg7 : memref<!tpu.dma_semaphore, #tpu.memory_space<semaphore_mem>>) src(%dma_wait3A_394 : memref<10000x144xf32, #tpu.memory_space<hbm>>) dst(%dma_wait3A_390 : memref<40x144xf32, #tpu.memory_space<vmem>>)
      %mul3A_395 = arith.constant 5 : i32
      %mul3A_396 = arith.muli %mul3A_358, %mul3A_395 : i32
      %add3A_397 = arith.constant 2 : i32
      %add3A_398 = arith.addi %mul3A_396, %add3A_397 : i32
      %mul3A_399 = arith.constant 40 : i32
      %mul3A_400 = arith.muli %add3A_398, %mul3A_399 : i32
      %dma_wait3A_401 = arith.constant 0 : i32
      %dma_wait3A_402 = arith.constant 2 : i32
      %dma_wait3A_403 = arith.constant 0 : i32
      %dma_wait3A_404 = arith.constant 0 : i32
      %dma_wait3A_405 = tpu.memref_slice %arg6[%dma_wait3A_401, %dma_wait3A_402, %dma_wait3A_403, %dma_wait3A_404] : memref<2x5x40x144xf32, #tpu.memory_space<vmem>> -> memref<1x1x40x144xf32, #tpu.memory_space<vmem>>
      %dma_wait3A_406 = tpu.memref_squeeze %dma_wait3A_405 : memref<1x1x40x144xf32, #tpu.memory_space<vmem>> -> memref<40x144xf32, #tpu.memory_space<vmem>>
      %dma_wait3A_407 = tpu.memref_slice %arg5[%mul3A_400] : memref<5000xi32, #tpu.memory_space<vmem>> -> memref<40xi32, #tpu.memory_space<vmem>>
      %dma_wait3A_408 = arith.constant 0 : i32
      %dma_wait3A_409 = arith.constant 0 : i32
      %dma_wait3A_410 = tpu.memref_slice %arg2[%dma_wait3A_408, %dma_wait3A_409] : memref<10000x144xf32, #tpu.memory_space<hbm>> -> memref<10000x144xf32, #tpu.memory_space<hbm>>
      tpu.wait_indirect_dma semaphore(%arg7 : memref<!tpu.dma_semaphore, #tpu.memory_space<semaphore_mem>>) src(%dma_wait3A_410 : memref<10000x144xf32, #tpu.memory_space<hbm>>) dst(%dma_wait3A_406 : memref<40x144xf32, #tpu.memory_space<vmem>>)
      %mul3A_411 = arith.constant 5 : i32
      %mul3A_412 = arith.muli %mul3A_358, %mul3A_411 : i32
      %add3A_413 = arith.constant 3 : i32
      %add3A_414 = arith.addi %mul3A_412, %add3A_413 : i32
      %mul3A_415 = arith.constant 40 : i32
      %mul3A_416 = arith.muli %add3A_414, %mul3A_415 : i32
      %dma_wait3A_417 = arith.constant 0 : i32
      %dma_wait3A_418 = arith.constant 3 : i32
      %dma_wait3A_419 = arith.constant 0 : i32
      %dma_wait3A_420 = arith.constant 0 : i32
      %dma_wait3A_421 = tpu.memref_slice %arg6[%dma_wait3A_417, %dma_wait3A_418, %dma_wait3A_419, %dma_wait3A_420] : memref<2x5x40x144xf32, #tpu.memory_space<vmem>> -> memref<1x1x40x144xf32, #tpu.memory_space<vmem>>
      %dma_wait3A_422 = tpu.memref_squeeze %dma_wait3A_421 : memref<1x1x40x144xf32, #tpu.memory_space<vmem>> -> memref<40x144xf32, #tpu.memory_space<vmem>>
      %dma_wait3A_423 = tpu.memref_slice %arg5[%mul3A_416] : memref<5000xi32, #tpu.memory_space<vmem>> -> memref<40xi32, #tpu.memory_space<vmem>>
      %dma_wait3A_424 = arith.constant 0 : i32
      %dma_wait3A_425 = arith.constant 0 : i32
      %dma_wait3A_426 = tpu.memref_slice %arg2[%dma_wait3A_424, %dma_wait3A_425] : memref<10000x144xf32, #tpu.memory_space<hbm>> -> memref<10000x144xf32, #tpu.memory_space<hbm>>
      tpu.wait_indirect_dma semaphore(%arg7 : memref<!tpu.dma_semaphore, #tpu.memory_space<semaphore_mem>>) src(%dma_wait3A_426 : memref<10000x144xf32, #tpu.memory_space<hbm>>) dst(%dma_wait3A_422 : memref<40x144xf32, #tpu.memory_space<vmem>>)
      %mul3A_427 = arith.constant 5 : i32
      %mul3A_428 = arith.muli %mul3A_358, %mul3A_427 : i32
      %add3A_429 = arith.constant 4 : i32
      %add3A_430 = arith.addi %mul3A_428, %add3A_429 : i32
      %mul3A_431 = arith.constant 40 : i32
      %mul3A_432 = arith.muli %add3A_430, %mul3A_431 : i32
      %dma_wait3A_433 = arith.constant 0 : i32
      %dma_wait3A_434 = arith.constant 4 : i32
      %dma_wait3A_435 = arith.constant 0 : i32
      %dma_wait3A_436 = arith.constant 0 : i32
      %dma_wait3A_437 = tpu.memref_slice %arg6[%dma_wait3A_433, %dma_wait3A_434, %dma_wait3A_435, %dma_wait3A_436] : memref<2x5x40x144xf32, #tpu.memory_space<vmem>> -> memref<1x1x40x144xf32, #tpu.memory_space<vmem>>
      %dma_wait3A_438 = tpu.memref_squeeze %dma_wait3A_437 : memref<1x1x40x144xf32, #tpu.memory_space<vmem>> -> memref<40x144xf32, #tpu.memory_space<vmem>>
      %dma_wait3A_439 = tpu.memref_slice %arg5[%mul3A_432] : memref<5000xi32, #tpu.memory_space<vmem>> -> memref<40xi32, #tpu.memory_space<vmem>>
      %dma_wait3A_440 = arith.constant 0 : i32
      %dma_wait3A_441 = arith.constant 0 : i32
      %dma_wait3A_442 = tpu.memref_slice %arg2[%dma_wait3A_440, %dma_wait3A_441] : memref<10000x144xf32, #tpu.memory_space<hbm>> -> memref<10000x144xf32, #tpu.memory_space<hbm>>
      tpu.wait_indirect_dma semaphore(%arg7 : memref<!tpu.dma_semaphore, #tpu.memory_space<semaphore_mem>>) src(%dma_wait3A_442 : memref<10000x144xf32, #tpu.memory_space<hbm>>) dst(%dma_wait3A_438 : memref<40x144xf32, #tpu.memory_space<vmem>>)
      %gt3A = arith.constant 0 : i32
      %gt3A_443 = arith.cmpi sgt, %scan3A_356, %gt3A : i32
      %convert_element_type3A = arith.extui %gt3A_443 : i1 to i32
      %cond3A = arith.constant 0 : i32
      %cond3A_444 = arith.cmpi ne, %convert_element_type3A, %cond3A : i32
      scf.if %cond3A_444 {
        %sub3A = arith.constant 2 : i32
        %sub3A_926 = arith.subi %add3A_362, %sub3A : i32
        %mul3A_927 = arith.constant 5 : i32
        %mul3A_928 = arith.muli %sub3A_926, %mul3A_927 : i32
        %add3A_929 = arith.constant 0 : i32
        %add3A_930 = arith.addi %mul3A_928, %add3A_929 : i32
        %mul3A_931 = arith.constant 40 : i32
        %mul3A_932 = arith.muli %add3A_930, %mul3A_931 : i32
        %add3A_933 = arith.addi %mul3A_2, %mul3A_932 : i32
        %dma_wait3A_934 = arith.constant 1 : i32
        %dma_wait3A_935 = arith.constant 0 : i32
        %dma_wait3A_936 = arith.constant 0 : i32
        %dma_wait3A_937 = arith.constant 0 : i32
        %dma_wait3A_938 = tpu.memref_slice %arg6[%dma_wait3A_934, %dma_wait3A_935, %dma_wait3A_936, %dma_wait3A_937] : memref<2x5x40x144xf32, #tpu.memory_space<vmem>> -> memref<1x1x40x144xf32, #tpu.memory_space<vmem>>
        %dma_wait3A_939 = tpu.memref_squeeze %dma_wait3A_938 : memref<1x1x40x144xf32, #tpu.memory_space<vmem>> -> memref<40x144xf32, #tpu.memory_space<vmem>>
        %dma_wait3A_940 = arith.constant 0 : i32
        %dma_wait3A_941 = tpu.memref_slice %arg4[%add3A_933, %dma_wait3A_940] : memref<160000x144xf32, #tpu.memory_space<hbm>> -> memref<40x144xf32, #tpu.memory_space<hbm>>
        %dma_wait3A_942 = arith.constant 0 : i32
        %dma_wait3A_943 = tpu.memref_slice %arg4[%add3A_933, %dma_wait3A_942] : memref<160000x144xf32, #tpu.memory_space<hbm>> -> memref<40x144xf32, #tpu.memory_space<hbm>>
        %dma_wait3A_944 = arith.constant 0 : i32
        %dma_wait3A_945 = arith.constant 0 : i32
        %dma_wait3A_946 = tpu.memref_slice %arg6[%dma_wait3A_934, %dma_wait3A_935, %dma_wait3A_944, %dma_wait3A_945] : memref<2x5x40x144xf32, #tpu.memory_space<vmem>> -> memref<1x1x40x144xf32, #tpu.memory_space<vmem>>
        %dma_wait3A_947 = tpu.memref_squeeze %dma_wait3A_946 : memref<1x1x40x144xf32, #tpu.memory_space<vmem>> -> memref<40x144xf32, #tpu.memory_space<vmem>>
        tpu.wait_dma2 semaphore(%arg10 : memref<!tpu.dma_semaphore, #tpu.memory_space<semaphore_mem>>) src(%dma_wait3A_947 : memref<40x144xf32, #tpu.memory_space<vmem>>) dst(%dma_wait3A_943 : memref<40x144xf32, #tpu.memory_space<hbm>>)
        %sub3A_948 = arith.constant 2 : i32
        %sub3A_949 = arith.subi %add3A_362, %sub3A_948 : i32
        %mul3A_950 = arith.constant 5 : i32
        %mul3A_951 = arith.muli %sub3A_949, %mul3A_950 : i32
        %add3A_952 = arith.constant 1 : i32
        %add3A_953 = arith.addi %mul3A_951, %add3A_952 : i32
        %mul3A_954 = arith.constant 40 : i32
        %mul3A_955 = arith.muli %add3A_953, %mul3A_954 : i32
        %add3A_956 = arith.addi %mul3A_2, %mul3A_955 : i32
        %dma_wait3A_957 = arith.constant 1 : i32
        %dma_wait3A_958 = arith.constant 1 : i32
        %dma_wait3A_959 = arith.constant 0 : i32
        %dma_wait3A_960 = arith.constant 0 : i32
        %dma_wait3A_961 = tpu.memref_slice %arg6[%dma_wait3A_957, %dma_wait3A_958, %dma_wait3A_959, %dma_wait3A_960] : memref<2x5x40x144xf32, #tpu.memory_space<vmem>> -> memref<1x1x40x144xf32, #tpu.memory_space<vmem>>
        %dma_wait3A_962 = tpu.memref_squeeze %dma_wait3A_961 : memref<1x1x40x144xf32, #tpu.memory_space<vmem>> -> memref<40x144xf32, #tpu.memory_space<vmem>>
        %dma_wait3A_963 = arith.constant 0 : i32
        %dma_wait3A_964 = tpu.memref_slice %arg4[%add3A_956, %dma_wait3A_963] : memref<160000x144xf32, #tpu.memory_space<hbm>> -> memref<40x144xf32, #tpu.memory_space<hbm>>
        %dma_wait3A_965 = arith.constant 0 : i32
        %dma_wait3A_966 = tpu.memref_slice %arg4[%add3A_956, %dma_wait3A_965] : memref<160000x144xf32, #tpu.memory_space<hbm>> -> memref<40x144xf32, #tpu.memory_space<hbm>>
        %dma_wait3A_967 = arith.constant 0 : i32
        %dma_wait3A_968 = arith.constant 0 : i32
        %dma_wait3A_969 = tpu.memref_slice %arg6[%dma_wait3A_957, %dma_wait3A_958, %dma_wait3A_967, %dma_wait3A_968] : memref<2x5x40x144xf32, #tpu.memory_space<vmem>> -> memref<1x1x40x144xf32, #tpu.memory_space<vmem>>
        %dma_wait3A_970 = tpu.memref_squeeze %dma_wait3A_969 : memref<1x1x40x144xf32, #tpu.memory_space<vmem>> -> memref<40x144xf32, #tpu.memory_space<vmem>>
        tpu.wait_dma2 semaphore(%arg10 : memref<!tpu.dma_semaphore, #tpu.memory_space<semaphore_mem>>) src(%dma_wait3A_970 : memref<40x144xf32, #tpu.memory_space<vmem>>) dst(%dma_wait3A_966 : memref<40x144xf32, #tpu.memory_space<hbm>>)
        %sub3A_971 = arith.constant 2 : i32
        %sub3A_972 = arith.subi %add3A_362, %sub3A_971 : i32
        %mul3A_973 = arith.constant 5 : i32
        %mul3A_974 = arith.muli %sub3A_972, %mul3A_973 : i32
        %add3A_975 = arith.constant 2 : i32
        %add3A_976 = arith.addi %mul3A_974, %add3A_975 : i32
        %mul3A_977 = arith.constant 40 : i32
        %mul3A_978 = arith.muli %add3A_976, %mul3A_977 : i32
        %add3A_979 = arith.addi %mul3A_2, %mul3A_978 : i32
        %dma_wait3A_980 = arith.constant 1 : i32
        %dma_wait3A_981 = arith.constant 2 : i32
        %dma_wait3A_982 = arith.constant 0 : i32
        %dma_wait3A_983 = arith.constant 0 : i32
        %dma_wait3A_984 = tpu.memref_slice %arg6[%dma_wait3A_980, %dma_wait3A_981, %dma_wait3A_982, %dma_wait3A_983] : memref<2x5x40x144xf32, #tpu.memory_space<vmem>> -> memref<1x1x40x144xf32, #tpu.memory_space<vmem>>
        %dma_wait3A_985 = tpu.memref_squeeze %dma_wait3A_984 : memref<1x1x40x144xf32, #tpu.memory_space<vmem>> -> memref<40x144xf32, #tpu.memory_space<vmem>>
        %dma_wait3A_986 = arith.constant 0 : i32
        %dma_wait3A_987 = tpu.memref_slice %arg4[%add3A_979, %dma_wait3A_986] : memref<160000x144xf32, #tpu.memory_space<hbm>> -> memref<40x144xf32, #tpu.memory_space<hbm>>
        %dma_wait3A_988 = arith.constant 0 : i32
        %dma_wait3A_989 = tpu.memref_slice %arg4[%add3A_979, %dma_wait3A_988] : memref<160000x144xf32, #tpu.memory_space<hbm>> -> memref<40x144xf32, #tpu.memory_space<hbm>>
        %dma_wait3A_990 = arith.constant 0 : i32
        %dma_wait3A_991 = arith.constant 0 : i32
        %dma_wait3A_992 = tpu.memref_slice %arg6[%dma_wait3A_980, %dma_wait3A_981, %dma_wait3A_990, %dma_wait3A_991] : memref<2x5x40x144xf32, #tpu.memory_space<vmem>> -> memref<1x1x40x144xf32, #tpu.memory_space<vmem>>
        %dma_wait3A_993 = tpu.memref_squeeze %dma_wait3A_992 : memref<1x1x40x144xf32, #tpu.memory_space<vmem>> -> memref<40x144xf32, #tpu.memory_space<vmem>>
        tpu.wait_dma2 semaphore(%arg10 : memref<!tpu.dma_semaphore, #tpu.memory_space<semaphore_mem>>) src(%dma_wait3A_993 : memref<40x144xf32, #tpu.memory_space<vmem>>) dst(%dma_wait3A_989 : memref<40x144xf32, #tpu.memory_space<hbm>>)
        %sub3A_994 = arith.constant 2 : i32
        %sub3A_995 = arith.subi %add3A_362, %sub3A_994 : i32
        %mul3A_996 = arith.constant 5 : i32
        %mul3A_997 = arith.muli %sub3A_995, %mul3A_996 : i32
        %add3A_998 = arith.constant 3 : i32
        %add3A_999 = arith.addi %mul3A_997, %add3A_998 : i32
        %mul3A_1000 = arith.constant 40 : i32
        %mul3A_1001 = arith.muli %add3A_999, %mul3A_1000 : i32
        %add3A_1002 = arith.addi %mul3A_2, %mul3A_1001 : i32
        %dma_wait3A_1003 = arith.constant 1 : i32
        %dma_wait3A_1004 = arith.constant 3 : i32
        %dma_wait3A_1005 = arith.constant 0 : i32
        %dma_wait3A_1006 = arith.constant 0 : i32
        %dma_wait3A_1007 = tpu.memref_slice %arg6[%dma_wait3A_1003, %dma_wait3A_1004, %dma_wait3A_1005, %dma_wait3A_1006] : memref<2x5x40x144xf32, #tpu.memory_space<vmem>> -> memref<1x1x40x144xf32, #tpu.memory_space<vmem>>
        %dma_wait3A_1008 = tpu.memref_squeeze %dma_wait3A_1007 : memref<1x1x40x144xf32, #tpu.memory_space<vmem>> -> memref<40x144xf32, #tpu.memory_space<vmem>>
        %dma_wait3A_1009 = arith.constant 0 : i32
        %dma_wait3A_1010 = tpu.memref_slice %arg4[%add3A_1002, %dma_wait3A_1009] : memref<160000x144xf32, #tpu.memory_space<hbm>> -> memref<40x144xf32, #tpu.memory_space<hbm>>
        %dma_wait3A_1011 = arith.constant 0 : i32
        %dma_wait3A_1012 = tpu.memref_slice %arg4[%add3A_1002, %dma_wait3A_1011] : memref<160000x144xf32, #tpu.memory_space<hbm>> -> memref<40x144xf32, #tpu.memory_space<hbm>>
        %dma_wait3A_1013 = arith.constant 0 : i32
        %dma_wait3A_1014 = arith.constant 0 : i32
        %dma_wait3A_1015 = tpu.memref_slice %arg6[%dma_wait3A_1003, %dma_wait3A_1004, %dma_wait3A_1013, %dma_wait3A_1014] : memref<2x5x40x144xf32, #tpu.memory_space<vmem>> -> memref<1x1x40x144xf32, #tpu.memory_space<vmem>>
        %dma_wait3A_1016 = tpu.memref_squeeze %dma_wait3A_1015 : memref<1x1x40x144xf32, #tpu.memory_space<vmem>> -> memref<40x144xf32, #tpu.memory_space<vmem>>
        tpu.wait_dma2 semaphore(%arg10 : memref<!tpu.dma_semaphore, #tpu.memory_space<semaphore_mem>>) src(%dma_wait3A_1016 : memref<40x144xf32, #tpu.memory_space<vmem>>) dst(%dma_wait3A_1012 : memref<40x144xf32, #tpu.memory_space<hbm>>)
        %sub3A_1017 = arith.constant 2 : i32
        %sub3A_1018 = arith.subi %add3A_362, %sub3A_1017 : i32
        %mul3A_1019 = arith.constant 5 : i32
        %mul3A_1020 = arith.muli %sub3A_1018, %mul3A_1019 : i32
        %add3A_1021 = arith.constant 4 : i32
        %add3A_1022 = arith.addi %mul3A_1020, %add3A_1021 : i32
        %mul3A_1023 = arith.constant 40 : i32
        %mul3A_1024 = arith.muli %add3A_1022, %mul3A_1023 : i32
        %add3A_1025 = arith.addi %mul3A_2, %mul3A_1024 : i32
        %dma_wait3A_1026 = arith.constant 1 : i32
        %dma_wait3A_1027 = arith.constant 4 : i32
        %dma_wait3A_1028 = arith.constant 0 : i32
        %dma_wait3A_1029 = arith.constant 0 : i32
        %dma_wait3A_1030 = tpu.memref_slice %arg6[%dma_wait3A_1026, %dma_wait3A_1027, %dma_wait3A_1028, %dma_wait3A_1029] : memref<2x5x40x144xf32, #tpu.memory_space<vmem>> -> memref<1x1x40x144xf32, #tpu.memory_space<vmem>>
        %dma_wait3A_1031 = tpu.memref_squeeze %dma_wait3A_1030 : memref<1x1x40x144xf32, #tpu.memory_space<vmem>> -> memref<40x144xf32, #tpu.memory_space<vmem>>
        %dma_wait3A_1032 = arith.constant 0 : i32
        %dma_wait3A_1033 = tpu.memref_slice %arg4[%add3A_1025, %dma_wait3A_1032] : memref<160000x144xf32, #tpu.memory_space<hbm>> -> memref<40x144xf32, #tpu.memory_space<hbm>>
        %dma_wait3A_1034 = arith.constant 0 : i32
        %dma_wait3A_1035 = tpu.memref_slice %arg4[%add3A_1025, %dma_wait3A_1034] : memref<160000x144xf32, #tpu.memory_space<hbm>> -> memref<40x144xf32, #tpu.memory_space<hbm>>
        %dma_wait3A_1036 = arith.constant 0 : i32
        %dma_wait3A_1037 = arith.constant 0 : i32
        %dma_wait3A_1038 = tpu.memref_slice %arg6[%dma_wait3A_1026, %dma_wait3A_1027, %dma_wait3A_1036, %dma_wait3A_1037] : memref<2x5x40x144xf32, #tpu.memory_space<vmem>> -> memref<1x1x40x144xf32, #tpu.memory_space<vmem>>
        %dma_wait3A_1039 = tpu.memref_squeeze %dma_wait3A_1038 : memref<1x1x40x144xf32, #tpu.memory_space<vmem>> -> memref<40x144xf32, #tpu.memory_space<vmem>>
        tpu.wait_dma2 semaphore(%arg10 : memref<!tpu.dma_semaphore, #tpu.memory_space<semaphore_mem>>) src(%dma_wait3A_1039 : memref<40x144xf32, #tpu.memory_space<vmem>>) dst(%dma_wait3A_1035 : memref<40x144xf32, #tpu.memory_space<hbm>>)
      } else {
      }
      %mul3A_445 = arith.constant 5 : i32
      %mul3A_446 = arith.muli %add3A_362, %mul3A_445 : i32
      %add3A_447 = arith.constant 0 : i32
      %add3A_448 = arith.addi %mul3A_446, %add3A_447 : i32
      %mul3A_449 = arith.constant 40 : i32
      %mul3A_450 = arith.muli %add3A_448, %mul3A_449 : i32
      %dma_start3A_451 = arith.constant 1 : i32
      %dma_start3A_452 = arith.constant 0 : i32
      %dma_start3A_453 = arith.constant 0 : i32
      %dma_start3A_454 = arith.constant 0 : i32
      %dma_start3A_455 = tpu.memref_slice %arg6[%dma_start3A_451, %dma_start3A_452, %dma_start3A_453, %dma_start3A_454] : memref<2x5x40x144xf32, #tpu.memory_space<vmem>> -> memref<1x1x40x144xf32, #tpu.memory_space<vmem>>
      %dma_start3A_456 = tpu.memref_squeeze %dma_start3A_455 : memref<1x1x40x144xf32, #tpu.memory_space<vmem>> -> memref<40x144xf32, #tpu.memory_space<vmem>>
      %dma_start3A_457 = tpu.memref_slice %arg5[%mul3A_450] : memref<5000xi32, #tpu.memory_space<vmem>> -> memref<40xi32, #tpu.memory_space<vmem>>
      %dma_start3A_458 = arith.constant 0 : i32
      %dma_start3A_459 = arith.constant 0 : i32
      %dma_start3A_460 = tpu.memref_slice %arg2[%dma_start3A_458, %dma_start3A_459] : memref<10000x144xf32, #tpu.memory_space<hbm>> -> memref<10000x144xf32, #tpu.memory_space<hbm>>
      tpu.enqueue_indirect_dma source(%dma_start3A_460 : memref<10000x144xf32, #tpu.memory_space<hbm>>) target(%dma_start3A_456 : memref<40x144xf32, #tpu.memory_space<vmem>>) offsets(%dma_start3A_457 : memref<40xi32, #tpu.memory_space<vmem>>) semaphore(%arg8 : memref<!tpu.dma_semaphore, #tpu.memory_space<semaphore_mem>>)
      %mul3A_461 = arith.constant 5 : i32
      %mul3A_462 = arith.muli %add3A_362, %mul3A_461 : i32
      %add3A_463 = arith.constant 1 : i32
      %add3A_464 = arith.addi %mul3A_462, %add3A_463 : i32
      %mul3A_465 = arith.constant 40 : i32
      %mul3A_466 = arith.muli %add3A_464, %mul3A_465 : i32
      %dma_start3A_467 = arith.constant 1 : i32
      %dma_start3A_468 = arith.constant 1 : i32
      %dma_start3A_469 = arith.constant 0 : i32
      %dma_start3A_470 = arith.constant 0 : i32
      %dma_start3A_471 = tpu.memref_slice %arg6[%dma_start3A_467, %dma_start3A_468, %dma_start3A_469, %dma_start3A_470] : memref<2x5x40x144xf32, #tpu.memory_space<vmem>> -> memref<1x1x40x144xf32, #tpu.memory_space<vmem>>
      %dma_start3A_472 = tpu.memref_squeeze %dma_start3A_471 : memref<1x1x40x144xf32, #tpu.memory_space<vmem>> -> memref<40x144xf32, #tpu.memory_space<vmem>>
      %dma_start3A_473 = tpu.memref_slice %arg5[%mul3A_466] : memref<5000xi32, #tpu.memory_space<vmem>> -> memref<40xi32, #tpu.memory_space<vmem>>
      %dma_start3A_474 = arith.constant 0 : i32
      %dma_start3A_475 = arith.constant 0 : i32
      %dma_start3A_476 = tpu.memref_slice %arg2[%dma_start3A_474, %dma_start3A_475] : memref<10000x144xf32, #tpu.memory_space<hbm>> -> memref<10000x144xf32, #tpu.memory_space<hbm>>
      tpu.enqueue_indirect_dma source(%dma_start3A_476 : memref<10000x144xf32, #tpu.memory_space<hbm>>) target(%dma_start3A_472 : memref<40x144xf32, #tpu.memory_space<vmem>>) offsets(%dma_start3A_473 : memref<40xi32, #tpu.memory_space<vmem>>) semaphore(%arg8 : memref<!tpu.dma_semaphore, #tpu.memory_space<semaphore_mem>>)
      %mul3A_477 = arith.constant 5 : i32
      %mul3A_478 = arith.muli %add3A_362, %mul3A_477 : i32
      %add3A_479 = arith.constant 2 : i32
      %add3A_480 = arith.addi %mul3A_478, %add3A_479 : i32
      %mul3A_481 = arith.constant 40 : i32
      %mul3A_482 = arith.muli %add3A_480, %mul3A_481 : i32
      %dma_start3A_483 = arith.constant 1 : i32
      %dma_start3A_484 = arith.constant 2 : i32
      %dma_start3A_485 = arith.constant 0 : i32
      %dma_start3A_486 = arith.constant 0 : i32
      %dma_start3A_487 = tpu.memref_slice %arg6[%dma_start3A_483, %dma_start3A_484, %dma_start3A_485, %dma_start3A_486] : memref<2x5x40x144xf32, #tpu.memory_space<vmem>> -> memref<1x1x40x144xf32, #tpu.memory_space<vmem>>
      %dma_start3A_488 = tpu.memref_squeeze %dma_start3A_487 : memref<1x1x40x144xf32, #tpu.memory_space<vmem>> -> memref<40x144xf32, #tpu.memory_space<vmem>>
      %dma_start3A_489 = tpu.memref_slice %arg5[%mul3A_482] : memref<5000xi32, #tpu.memory_space<vmem>> -> memref<40xi32, #tpu.memory_space<vmem>>
      %dma_start3A_490 = arith.constant 0 : i32
      %dma_start3A_491 = arith.constant 0 : i32
      %dma_start3A_492 = tpu.memref_slice %arg2[%dma_start3A_490, %dma_start3A_491] : memref<10000x144xf32, #tpu.memory_space<hbm>> -> memref<10000x144xf32, #tpu.memory_space<hbm>>
      tpu.enqueue_indirect_dma source(%dma_start3A_492 : memref<10000x144xf32, #tpu.memory_space<hbm>>) target(%dma_start3A_488 : memref<40x144xf32, #tpu.memory_space<vmem>>) offsets(%dma_start3A_489 : memref<40xi32, #tpu.memory_space<vmem>>) semaphore(%arg8 : memref<!tpu.dma_semaphore, #tpu.memory_space<semaphore_mem>>)
      %mul3A_493 = arith.constant 5 : i32
      %mul3A_494 = arith.muli %add3A_362, %mul3A_493 : i32
      %add3A_495 = arith.constant 3 : i32
      %add3A_496 = arith.addi %mul3A_494, %add3A_495 : i32
      %mul3A_497 = arith.constant 40 : i32
      %mul3A_498 = arith.muli %add3A_496, %mul3A_497 : i32
      %dma_start3A_499 = arith.constant 1 : i32
      %dma_start3A_500 = arith.constant 3 : i32
      %dma_start3A_501 = arith.constant 0 : i32
      %dma_start3A_502 = arith.constant 0 : i32
      %dma_start3A_503 = tpu.memref_slice %arg6[%dma_start3A_499, %dma_start3A_500, %dma_start3A_501, %dma_start3A_502] : memref<2x5x40x144xf32, #tpu.memory_space<vmem>> -> memref<1x1x40x144xf32, #tpu.memory_space<vmem>>
      %dma_start3A_504 = tpu.memref_squeeze %dma_start3A_503 : memref<1x1x40x144xf32, #tpu.memory_space<vmem>> -> memref<40x144xf32, #tpu.memory_space<vmem>>
      %dma_start3A_505 = tpu.memref_slice %arg5[%mul3A_498] : memref<5000xi32, #tpu.memory_space<vmem>> -> memref<40xi32, #tpu.memory_space<vmem>>
      %dma_start3A_506 = arith.constant 0 : i32
      %dma_start3A_507 = arith.constant 0 : i32
      %dma_start3A_508 = tpu.memref_slice %arg2[%dma_start3A_506, %dma_start3A_507] : memref<10000x144xf32, #tpu.memory_space<hbm>> -> memref<10000x144xf32, #tpu.memory_space<hbm>>
      tpu.enqueue_indirect_dma source(%dma_start3A_508 : memref<10000x144xf32, #tpu.memory_space<hbm>>) target(%dma_start3A_504 : memref<40x144xf32, #tpu.memory_space<vmem>>) offsets(%dma_start3A_505 : memref<40xi32, #tpu.memory_space<vmem>>) semaphore(%arg8 : memref<!tpu.dma_semaphore, #tpu.memory_space<semaphore_mem>>)
      %mul3A_509 = arith.constant 5 : i32
      %mul3A_510 = arith.muli %add3A_362, %mul3A_509 : i32
      %add3A_511 = arith.constant 4 : i32
      %add3A_512 = arith.addi %mul3A_510, %add3A_511 : i32
      %mul3A_513 = arith.constant 40 : i32
      %mul3A_514 = arith.muli %add3A_512, %mul3A_513 : i32
      %dma_start3A_515 = arith.constant 1 : i32
      %dma_start3A_516 = arith.constant 4 : i32
      %dma_start3A_517 = arith.constant 0 : i32
      %dma_start3A_518 = arith.constant 0 : i32
      %dma_start3A_519 = tpu.memref_slice %arg6[%dma_start3A_515, %dma_start3A_516, %dma_start3A_517, %dma_start3A_518] : memref<2x5x40x144xf32, #tpu.memory_space<vmem>> -> memref<1x1x40x144xf32, #tpu.memory_space<vmem>>
      %dma_start3A_520 = tpu.memref_squeeze %dma_start3A_519 : memref<1x1x40x144xf32, #tpu.memory_space<vmem>> -> memref<40x144xf32, #tpu.memory_space<vmem>>
      %dma_start3A_521 = tpu.memref_slice %arg5[%mul3A_514] : memref<5000xi32, #tpu.memory_space<vmem>> -> memref<40xi32, #tpu.memory_space<vmem>>
      %dma_start3A_522 = arith.constant 0 : i32
      %dma_start3A_523 = arith.constant 0 : i32
      %dma_start3A_524 = tpu.memref_slice %arg2[%dma_start3A_522, %dma_start3A_523] : memref<10000x144xf32, #tpu.memory_space<hbm>> -> memref<10000x144xf32, #tpu.memory_space<hbm>>
      tpu.enqueue_indirect_dma source(%dma_start3A_524 : memref<10000x144xf32, #tpu.memory_space<hbm>>) target(%dma_start3A_520 : memref<40x144xf32, #tpu.memory_space<vmem>>) offsets(%dma_start3A_521 : memref<40xi32, #tpu.memory_space<vmem>>) semaphore(%arg8 : memref<!tpu.dma_semaphore, #tpu.memory_space<semaphore_mem>>)
      %mul3A_525 = arith.constant 5 : i32
      %mul3A_526 = arith.muli %mul3A_358, %mul3A_525 : i32
      %add3A_527 = arith.constant 0 : i32
      %add3A_528 = arith.addi %mul3A_526, %add3A_527 : i32
      %mul3A_529 = arith.constant 40 : i32
      %mul3A_530 = arith.muli %add3A_528, %mul3A_529 : i32
      %add3A_531 = arith.addi %mul3A_2, %mul3A_530 : i32
      %dma_start3A_532 = arith.constant 0 : i32
      %dma_start3A_533 = arith.constant 0 : i32
      %dma_start3A_534 = arith.constant 0 : i32
      %dma_start3A_535 = arith.constant 0 : i32
      %dma_start3A_536 = tpu.memref_slice %arg6[%dma_start3A_532, %dma_start3A_533, %dma_start3A_534, %dma_start3A_535] : memref<2x5x40x144xf32, #tpu.memory_space<vmem>> -> memref<1x1x40x144xf32, #tpu.memory_space<vmem>>
      %dma_start3A_537 = tpu.memref_squeeze %dma_start3A_536 : memref<1x1x40x144xf32, #tpu.memory_space<vmem>> -> memref<40x144xf32, #tpu.memory_space<vmem>>
      %dma_start3A_538 = arith.constant 0 : i32
      %dma_start3A_539 = tpu.memref_slice %arg4[%add3A_531, %dma_start3A_538] : memref<160000x144xf32, #tpu.memory_space<hbm>> -> memref<40x144xf32, #tpu.memory_space<hbm>>
      %dma_start3A_540 = arith.constant 0 : i32
      %dma_start3A_541 = tpu.memref_slice %arg4[%add3A_531, %dma_start3A_540] : memref<160000x144xf32, #tpu.memory_space<hbm>> -> memref<40x144xf32, #tpu.memory_space<hbm>>
      %dma_start3A_542 = arith.constant 0 : i32
      %dma_start3A_543 = arith.constant 0 : i32
      %dma_start3A_544 = tpu.memref_slice %arg6[%dma_start3A_532, %dma_start3A_533, %dma_start3A_542, %dma_start3A_543] : memref<2x5x40x144xf32, #tpu.memory_space<vmem>> -> memref<1x1x40x144xf32, #tpu.memory_space<vmem>>
      %dma_start3A_545 = tpu.memref_squeeze %dma_start3A_544 : memref<1x1x40x144xf32, #tpu.memory_space<vmem>> -> memref<40x144xf32, #tpu.memory_space<vmem>>
      tpu.enqueue_dma source(%dma_start3A_545 : memref<40x144xf32, #tpu.memory_space<vmem>>) target(%dma_start3A_541 : memref<40x144xf32, #tpu.memory_space<hbm>>) target_semaphore(%arg9 : memref<!tpu.dma_semaphore, #tpu.memory_space<semaphore_mem>>)
      %mul3A_546 = arith.constant 5 : i32
      %mul3A_547 = arith.muli %mul3A_358, %mul3A_546 : i32
      %add3A_548 = arith.constant 1 : i32
      %add3A_549 = arith.addi %mul3A_547, %add3A_548 : i32
      %mul3A_550 = arith.constant 40 : i32
      %mul3A_551 = arith.muli %add3A_549, %mul3A_550 : i32
      %add3A_552 = arith.addi %mul3A_2, %mul3A_551 : i32
      %dma_start3A_553 = arith.constant 0 : i32
      %dma_start3A_554 = arith.constant 1 : i32
      %dma_start3A_555 = arith.constant 0 : i32
      %dma_start3A_556 = arith.constant 0 : i32
      %dma_start3A_557 = tpu.memref_slice %arg6[%dma_start3A_553, %dma_start3A_554, %dma_start3A_555, %dma_start3A_556] : memref<2x5x40x144xf32, #tpu.memory_space<vmem>> -> memref<1x1x40x144xf32, #tpu.memory_space<vmem>>
      %dma_start3A_558 = tpu.memref_squeeze %dma_start3A_557 : memref<1x1x40x144xf32, #tpu.memory_space<vmem>> -> memref<40x144xf32, #tpu.memory_space<vmem>>
      %dma_start3A_559 = arith.constant 0 : i32
      %dma_start3A_560 = tpu.memref_slice %arg4[%add3A_552, %dma_start3A_559] : memref<160000x144xf32, #tpu.memory_space<hbm>> -> memref<40x144xf32, #tpu.memory_space<hbm>>
      %dma_start3A_561 = arith.constant 0 : i32
      %dma_start3A_562 = tpu.memref_slice %arg4[%add3A_552, %dma_start3A_561] : memref<160000x144xf32, #tpu.memory_space<hbm>> -> memref<40x144xf32, #tpu.memory_space<hbm>>
      %dma_start3A_563 = arith.constant 0 : i32
      %dma_start3A_564 = arith.constant 0 : i32
      %dma_start3A_565 = tpu.memref_slice %arg6[%dma_start3A_553, %dma_start3A_554, %dma_start3A_563, %dma_start3A_564] : memref<2x5x40x144xf32, #tpu.memory_space<vmem>> -> memref<1x1x40x144xf32, #tpu.memory_space<vmem>>
      %dma_start3A_566 = tpu.memref_squeeze %dma_start3A_565 : memref<1x1x40x144xf32, #tpu.memory_space<vmem>> -> memref<40x144xf32, #tpu.memory_space<vmem>>
      tpu.enqueue_dma source(%dma_start3A_566 : memref<40x144xf32, #tpu.memory_space<vmem>>) target(%dma_start3A_562 : memref<40x144xf32, #tpu.memory_space<hbm>>) target_semaphore(%arg9 : memref<!tpu.dma_semaphore, #tpu.memory_space<semaphore_mem>>)
      %mul3A_567 = arith.constant 5 : i32
      %mul3A_568 = arith.muli %mul3A_358, %mul3A_567 : i32
      %add3A_569 = arith.constant 2 : i32
      %add3A_570 = arith.addi %mul3A_568, %add3A_569 : i32
      %mul3A_571 = arith.constant 40 : i32
      %mul3A_572 = arith.muli %add3A_570, %mul3A_571 : i32
      %add3A_573 = arith.addi %mul3A_2, %mul3A_572 : i32
      %dma_start3A_574 = arith.constant 0 : i32
      %dma_start3A_575 = arith.constant 2 : i32
      %dma_start3A_576 = arith.constant 0 : i32
      %dma_start3A_577 = arith.constant 0 : i32
      %dma_start3A_578 = tpu.memref_slice %arg6[%dma_start3A_574, %dma_start3A_575, %dma_start3A_576, %dma_start3A_577] : memref<2x5x40x144xf32, #tpu.memory_space<vmem>> -> memref<1x1x40x144xf32, #tpu.memory_space<vmem>>
      %dma_start3A_579 = tpu.memref_squeeze %dma_start3A_578 : memref<1x1x40x144xf32, #tpu.memory_space<vmem>> -> memref<40x144xf32, #tpu.memory_space<vmem>>
      %dma_start3A_580 = arith.constant 0 : i32
      %dma_start3A_581 = tpu.memref_slice %arg4[%add3A_573, %dma_start3A_580] : memref<160000x144xf32, #tpu.memory_space<hbm>> -> memref<40x144xf32, #tpu.memory_space<hbm>>
      %dma_start3A_582 = arith.constant 0 : i32
      %dma_start3A_583 = tpu.memref_slice %arg4[%add3A_573, %dma_start3A_582] : memref<160000x144xf32, #tpu.memory_space<hbm>> -> memref<40x144xf32, #tpu.memory_space<hbm>>
      %dma_start3A_584 = arith.constant 0 : i32
      %dma_start3A_585 = arith.constant 0 : i32
      %dma_start3A_586 = tpu.memref_slice %arg6[%dma_start3A_574, %dma_start3A_575, %dma_start3A_584, %dma_start3A_585] : memref<2x5x40x144xf32, #tpu.memory_space<vmem>> -> memref<1x1x40x144xf32, #tpu.memory_space<vmem>>
      %dma_start3A_587 = tpu.memref_squeeze %dma_start3A_586 : memref<1x1x40x144xf32, #tpu.memory_space<vmem>> -> memref<40x144xf32, #tpu.memory_space<vmem>>
      tpu.enqueue_dma source(%dma_start3A_587 : memref<40x144xf32, #tpu.memory_space<vmem>>) target(%dma_start3A_583 : memref<40x144xf32, #tpu.memory_space<hbm>>) target_semaphore(%arg9 : memref<!tpu.dma_semaphore, #tpu.memory_space<semaphore_mem>>)
      %mul3A_588 = arith.constant 5 : i32
      %mul3A_589 = arith.muli %mul3A_358, %mul3A_588 : i32
      %add3A_590 = arith.constant 3 : i32
      %add3A_591 = arith.addi %mul3A_589, %add3A_590 : i32
      %mul3A_592 = arith.constant 40 : i32
      %mul3A_593 = arith.muli %add3A_591, %mul3A_592 : i32
      %add3A_594 = arith.addi %mul3A_2, %mul3A_593 : i32
      %dma_start3A_595 = arith.constant 0 : i32
      %dma_start3A_596 = arith.constant 3 : i32
      %dma_start3A_597 = arith.constant 0 : i32
      %dma_start3A_598 = arith.constant 0 : i32
      %dma_start3A_599 = tpu.memref_slice %arg6[%dma_start3A_595, %dma_start3A_596, %dma_start3A_597, %dma_start3A_598] : memref<2x5x40x144xf32, #tpu.memory_space<vmem>> -> memref<1x1x40x144xf32, #tpu.memory_space<vmem>>
      %dma_start3A_600 = tpu.memref_squeeze %dma_start3A_599 : memref<1x1x40x144xf32, #tpu.memory_space<vmem>> -> memref<40x144xf32, #tpu.memory_space<vmem>>
      %dma_start3A_601 = arith.constant 0 : i32
      %dma_start3A_602 = tpu.memref_slice %arg4[%add3A_594, %dma_start3A_601] : memref<160000x144xf32, #tpu.memory_space<hbm>> -> memref<40x144xf32, #tpu.memory_space<hbm>>
      %dma_start3A_603 = arith.constant 0 : i32
      %dma_start3A_604 = tpu.memref_slice %arg4[%add3A_594, %dma_start3A_603] : memref<160000x144xf32, #tpu.memory_space<hbm>> -> memref<40x144xf32, #tpu.memory_space<hbm>>
      %dma_start3A_605 = arith.constant 0 : i32
      %dma_start3A_606 = arith.constant 0 : i32
      %dma_start3A_607 = tpu.memref_slice %arg6[%dma_start3A_595, %dma_start3A_596, %dma_start3A_605, %dma_start3A_606] : memref<2x5x40x144xf32, #tpu.memory_space<vmem>> -> memref<1x1x40x144xf32, #tpu.memory_space<vmem>>
      %dma_start3A_608 = tpu.memref_squeeze %dma_start3A_607 : memref<1x1x40x144xf32, #tpu.memory_space<vmem>> -> memref<40x144xf32, #tpu.memory_space<vmem>>
      tpu.enqueue_dma source(%dma_start3A_608 : memref<40x144xf32, #tpu.memory_space<vmem>>) target(%dma_start3A_604 : memref<40x144xf32, #tpu.memory_space<hbm>>) target_semaphore(%arg9 : memref<!tpu.dma_semaphore, #tpu.memory_space<semaphore_mem>>)
      %mul3A_609 = arith.constant 5 : i32
      %mul3A_610 = arith.muli %mul3A_358, %mul3A_609 : i32
      %add3A_611 = arith.constant 4 : i32
      %add3A_612 = arith.addi %mul3A_610, %add3A_611 : i32
      %mul3A_613 = arith.constant 40 : i32
      %mul3A_614 = arith.muli %add3A_612, %mul3A_613 : i32
      %add3A_615 = arith.addi %mul3A_2, %mul3A_614 : i32
      %dma_start3A_616 = arith.constant 0 : i32
      %dma_start3A_617 = arith.constant 4 : i32
      %dma_start3A_618 = arith.constant 0 : i32
      %dma_start3A_619 = arith.constant 0 : i32
      %dma_start3A_620 = tpu.memref_slice %arg6[%dma_start3A_616, %dma_start3A_617, %dma_start3A_618, %dma_start3A_619] : memref<2x5x40x144xf32, #tpu.memory_space<vmem>> -> memref<1x1x40x144xf32, #tpu.memory_space<vmem>>
      %dma_start3A_621 = tpu.memref_squeeze %dma_start3A_620 : memref<1x1x40x144xf32, #tpu.memory_space<vmem>> -> memref<40x144xf32, #tpu.memory_space<vmem>>
      %dma_start3A_622 = arith.constant 0 : i32
      %dma_start3A_623 = tpu.memref_slice %arg4[%add3A_615, %dma_start3A_622] : memref<160000x144xf32, #tpu.memory_space<hbm>> -> memref<40x144xf32, #tpu.memory_space<hbm>>
      %dma_start3A_624 = arith.constant 0 : i32
      %dma_start3A_625 = tpu.memref_slice %arg4[%add3A_615, %dma_start3A_624] : memref<160000x144xf32, #tpu.memory_space<hbm>> -> memref<40x144xf32, #tpu.memory_space<hbm>>
      %dma_start3A_626 = arith.constant 0 : i32
      %dma_start3A_627 = arith.constant 0 : i32
      %dma_start3A_628 = tpu.memref_slice %arg6[%dma_start3A_616, %dma_start3A_617, %dma_start3A_626, %dma_start3A_627] : memref<2x5x40x144xf32, #tpu.memory_space<vmem>> -> memref<1x1x40x144xf32, #tpu.memory_space<vmem>>
      %dma_start3A_629 = tpu.memref_squeeze %dma_start3A_628 : memref<1x1x40x144xf32, #tpu.memory_space<vmem>> -> memref<40x144xf32, #tpu.memory_space<vmem>>
      tpu.enqueue_dma source(%dma_start3A_629 : memref<40x144xf32, #tpu.memory_space<vmem>>) target(%dma_start3A_625 : memref<40x144xf32, #tpu.memory_space<hbm>>) target_semaphore(%arg9 : memref<!tpu.dma_semaphore, #tpu.memory_space<semaphore_mem>>)
      %mul3A_630 = arith.constant 5 : i32
      %mul3A_631 = arith.muli %mul3A_358, %mul3A_630 : i32
      %add3A_632 = arith.constant 0 : i32
      %add3A_633 = arith.addi %mul3A_631, %add3A_632 : i32
      %mul3A_634 = arith.constant 40 : i32
      %mul3A_635 = arith.muli %add3A_633, %mul3A_634 : i32
      %add3A_636 = arith.addi %mul3A_2, %mul3A_635 : i32
      %dma_wait3A_637 = arith.constant 0 : i32
      %dma_wait3A_638 = arith.constant 0 : i32
      %dma_wait3A_639 = arith.constant 0 : i32
      %dma_wait3A_640 = arith.constant 0 : i32
      %dma_wait3A_641 = tpu.memref_slice %arg6[%dma_wait3A_637, %dma_wait3A_638, %dma_wait3A_639, %dma_wait3A_640] : memref<2x5x40x144xf32, #tpu.memory_space<vmem>> -> memref<1x1x40x144xf32, #tpu.memory_space<vmem>>
      %dma_wait3A_642 = tpu.memref_squeeze %dma_wait3A_641 : memref<1x1x40x144xf32, #tpu.memory_space<vmem>> -> memref<40x144xf32, #tpu.memory_space<vmem>>
      %dma_wait3A_643 = arith.constant 0 : i32
      %dma_wait3A_644 = tpu.memref_slice %arg4[%add3A_636, %dma_wait3A_643] : memref<160000x144xf32, #tpu.memory_space<hbm>> -> memref<40x144xf32, #tpu.memory_space<hbm>>
      %dma_wait3A_645 = arith.constant 0 : i32
      %dma_wait3A_646 = tpu.memref_slice %arg4[%add3A_636, %dma_wait3A_645] : memref<160000x144xf32, #tpu.memory_space<hbm>> -> memref<40x144xf32, #tpu.memory_space<hbm>>
      %dma_wait3A_647 = arith.constant 0 : i32
      %dma_wait3A_648 = arith.constant 0 : i32
      %dma_wait3A_649 = tpu.memref_slice %arg6[%dma_wait3A_637, %dma_wait3A_638, %dma_wait3A_647, %dma_wait3A_648] : memref<2x5x40x144xf32, #tpu.memory_space<vmem>> -> memref<1x1x40x144xf32, #tpu.memory_space<vmem>>
      %dma_wait3A_650 = tpu.memref_squeeze %dma_wait3A_649 : memref<1x1x40x144xf32, #tpu.memory_space<vmem>> -> memref<40x144xf32, #tpu.memory_space<vmem>>
      tpu.wait_dma2 semaphore(%arg9 : memref<!tpu.dma_semaphore, #tpu.memory_space<semaphore_mem>>) src(%dma_wait3A_650 : memref<40x144xf32, #tpu.memory_space<vmem>>) dst(%dma_wait3A_646 : memref<40x144xf32, #tpu.memory_space<hbm>>)
      %mul3A_651 = arith.constant 5 : i32
      %mul3A_652 = arith.muli %mul3A_358, %mul3A_651 : i32
      %add3A_653 = arith.constant 1 : i32
      %add3A_654 = arith.addi %mul3A_652, %add3A_653 : i32
      %mul3A_655 = arith.constant 40 : i32
      %mul3A_656 = arith.muli %add3A_654, %mul3A_655 : i32
      %add3A_657 = arith.addi %mul3A_2, %mul3A_656 : i32
      %dma_wait3A_658 = arith.constant 0 : i32
      %dma_wait3A_659 = arith.constant 1 : i32
      %dma_wait3A_660 = arith.constant 0 : i32
      %dma_wait3A_661 = arith.constant 0 : i32
      %dma_wait3A_662 = tpu.memref_slice %arg6[%dma_wait3A_658, %dma_wait3A_659, %dma_wait3A_660, %dma_wait3A_661] : memref<2x5x40x144xf32, #tpu.memory_space<vmem>> -> memref<1x1x40x144xf32, #tpu.memory_space<vmem>>
      %dma_wait3A_663 = tpu.memref_squeeze %dma_wait3A_662 : memref<1x1x40x144xf32, #tpu.memory_space<vmem>> -> memref<40x144xf32, #tpu.memory_space<vmem>>
      %dma_wait3A_664 = arith.constant 0 : i32
      %dma_wait3A_665 = tpu.memref_slice %arg4[%add3A_657, %dma_wait3A_664] : memref<160000x144xf32, #tpu.memory_space<hbm>> -> memref<40x144xf32, #tpu.memory_space<hbm>>
      %dma_wait3A_666 = arith.constant 0 : i32
      %dma_wait3A_667 = tpu.memref_slice %arg4[%add3A_657, %dma_wait3A_666] : memref<160000x144xf32, #tpu.memory_space<hbm>> -> memref<40x144xf32, #tpu.memory_space<hbm>>
      %dma_wait3A_668 = arith.constant 0 : i32
      %dma_wait3A_669 = arith.constant 0 : i32
      %dma_wait3A_670 = tpu.memref_slice %arg6[%dma_wait3A_658, %dma_wait3A_659, %dma_wait3A_668, %dma_wait3A_669] : memref<2x5x40x144xf32, #tpu.memory_space<vmem>> -> memref<1x1x40x144xf32, #tpu.memory_space<vmem>>
      %dma_wait3A_671 = tpu.memref_squeeze %dma_wait3A_670 : memref<1x1x40x144xf32, #tpu.memory_space<vmem>> -> memref<40x144xf32, #tpu.memory_space<vmem>>
      tpu.wait_dma2 semaphore(%arg9 : memref<!tpu.dma_semaphore, #tpu.memory_space<semaphore_mem>>) src(%dma_wait3A_671 : memref<40x144xf32, #tpu.memory_space<vmem>>) dst(%dma_wait3A_667 : memref<40x144xf32, #tpu.memory_space<hbm>>)
      %mul3A_672 = arith.constant 5 : i32
      %mul3A_673 = arith.muli %mul3A_358, %mul3A_672 : i32
      %add3A_674 = arith.constant 2 : i32
      %add3A_675 = arith.addi %mul3A_673, %add3A_674 : i32
      %mul3A_676 = arith.constant 40 : i32
      %mul3A_677 = arith.muli %add3A_675, %mul3A_676 : i32
      %add3A_678 = arith.addi %mul3A_2, %mul3A_677 : i32
      %dma_wait3A_679 = arith.constant 0 : i32
      %dma_wait3A_680 = arith.constant 2 : i32
      %dma_wait3A_681 = arith.constant 0 : i32
      %dma_wait3A_682 = arith.constant 0 : i32
      %dma_wait3A_683 = tpu.memref_slice %arg6[%dma_wait3A_679, %dma_wait3A_680, %dma_wait3A_681, %dma_wait3A_682] : memref<2x5x40x144xf32, #tpu.memory_space<vmem>> -> memref<1x1x40x144xf32, #tpu.memory_space<vmem>>
      %dma_wait3A_684 = tpu.memref_squeeze %dma_wait3A_683 : memref<1x1x40x144xf32, #tpu.memory_space<vmem>> -> memref<40x144xf32, #tpu.memory_space<vmem>>
      %dma_wait3A_685 = arith.constant 0 : i32
      %dma_wait3A_686 = tpu.memref_slice %arg4[%add3A_678, %dma_wait3A_685] : memref<160000x144xf32, #tpu.memory_space<hbm>> -> memref<40x144xf32, #tpu.memory_space<hbm>>
      %dma_wait3A_687 = arith.constant 0 : i32
      %dma_wait3A_688 = tpu.memref_slice %arg4[%add3A_678, %dma_wait3A_687] : memref<160000x144xf32, #tpu.memory_space<hbm>> -> memref<40x144xf32, #tpu.memory_space<hbm>>
      %dma_wait3A_689 = arith.constant 0 : i32
      %dma_wait3A_690 = arith.constant 0 : i32
      %dma_wait3A_691 = tpu.memref_slice %arg6[%dma_wait3A_679, %dma_wait3A_680, %dma_wait3A_689, %dma_wait3A_690] : memref<2x5x40x144xf32, #tpu.memory_space<vmem>> -> memref<1x1x40x144xf32, #tpu.memory_space<vmem>>
      %dma_wait3A_692 = tpu.memref_squeeze %dma_wait3A_691 : memref<1x1x40x144xf32, #tpu.memory_space<vmem>> -> memref<40x144xf32, #tpu.memory_space<vmem>>
      tpu.wait_dma2 semaphore(%arg9 : memref<!tpu.dma_semaphore, #tpu.memory_space<semaphore_mem>>) src(%dma_wait3A_692 : memref<40x144xf32, #tpu.memory_space<vmem>>) dst(%dma_wait3A_688 : memref<40x144xf32, #tpu.memory_space<hbm>>)
      %mul3A_693 = arith.constant 5 : i32
      %mul3A_694 = arith.muli %mul3A_358, %mul3A_693 : i32
      %add3A_695 = arith.constant 3 : i32
      %add3A_696 = arith.addi %mul3A_694, %add3A_695 : i32
      %mul3A_697 = arith.constant 40 : i32
      %mul3A_698 = arith.muli %add3A_696, %mul3A_697 : i32
      %add3A_699 = arith.addi %mul3A_2, %mul3A_698 : i32
      %dma_wait3A_700 = arith.constant 0 : i32
      %dma_wait3A_701 = arith.constant 3 : i32
      %dma_wait3A_702 = arith.constant 0 : i32
      %dma_wait3A_703 = arith.constant 0 : i32
      %dma_wait3A_704 = tpu.memref_slice %arg6[%dma_wait3A_700, %dma_wait3A_701, %dma_wait3A_702, %dma_wait3A_703] : memref<2x5x40x144xf32, #tpu.memory_space<vmem>> -> memref<1x1x40x144xf32, #tpu.memory_space<vmem>>
      %dma_wait3A_705 = tpu.memref_squeeze %dma_wait3A_704 : memref<1x1x40x144xf32, #tpu.memory_space<vmem>> -> memref<40x144xf32, #tpu.memory_space<vmem>>
      %dma_wait3A_706 = arith.constant 0 : i32
      %dma_wait3A_707 = tpu.memref_slice %arg4[%add3A_699, %dma_wait3A_706] : memref<160000x144xf32, #tpu.memory_space<hbm>> -> memref<40x144xf32, #tpu.memory_space<hbm>>
      %dma_wait3A_708 = arith.constant 0 : i32
      %dma_wait3A_709 = tpu.memref_slice %arg4[%add3A_699, %dma_wait3A_708] : memref<160000x144xf32, #tpu.memory_space<hbm>> -> memref<40x144xf32, #tpu.memory_space<hbm>>
      %dma_wait3A_710 = arith.constant 0 : i32
      %dma_wait3A_711 = arith.constant 0 : i32
      %dma_wait3A_712 = tpu.memref_slice %arg6[%dma_wait3A_700, %dma_wait3A_701, %dma_wait3A_710, %dma_wait3A_711] : memref<2x5x40x144xf32, #tpu.memory_space<vmem>> -> memref<1x1x40x144xf32, #tpu.memory_space<vmem>>
      %dma_wait3A_713 = tpu.memref_squeeze %dma_wait3A_712 : memref<1x1x40x144xf32, #tpu.memory_space<vmem>> -> memref<40x144xf32, #tpu.memory_space<vmem>>
      tpu.wait_dma2 semaphore(%arg9 : memref<!tpu.dma_semaphore, #tpu.memory_space<semaphore_mem>>) src(%dma_wait3A_713 : memref<40x144xf32, #tpu.memory_space<vmem>>) dst(%dma_wait3A_709 : memref<40x144xf32, #tpu.memory_space<hbm>>)
      %mul3A_714 = arith.constant 5 : i32
      %mul3A_715 = arith.muli %mul3A_358, %mul3A_714 : i32
      %add3A_716 = arith.constant 4 : i32
      %add3A_717 = arith.addi %mul3A_715, %add3A_716 : i32
      %mul3A_718 = arith.constant 40 : i32
      %mul3A_719 = arith.muli %add3A_717, %mul3A_718 : i32
      %add3A_720 = arith.addi %mul3A_2, %mul3A_719 : i32
      %dma_wait3A_721 = arith.constant 0 : i32
      %dma_wait3A_722 = arith.constant 4 : i32
      %dma_wait3A_723 = arith.constant 0 : i32
      %dma_wait3A_724 = arith.constant 0 : i32
      %dma_wait3A_725 = tpu.memref_slice %arg6[%dma_wait3A_721, %dma_wait3A_722, %dma_wait3A_723, %dma_wait3A_724] : memref<2x5x40x144xf32, #tpu.memory_space<vmem>> -> memref<1x1x40x144xf32, #tpu.memory_space<vmem>>
      %dma_wait3A_726 = tpu.memref_squeeze %dma_wait3A_725 : memref<1x1x40x144xf32, #tpu.memory_space<vmem>> -> memref<40x144xf32, #tpu.memory_space<vmem>>
      %dma_wait3A_727 = arith.constant 0 : i32
      %dma_wait3A_728 = tpu.memref_slice %arg4[%add3A_720, %dma_wait3A_727] : memref<160000x144xf32, #tpu.memory_space<hbm>> -> memref<40x144xf32, #tpu.memory_space<hbm>>
      %dma_wait3A_729 = arith.constant 0 : i32
      %dma_wait3A_730 = tpu.memref_slice %arg4[%add3A_720, %dma_wait3A_729] : memref<160000x144xf32, #tpu.memory_space<hbm>> -> memref<40x144xf32, #tpu.memory_space<hbm>>
      %dma_wait3A_731 = arith.constant 0 : i32
      %dma_wait3A_732 = arith.constant 0 : i32
      %dma_wait3A_733 = tpu.memref_slice %arg6[%dma_wait3A_721, %dma_wait3A_722, %dma_wait3A_731, %dma_wait3A_732] : memref<2x5x40x144xf32, #tpu.memory_space<vmem>> -> memref<1x1x40x144xf32, #tpu.memory_space<vmem>>
      %dma_wait3A_734 = tpu.memref_squeeze %dma_wait3A_733 : memref<1x1x40x144xf32, #tpu.memory_space<vmem>> -> memref<40x144xf32, #tpu.memory_space<vmem>>
      tpu.wait_dma2 semaphore(%arg9 : memref<!tpu.dma_semaphore, #tpu.memory_space<semaphore_mem>>) src(%dma_wait3A_734 : memref<40x144xf32, #tpu.memory_space<vmem>>) dst(%dma_wait3A_730 : memref<40x144xf32, #tpu.memory_space<hbm>>)
      %add3A_735 = arith.constant 2 : i32
      %add3A_736 = arith.addi %mul3A_358, %add3A_735 : i32
      %lt3A = arith.constant 25 : i32
      %lt3A_737 = arith.cmpi slt, %add3A_736, %lt3A : i32
      %convert_element_type3A_738 = arith.extui %lt3A_737 : i1 to i32
      %cond3A_739 = arith.constant 0 : i32
      %cond3A_740 = arith.cmpi ne, %convert_element_type3A_738, %cond3A_739 : i32
      scf.if %cond3A_740 {
        %add3A_926 = arith.constant 2 : i32
        %add3A_927 = arith.addi %mul3A_358, %add3A_926 : i32
        %mul3A_928 = arith.constant 5 : i32
        %mul3A_929 = arith.muli %add3A_927, %mul3A_928 : i32
        %add3A_930 = arith.constant 0 : i32
        %add3A_931 = arith.addi %mul3A_929, %add3A_930 : i32
        %mul3A_932 = arith.constant 40 : i32
        %mul3A_933 = arith.muli %add3A_931, %mul3A_932 : i32
        %dma_start3A_934 = arith.constant 0 : i32
        %dma_start3A_935 = arith.constant 0 : i32
        %dma_start3A_936 = arith.constant 0 : i32
        %dma_start3A_937 = arith.constant 0 : i32
        %dma_start3A_938 = tpu.memref_slice %arg6[%dma_start3A_934, %dma_start3A_935, %dma_start3A_936, %dma_start3A_937] : memref<2x5x40x144xf32, #tpu.memory_space<vmem>> -> memref<1x1x40x144xf32, #tpu.memory_space<vmem>>
        %dma_start3A_939 = tpu.memref_squeeze %dma_start3A_938 : memref<1x1x40x144xf32, #tpu.memory_space<vmem>> -> memref<40x144xf32, #tpu.memory_space<vmem>>
        %dma_start3A_940 = tpu.memref_slice %arg5[%mul3A_933] : memref<5000xi32, #tpu.memory_space<vmem>> -> memref<40xi32, #tpu.memory_space<vmem>>
        %dma_start3A_941 = arith.constant 0 : i32
        %dma_start3A_942 = arith.constant 0 : i32
        %dma_start3A_943 = tpu.memref_slice %arg2[%dma_start3A_941, %dma_start3A_942] : memref<10000x144xf32, #tpu.memory_space<hbm>> -> memref<10000x144xf32, #tpu.memory_space<hbm>>
        tpu.enqueue_indirect_dma source(%dma_start3A_943 : memref<10000x144xf32, #tpu.memory_space<hbm>>) target(%dma_start3A_939 : memref<40x144xf32, #tpu.memory_space<vmem>>) offsets(%dma_start3A_940 : memref<40xi32, #tpu.memory_space<vmem>>) semaphore(%arg7 : memref<!tpu.dma_semaphore, #tpu.memory_space<semaphore_mem>>)
        %add3A_944 = arith.constant 2 : i32
        %add3A_945 = arith.addi %mul3A_358, %add3A_944 : i32
        %mul3A_946 = arith.constant 5 : i32
        %mul3A_947 = arith.muli %add3A_945, %mul3A_946 : i32
        %add3A_948 = arith.constant 1 : i32
        %add3A_949 = arith.addi %mul3A_947, %add3A_948 : i32
        %mul3A_950 = arith.constant 40 : i32
        %mul3A_951 = arith.muli %add3A_949, %mul3A_950 : i32
        %dma_start3A_952 = arith.constant 0 : i32
        %dma_start3A_953 = arith.constant 1 : i32
        %dma_start3A_954 = arith.constant 0 : i32
        %dma_start3A_955 = arith.constant 0 : i32
        %dma_start3A_956 = tpu.memref_slice %arg6[%dma_start3A_952, %dma_start3A_953, %dma_start3A_954, %dma_start3A_955] : memref<2x5x40x144xf32, #tpu.memory_space<vmem>> -> memref<1x1x40x144xf32, #tpu.memory_space<vmem>>
        %dma_start3A_957 = tpu.memref_squeeze %dma_start3A_956 : memref<1x1x40x144xf32, #tpu.memory_space<vmem>> -> memref<40x144xf32, #tpu.memory_space<vmem>>
        %dma_start3A_958 = tpu.memref_slice %arg5[%mul3A_951] : memref<5000xi32, #tpu.memory_space<vmem>> -> memref<40xi32, #tpu.memory_space<vmem>>
        %dma_start3A_959 = arith.constant 0 : i32
        %dma_start3A_960 = arith.constant 0 : i32
        %dma_start3A_961 = tpu.memref_slice %arg2[%dma_start3A_959, %dma_start3A_960] : memref<10000x144xf32, #tpu.memory_space<hbm>> -> memref<10000x144xf32, #tpu.memory_space<hbm>>
        tpu.enqueue_indirect_dma source(%dma_start3A_961 : memref<10000x144xf32, #tpu.memory_space<hbm>>) target(%dma_start3A_957 : memref<40x144xf32, #tpu.memory_space<vmem>>) offsets(%dma_start3A_958 : memref<40xi32, #tpu.memory_space<vmem>>) semaphore(%arg7 : memref<!tpu.dma_semaphore, #tpu.memory_space<semaphore_mem>>)
        %add3A_962 = arith.constant 2 : i32
        %add3A_963 = arith.addi %mul3A_358, %add3A_962 : i32
        %mul3A_964 = arith.constant 5 : i32
        %mul3A_965 = arith.muli %add3A_963, %mul3A_964 : i32
        %add3A_966 = arith.constant 2 : i32
        %add3A_967 = arith.addi %mul3A_965, %add3A_966 : i32
        %mul3A_968 = arith.constant 40 : i32
        %mul3A_969 = arith.muli %add3A_967, %mul3A_968 : i32
        %dma_start3A_970 = arith.constant 0 : i32
        %dma_start3A_971 = arith.constant 2 : i32
        %dma_start3A_972 = arith.constant 0 : i32
        %dma_start3A_973 = arith.constant 0 : i32
        %dma_start3A_974 = tpu.memref_slice %arg6[%dma_start3A_970, %dma_start3A_971, %dma_start3A_972, %dma_start3A_973] : memref<2x5x40x144xf32, #tpu.memory_space<vmem>> -> memref<1x1x40x144xf32, #tpu.memory_space<vmem>>
        %dma_start3A_975 = tpu.memref_squeeze %dma_start3A_974 : memref<1x1x40x144xf32, #tpu.memory_space<vmem>> -> memref<40x144xf32, #tpu.memory_space<vmem>>
        %dma_start3A_976 = tpu.memref_slice %arg5[%mul3A_969] : memref<5000xi32, #tpu.memory_space<vmem>> -> memref<40xi32, #tpu.memory_space<vmem>>
        %dma_start3A_977 = arith.constant 0 : i32
        %dma_start3A_978 = arith.constant 0 : i32
        %dma_start3A_979 = tpu.memref_slice %arg2[%dma_start3A_977, %dma_start3A_978] : memref<10000x144xf32, #tpu.memory_space<hbm>> -> memref<10000x144xf32, #tpu.memory_space<hbm>>
        tpu.enqueue_indirect_dma source(%dma_start3A_979 : memref<10000x144xf32, #tpu.memory_space<hbm>>) target(%dma_start3A_975 : memref<40x144xf32, #tpu.memory_space<vmem>>) offsets(%dma_start3A_976 : memref<40xi32, #tpu.memory_space<vmem>>) semaphore(%arg7 : memref<!tpu.dma_semaphore, #tpu.memory_space<semaphore_mem>>)
        %add3A_980 = arith.constant 2 : i32
        %add3A_981 = arith.addi %mul3A_358, %add3A_980 : i32
        %mul3A_982 = arith.constant 5 : i32
        %mul3A_983 = arith.muli %add3A_981, %mul3A_982 : i32
        %add3A_984 = arith.constant 3 : i32
        %add3A_985 = arith.addi %mul3A_983, %add3A_984 : i32
        %mul3A_986 = arith.constant 40 : i32
        %mul3A_987 = arith.muli %add3A_985, %mul3A_986 : i32
        %dma_start3A_988 = arith.constant 0 : i32
        %dma_start3A_989 = arith.constant 3 : i32
        %dma_start3A_990 = arith.constant 0 : i32
        %dma_start3A_991 = arith.constant 0 : i32
        %dma_start3A_992 = tpu.memref_slice %arg6[%dma_start3A_988, %dma_start3A_989, %dma_start3A_990, %dma_start3A_991] : memref<2x5x40x144xf32, #tpu.memory_space<vmem>> -> memref<1x1x40x144xf32, #tpu.memory_space<vmem>>
        %dma_start3A_993 = tpu.memref_squeeze %dma_start3A_992 : memref<1x1x40x144xf32, #tpu.memory_space<vmem>> -> memref<40x144xf32, #tpu.memory_space<vmem>>
        %dma_start3A_994 = tpu.memref_slice %arg5[%mul3A_987] : memref<5000xi32, #tpu.memory_space<vmem>> -> memref<40xi32, #tpu.memory_space<vmem>>
        %dma_start3A_995 = arith.constant 0 : i32
        %dma_start3A_996 = arith.constant 0 : i32
        %dma_start3A_997 = tpu.memref_slice %arg2[%dma_start3A_995, %dma_start3A_996] : memref<10000x144xf32, #tpu.memory_space<hbm>> -> memref<10000x144xf32, #tpu.memory_space<hbm>>
        tpu.enqueue_indirect_dma source(%dma_start3A_997 : memref<10000x144xf32, #tpu.memory_space<hbm>>) target(%dma_start3A_993 : memref<40x144xf32, #tpu.memory_space<vmem>>) offsets(%dma_start3A_994 : memref<40xi32, #tpu.memory_space<vmem>>) semaphore(%arg7 : memref<!tpu.dma_semaphore, #tpu.memory_space<semaphore_mem>>)
        %add3A_998 = arith.constant 2 : i32
        %add3A_999 = arith.addi %mul3A_358, %add3A_998 : i32
        %mul3A_1000 = arith.constant 5 : i32
        %mul3A_1001 = arith.muli %add3A_999, %mul3A_1000 : i32
        %add3A_1002 = arith.constant 4 : i32
        %add3A_1003 = arith.addi %mul3A_1001, %add3A_1002 : i32
        %mul3A_1004 = arith.constant 40 : i32
        %mul3A_1005 = arith.muli %add3A_1003, %mul3A_1004 : i32
        %dma_start3A_1006 = arith.constant 0 : i32
        %dma_start3A_1007 = arith.constant 4 : i32
        %dma_start3A_1008 = arith.constant 0 : i32
        %dma_start3A_1009 = arith.constant 0 : i32
        %dma_start3A_1010 = tpu.memref_slice %arg6[%dma_start3A_1006, %dma_start3A_1007, %dma_start3A_1008, %dma_start3A_1009] : memref<2x5x40x144xf32, #tpu.memory_space<vmem>> -> memref<1x1x40x144xf32, #tpu.memory_space<vmem>>
        %dma_start3A_1011 = tpu.memref_squeeze %dma_start3A_1010 : memref<1x1x40x144xf32, #tpu.memory_space<vmem>> -> memref<40x144xf32, #tpu.memory_space<vmem>>
        %dma_start3A_1012 = tpu.memref_slice %arg5[%mul3A_1005] : memref<5000xi32, #tpu.memory_space<vmem>> -> memref<40xi32, #tpu.memory_space<vmem>>
        %dma_start3A_1013 = arith.constant 0 : i32
        %dma_start3A_1014 = arith.constant 0 : i32
        %dma_start3A_1015 = tpu.memref_slice %arg2[%dma_start3A_1013, %dma_start3A_1014] : memref<10000x144xf32, #tpu.memory_space<hbm>> -> memref<10000x144xf32, #tpu.memory_space<hbm>>
        tpu.enqueue_indirect_dma source(%dma_start3A_1015 : memref<10000x144xf32, #tpu.memory_space<hbm>>) target(%dma_start3A_1011 : memref<40x144xf32, #tpu.memory_space<vmem>>) offsets(%dma_start3A_1012 : memref<40xi32, #tpu.memory_space<vmem>>) semaphore(%arg7 : memref<!tpu.dma_semaphore, #tpu.memory_space<semaphore_mem>>)
      } else {
      }
      %mul3A_741 = arith.constant 5 : i32
      %mul3A_742 = arith.muli %add3A_362, %mul3A_741 : i32
      %add3A_743 = arith.constant 0 : i32
      %add3A_744 = arith.addi %mul3A_742, %add3A_743 : i32
      %mul3A_745 = arith.constant 40 : i32
      %mul3A_746 = arith.muli %add3A_744, %mul3A_745 : i32
      %dma_wait3A_747 = arith.constant 1 : i32
      %dma_wait3A_748 = arith.constant 0 : i32
      %dma_wait3A_749 = arith.constant 0 : i32
      %dma_wait3A_750 = arith.constant 0 : i32
      %dma_wait3A_751 = tpu.memref_slice %arg6[%dma_wait3A_747, %dma_wait3A_748, %dma_wait3A_749, %dma_wait3A_750] : memref<2x5x40x144xf32, #tpu.memory_space<vmem>> -> memref<1x1x40x144xf32, #tpu.memory_space<vmem>>
      %dma_wait3A_752 = tpu.memref_squeeze %dma_wait3A_751 : memref<1x1x40x144xf32, #tpu.memory_space<vmem>> -> memref<40x144xf32, #tpu.memory_space<vmem>>
      %dma_wait3A_753 = tpu.memref_slice %arg5[%mul3A_746] : memref<5000xi32, #tpu.memory_space<vmem>> -> memref<40xi32, #tpu.memory_space<vmem>>
      %dma_wait3A_754 = arith.constant 0 : i32
      %dma_wait3A_755 = arith.constant 0 : i32
      %dma_wait3A_756 = tpu.memref_slice %arg2[%dma_wait3A_754, %dma_wait3A_755] : memref<10000x144xf32, #tpu.memory_space<hbm>> -> memref<10000x144xf32, #tpu.memory_space<hbm>>
      tpu.wait_indirect_dma semaphore(%arg8 : memref<!tpu.dma_semaphore, #tpu.memory_space<semaphore_mem>>) src(%dma_wait3A_756 : memref<10000x144xf32, #tpu.memory_space<hbm>>) dst(%dma_wait3A_752 : memref<40x144xf32, #tpu.memory_space<vmem>>)
      %mul3A_757 = arith.constant 5 : i32
      %mul3A_758 = arith.muli %add3A_362, %mul3A_757 : i32
      %add3A_759 = arith.constant 1 : i32
      %add3A_760 = arith.addi %mul3A_758, %add3A_759 : i32
      %mul3A_761 = arith.constant 40 : i32
      %mul3A_762 = arith.muli %add3A_760, %mul3A_761 : i32
      %dma_wait3A_763 = arith.constant 1 : i32
      %dma_wait3A_764 = arith.constant 1 : i32
      %dma_wait3A_765 = arith.constant 0 : i32
      %dma_wait3A_766 = arith.constant 0 : i32
      %dma_wait3A_767 = tpu.memref_slice %arg6[%dma_wait3A_763, %dma_wait3A_764, %dma_wait3A_765, %dma_wait3A_766] : memref<2x5x40x144xf32, #tpu.memory_space<vmem>> -> memref<1x1x40x144xf32, #tpu.memory_space<vmem>>
      %dma_wait3A_768 = tpu.memref_squeeze %dma_wait3A_767 : memref<1x1x40x144xf32, #tpu.memory_space<vmem>> -> memref<40x144xf32, #tpu.memory_space<vmem>>
      %dma_wait3A_769 = tpu.memref_slice %arg5[%mul3A_762] : memref<5000xi32, #tpu.memory_space<vmem>> -> memref<40xi32, #tpu.memory_space<vmem>>
      %dma_wait3A_770 = arith.constant 0 : i32
      %dma_wait3A_771 = arith.constant 0 : i32
      %dma_wait3A_772 = tpu.memref_slice %arg2[%dma_wait3A_770, %dma_wait3A_771] : memref<10000x144xf32, #tpu.memory_space<hbm>> -> memref<10000x144xf32, #tpu.memory_space<hbm>>
      tpu.wait_indirect_dma semaphore(%arg8 : memref<!tpu.dma_semaphore, #tpu.memory_space<semaphore_mem>>) src(%dma_wait3A_772 : memref<10000x144xf32, #tpu.memory_space<hbm>>) dst(%dma_wait3A_768 : memref<40x144xf32, #tpu.memory_space<vmem>>)
      %mul3A_773 = arith.constant 5 : i32
      %mul3A_774 = arith.muli %add3A_362, %mul3A_773 : i32
      %add3A_775 = arith.constant 2 : i32
      %add3A_776 = arith.addi %mul3A_774, %add3A_775 : i32
      %mul3A_777 = arith.constant 40 : i32
      %mul3A_778 = arith.muli %add3A_776, %mul3A_777 : i32
      %dma_wait3A_779 = arith.constant 1 : i32
      %dma_wait3A_780 = arith.constant 2 : i32
      %dma_wait3A_781 = arith.constant 0 : i32
      %dma_wait3A_782 = arith.constant 0 : i32
      %dma_wait3A_783 = tpu.memref_slice %arg6[%dma_wait3A_779, %dma_wait3A_780, %dma_wait3A_781, %dma_wait3A_782] : memref<2x5x40x144xf32, #tpu.memory_space<vmem>> -> memref<1x1x40x144xf32, #tpu.memory_space<vmem>>
      %dma_wait3A_784 = tpu.memref_squeeze %dma_wait3A_783 : memref<1x1x40x144xf32, #tpu.memory_space<vmem>> -> memref<40x144xf32, #tpu.memory_space<vmem>>
      %dma_wait3A_785 = tpu.memref_slice %arg5[%mul3A_778] : memref<5000xi32, #tpu.memory_space<vmem>> -> memref<40xi32, #tpu.memory_space<vmem>>
      %dma_wait3A_786 = arith.constant 0 : i32
      %dma_wait3A_787 = arith.constant 0 : i32
      %dma_wait3A_788 = tpu.memref_slice %arg2[%dma_wait3A_786, %dma_wait3A_787] : memref<10000x144xf32, #tpu.memory_space<hbm>> -> memref<10000x144xf32, #tpu.memory_space<hbm>>
      tpu.wait_indirect_dma semaphore(%arg8 : memref<!tpu.dma_semaphore, #tpu.memory_space<semaphore_mem>>) src(%dma_wait3A_788 : memref<10000x144xf32, #tpu.memory_space<hbm>>) dst(%dma_wait3A_784 : memref<40x144xf32, #tpu.memory_space<vmem>>)
      %mul3A_789 = arith.constant 5 : i32
      %mul3A_790 = arith.muli %add3A_362, %mul3A_789 : i32
      %add3A_791 = arith.constant 3 : i32
      %add3A_792 = arith.addi %mul3A_790, %add3A_791 : i32
      %mul3A_793 = arith.constant 40 : i32
      %mul3A_794 = arith.muli %add3A_792, %mul3A_793 : i32
      %dma_wait3A_795 = arith.constant 1 : i32
      %dma_wait3A_796 = arith.constant 3 : i32
      %dma_wait3A_797 = arith.constant 0 : i32
      %dma_wait3A_798 = arith.constant 0 : i32
      %dma_wait3A_799 = tpu.memref_slice %arg6[%dma_wait3A_795, %dma_wait3A_796, %dma_wait3A_797, %dma_wait3A_798] : memref<2x5x40x144xf32, #tpu.memory_space<vmem>> -> memref<1x1x40x144xf32, #tpu.memory_space<vmem>>
      %dma_wait3A_800 = tpu.memref_squeeze %dma_wait3A_799 : memref<1x1x40x144xf32, #tpu.memory_space<vmem>> -> memref<40x144xf32, #tpu.memory_space<vmem>>
      %dma_wait3A_801 = tpu.memref_slice %arg5[%mul3A_794] : memref<5000xi32, #tpu.memory_space<vmem>> -> memref<40xi32, #tpu.memory_space<vmem>>
      %dma_wait3A_802 = arith.constant 0 : i32
      %dma_wait3A_803 = arith.constant 0 : i32
      %dma_wait3A_804 = tpu.memref_slice %arg2[%dma_wait3A_802, %dma_wait3A_803] : memref<10000x144xf32, #tpu.memory_space<hbm>> -> memref<10000x144xf32, #tpu.memory_space<hbm>>
      tpu.wait_indirect_dma semaphore(%arg8 : memref<!tpu.dma_semaphore, #tpu.memory_space<semaphore_mem>>) src(%dma_wait3A_804 : memref<10000x144xf32, #tpu.memory_space<hbm>>) dst(%dma_wait3A_800 : memref<40x144xf32, #tpu.memory_space<vmem>>)
      %mul3A_805 = arith.constant 5 : i32
      %mul3A_806 = arith.muli %add3A_362, %mul3A_805 : i32
      %add3A_807 = arith.constant 4 : i32
      %add3A_808 = arith.addi %mul3A_806, %add3A_807 : i32
      %mul3A_809 = arith.constant 40 : i32
      %mul3A_810 = arith.muli %add3A_808, %mul3A_809 : i32
      %dma_wait3A_811 = arith.constant 1 : i32
      %dma_wait3A_812 = arith.constant 4 : i32
      %dma_wait3A_813 = arith.constant 0 : i32
      %dma_wait3A_814 = arith.constant 0 : i32
      %dma_wait3A_815 = tpu.memref_slice %arg6[%dma_wait3A_811, %dma_wait3A_812, %dma_wait3A_813, %dma_wait3A_814] : memref<2x5x40x144xf32, #tpu.memory_space<vmem>> -> memref<1x1x40x144xf32, #tpu.memory_space<vmem>>
      %dma_wait3A_816 = tpu.memref_squeeze %dma_wait3A_815 : memref<1x1x40x144xf32, #tpu.memory_space<vmem>> -> memref<40x144xf32, #tpu.memory_space<vmem>>
      %dma_wait3A_817 = tpu.memref_slice %arg5[%mul3A_810] : memref<5000xi32, #tpu.memory_space<vmem>> -> memref<40xi32, #tpu.memory_space<vmem>>
      %dma_wait3A_818 = arith.constant 0 : i32
      %dma_wait3A_819 = arith.constant 0 : i32
      %dma_wait3A_820 = tpu.memref_slice %arg2[%dma_wait3A_818, %dma_wait3A_819] : memref<10000x144xf32, #tpu.memory_space<hbm>> -> memref<10000x144xf32, #tpu.memory_space<hbm>>
      tpu.wait_indirect_dma semaphore(%arg8 : memref<!tpu.dma_semaphore, #tpu.memory_space<semaphore_mem>>) src(%dma_wait3A_820 : memref<10000x144xf32, #tpu.memory_space<hbm>>) dst(%dma_wait3A_816 : memref<40x144xf32, #tpu.memory_space<vmem>>)
      %mul3A_821 = arith.constant 5 : i32
      %mul3A_822 = arith.muli %add3A_362, %mul3A_821 : i32
      %add3A_823 = arith.constant 0 : i32
      %add3A_824 = arith.addi %mul3A_822, %add3A_823 : i32
      %mul3A_825 = arith.constant 40 : i32
      %mul3A_826 = arith.muli %add3A_824, %mul3A_825 : i32
      %add3A_827 = arith.addi %mul3A_2, %mul3A_826 : i32
      %dma_start3A_828 = arith.constant 1 : i32
      %dma_start3A_829 = arith.constant 0 : i32
      %dma_start3A_830 = arith.constant 0 : i32
      %dma_start3A_831 = arith.constant 0 : i32
      %dma_start3A_832 = tpu.memref_slice %arg6[%dma_start3A_828, %dma_start3A_829, %dma_start3A_830, %dma_start3A_831] : memref<2x5x40x144xf32, #tpu.memory_space<vmem>> -> memref<1x1x40x144xf32, #tpu.memory_space<vmem>>
      %dma_start3A_833 = tpu.memref_squeeze %dma_start3A_832 : memref<1x1x40x144xf32, #tpu.memory_space<vmem>> -> memref<40x144xf32, #tpu.memory_space<vmem>>
      %dma_start3A_834 = arith.constant 0 : i32
      %dma_start3A_835 = tpu.memref_slice %arg4[%add3A_827, %dma_start3A_834] : memref<160000x144xf32, #tpu.memory_space<hbm>> -> memref<40x144xf32, #tpu.memory_space<hbm>>
      %dma_start3A_836 = arith.constant 0 : i32
      %dma_start3A_837 = tpu.memref_slice %arg4[%add3A_827, %dma_start3A_836] : memref<160000x144xf32, #tpu.memory_space<hbm>> -> memref<40x144xf32, #tpu.memory_space<hbm>>
      %dma_start3A_838 = arith.constant 0 : i32
      %dma_start3A_839 = arith.constant 0 : i32
      %dma_start3A_840 = tpu.memref_slice %arg6[%dma_start3A_828, %dma_start3A_829, %dma_start3A_838, %dma_start3A_839] : memref<2x5x40x144xf32, #tpu.memory_space<vmem>> -> memref<1x1x40x144xf32, #tpu.memory_space<vmem>>
      %dma_start3A_841 = tpu.memref_squeeze %dma_start3A_840 : memref<1x1x40x144xf32, #tpu.memory_space<vmem>> -> memref<40x144xf32, #tpu.memory_space<vmem>>
      tpu.enqueue_dma source(%dma_start3A_841 : memref<40x144xf32, #tpu.memory_space<vmem>>) target(%dma_start3A_837 : memref<40x144xf32, #tpu.memory_space<hbm>>) target_semaphore(%arg10 : memref<!tpu.dma_semaphore, #tpu.memory_space<semaphore_mem>>)
      %mul3A_842 = arith.constant 5 : i32
      %mul3A_843 = arith.muli %add3A_362, %mul3A_842 : i32
      %add3A_844 = arith.constant 1 : i32
      %add3A_845 = arith.addi %mul3A_843, %add3A_844 : i32
      %mul3A_846 = arith.constant 40 : i32
      %mul3A_847 = arith.muli %add3A_845, %mul3A_846 : i32
      %add3A_848 = arith.addi %mul3A_2, %mul3A_847 : i32
      %dma_start3A_849 = arith.constant 1 : i32
      %dma_start3A_850 = arith.constant 1 : i32
      %dma_start3A_851 = arith.constant 0 : i32
      %dma_start3A_852 = arith.constant 0 : i32
      %dma_start3A_853 = tpu.memref_slice %arg6[%dma_start3A_849, %dma_start3A_850, %dma_start3A_851, %dma_start3A_852] : memref<2x5x40x144xf32, #tpu.memory_space<vmem>> -> memref<1x1x40x144xf32, #tpu.memory_space<vmem>>
      %dma_start3A_854 = tpu.memref_squeeze %dma_start3A_853 : memref<1x1x40x144xf32, #tpu.memory_space<vmem>> -> memref<40x144xf32, #tpu.memory_space<vmem>>
      %dma_start3A_855 = arith.constant 0 : i32
      %dma_start3A_856 = tpu.memref_slice %arg4[%add3A_848, %dma_start3A_855] : memref<160000x144xf32, #tpu.memory_space<hbm>> -> memref<40x144xf32, #tpu.memory_space<hbm>>
      %dma_start3A_857 = arith.constant 0 : i32
      %dma_start3A_858 = tpu.memref_slice %arg4[%add3A_848, %dma_start3A_857] : memref<160000x144xf32, #tpu.memory_space<hbm>> -> memref<40x144xf32, #tpu.memory_space<hbm>>
      %dma_start3A_859 = arith.constant 0 : i32
      %dma_start3A_860 = arith.constant 0 : i32
      %dma_start3A_861 = tpu.memref_slice %arg6[%dma_start3A_849, %dma_start3A_850, %dma_start3A_859, %dma_start3A_860] : memref<2x5x40x144xf32, #tpu.memory_space<vmem>> -> memref<1x1x40x144xf32, #tpu.memory_space<vmem>>
      %dma_start3A_862 = tpu.memref_squeeze %dma_start3A_861 : memref<1x1x40x144xf32, #tpu.memory_space<vmem>> -> memref<40x144xf32, #tpu.memory_space<vmem>>
      tpu.enqueue_dma source(%dma_start3A_862 : memref<40x144xf32, #tpu.memory_space<vmem>>) target(%dma_start3A_858 : memref<40x144xf32, #tpu.memory_space<hbm>>) target_semaphore(%arg10 : memref<!tpu.dma_semaphore, #tpu.memory_space<semaphore_mem>>)
      %mul3A_863 = arith.constant 5 : i32
      %mul3A_864 = arith.muli %add3A_362, %mul3A_863 : i32
      %add3A_865 = arith.constant 2 : i32
      %add3A_866 = arith.addi %mul3A_864, %add3A_865 : i32
      %mul3A_867 = arith.constant 40 : i32
      %mul3A_868 = arith.muli %add3A_866, %mul3A_867 : i32
      %add3A_869 = arith.addi %mul3A_2, %mul3A_868 : i32
      %dma_start3A_870 = arith.constant 1 : i32
      %dma_start3A_871 = arith.constant 2 : i32
      %dma_start3A_872 = arith.constant 0 : i32
      %dma_start3A_873 = arith.constant 0 : i32
      %dma_start3A_874 = tpu.memref_slice %arg6[%dma_start3A_870, %dma_start3A_871, %dma_start3A_872, %dma_start3A_873] : memref<2x5x40x144xf32, #tpu.memory_space<vmem>> -> memref<1x1x40x144xf32, #tpu.memory_space<vmem>>
      %dma_start3A_875 = tpu.memref_squeeze %dma_start3A_874 : memref<1x1x40x144xf32, #tpu.memory_space<vmem>> -> memref<40x144xf32, #tpu.memory_space<vmem>>
      %dma_start3A_876 = arith.constant 0 : i32
      %dma_start3A_877 = tpu.memref_slice %arg4[%add3A_869, %dma_start3A_876] : memref<160000x144xf32, #tpu.memory_space<hbm>> -> memref<40x144xf32, #tpu.memory_space<hbm>>
      %dma_start3A_878 = arith.constant 0 : i32
      %dma_start3A_879 = tpu.memref_slice %arg4[%add3A_869, %dma_start3A_878] : memref<160000x144xf32, #tpu.memory_space<hbm>> -> memref<40x144xf32, #tpu.memory_space<hbm>>
      %dma_start3A_880 = arith.constant 0 : i32
      %dma_start3A_881 = arith.constant 0 : i32
      %dma_start3A_882 = tpu.memref_slice %arg6[%dma_start3A_870, %dma_start3A_871, %dma_start3A_880, %dma_start3A_881] : memref<2x5x40x144xf32, #tpu.memory_space<vmem>> -> memref<1x1x40x144xf32, #tpu.memory_space<vmem>>
      %dma_start3A_883 = tpu.memref_squeeze %dma_start3A_882 : memref<1x1x40x144xf32, #tpu.memory_space<vmem>> -> memref<40x144xf32, #tpu.memory_space<vmem>>
      tpu.enqueue_dma source(%dma_start3A_883 : memref<40x144xf32, #tpu.memory_space<vmem>>) target(%dma_start3A_879 : memref<40x144xf32, #tpu.memory_space<hbm>>) target_semaphore(%arg10 : memref<!tpu.dma_semaphore, #tpu.memory_space<semaphore_mem>>)
      %mul3A_884 = arith.constant 5 : i32
      %mul3A_885 = arith.muli %add3A_362, %mul3A_884 : i32
      %add3A_886 = arith.constant 3 : i32
      %add3A_887 = arith.addi %mul3A_885, %add3A_886 : i32
      %mul3A_888 = arith.constant 40 : i32
      %mul3A_889 = arith.muli %add3A_887, %mul3A_888 : i32
      %add3A_890 = arith.addi %mul3A_2, %mul3A_889 : i32
      %dma_start3A_891 = arith.constant 1 : i32
      %dma_start3A_892 = arith.constant 3 : i32
      %dma_start3A_893 = arith.constant 0 : i32
      %dma_start3A_894 = arith.constant 0 : i32
      %dma_start3A_895 = tpu.memref_slice %arg6[%dma_start3A_891, %dma_start3A_892, %dma_start3A_893, %dma_start3A_894] : memref<2x5x40x144xf32, #tpu.memory_space<vmem>> -> memref<1x1x40x144xf32, #tpu.memory_space<vmem>>
      %dma_start3A_896 = tpu.memref_squeeze %dma_start3A_895 : memref<1x1x40x144xf32, #tpu.memory_space<vmem>> -> memref<40x144xf32, #tpu.memory_space<vmem>>
      %dma_start3A_897 = arith.constant 0 : i32
      %dma_start3A_898 = tpu.memref_slice %arg4[%add3A_890, %dma_start3A_897] : memref<160000x144xf32, #tpu.memory_space<hbm>> -> memref<40x144xf32, #tpu.memory_space<hbm>>
      %dma_start3A_899 = arith.constant 0 : i32
      %dma_start3A_900 = tpu.memref_slice %arg4[%add3A_890, %dma_start3A_899] : memref<160000x144xf32, #tpu.memory_space<hbm>> -> memref<40x144xf32, #tpu.memory_space<hbm>>
      %dma_start3A_901 = arith.constant 0 : i32
      %dma_start3A_902 = arith.constant 0 : i32
      %dma_start3A_903 = tpu.memref_slice %arg6[%dma_start3A_891, %dma_start3A_892, %dma_start3A_901, %dma_start3A_902] : memref<2x5x40x144xf32, #tpu.memory_space<vmem>> -> memref<1x1x40x144xf32, #tpu.memory_space<vmem>>
      %dma_start3A_904 = tpu.memref_squeeze %dma_start3A_903 : memref<1x1x40x144xf32, #tpu.memory_space<vmem>> -> memref<40x144xf32, #tpu.memory_space<vmem>>
      tpu.enqueue_dma source(%dma_start3A_904 : memref<40x144xf32, #tpu.memory_space<vmem>>) target(%dma_start3A_900 : memref<40x144xf32, #tpu.memory_space<hbm>>) target_semaphore(%arg10 : memref<!tpu.dma_semaphore, #tpu.memory_space<semaphore_mem>>)
      %mul3A_905 = arith.constant 5 : i32
      %mul3A_906 = arith.muli %add3A_362, %mul3A_905 : i32
      %add3A_907 = arith.constant 4 : i32
      %add3A_908 = arith.addi %mul3A_906, %add3A_907 : i32
      %mul3A_909 = arith.constant 40 : i32
      %mul3A_910 = arith.muli %add3A_908, %mul3A_909 : i32
      %add3A_911 = arith.addi %mul3A_2, %mul3A_910 : i32
      %dma_start3A_912 = arith.constant 1 : i32
      %dma_start3A_913 = arith.constant 4 : i32
      %dma_start3A_914 = arith.constant 0 : i32
      %dma_start3A_915 = arith.constant 0 : i32
      %dma_start3A_916 = tpu.memref_slice %arg6[%dma_start3A_912, %dma_start3A_913, %dma_start3A_914, %dma_start3A_915] : memref<2x5x40x144xf32, #tpu.memory_space<vmem>> -> memref<1x1x40x144xf32, #tpu.memory_space<vmem>>
      %dma_start3A_917 = tpu.memref_squeeze %dma_start3A_916 : memref<1x1x40x144xf32, #tpu.memory_space<vmem>> -> memref<40x144xf32, #tpu.memory_space<vmem>>
      %dma_start3A_918 = arith.constant 0 : i32
      %dma_start3A_919 = tpu.memref_slice %arg4[%add3A_911, %dma_start3A_918] : memref<160000x144xf32, #tpu.memory_space<hbm>> -> memref<40x144xf32, #tpu.memory_space<hbm>>
      %dma_start3A_920 = arith.constant 0 : i32
      %dma_start3A_921 = tpu.memref_slice %arg4[%add3A_911, %dma_start3A_920] : memref<160000x144xf32, #tpu.memory_space<hbm>> -> memref<40x144xf32, #tpu.memory_space<hbm>>
      %dma_start3A_922 = arith.constant 0 : i32
      %dma_start3A_923 = arith.constant 0 : i32
      %dma_start3A_924 = tpu.memref_slice %arg6[%dma_start3A_912, %dma_start3A_913, %dma_start3A_922, %dma_start3A_923] : memref<2x5x40x144xf32, #tpu.memory_space<vmem>> -> memref<1x1x40x144xf32, #tpu.memory_space<vmem>>
      %dma_start3A_925 = tpu.memref_squeeze %dma_start3A_924 : memref<1x1x40x144xf32, #tpu.memory_space<vmem>> -> memref<40x144xf32, #tpu.memory_space<vmem>>
      tpu.enqueue_dma source(%dma_start3A_925 : memref<40x144xf32, #tpu.memory_space<vmem>>) target(%dma_start3A_921 : memref<40x144xf32, #tpu.memory_space<hbm>>) target_semaphore(%arg10 : memref<!tpu.dma_semaphore, #tpu.memory_space<semaphore_mem>>)
    }
    %scan3A_61 = arith.constant 12 : i32
    %add3A_62 = arith.constant 4600 : i32
    %add3A_63 = arith.addi %mul3A_2, %add3A_62 : i32
    %dma_wait3A = arith.constant 1 : i32
    %dma_wait3A_64 = arith.constant 0 : i32
    %dma_wait3A_65 = arith.constant 0 : i32
    %dma_wait3A_66 = arith.constant 0 : i32
    %dma_wait3A_67 = tpu.memref_slice %arg6[%dma_wait3A, %dma_wait3A_64, %dma_wait3A_65, %dma_wait3A_66] : memref<2x5x40x144xf32, #tpu.memory_space<vmem>> -> memref<1x1x40x144xf32, #tpu.memory_space<vmem>>
    %dma_wait3A_68 = tpu.memref_squeeze %dma_wait3A_67 : memref<1x1x40x144xf32, #tpu.memory_space<vmem>> -> memref<40x144xf32, #tpu.memory_space<vmem>>
    %dma_wait3A_69 = arith.constant 0 : i32
    %dma_wait3A_70 = tpu.memref_slice %arg4[%add3A_63, %dma_wait3A_69] : memref<160000x144xf32, #tpu.memory_space<hbm>> -> memref<40x144xf32, #tpu.memory_space<hbm>>
    %dma_wait3A_71 = arith.constant 0 : i32
    %dma_wait3A_72 = tpu.memref_slice %arg4[%add3A_63, %dma_wait3A_71] : memref<160000x144xf32, #tpu.memory_space<hbm>> -> memref<40x144xf32, #tpu.memory_space<hbm>>
    %dma_wait3A_73 = arith.constant 0 : i32
    %dma_wait3A_74 = arith.constant 0 : i32
    %dma_wait3A_75 = tpu.memref_slice %arg6[%dma_wait3A, %dma_wait3A_64, %dma_wait3A_73, %dma_wait3A_74] : memref<2x5x40x144xf32, #tpu.memory_space<vmem>> -> memref<1x1x40x144xf32, #tpu.memory_space<vmem>>
    %dma_wait3A_76 = tpu.memref_squeeze %dma_wait3A_75 : memref<1x1x40x144xf32, #tpu.memory_space<vmem>> -> memref<40x144xf32, #tpu.memory_space<vmem>>
    tpu.wait_dma2 semaphore(%arg10 : memref<!tpu.dma_semaphore, #tpu.memory_space<semaphore_mem>>) src(%dma_wait3A_76 : memref<40x144xf32, #tpu.memory_space<vmem>>) dst(%dma_wait3A_72 : memref<40x144xf32, #tpu.memory_space<hbm>>)
    %add3A_77 = arith.constant 4640 : i32
    %add3A_78 = arith.addi %mul3A_2, %add3A_77 : i32
    %dma_wait3A_79 = arith.constant 1 : i32
    %dma_wait3A_80 = arith.constant 1 : i32
    %dma_wait3A_81 = arith.constant 0 : i32
    %dma_wait3A_82 = arith.constant 0 : i32
    %dma_wait3A_83 = tpu.memref_slice %arg6[%dma_wait3A_79, %dma_wait3A_80, %dma_wait3A_81, %dma_wait3A_82] : memref<2x5x40x144xf32, #tpu.memory_space<vmem>> -> memref<1x1x40x144xf32, #tpu.memory_space<vmem>>
    %dma_wait3A_84 = tpu.memref_squeeze %dma_wait3A_83 : memref<1x1x40x144xf32, #tpu.memory_space<vmem>> -> memref<40x144xf32, #tpu.memory_space<vmem>>
    %dma_wait3A_85 = arith.constant 0 : i32
    %dma_wait3A_86 = tpu.memref_slice %arg4[%add3A_78, %dma_wait3A_85] : memref<160000x144xf32, #tpu.memory_space<hbm>> -> memref<40x144xf32, #tpu.memory_space<hbm>>
    %dma_wait3A_87 = arith.constant 0 : i32
    %dma_wait3A_88 = tpu.memref_slice %arg4[%add3A_78, %dma_wait3A_87] : memref<160000x144xf32, #tpu.memory_space<hbm>> -> memref<40x144xf32, #tpu.memory_space<hbm>>
    %dma_wait3A_89 = arith.constant 0 : i32
    %dma_wait3A_90 = arith.constant 0 : i32
    %dma_wait3A_91 = tpu.memref_slice %arg6[%dma_wait3A_79, %dma_wait3A_80, %dma_wait3A_89, %dma_wait3A_90] : memref<2x5x40x144xf32, #tpu.memory_space<vmem>> -> memref<1x1x40x144xf32, #tpu.memory_space<vmem>>
    %dma_wait3A_92 = tpu.memref_squeeze %dma_wait3A_91 : memref<1x1x40x144xf32, #tpu.memory_space<vmem>> -> memref<40x144xf32, #tpu.memory_space<vmem>>
    tpu.wait_dma2 semaphore(%arg10 : memref<!tpu.dma_semaphore, #tpu.memory_space<semaphore_mem>>) src(%dma_wait3A_92 : memref<40x144xf32, #tpu.memory_space<vmem>>) dst(%dma_wait3A_88 : memref<40x144xf32, #tpu.memory_space<hbm>>)
    %add3A_93 = arith.constant 4680 : i32
    %add3A_94 = arith.addi %mul3A_2, %add3A_93 : i32
    %dma_wait3A_95 = arith.constant 1 : i32
    %dma_wait3A_96 = arith.constant 2 : i32
    %dma_wait3A_97 = arith.constant 0 : i32
    %dma_wait3A_98 = arith.constant 0 : i32
    %dma_wait3A_99 = tpu.memref_slice %arg6[%dma_wait3A_95, %dma_wait3A_96, %dma_wait3A_97, %dma_wait3A_98] : memref<2x5x40x144xf32, #tpu.memory_space<vmem>> -> memref<1x1x40x144xf32, #tpu.memory_space<vmem>>
    %dma_wait3A_100 = tpu.memref_squeeze %dma_wait3A_99 : memref<1x1x40x144xf32, #tpu.memory_space<vmem>> -> memref<40x144xf32, #tpu.memory_space<vmem>>
    %dma_wait3A_101 = arith.constant 0 : i32
    %dma_wait3A_102 = tpu.memref_slice %arg4[%add3A_94, %dma_wait3A_101] : memref<160000x144xf32, #tpu.memory_space<hbm>> -> memref<40x144xf32, #tpu.memory_space<hbm>>
    %dma_wait3A_103 = arith.constant 0 : i32
    %dma_wait3A_104 = tpu.memref_slice %arg4[%add3A_94, %dma_wait3A_103] : memref<160000x144xf32, #tpu.memory_space<hbm>> -> memref<40x144xf32, #tpu.memory_space<hbm>>
    %dma_wait3A_105 = arith.constant 0 : i32
    %dma_wait3A_106 = arith.constant 0 : i32
    %dma_wait3A_107 = tpu.memref_slice %arg6[%dma_wait3A_95, %dma_wait3A_96, %dma_wait3A_105, %dma_wait3A_106] : memref<2x5x40x144xf32, #tpu.memory_space<vmem>> -> memref<1x1x40x144xf32, #tpu.memory_space<vmem>>
    %dma_wait3A_108 = tpu.memref_squeeze %dma_wait3A_107 : memref<1x1x40x144xf32, #tpu.memory_space<vmem>> -> memref<40x144xf32, #tpu.memory_space<vmem>>
    tpu.wait_dma2 semaphore(%arg10 : memref<!tpu.dma_semaphore, #tpu.memory_space<semaphore_mem>>) src(%dma_wait3A_108 : memref<40x144xf32, #tpu.memory_space<vmem>>) dst(%dma_wait3A_104 : memref<40x144xf32, #tpu.memory_space<hbm>>)
    %add3A_109 = arith.constant 4720 : i32
    %add3A_110 = arith.addi %mul3A_2, %add3A_109 : i32
    %dma_wait3A_111 = arith.constant 1 : i32
    %dma_wait3A_112 = arith.constant 3 : i32
    %dma_wait3A_113 = arith.constant 0 : i32
    %dma_wait3A_114 = arith.constant 0 : i32
    %dma_wait3A_115 = tpu.memref_slice %arg6[%dma_wait3A_111, %dma_wait3A_112, %dma_wait3A_113, %dma_wait3A_114] : memref<2x5x40x144xf32, #tpu.memory_space<vmem>> -> memref<1x1x40x144xf32, #tpu.memory_space<vmem>>
    %dma_wait3A_116 = tpu.memref_squeeze %dma_wait3A_115 : memref<1x1x40x144xf32, #tpu.memory_space<vmem>> -> memref<40x144xf32, #tpu.memory_space<vmem>>
    %dma_wait3A_117 = arith.constant 0 : i32
    %dma_wait3A_118 = tpu.memref_slice %arg4[%add3A_110, %dma_wait3A_117] : memref<160000x144xf32, #tpu.memory_space<hbm>> -> memref<40x144xf32, #tpu.memory_space<hbm>>
    %dma_wait3A_119 = arith.constant 0 : i32
    %dma_wait3A_120 = tpu.memref_slice %arg4[%add3A_110, %dma_wait3A_119] : memref<160000x144xf32, #tpu.memory_space<hbm>> -> memref<40x144xf32, #tpu.memory_space<hbm>>
    %dma_wait3A_121 = arith.constant 0 : i32
    %dma_wait3A_122 = arith.constant 0 : i32
    %dma_wait3A_123 = tpu.memref_slice %arg6[%dma_wait3A_111, %dma_wait3A_112, %dma_wait3A_121, %dma_wait3A_122] : memref<2x5x40x144xf32, #tpu.memory_space<vmem>> -> memref<1x1x40x144xf32, #tpu.memory_space<vmem>>
    %dma_wait3A_124 = tpu.memref_squeeze %dma_wait3A_123 : memref<1x1x40x144xf32, #tpu.memory_space<vmem>> -> memref<40x144xf32, #tpu.memory_space<vmem>>
    tpu.wait_dma2 semaphore(%arg10 : memref<!tpu.dma_semaphore, #tpu.memory_space<semaphore_mem>>) src(%dma_wait3A_124 : memref<40x144xf32, #tpu.memory_space<vmem>>) dst(%dma_wait3A_120 : memref<40x144xf32, #tpu.memory_space<hbm>>)
    %add3A_125 = arith.constant 4760 : i32
    %add3A_126 = arith.addi %mul3A_2, %add3A_125 : i32
    %dma_wait3A_127 = arith.constant 1 : i32
    %dma_wait3A_128 = arith.constant 4 : i32
    %dma_wait3A_129 = arith.constant 0 : i32
    %dma_wait3A_130 = arith.constant 0 : i32
    %dma_wait3A_131 = tpu.memref_slice %arg6[%dma_wait3A_127, %dma_wait3A_128, %dma_wait3A_129, %dma_wait3A_130] : memref<2x5x40x144xf32, #tpu.memory_space<vmem>> -> memref<1x1x40x144xf32, #tpu.memory_space<vmem>>
    %dma_wait3A_132 = tpu.memref_squeeze %dma_wait3A_131 : memref<1x1x40x144xf32, #tpu.memory_space<vmem>> -> memref<40x144xf32, #tpu.memory_space<vmem>>
    %dma_wait3A_133 = arith.constant 0 : i32
    %dma_wait3A_134 = tpu.memref_slice %arg4[%add3A_126, %dma_wait3A_133] : memref<160000x144xf32, #tpu.memory_space<hbm>> -> memref<40x144xf32, #tpu.memory_space<hbm>>
    %dma_wait3A_135 = arith.constant 0 : i32
    %dma_wait3A_136 = tpu.memref_slice %arg4[%add3A_126, %dma_wait3A_135] : memref<160000x144xf32, #tpu.memory_space<hbm>> -> memref<40x144xf32, #tpu.memory_space<hbm>>
    %dma_wait3A_137 = arith.constant 0 : i32
    %dma_wait3A_138 = arith.constant 0 : i32
    %dma_wait3A_139 = tpu.memref_slice %arg6[%dma_wait3A_127, %dma_wait3A_128, %dma_wait3A_137, %dma_wait3A_138] : memref<2x5x40x144xf32, #tpu.memory_space<vmem>> -> memref<1x1x40x144xf32, #tpu.memory_space<vmem>>
    %dma_wait3A_140 = tpu.memref_squeeze %dma_wait3A_139 : memref<1x1x40x144xf32, #tpu.memory_space<vmem>> -> memref<40x144xf32, #tpu.memory_space<vmem>>
    tpu.wait_dma2 semaphore(%arg10 : memref<!tpu.dma_semaphore, #tpu.memory_space<semaphore_mem>>) src(%dma_wait3A_140 : memref<40x144xf32, #tpu.memory_space<vmem>>) dst(%dma_wait3A_136 : memref<40x144xf32, #tpu.memory_space<hbm>>)
    %dma_wait3A_141 = arith.constant 0 : i32
    %dma_wait3A_142 = arith.constant 0 : i32
    %dma_wait3A_143 = arith.constant 0 : i32
    %dma_wait3A_144 = arith.constant 0 : i32
    %dma_wait3A_145 = tpu.memref_slice %arg6[%dma_wait3A_141, %dma_wait3A_142, %dma_wait3A_143, %dma_wait3A_144] : memref<2x5x40x144xf32, #tpu.memory_space<vmem>> -> memref<1x1x40x144xf32, #tpu.memory_space<vmem>>
    %dma_wait3A_146 = tpu.memref_squeeze %dma_wait3A_145 : memref<1x1x40x144xf32, #tpu.memory_space<vmem>> -> memref<40x144xf32, #tpu.memory_space<vmem>>
    %dma_wait3A_147 = arith.constant 4800 : i32
    %dma_wait3A_148 = tpu.memref_slice %arg5[%dma_wait3A_147] : memref<5000xi32, #tpu.memory_space<vmem>> -> memref<40xi32, #tpu.memory_space<vmem>>
    %dma_wait3A_149 = arith.constant 0 : i32
    %dma_wait3A_150 = arith.constant 0 : i32
    %dma_wait3A_151 = tpu.memref_slice %arg2[%dma_wait3A_149, %dma_wait3A_150] : memref<10000x144xf32, #tpu.memory_space<hbm>> -> memref<10000x144xf32, #tpu.memory_space<hbm>>
    tpu.wait_indirect_dma semaphore(%arg7 : memref<!tpu.dma_semaphore, #tpu.memory_space<semaphore_mem>>) src(%dma_wait3A_151 : memref<10000x144xf32, #tpu.memory_space<hbm>>) dst(%dma_wait3A_146 : memref<40x144xf32, #tpu.memory_space<vmem>>)
    %dma_wait3A_152 = arith.constant 0 : i32
    %dma_wait3A_153 = arith.constant 1 : i32
    %dma_wait3A_154 = arith.constant 0 : i32
    %dma_wait3A_155 = arith.constant 0 : i32
    %dma_wait3A_156 = tpu.memref_slice %arg6[%dma_wait3A_152, %dma_wait3A_153, %dma_wait3A_154, %dma_wait3A_155] : memref<2x5x40x144xf32, #tpu.memory_space<vmem>> -> memref<1x1x40x144xf32, #tpu.memory_space<vmem>>
    %dma_wait3A_157 = tpu.memref_squeeze %dma_wait3A_156 : memref<1x1x40x144xf32, #tpu.memory_space<vmem>> -> memref<40x144xf32, #tpu.memory_space<vmem>>
    %dma_wait3A_158 = arith.constant 4840 : i32
    %dma_wait3A_159 = tpu.memref_slice %arg5[%dma_wait3A_158] : memref<5000xi32, #tpu.memory_space<vmem>> -> memref<40xi32, #tpu.memory_space<vmem>>
    %dma_wait3A_160 = arith.constant 0 : i32
    %dma_wait3A_161 = arith.constant 0 : i32
    %dma_wait3A_162 = tpu.memref_slice %arg2[%dma_wait3A_160, %dma_wait3A_161] : memref<10000x144xf32, #tpu.memory_space<hbm>> -> memref<10000x144xf32, #tpu.memory_space<hbm>>
    tpu.wait_indirect_dma semaphore(%arg7 : memref<!tpu.dma_semaphore, #tpu.memory_space<semaphore_mem>>) src(%dma_wait3A_162 : memref<10000x144xf32, #tpu.memory_space<hbm>>) dst(%dma_wait3A_157 : memref<40x144xf32, #tpu.memory_space<vmem>>)
    %dma_wait3A_163 = arith.constant 0 : i32
    %dma_wait3A_164 = arith.constant 2 : i32
    %dma_wait3A_165 = arith.constant 0 : i32
    %dma_wait3A_166 = arith.constant 0 : i32
    %dma_wait3A_167 = tpu.memref_slice %arg6[%dma_wait3A_163, %dma_wait3A_164, %dma_wait3A_165, %dma_wait3A_166] : memref<2x5x40x144xf32, #tpu.memory_space<vmem>> -> memref<1x1x40x144xf32, #tpu.memory_space<vmem>>
    %dma_wait3A_168 = tpu.memref_squeeze %dma_wait3A_167 : memref<1x1x40x144xf32, #tpu.memory_space<vmem>> -> memref<40x144xf32, #tpu.memory_space<vmem>>
    %dma_wait3A_169 = arith.constant 4880 : i32
    %dma_wait3A_170 = tpu.memref_slice %arg5[%dma_wait3A_169] : memref<5000xi32, #tpu.memory_space<vmem>> -> memref<40xi32, #tpu.memory_space<vmem>>
    %dma_wait3A_171 = arith.constant 0 : i32
    %dma_wait3A_172 = arith.constant 0 : i32
    %dma_wait3A_173 = tpu.memref_slice %arg2[%dma_wait3A_171, %dma_wait3A_172] : memref<10000x144xf32, #tpu.memory_space<hbm>> -> memref<10000x144xf32, #tpu.memory_space<hbm>>
    tpu.wait_indirect_dma semaphore(%arg7 : memref<!tpu.dma_semaphore, #tpu.memory_space<semaphore_mem>>) src(%dma_wait3A_173 : memref<10000x144xf32, #tpu.memory_space<hbm>>) dst(%dma_wait3A_168 : memref<40x144xf32, #tpu.memory_space<vmem>>)
    %dma_wait3A_174 = arith.constant 0 : i32
    %dma_wait3A_175 = arith.constant 3 : i32
    %dma_wait3A_176 = arith.constant 0 : i32
    %dma_wait3A_177 = arith.constant 0 : i32
    %dma_wait3A_178 = tpu.memref_slice %arg6[%dma_wait3A_174, %dma_wait3A_175, %dma_wait3A_176, %dma_wait3A_177] : memref<2x5x40x144xf32, #tpu.memory_space<vmem>> -> memref<1x1x40x144xf32, #tpu.memory_space<vmem>>
    %dma_wait3A_179 = tpu.memref_squeeze %dma_wait3A_178 : memref<1x1x40x144xf32, #tpu.memory_space<vmem>> -> memref<40x144xf32, #tpu.memory_space<vmem>>
    %dma_wait3A_180 = arith.constant 4920 : i32
    %dma_wait3A_181 = tpu.memref_slice %arg5[%dma_wait3A_180] : memref<5000xi32, #tpu.memory_space<vmem>> -> memref<40xi32, #tpu.memory_space<vmem>>
    %dma_wait3A_182 = arith.constant 0 : i32
    %dma_wait3A_183 = arith.constant 0 : i32
    %dma_wait3A_184 = tpu.memref_slice %arg2[%dma_wait3A_182, %dma_wait3A_183] : memref<10000x144xf32, #tpu.memory_space<hbm>> -> memref<10000x144xf32, #tpu.memory_space<hbm>>
    tpu.wait_indirect_dma semaphore(%arg7 : memref<!tpu.dma_semaphore, #tpu.memory_space<semaphore_mem>>) src(%dma_wait3A_184 : memref<10000x144xf32, #tpu.memory_space<hbm>>) dst(%dma_wait3A_179 : memref<40x144xf32, #tpu.memory_space<vmem>>)
    %dma_wait3A_185 = arith.constant 0 : i32
    %dma_wait3A_186 = arith.constant 4 : i32
    %dma_wait3A_187 = arith.constant 0 : i32
    %dma_wait3A_188 = arith.constant 0 : i32
    %dma_wait3A_189 = tpu.memref_slice %arg6[%dma_wait3A_185, %dma_wait3A_186, %dma_wait3A_187, %dma_wait3A_188] : memref<2x5x40x144xf32, #tpu.memory_space<vmem>> -> memref<1x1x40x144xf32, #tpu.memory_space<vmem>>
    %dma_wait3A_190 = tpu.memref_squeeze %dma_wait3A_189 : memref<1x1x40x144xf32, #tpu.memory_space<vmem>> -> memref<40x144xf32, #tpu.memory_space<vmem>>
    %dma_wait3A_191 = arith.constant 4960 : i32
    %dma_wait3A_192 = tpu.memref_slice %arg5[%dma_wait3A_191] : memref<5000xi32, #tpu.memory_space<vmem>> -> memref<40xi32, #tpu.memory_space<vmem>>
    %dma_wait3A_193 = arith.constant 0 : i32
    %dma_wait3A_194 = arith.constant 0 : i32
    %dma_wait3A_195 = tpu.memref_slice %arg2[%dma_wait3A_193, %dma_wait3A_194] : memref<10000x144xf32, #tpu.memory_space<hbm>> -> memref<10000x144xf32, #tpu.memory_space<hbm>>
    tpu.wait_indirect_dma semaphore(%arg7 : memref<!tpu.dma_semaphore, #tpu.memory_space<semaphore_mem>>) src(%dma_wait3A_195 : memref<10000x144xf32, #tpu.memory_space<hbm>>) dst(%dma_wait3A_190 : memref<40x144xf32, #tpu.memory_space<vmem>>)
    %add3A_196 = arith.constant 4800 : i32
    %add3A_197 = arith.addi %mul3A_2, %add3A_196 : i32
    %dma_start3A_198 = arith.constant 0 : i32
    %dma_start3A_199 = arith.constant 0 : i32
    %dma_start3A_200 = arith.constant 0 : i32
    %dma_start3A_201 = arith.constant 0 : i32
    %dma_start3A_202 = tpu.memref_slice %arg6[%dma_start3A_198, %dma_start3A_199, %dma_start3A_200, %dma_start3A_201] : memref<2x5x40x144xf32, #tpu.memory_space<vmem>> -> memref<1x1x40x144xf32, #tpu.memory_space<vmem>>
    %dma_start3A_203 = tpu.memref_squeeze %dma_start3A_202 : memref<1x1x40x144xf32, #tpu.memory_space<vmem>> -> memref<40x144xf32, #tpu.memory_space<vmem>>
    %dma_start3A_204 = arith.constant 0 : i32
    %dma_start3A_205 = tpu.memref_slice %arg4[%add3A_197, %dma_start3A_204] : memref<160000x144xf32, #tpu.memory_space<hbm>> -> memref<40x144xf32, #tpu.memory_space<hbm>>
    %dma_start3A_206 = arith.constant 0 : i32
    %dma_start3A_207 = tpu.memref_slice %arg4[%add3A_197, %dma_start3A_206] : memref<160000x144xf32, #tpu.memory_space<hbm>> -> memref<40x144xf32, #tpu.memory_space<hbm>>
    %dma_start3A_208 = arith.constant 0 : i32
    %dma_start3A_209 = arith.constant 0 : i32
    %dma_start3A_210 = tpu.memref_slice %arg6[%dma_start3A_198, %dma_start3A_199, %dma_start3A_208, %dma_start3A_209] : memref<2x5x40x144xf32, #tpu.memory_space<vmem>> -> memref<1x1x40x144xf32, #tpu.memory_space<vmem>>
    %dma_start3A_211 = tpu.memref_squeeze %dma_start3A_210 : memref<1x1x40x144xf32, #tpu.memory_space<vmem>> -> memref<40x144xf32, #tpu.memory_space<vmem>>
    tpu.enqueue_dma source(%dma_start3A_211 : memref<40x144xf32, #tpu.memory_space<vmem>>) target(%dma_start3A_207 : memref<40x144xf32, #tpu.memory_space<hbm>>) target_semaphore(%arg9 : memref<!tpu.dma_semaphore, #tpu.memory_space<semaphore_mem>>)
    %add3A_212 = arith.constant 4840 : i32
    %add3A_213 = arith.addi %mul3A_2, %add3A_212 : i32
    %dma_start3A_214 = arith.constant 0 : i32
    %dma_start3A_215 = arith.constant 1 : i32
    %dma_start3A_216 = arith.constant 0 : i32
    %dma_start3A_217 = arith.constant 0 : i32
    %dma_start3A_218 = tpu.memref_slice %arg6[%dma_start3A_214, %dma_start3A_215, %dma_start3A_216, %dma_start3A_217] : memref<2x5x40x144xf32, #tpu.memory_space<vmem>> -> memref<1x1x40x144xf32, #tpu.memory_space<vmem>>
    %dma_start3A_219 = tpu.memref_squeeze %dma_start3A_218 : memref<1x1x40x144xf32, #tpu.memory_space<vmem>> -> memref<40x144xf32, #tpu.memory_space<vmem>>
    %dma_start3A_220 = arith.constant 0 : i32
    %dma_start3A_221 = tpu.memref_slice %arg4[%add3A_213, %dma_start3A_220] : memref<160000x144xf32, #tpu.memory_space<hbm>> -> memref<40x144xf32, #tpu.memory_space<hbm>>
    %dma_start3A_222 = arith.constant 0 : i32
    %dma_start3A_223 = tpu.memref_slice %arg4[%add3A_213, %dma_start3A_222] : memref<160000x144xf32, #tpu.memory_space<hbm>> -> memref<40x144xf32, #tpu.memory_space<hbm>>
    %dma_start3A_224 = arith.constant 0 : i32
    %dma_start3A_225 = arith.constant 0 : i32
    %dma_start3A_226 = tpu.memref_slice %arg6[%dma_start3A_214, %dma_start3A_215, %dma_start3A_224, %dma_start3A_225] : memref<2x5x40x144xf32, #tpu.memory_space<vmem>> -> memref<1x1x40x144xf32, #tpu.memory_space<vmem>>
    %dma_start3A_227 = tpu.memref_squeeze %dma_start3A_226 : memref<1x1x40x144xf32, #tpu.memory_space<vmem>> -> memref<40x144xf32, #tpu.memory_space<vmem>>
    tpu.enqueue_dma source(%dma_start3A_227 : memref<40x144xf32, #tpu.memory_space<vmem>>) target(%dma_start3A_223 : memref<40x144xf32, #tpu.memory_space<hbm>>) target_semaphore(%arg9 : memref<!tpu.dma_semaphore, #tpu.memory_space<semaphore_mem>>)
    %add3A_228 = arith.constant 4880 : i32
    %add3A_229 = arith.addi %mul3A_2, %add3A_228 : i32
    %dma_start3A_230 = arith.constant 0 : i32
    %dma_start3A_231 = arith.constant 2 : i32
    %dma_start3A_232 = arith.constant 0 : i32
    %dma_start3A_233 = arith.constant 0 : i32
    %dma_start3A_234 = tpu.memref_slice %arg6[%dma_start3A_230, %dma_start3A_231, %dma_start3A_232, %dma_start3A_233] : memref<2x5x40x144xf32, #tpu.memory_space<vmem>> -> memref<1x1x40x144xf32, #tpu.memory_space<vmem>>
    %dma_start3A_235 = tpu.memref_squeeze %dma_start3A_234 : memref<1x1x40x144xf32, #tpu.memory_space<vmem>> -> memref<40x144xf32, #tpu.memory_space<vmem>>
    %dma_start3A_236 = arith.constant 0 : i32
    %dma_start3A_237 = tpu.memref_slice %arg4[%add3A_229, %dma_start3A_236] : memref<160000x144xf32, #tpu.memory_space<hbm>> -> memref<40x144xf32, #tpu.memory_space<hbm>>
    %dma_start3A_238 = arith.constant 0 : i32
    %dma_start3A_239 = tpu.memref_slice %arg4[%add3A_229, %dma_start3A_238] : memref<160000x144xf32, #tpu.memory_space<hbm>> -> memref<40x144xf32, #tpu.memory_space<hbm>>
    %dma_start3A_240 = arith.constant 0 : i32
    %dma_start3A_241 = arith.constant 0 : i32
    %dma_start3A_242 = tpu.memref_slice %arg6[%dma_start3A_230, %dma_start3A_231, %dma_start3A_240, %dma_start3A_241] : memref<2x5x40x144xf32, #tpu.memory_space<vmem>> -> memref<1x1x40x144xf32, #tpu.memory_space<vmem>>
    %dma_start3A_243 = tpu.memref_squeeze %dma_start3A_242 : memref<1x1x40x144xf32, #tpu.memory_space<vmem>> -> memref<40x144xf32, #tpu.memory_space<vmem>>
    tpu.enqueue_dma source(%dma_start3A_243 : memref<40x144xf32, #tpu.memory_space<vmem>>) target(%dma_start3A_239 : memref<40x144xf32, #tpu.memory_space<hbm>>) target_semaphore(%arg9 : memref<!tpu.dma_semaphore, #tpu.memory_space<semaphore_mem>>)
    %add3A_244 = arith.constant 4920 : i32
    %add3A_245 = arith.addi %mul3A_2, %add3A_244 : i32
    %dma_start3A_246 = arith.constant 0 : i32
    %dma_start3A_247 = arith.constant 3 : i32
    %dma_start3A_248 = arith.constant 0 : i32
    %dma_start3A_249 = arith.constant 0 : i32
    %dma_start3A_250 = tpu.memref_slice %arg6[%dma_start3A_246, %dma_start3A_247, %dma_start3A_248, %dma_start3A_249] : memref<2x5x40x144xf32, #tpu.memory_space<vmem>> -> memref<1x1x40x144xf32, #tpu.memory_space<vmem>>
    %dma_start3A_251 = tpu.memref_squeeze %dma_start3A_250 : memref<1x1x40x144xf32, #tpu.memory_space<vmem>> -> memref<40x144xf32, #tpu.memory_space<vmem>>
    %dma_start3A_252 = arith.constant 0 : i32
    %dma_start3A_253 = tpu.memref_slice %arg4[%add3A_245, %dma_start3A_252] : memref<160000x144xf32, #tpu.memory_space<hbm>> -> memref<40x144xf32, #tpu.memory_space<hbm>>
    %dma_start3A_254 = arith.constant 0 : i32
    %dma_start3A_255 = tpu.memref_slice %arg4[%add3A_245, %dma_start3A_254] : memref<160000x144xf32, #tpu.memory_space<hbm>> -> memref<40x144xf32, #tpu.memory_space<hbm>>
    %dma_start3A_256 = arith.constant 0 : i32
    %dma_start3A_257 = arith.constant 0 : i32
    %dma_start3A_258 = tpu.memref_slice %arg6[%dma_start3A_246, %dma_start3A_247, %dma_start3A_256, %dma_start3A_257] : memref<2x5x40x144xf32, #tpu.memory_space<vmem>> -> memref<1x1x40x144xf32, #tpu.memory_space<vmem>>
    %dma_start3A_259 = tpu.memref_squeeze %dma_start3A_258 : memref<1x1x40x144xf32, #tpu.memory_space<vmem>> -> memref<40x144xf32, #tpu.memory_space<vmem>>
    tpu.enqueue_dma source(%dma_start3A_259 : memref<40x144xf32, #tpu.memory_space<vmem>>) target(%dma_start3A_255 : memref<40x144xf32, #tpu.memory_space<hbm>>) target_semaphore(%arg9 : memref<!tpu.dma_semaphore, #tpu.memory_space<semaphore_mem>>)
    %add3A_260 = arith.constant 4960 : i32
    %add3A_261 = arith.addi %mul3A_2, %add3A_260 : i32
    %dma_start3A_262 = arith.constant 0 : i32
    %dma_start3A_263 = arith.constant 4 : i32
    %dma_start3A_264 = arith.constant 0 : i32
    %dma_start3A_265 = arith.constant 0 : i32
    %dma_start3A_266 = tpu.memref_slice %arg6[%dma_start3A_262, %dma_start3A_263, %dma_start3A_264, %dma_start3A_265] : memref<2x5x40x144xf32, #tpu.memory_space<vmem>> -> memref<1x1x40x144xf32, #tpu.memory_space<vmem>>
    %dma_start3A_267 = tpu.memref_squeeze %dma_start3A_266 : memref<1x1x40x144xf32, #tpu.memory_space<vmem>> -> memref<40x144xf32, #tpu.memory_space<vmem>>
    %dma_start3A_268 = arith.constant 0 : i32
    %dma_start3A_269 = tpu.memref_slice %arg4[%add3A_261, %dma_start3A_268] : memref<160000x144xf32, #tpu.memory_space<hbm>> -> memref<40x144xf32, #tpu.memory_space<hbm>>
    %dma_start3A_270 = arith.constant 0 : i32
    %dma_start3A_271 = tpu.memref_slice %arg4[%add3A_261, %dma_start3A_270] : memref<160000x144xf32, #tpu.memory_space<hbm>> -> memref<40x144xf32, #tpu.memory_space<hbm>>
    %dma_start3A_272 = arith.constant 0 : i32
    %dma_start3A_273 = arith.constant 0 : i32
    %dma_start3A_274 = tpu.memref_slice %arg6[%dma_start3A_262, %dma_start3A_263, %dma_start3A_272, %dma_start3A_273] : memref<2x5x40x144xf32, #tpu.memory_space<vmem>> -> memref<1x1x40x144xf32, #tpu.memory_space<vmem>>
    %dma_start3A_275 = tpu.memref_squeeze %dma_start3A_274 : memref<1x1x40x144xf32, #tpu.memory_space<vmem>> -> memref<40x144xf32, #tpu.memory_space<vmem>>
    tpu.enqueue_dma source(%dma_start3A_275 : memref<40x144xf32, #tpu.memory_space<vmem>>) target(%dma_start3A_271 : memref<40x144xf32, #tpu.memory_space<hbm>>) target_semaphore(%arg9 : memref<!tpu.dma_semaphore, #tpu.memory_space<semaphore_mem>>)
    %add3A_276 = arith.constant 4800 : i32
    %add3A_277 = arith.addi %mul3A_2, %add3A_276 : i32
    %dma_wait3A_278 = arith.constant 0 : i32
    %dma_wait3A_279 = arith.constant 0 : i32
    %dma_wait3A_280 = arith.constant 0 : i32
    %dma_wait3A_281 = arith.constant 0 : i32
    %dma_wait3A_282 = tpu.memref_slice %arg6[%dma_wait3A_278, %dma_wait3A_279, %dma_wait3A_280, %dma_wait3A_281] : memref<2x5x40x144xf32, #tpu.memory_space<vmem>> -> memref<1x1x40x144xf32, #tpu.memory_space<vmem>>
    %dma_wait3A_283 = tpu.memref_squeeze %dma_wait3A_282 : memref<1x1x40x144xf32, #tpu.memory_space<vmem>> -> memref<40x144xf32, #tpu.memory_space<vmem>>
    %dma_wait3A_284 = arith.constant 0 : i32
    %dma_wait3A_285 = tpu.memref_slice %arg4[%add3A_277, %dma_wait3A_284] : memref<160000x144xf32, #tpu.memory_space<hbm>> -> memref<40x144xf32, #tpu.memory_space<hbm>>
    %dma_wait3A_286 = arith.constant 0 : i32
    %dma_wait3A_287 = tpu.memref_slice %arg4[%add3A_277, %dma_wait3A_286] : memref<160000x144xf32, #tpu.memory_space<hbm>> -> memref<40x144xf32, #tpu.memory_space<hbm>>
    %dma_wait3A_288 = arith.constant 0 : i32
    %dma_wait3A_289 = arith.constant 0 : i32
    %dma_wait3A_290 = tpu.memref_slice %arg6[%dma_wait3A_278, %dma_wait3A_279, %dma_wait3A_288, %dma_wait3A_289] : memref<2x5x40x144xf32, #tpu.memory_space<vmem>> -> memref<1x1x40x144xf32, #tpu.memory_space<vmem>>
    %dma_wait3A_291 = tpu.memref_squeeze %dma_wait3A_290 : memref<1x1x40x144xf32, #tpu.memory_space<vmem>> -> memref<40x144xf32, #tpu.memory_space<vmem>>
    tpu.wait_dma2 semaphore(%arg9 : memref<!tpu.dma_semaphore, #tpu.memory_space<semaphore_mem>>) src(%dma_wait3A_291 : memref<40x144xf32, #tpu.memory_space<vmem>>) dst(%dma_wait3A_287 : memref<40x144xf32, #tpu.memory_space<hbm>>)
    %add3A_292 = arith.constant 4840 : i32
    %add3A_293 = arith.addi %mul3A_2, %add3A_292 : i32
    %dma_wait3A_294 = arith.constant 0 : i32
    %dma_wait3A_295 = arith.constant 1 : i32
    %dma_wait3A_296 = arith.constant 0 : i32
    %dma_wait3A_297 = arith.constant 0 : i32
    %dma_wait3A_298 = tpu.memref_slice %arg6[%dma_wait3A_294, %dma_wait3A_295, %dma_wait3A_296, %dma_wait3A_297] : memref<2x5x40x144xf32, #tpu.memory_space<vmem>> -> memref<1x1x40x144xf32, #tpu.memory_space<vmem>>
    %dma_wait3A_299 = tpu.memref_squeeze %dma_wait3A_298 : memref<1x1x40x144xf32, #tpu.memory_space<vmem>> -> memref<40x144xf32, #tpu.memory_space<vmem>>
    %dma_wait3A_300 = arith.constant 0 : i32
    %dma_wait3A_301 = tpu.memref_slice %arg4[%add3A_293, %dma_wait3A_300] : memref<160000x144xf32, #tpu.memory_space<hbm>> -> memref<40x144xf32, #tpu.memory_space<hbm>>
    %dma_wait3A_302 = arith.constant 0 : i32
    %dma_wait3A_303 = tpu.memref_slice %arg4[%add3A_293, %dma_wait3A_302] : memref<160000x144xf32, #tpu.memory_space<hbm>> -> memref<40x144xf32, #tpu.memory_space<hbm>>
    %dma_wait3A_304 = arith.constant 0 : i32
    %dma_wait3A_305 = arith.constant 0 : i32
    %dma_wait3A_306 = tpu.memref_slice %arg6[%dma_wait3A_294, %dma_wait3A_295, %dma_wait3A_304, %dma_wait3A_305] : memref<2x5x40x144xf32, #tpu.memory_space<vmem>> -> memref<1x1x40x144xf32, #tpu.memory_space<vmem>>
    %dma_wait3A_307 = tpu.memref_squeeze %dma_wait3A_306 : memref<1x1x40x144xf32, #tpu.memory_space<vmem>> -> memref<40x144xf32, #tpu.memory_space<vmem>>
    tpu.wait_dma2 semaphore(%arg9 : memref<!tpu.dma_semaphore, #tpu.memory_space<semaphore_mem>>) src(%dma_wait3A_307 : memref<40x144xf32, #tpu.memory_space<vmem>>) dst(%dma_wait3A_303 : memref<40x144xf32, #tpu.memory_space<hbm>>)
    %add3A_308 = arith.constant 4880 : i32
    %add3A_309 = arith.addi %mul3A_2, %add3A_308 : i32
    %dma_wait3A_310 = arith.constant 0 : i32
    %dma_wait3A_311 = arith.constant 2 : i32
    %dma_wait3A_312 = arith.constant 0 : i32
    %dma_wait3A_313 = arith.constant 0 : i32
    %dma_wait3A_314 = tpu.memref_slice %arg6[%dma_wait3A_310, %dma_wait3A_311, %dma_wait3A_312, %dma_wait3A_313] : memref<2x5x40x144xf32, #tpu.memory_space<vmem>> -> memref<1x1x40x144xf32, #tpu.memory_space<vmem>>
    %dma_wait3A_315 = tpu.memref_squeeze %dma_wait3A_314 : memref<1x1x40x144xf32, #tpu.memory_space<vmem>> -> memref<40x144xf32, #tpu.memory_space<vmem>>
    %dma_wait3A_316 = arith.constant 0 : i32
    %dma_wait3A_317 = tpu.memref_slice %arg4[%add3A_309, %dma_wait3A_316] : memref<160000x144xf32, #tpu.memory_space<hbm>> -> memref<40x144xf32, #tpu.memory_space<hbm>>
    %dma_wait3A_318 = arith.constant 0 : i32
    %dma_wait3A_319 = tpu.memref_slice %arg4[%add3A_309, %dma_wait3A_318] : memref<160000x144xf32, #tpu.memory_space<hbm>> -> memref<40x144xf32, #tpu.memory_space<hbm>>
    %dma_wait3A_320 = arith.constant 0 : i32
    %dma_wait3A_321 = arith.constant 0 : i32
    %dma_wait3A_322 = tpu.memref_slice %arg6[%dma_wait3A_310, %dma_wait3A_311, %dma_wait3A_320, %dma_wait3A_321] : memref<2x5x40x144xf32, #tpu.memory_space<vmem>> -> memref<1x1x40x144xf32, #tpu.memory_space<vmem>>
    %dma_wait3A_323 = tpu.memref_squeeze %dma_wait3A_322 : memref<1x1x40x144xf32, #tpu.memory_space<vmem>> -> memref<40x144xf32, #tpu.memory_space<vmem>>
    tpu.wait_dma2 semaphore(%arg9 : memref<!tpu.dma_semaphore, #tpu.memory_space<semaphore_mem>>) src(%dma_wait3A_323 : memref<40x144xf32, #tpu.memory_space<vmem>>) dst(%dma_wait3A_319 : memref<40x144xf32, #tpu.memory_space<hbm>>)
    %add3A_324 = arith.constant 4920 : i32
    %add3A_325 = arith.addi %mul3A_2, %add3A_324 : i32
    %dma_wait3A_326 = arith.constant 0 : i32
    %dma_wait3A_327 = arith.constant 3 : i32
    %dma_wait3A_328 = arith.constant 0 : i32
    %dma_wait3A_329 = arith.constant 0 : i32
    %dma_wait3A_330 = tpu.memref_slice %arg6[%dma_wait3A_326, %dma_wait3A_327, %dma_wait3A_328, %dma_wait3A_329] : memref<2x5x40x144xf32, #tpu.memory_space<vmem>> -> memref<1x1x40x144xf32, #tpu.memory_space<vmem>>
    %dma_wait3A_331 = tpu.memref_squeeze %dma_wait3A_330 : memref<1x1x40x144xf32, #tpu.memory_space<vmem>> -> memref<40x144xf32, #tpu.memory_space<vmem>>
    %dma_wait3A_332 = arith.constant 0 : i32
    %dma_wait3A_333 = tpu.memref_slice %arg4[%add3A_325, %dma_wait3A_332] : memref<160000x144xf32, #tpu.memory_space<hbm>> -> memref<40x144xf32, #tpu.memory_space<hbm>>
    %dma_wait3A_334 = arith.constant 0 : i32
    %dma_wait3A_335 = tpu.memref_slice %arg4[%add3A_325, %dma_wait3A_334] : memref<160000x144xf32, #tpu.memory_space<hbm>> -> memref<40x144xf32, #tpu.memory_space<hbm>>
    %dma_wait3A_336 = arith.constant 0 : i32
    %dma_wait3A_337 = arith.constant 0 : i32
    %dma_wait3A_338 = tpu.memref_slice %arg6[%dma_wait3A_326, %dma_wait3A_327, %dma_wait3A_336, %dma_wait3A_337] : memref<2x5x40x144xf32, #tpu.memory_space<vmem>> -> memref<1x1x40x144xf32, #tpu.memory_space<vmem>>
    %dma_wait3A_339 = tpu.memref_squeeze %dma_wait3A_338 : memref<1x1x40x144xf32, #tpu.memory_space<vmem>> -> memref<40x144xf32, #tpu.memory_space<vmem>>
    tpu.wait_dma2 semaphore(%arg9 : memref<!tpu.dma_semaphore, #tpu.memory_space<semaphore_mem>>) src(%dma_wait3A_339 : memref<40x144xf32, #tpu.memory_space<vmem>>) dst(%dma_wait3A_335 : memref<40x144xf32, #tpu.memory_space<hbm>>)
    %add3A_340 = arith.constant 4960 : i32
    %add3A_341 = arith.addi %mul3A_2, %add3A_340 : i32
    %dma_wait3A_342 = arith.constant 0 : i32
    %dma_wait3A_343 = arith.constant 4 : i32
    %dma_wait3A_344 = arith.constant 0 : i32
    %dma_wait3A_345 = arith.constant 0 : i32
    %dma_wait3A_346 = tpu.memref_slice %arg6[%dma_wait3A_342, %dma_wait3A_343, %dma_wait3A_344, %dma_wait3A_345] : memref<2x5x40x144xf32, #tpu.memory_space<vmem>> -> memref<1x1x40x144xf32, #tpu.memory_space<vmem>>
    %dma_wait3A_347 = tpu.memref_squeeze %dma_wait3A_346 : memref<1x1x40x144xf32, #tpu.memory_space<vmem>> -> memref<40x144xf32, #tpu.memory_space<vmem>>
    %dma_wait3A_348 = arith.constant 0 : i32
    %dma_wait3A_349 = tpu.memref_slice %arg4[%add3A_341, %dma_wait3A_348] : memref<160000x144xf32, #tpu.memory_space<hbm>> -> memref<40x144xf32, #tpu.memory_space<hbm>>
    %dma_wait3A_350 = arith.constant 0 : i32
    %dma_wait3A_351 = tpu.memref_slice %arg4[%add3A_341, %dma_wait3A_350] : memref<160000x144xf32, #tpu.memory_space<hbm>> -> memref<40x144xf32, #tpu.memory_space<hbm>>
    %dma_wait3A_352 = arith.constant 0 : i32
    %dma_wait3A_353 = arith.constant 0 : i32
    %dma_wait3A_354 = tpu.memref_slice %arg6[%dma_wait3A_342, %dma_wait3A_343, %dma_wait3A_352, %dma_wait3A_353] : memref<2x5x40x144xf32, #tpu.memory_space<vmem>> -> memref<1x1x40x144xf32, #tpu.memory_space<vmem>>
    %dma_wait3A_355 = tpu.memref_squeeze %dma_wait3A_354 : memref<1x1x40x144xf32, #tpu.memory_space<vmem>> -> memref<40x144xf32, #tpu.memory_space<vmem>>
    tpu.wait_dma2 semaphore(%arg9 : memref<!tpu.dma_semaphore, #tpu.memory_space<semaphore_mem>>) src(%dma_wait3A_355 : memref<40x144xf32, #tpu.memory_space<vmem>>) dst(%dma_wait3A_351 : memref<40x144xf32, #tpu.memory_space<hbm>>)
    return
  }
}

module attributes {stable_mosaic.version = 14 : i64} {
  func.func @_tc_body(%arg0: i32, %arg1: memref<6400x144xf32, #tpu.memory_space<vmem>>, %arg2: memref<200x3xf32, #tpu.memory_space<vmem>>, %arg3: memref<6x64xf32, #tpu.memory_space<vmem>>, %arg4: memref<1x64xf32, #tpu.memory_space<vmem>>, %arg5: memref<64x128xf32, #tpu.memory_space<vmem>>, %arg6: memref<1x128xf32, #tpu.memory_space<vmem>>, %arg7: memref<200x128xf32, #tpu.memory_space<vmem>>) attributes {dimension_semantics = [#tpu.dimension_semantics<arbitrary>], iteration_bounds = array<i64: 25>, scalar_prefetch = 0 : i64, scratch_operands = 0 : i64, tpu.core_type = #tpu.core_type<tc>, window_params = [{transform_indices = @transform_0, window_bounds = array<i64: 6400, 144>}, {transform_indices = @transform_1, window_bounds = array<i64: 200, 3>}, {pipeline_mode = #tpu.pipeline_mode<synchronous>, transform_indices = @transform_2, window_bounds = array<i64: 6, 64>}, {pipeline_mode = #tpu.pipeline_mode<synchronous>, transform_indices = @transform_3, window_bounds = array<i64: 1, 64>}, {pipeline_mode = #tpu.pipeline_mode<synchronous>, transform_indices = @transform_4, window_bounds = array<i64: 64, 128>}, {pipeline_mode = #tpu.pipeline_mode<synchronous>, transform_indices = @transform_5, window_bounds = array<i64: 1, 128>}, {transform_indices = @transform_6, window_bounds = array<i64: 200, 128>}]} {
    %get3A = arith.constant 0 : index
    %get3A_0 = arith.constant 0 : index
    %get3A_1 = vector.load %arg2[%get3A, %get3A_0] : memref<200x3xf32, #tpu.memory_space<vmem>>, vector<200x3xf32>
    %get3A_2 = arith.constant 0 : index
    %get3A_3 = arith.constant 0 : index
    %get3A_4 = vector.load %arg1[%get3A_2, %get3A_3] : memref<6400x144xf32, #tpu.memory_space<vmem>>, vector<6400x144xf32>
    %slice3A = vector.extract_strided_slice %get3A_4 {offsets = [0, 0], sizes = [6400, 128], strides = [1, 1]} : vector<6400x144xf32> to vector<6400x128xf32>
    %slice3A_5 = vector.extract_strided_slice %get3A_4 {offsets = [0, 128], sizes = [6400, 3], strides = [1, 1]} : vector<6400x144xf32> to vector<6400x3xf32>
    %get3A_6 = arith.constant 0 : index
    %get3A_7 = arith.constant 0 : index
    %get3A_8 = vector.load %arg3[%get3A_6, %get3A_7] : memref<6x64xf32, #tpu.memory_space<vmem>>, vector<6x64xf32>
    %get3A_9 = arith.constant 0 : index
    %get3A_10 = arith.constant 0 : index
    %get3A_11 = vector.load %arg4[%get3A_9, %get3A_10] : memref<1x64xf32, #tpu.memory_space<vmem>>, vector<1x64xf32>
    %get3A_12 = arith.constant 0 : index
    %get3A_13 = arith.constant 0 : index
    %get3A_14 = vector.load %arg5[%get3A_12, %get3A_13] : memref<64x128xf32, #tpu.memory_space<vmem>>, vector<64x128xf32>
    %get3A_15 = arith.constant 0 : index
    %get3A_16 = arith.constant 0 : index
    %get3A_17 = vector.load %arg6[%get3A_15, %get3A_16] : memref<1x128xf32, #tpu.memory_space<vmem>>, vector<1x128xf32>
    %broadcast_in_dim3A = vector.shape_cast %get3A_1 : vector<200x3xf32> to vector<200x1x3xf32>
    %broadcast_in_dim3A_18 = vector.shape_cast %broadcast_in_dim3A : vector<200x1x3xf32> to vector<200x1x3xf32>
    %broadcast_in_dim3A_19 = vector.broadcast %broadcast_in_dim3A_18 : vector<200x1x3xf32> to vector<200x32x3xf32>
    %reshape3A = vector.shape_cast %broadcast_in_dim3A_19 : vector<200x32x3xf32> to vector<6400x3xf32>
    %mul3A = arith.mulf %slice3A_5, %slice3A_5 : vector<6400x3xf32>
    %mul3A_20 = arith.mulf %slice3A_5, %reshape3A : vector<6400x3xf32>
    %mul3A_21 = arith.mulf %reshape3A, %reshape3A : vector<6400x3xf32>
    %concatenate3A = tpu.concatenate %mul3A, %mul3A_20, %mul3A_21 in 1 : vector<6400x3xf32>, vector<6400x3xf32>, vector<6400x3xf32> -> vector<6400x9xf32>
    %iota3A = tpu.iota {dimensions = array<i32: 0>} : vector<9x128xi32>
    %lt3A = arith.constant 3 : i32
    %lt3A_22 = vector.broadcast %lt3A : i32 to vector<9x128xi32>
    %lt3A_23 = arith.cmpi slt, %iota3A, %lt3A_22 : vector<9x128xi32>
    %jit3A = arith.constant 1.000000e+00 : f32
    %jit3A_24 = arith.constant 0.000000e+00 : f32
    %broadcast_in_dim3A_25 = vector.broadcast %jit3A : f32 to vector<9x128xf32>
    %broadcast_in_dim3A_26 = vector.broadcast %jit3A_24 : f32 to vector<9x128xf32>
    %select_n3A = arith.select %lt3A_23, %broadcast_in_dim3A_25, %broadcast_in_dim3A_26 : vector<9x128xi1>, vector<9x128xf32>
    %ge3A = arith.constant 3 : i32
    %ge3A_27 = vector.broadcast %ge3A : i32 to vector<9x128xi32>
    %ge3A_28 = arith.cmpi sge, %iota3A, %ge3A_27 : vector<9x128xi32>
    %lt3A_29 = arith.constant 6 : i32
    %lt3A_30 = vector.broadcast %lt3A_29 : i32 to vector<9x128xi32>
    %lt3A_31 = arith.cmpi slt, %iota3A, %lt3A_30 : vector<9x128xi32>
    %and3A = arith.andi %ge3A_28, %lt3A_31 : vector<9x128xi1>
    %jit3A_32 = arith.constant 1.000000e+00 : f32
    %jit3A_33 = arith.constant 0.000000e+00 : f32
    %broadcast_in_dim3A_34 = vector.broadcast %jit3A_32 : f32 to vector<9x128xf32>
    %broadcast_in_dim3A_35 = vector.broadcast %jit3A_33 : f32 to vector<9x128xf32>
    %select_n3A_36 = arith.select %and3A, %broadcast_in_dim3A_34, %broadcast_in_dim3A_35 : vector<9x128xi1>, vector<9x128xf32>
    %ge3A_37 = arith.constant 6 : i32
    %ge3A_38 = vector.broadcast %ge3A_37 : i32 to vector<9x128xi32>
    %ge3A_39 = arith.cmpi sge, %iota3A, %ge3A_38 : vector<9x128xi32>
    %jit3A_40 = arith.constant 1.000000e+00 : f32
    %jit3A_41 = arith.constant 0.000000e+00 : f32
    %broadcast_in_dim3A_42 = vector.broadcast %jit3A_40 : f32 to vector<9x128xf32>
    %broadcast_in_dim3A_43 = vector.broadcast %jit3A_41 : f32 to vector<9x128xf32>
    %select_n3A_44 = arith.select %ge3A_39, %broadcast_in_dim3A_42, %broadcast_in_dim3A_43 : vector<9x128xi1>, vector<9x128xf32>
    %dot_general3A = arith.constant dense<0.000000e+00> : vector<6400x128xf32>
    %dot_general3A_45 = tpu.matmul %concatenate3A, %select_n3A, %dot_general3A {dimension_numbers = #tpu.dot_dimension_numbers<[1], [0], [0], [1], [0, 0, 1, 1], [], []>, transpose_lhs_hint = false} : vector<6400x9xf32>, vector<9x128xf32>, vector<6400x128xf32> -> vector<6400x128xf32>
    %dot_general3A_46 = arith.constant dense<0.000000e+00> : vector<6400x128xf32>
    %dot_general3A_47 = tpu.matmul %concatenate3A, %select_n3A_36, %dot_general3A_46 {dimension_numbers = #tpu.dot_dimension_numbers<[1], [0], [0], [1], [0, 0, 1, 1], [], []>, transpose_lhs_hint = false} : vector<6400x9xf32>, vector<9x128xf32>, vector<6400x128xf32> -> vector<6400x128xf32>
    %dot_general3A_48 = arith.constant dense<0.000000e+00> : vector<6400x128xf32>
    %dot_general3A_49 = tpu.matmul %concatenate3A, %select_n3A_44, %dot_general3A_48 {dimension_numbers = #tpu.dot_dimension_numbers<[1], [0], [0], [1], [0, 0, 1, 1], [], []>, transpose_lhs_hint = false} : vector<6400x9xf32>, vector<9x128xf32>, vector<6400x128xf32> -> vector<6400x128xf32>
    %max3A = arith.constant 1.000000e-24 : f32
    %max3A_50 = vector.broadcast %max3A : f32 to vector<6400x128xf32>
    %max3A_51 = arith.maximumf %dot_general3A_45, %max3A_50 : vector<6400x128xf32>
    %rsqrt3A = math.rsqrt %max3A_51 : vector<6400x128xf32>
    %max3A_52 = arith.constant 1.000000e-24 : f32
    %max3A_53 = vector.broadcast %max3A_52 : f32 to vector<6400x128xf32>
    %max3A_54 = arith.maximumf %dot_general3A_49, %max3A_53 : vector<6400x128xf32>
    %rsqrt3A_55 = math.rsqrt %max3A_54 : vector<6400x128xf32>
    %mul3A_56 = arith.mulf %rsqrt3A, %rsqrt3A_55 : vector<6400x128xf32>
    %mul3A_57 = arith.mulf %dot_general3A_47, %mul3A_56 : vector<6400x128xf32>
    %exp3A = math.exp %mul3A_57 : vector<6400x128xf32>
    %concatenate3A_58 = tpu.concatenate %slice3A_5, %reshape3A in 1 : vector<6400x3xf32>, vector<6400x3xf32> -> vector<6400x6xf32>
    %dot_general3A_59 = arith.constant dense<0.000000e+00> : vector<6400x64xf32>
    %dot_general3A_60 = tpu.matmul %concatenate3A_58, %get3A_8, %dot_general3A_59 {dimension_numbers = #tpu.dot_dimension_numbers<[1], [0], [0], [1], [0, 0, 1, 1], [], []>, transpose_lhs_hint = false} : vector<6400x6xf32>, vector<6x64xf32>, vector<6400x64xf32> -> vector<6400x64xf32>
    %add3A = vector.broadcast %get3A_11 : vector<1x64xf32> to vector<6400x64xf32>
    %add3A_61 = arith.addf %dot_general3A_60, %add3A : vector<6400x64xf32>
    %mul3A_62 = arith.constant 4.471500e-02 : f32
    %mul3A_63 = vector.broadcast %mul3A_62 : f32 to vector<6400x64xf32>
    %mul3A_64 = arith.mulf %mul3A_63, %add3A_61 : vector<6400x64xf32>
    %mul3A_65 = arith.mulf %mul3A_64, %add3A_61 : vector<6400x64xf32>
    %mul3A_66 = arith.mulf %mul3A_65, %add3A_61 : vector<6400x64xf32>
    %add3A_67 = arith.addf %add3A_61, %mul3A_66 : vector<6400x64xf32>
    %mul3A_68 = arith.constant 0.797884583 : f32
    %mul3A_69 = vector.broadcast %mul3A_68 : f32 to vector<6400x64xf32>
    %mul3A_70 = arith.mulf %mul3A_69, %add3A_67 : vector<6400x64xf32>
    %mul3A_71 = arith.constant 5.000000e-01 : f32
    %mul3A_72 = vector.broadcast %mul3A_71 : f32 to vector<6400x64xf32>
    %mul3A_73 = arith.mulf %mul3A_72, %add3A_61 : vector<6400x64xf32>
    %tanh3A = math.tanh %mul3A_70 : vector<6400x64xf32>
    %add3A_74 = arith.constant 1.000000e+00 : f32
    %add3A_75 = vector.broadcast %add3A_74 : f32 to vector<6400x64xf32>
    %add3A_76 = arith.addf %add3A_75, %tanh3A : vector<6400x64xf32>
    %mul3A_77 = arith.mulf %mul3A_73, %add3A_76 : vector<6400x64xf32>
    %dot_general3A_78 = arith.constant dense<0.000000e+00> : vector<6400x128xf32>
    %dot_general3A_79 = tpu.matmul %mul3A_77, %get3A_14, %dot_general3A_78 {dimension_numbers = #tpu.dot_dimension_numbers<[1], [0], [0], [1], [0, 0, 1, 1], [], []>, transpose_lhs_hint = false} : vector<6400x64xf32>, vector<64x128xf32>, vector<6400x128xf32> -> vector<6400x128xf32>
    %add3A_80 = vector.broadcast %get3A_17 : vector<1x128xf32> to vector<6400x128xf32>
    %add3A_81 = arith.addf %dot_general3A_79, %add3A_80 : vector<6400x128xf32>
    %mul3A_82 = arith.mulf %add3A_81, %slice3A : vector<6400x128xf32>
    %mul3A_83 = arith.mulf %mul3A_82, %exp3A : vector<6400x128xf32>
    %reshape3A_84 = vector.shape_cast %mul3A_83 : vector<6400x128xf32> to vector<200x32x128xf32>
    %reduce_sum3A = arith.constant dense<0.000000e+00> : vector<200x128xf32>
    %reduce_sum3A_85 = vector.multi_reduction <add>, %reshape3A_84, %reduce_sum3A [1] : vector<200x32x128xf32> to vector<200x128xf32>
    %reshape3A_86 = vector.shape_cast %exp3A : vector<6400x128xf32> to vector<200x32x128xf32>
    %reduce_sum3A_87 = arith.constant dense<0.000000e+00> : vector<200x128xf32>
    %reduce_sum3A_88 = vector.multi_reduction <add>, %reshape3A_86, %reduce_sum3A_87 [1] : vector<200x32x128xf32> to vector<200x128xf32>
    %div3A = arith.divf %reduce_sum3A_85, %reduce_sum3A_88 : vector<200x128xf32>
    %swap3A = arith.constant 0 : index
    %swap3A_89 = arith.constant 0 : index
    %swap3A_90 = vector.load %arg7[%swap3A, %swap3A_89] : memref<200x128xf32, #tpu.memory_space<vmem>>, vector<200x128xf32>
    tpu.vector_store %arg7[%swap3A, %swap3A_89], %div3A {strides = array<i32>} : memref<200x128xf32, #tpu.memory_space<vmem>>, vector<200x128xf32>,
    return
  }
  func.func @transform_0(%arg0: i32) -> (i32, i32) {
    %c0_i32 = arith.constant 0 : i32
    %c0_i32_0 = arith.constant 0 : i32
    return %arg0, %c0_i32 : i32, i32
  }
  func.func @transform_1(%arg0: i32) -> (i32, i32) {
    %c0_i32 = arith.constant 0 : i32
    %c0_i32_0 = arith.constant 0 : i32
    return %arg0, %c0_i32 : i32, i32
  }
  func.func @transform_2(%arg0: i32) -> (i32, i32) {
    %c0_i32 = arith.constant 0 : i32
    %c0_i32_0 = arith.constant 0 : i32
    %c0_i32_1 = arith.constant 0 : i32
    return %c0_i32, %c0_i32_0 : i32, i32
  }
  func.func @transform_3(%arg0: i32) -> (i32, i32) {
    %c0_i32 = arith.constant 0 : i32
    %c0_i32_0 = arith.constant 0 : i32
    %c0_i32_1 = arith.constant 0 : i32
    return %c0_i32, %c0_i32_0 : i32, i32
  }
  func.func @transform_4(%arg0: i32) -> (i32, i32) {
    %c0_i32 = arith.constant 0 : i32
    %c0_i32_0 = arith.constant 0 : i32
    %c0_i32_1 = arith.constant 0 : i32
    return %c0_i32, %c0_i32_0 : i32, i32
  }
  func.func @transform_5(%arg0: i32) -> (i32, i32) {
    %c0_i32 = arith.constant 0 : i32
    %c0_i32_0 = arith.constant 0 : i32
    %c0_i32_1 = arith.constant 0 : i32
    return %c0_i32, %c0_i32_0 : i32, i32
  }
  func.func @transform_6(%arg0: i32) -> (i32, i32) {
    %c0_i32 = arith.constant 0 : i32
    %c0_i32_0 = arith.constant 0 : i32
    return %arg0, %c0_i32 : i32, i32
  }
}

</mosaic_0001>

<sc_bundles>
// kernel: kernel.6.cloned.1.call-start
scs
__scs_entry_jumppad:
0x0: {  	(pc) =	sbr.rel $0x88, $3  }
0x1: {  	(tag) =	ssettag $0x0;
	lr =	simm.s32 $0x1  }
0x2: {  	[smem:$0x3F9A] =	sst lr;
	_ =	strace $0xD0000000  }
0x3: {  	_ = 	snop  }
0x4: {  	_ = 	snop  }
0x5: {  	_ = 	snop  }
0x6: {  	_ = 	snop  }
0x7: {  	_ = 	snop  }
__scs_overlays_trampoline_lowered:
0x8: {  	[smem:$0x3FA9] =	sst s0  }
0x9: {  	[smem:$0x3FAA] =	sst s1  }
0xa: {  	[smem:$0x3FAB] =	sst s2  }
0xb: {  	[smem:$0x3FAC] =	sst s3  }
0xc: {  	[smem:$0x3FAD] =	sst s4  }
0xd: {  	[smem:$0x3FAE] =	sst s5  }
0xe: {  	[smem:$0x3FAF] =	sst s6  }
0xf: {  	[smem:$0x3FB0] =	sst s7  }
0x10: {  	[smem:$0x3FB1] =	sst s8  }
0x11: {  	[smem:$0x3FB2] =	sst s9;
	s0 =	simm.s32 @!p0 $0x0  }
0x12: {  	s1 =	sld [smem:$0x3F98];
	s0 =	simm.s32 @p0 $0x1  }
0x13: {  	[smem:$0x3FB3] =	sst s0;
	s0 =	simm.s32 @!p1 $0x0  }
0x14: {  	s2 =	sld [smem:$0x3F97];
	s0 =	simm.s32 @p1 $0x1  }
0x15: {  	[smem:$0x3FB4] =	sst s0;
	s0 =	simm.s32 @!p2 $0x0  }
0x16: {  	s3 =	sld [smem:$0x3FDB];
	s0 =	simm.s32 @p2 $0x1  }
0x17: {  	s4 =	simm.s32 $0x1BF5;
	[smem:$0x3FB6] =	sst s0  }
0x18: {  	s0 =	sld [smem:$0x3F99];
	_ =	swait.ge [sflag:s4], $0x0  }
0x19: {  	s7 =	sld [smem:$0x3F9A]  }
0x1a: {  	s8 =	sadd.s32 $0xFFFFE003, lr  }
0x1b: {  	s9 =	sadd.s32 $0xFFFFFEF7, lr;
	s5 =	simm.s32 $0xFFFFFFFF;
	p2 =	slt.u32 s8, $0xFFFFF086  }
0x1c: {  	p1 =	slt.u32 s9, $0xF7A;
	s5 =	simm.s32 @!p2 $0x0  }
0x1d: {  	s5 =	simm.s32 @p1 $0x1;
	p0 =	seq.s32 s7, s2  }
0x1e: {  	s7 =	smul.u32 @!p0 $0xF7A, s2;
	p2 =	seq.s32 @!p0 s5, $0x0  }
0x1f: {  	s9 =	smul.u32 $0xF7A, s1;
	s8 =	simm.s32 @!p0 $0x1BF5;
	p2 =	por !p2, p0  }
0x20: {  	[sflag:s8] =	ssyncset.s32 @!p0 $0xFFFFF086;
	s6 =	sadd.s32 @!p0 s3, s7;
	s7 =	simm.s32 @!p0 $0x108  }
0x21: {  	s3 =	sadd.s32 s3, s9;
	s6 =	sadd.s32 @!p0 $0x88, s6;
	s7 =	simm.s32 @p2 $0x1082  }
0x22: {  	[simem:s7], [sflag:s8] =	dma.local @!p0 [hbm:s6], $0xF7A  }
0x23: {  	s9 =	sor.u32 $0xD0000000, s2;
	s6 =	simm.s32 $0x108;
	_ =	swait.ge @!p0 [sflag:s8], $0x0  }
0x24: {  	s3 =	sadd.s32 $0x88, s3;
	s6 =	simm.s32 @!p1 $0x1082;
	[sflag:s4] =	ssyncset.s32 $0xFFFFF086  }
0x25: {  	[simem:s6], [sflag:s4] =	dma.local [hbm:s3], $0xF7A  }
0x26: {  	[smem:$0x3F9A] =	sst s1;
	(tag) =	ssettag s2;
	_ =	strace s9  }
0x27: {  	s1 =	sld [smem:$0x3FAA]  }
0x28: {  	s2 =	sld [smem:$0x3FAB]  }
0x29: {  	s4 =	sld [smem:$0x3FAD]  }
0x2a: {  	p0 =	seq.s32 s5, $0x0;
	s5 =	sld [smem:$0x3FAE]  }
0x2b: {  	s6 =	sld [smem:$0x3FAF]  }
0x2c: {  	s7 =	sld [smem:$0x3FB0]  }
0x2d: {  	s3 =	simm.s32 $0x108;
	s8 =	sld [smem:$0x3FB1]  }
0x2e: {  	s3 =	simm.s32 @!p0 $0x1082;
	s9 =	sld [smem:$0x3FB2]  }
0x2f: {  	lr =	sadd.s32 s0, s3;
	s0 =	sld [smem:$0x3FA9]  }
0x30: {  	s3 =	sld [smem:$0x3FAC]  }
0x31: {  	[smem:$0x3FB5] =	sst s10  }
0x32: {  	s10 =	sld [smem:$0x3FB3];
	_ =	sdelay $0x3  }
0x33: {  	p0 =	seq.s32 s10, $0x1;
	s10 =	sld [smem:$0x3FB5];
	_ =	sdelay $0x3  }
0x34: {  	[smem:$0x3FB5] =	sst s10  }
0x35: {  	s10 =	sld [smem:$0x3FB4];
	_ =	sdelay $0x3  }
0x36: {  	p1 =	seq.s32 s10, $0x1;
	s10 =	sld [smem:$0x3FB5];
	_ =	sdelay $0x3  }
0x37: {  	[smem:$0x3FB5] =	sst s10  }
0x38: {  	s10 =	sld [smem:$0x3FB6]  }
0x39: {  	_ = 	snop;
	(pc) =	sbr.ind lr, $3  }
0x3a: {  	_ = 	snop  }
0x3b: {  	_ = 	snop  }
0x3c: {  	p2 =	seq.s32 s10, $0x1;
	s10 =	sld [smem:$0x3FB5]  }
0x3d: {  	_ =	shalt  }
0x3e: {  	_ =	shalt  }
0x3f: {  	_ =	shalt  }
0x40: {  	_ =	shalt  }
0x41: {  	_ =	shalt  }
0x42: {  	_ =	shalt  }
0x43: {  	_ =	shalt  }
0x44: {  	_ =	shalt  }
0x45: {  	_ =	shalt  }
0x46: {  	_ =	shalt  }
0x47: {  	_ =	shalt  }
0x48: {  	_ =	shalt  }
0x49: {  	_ =	shalt  }
0x4a: {  	_ =	shalt  }
0x4b: {  	_ =	shalt  }
0x4c: {  	_ =	shalt  }
0x4d: {  	_ =	shalt  }
0x4e: {  	_ =	shalt  }
0x4f: {  	_ =	shalt  }
0x50: {  	_ =	shalt  }
0x51: {  	_ =	shalt  }
0x52: {  	_ =	shalt  }
0x53: {  	_ =	shalt  }
0x54: {  	_ =	shalt  }
0x55: {  	_ =	shalt  }
0x56: {  	_ =	shalt  }
0x57: {  	_ =	shalt  }
0x58: {  	_ =	shalt  }
0x59: {  	_ =	shalt  }
0x5a: {  	_ =	shalt  }
0x5b: {  	_ =	shalt  }
0x5c: {  	_ =	shalt  }
0x5d: {  	_ =	shalt  }
0x5e: {  	_ =	shalt  }
0x5f: {  	_ =	shalt  }
0x60: {  	_ =	shalt  }
0x61: {  	_ =	shalt  }
0x62: {  	_ =	shalt  }
0x63: {  	_ =	shalt  }
0x64: {  	_ =	shalt  }
0x65: {  	_ =	shalt  }
0x66: {  	_ =	shalt  }
0x67: {  	_ =	shalt  }
0x68: {  	_ =	shalt  }
0x69: {  	_ =	shalt  }
0x6a: {  	_ =	shalt  }
0x6b: {  	_ =	shalt  }
0x6c: {  	_ =	shalt  }
0x6d: {  	_ =	shalt  }
0x6e: {  	_ =	shalt  }
0x6f: {  	_ =	shalt  }
0x70: {  	_ =	shalt  }
0x71: {  	_ =	shalt  }
0x72: {  	_ =	shalt  }
0x73: {  	_ =	shalt  }
0x74: {  	_ =	shalt  }
0x75: {  	_ =	shalt  }
0x76: {  	_ =	shalt  }
0x77: {  	_ =	shalt  }
0x78: {  	_ =	shalt  }
0x79: {  	_ =	shalt  }
0x7a: {  	_ =	shalt  }
0x7b: {  	_ =	shalt  }
0x7c: {  	_ =	shalt  }
0x7d: {  	_ =	shalt  }
0x7e: {  	_ =	shalt  }
0x7f: {  	_ =	shalt  }
0x80: {  	_ =	shalt  }
0x81: {  	_ =	shalt  }
0x82: {  	_ =	shalt  }
0x83: {  	_ =	shalt  }
0x84: {  	_ =	shalt  }
0x85: {  	_ =	shalt  }
0x86: {  	_ =	shalt  }
0x87: {  	_ =	shalt  }
.Lfunc_end0:
.L_simem_size_0:
called_computation_lowered:
.L_overlay_start_0:
0x88: {  	s2 =	sld [smem:$0x3FD9]  }
0x89: {  	s3 =	sld [smem:$0x3FFE];
	_ =	sdelay $0x1  }
0x8a: {  	s1 =	srdreg.scid  }
0x8b: {  	s0 =	sand.u32 $0x1, s1  }
0x8c: {  	s17 =	sshll.u32 s0, $0xA;
	s2 =	sadd.s32 s3, s2  }
0x8d: {  	s2 =	sadd.s32 s2, s17  }
0x8e: {  	[smem:$0x3FC1] =	sst s2  }
0x8f: {  	_ = 	snop  }
0x90: {  	(tm) =	ssettm $0x1  }
0x91: {  	s18 =	sld [smem:$0x3FFB];
	_ =	sdelay $0x3  }
0x92: {  	_ =	strace s18  }
0x93: {  	s2 =	sld [smem:$0x3FFC];
	_ =	sdelay $0x3  }
0x94: {  	_ =	strace s2  }
0x95: {  	s2 =	sld [smem:$0x3FFD];
	_ =	sdelay $0x3  }
0x96: {  	_ =	strace s2  }
0x97: {  	_ =	strace $0x8FFFFFFF  }
0x98: {  	s19 =	sld [smem:$0x3FDB];
	_ =	sdelay $0x1  }
0x99: {  	s20 =	simm.s32 $_scs_section_size  }
0x9a: {  	s4 =	simm.s32 $_size__tile_overlayer_lowered;
	s5 =	simm.s32 $_tile_overlayer_lowered  }
0x9b: {  	s6 =	simm.s32 $0x1BFF;
	s21 =	sshll.u32 s5, $0x1;
	s3 =	sadd.s32 s20, s19  }
0x9c: {  	s22 =	simm.s32 $0x0;
	s4 =	sshll.u32 s4, $0x1;
	s5 =	sadd.s32 s21, s3  }
0x9d: {  	[timem:s22], [sflag:s6] =	dma.local [hbm:s5], s4  }
0x9e: {  	_ =	swait.ge [sflag:s6], s4  }
0x9f: {  	s4 =	ssub.s32 $0x0, s4;
	[sflag:s6] =	ssyncset.done $0x0  }
0xa0: {  	[sflag:s6] =	ssyncadd.s32 s4;
	_ =	sdelay $0x1  }
0xa1: {  	s23 =	simm.s32 $0x1B8B  }
0xa2: {  	_ =	swait.ge [sflag:s23], $0x1  }
0xa3: {  	[sflag:s23] =	ssyncset.done $0x0  }
0xa4: {  	[sflag:s23] =	ssyncadd.s32 $0xFFFFFFFF  }
0xa5: {  	s4 =	sld [smem:$0x0]  }
0xa6: {  	s5 =	sand.u32 $0xFFFFFFFE, s1  }
0xa7: {  	p0 =	sne.s32 s1, s5  }
0xa8: {  	s5 =	sshll.u32 @p0 s5, $0xE  }
0xa9: {  	s5 =	sadd.s32 @p0 $0x11B8D, s5;
	s6 =	sshll.u32 @p0 s4, $0x11  }
0xaa: {  	s5 =	sor.u32 @p0 s6, s5  }
0xab: {  	[sflag:s5] =	ssyncadd.remote.s32 @p0 $0x1;
	_ =	sdelay $0x1  }
0xac: {  	s5 =	simm.s32 @p0 $0x1B8D  }
0xad: {  	_ =	swait.eq @p0 [sflag:s5], $0x1  }
0xae: {  	[sflag:s5] =	ssyncadd.s32 @p0 $0xFFFFFFFF  }
0xaf: {  	s6 =	sshll.u32 @!p0 s1, $0xE  }
0xb0: {  	s6 =	sor.u32 @!p0 $0x4000, s6;
	s5 =	simm.s32 @!p0 $0x1B8D  }
0xb1: {  	s4 =	sshll.u32 @!p0 s4, $0x11;
	s6 =	sadd.s32 @!p0 $0x11B8D, s6;
	_ =	swait.eq @!p0 [sflag:s5], $0x1  }
0xb2: {  	s4 =	sor.u32 @!p0 s4, s6;
	[sflag:s5] =	ssyncadd.s32 @!p0 $0xFFFFFFFF  }
0xb3: {  	s25 =	simm.s32 $0x1B8E;
	s24 =	sld [smem:$0x3FFE];
	[sflag:s4] =	ssyncadd.remote.s32 @!p0 $0x1  }
0xb4: {  	s26 =	simm.s32 $execute0_lowered;
	[smem:$0x3FD2] =	sst s25  }
0xb5: {  	s5 =	sshll.u32 s26, $0x1;
	_ =	strace $0x80000049;
	[dreg:$0x1] =	wrdreg $0xFFFFFFFF  }
0xb6: {  	s28 =	simm.s32 $_size_execute0_lowered;
	s3 =	sadd.s32 s3, s5;
	[dreg:$0x0] =	wrdreg $0x0  }
0xb7: {  	s5 =	sshll.u32 s28, $0x1;
	[dreg:$0x2] =	wrdreg s3  }
0xb8: {  	[dreg:$0x3] =	wrdreg s5  }
0xb9: {  	[dreg:$0x4] =	wrdreg $0xC0  }
0xba: {  	_ =	task [dreg:s22], $0x5FFFF  }
0xbb: {  	[dreg:$0x1] =	wrdreg $0xFFFFFFFF  }
0xbc: {  	[dreg:$0x0] =	wrdreg $0x60  }
0xbd: {  	[dreg:$0x2] =	wrdreg s24  }
0xbe: {  	[dreg:$0x3] =	wrdreg $0x9  }
0xbf: {  	_ =	task.clear_ibuf [dreg:s22], $0x4FFFF;
	_ =	strace $0x90000049  }
0xc0: {  	s29 =	simm.s32 $0x9;
	_ =	strace $0x8000004B  }
0xc1: {  	_ =	swait.ge [sflag:s29], $0x1  }
0xc2: {  	[sflag:s29] =	ssyncadd.s32 $0xFFFFFFFF  }
0xc3: {  	_ =	strace $0x9000004B  }
0xc4: {  	_ =	sfence  }
0xc5: {  	s30 =	sld [smem:$0x0];
	_ =	sdelay $0x2  }
0xc6: {  	s31 =	sshll.u32 s1, $0xD;
	s1 =	sshrl.u32 s1, $0x2  }
0xc7: {  	s4 =	sand.u32 $0x4000, s31;
	s1 =	sadd.s32 s1, s30  }
0xc8: {  	s0 =	sor.u32 s4, s0;
	s1 =	sshll.u32 s1, $0x11  }
0xc9: {  	s0 =	sor.u32 s1, s0  }
0xca: {  	s0 =	sadd.s32 $0x8F2B, s0  }
0xcb: {  	[sflag:s0] =	ssyncadd.remote.s32 $0x1  }
0xcc: {  	_ =	sfence.sel $0xFFFF  }
0xcd: {  	[dreg:$0x0] =	wrdreg $0xFFFFFFFF;
	(pc) =	sbr.abs _section_cstart, $3  }
0xce: {  	[dreg:$0x1] =	wrdreg $0xFFFFFFFF  }
0xcf: {  	_ =	task.clear_ibuf [dreg:s22], $0x2FFFF;
	_ =	strace $0x9FFFFFFF  }
0xd0: {  	(tm) =	ssettm $0x7FFFFFFF  }
0xd1: {  	_ =	shalt  }
tec
execute0_lowered:
.L_overlay_start_1:
0x0: {  	(tag) =	ssettag $0x1  }
0x1: {  	s0 =	srdreg.scid  }
0x2: {  	s8 =	stileid.u32;
	s1 =	rddreg [dreg:$0x0];
	s2 =	simm.s32 $0x0  }
0x3: {  	s12 =	simm.s32 $0x28;
	s13 =	simm.s32 $0x1388;
	s14 =	simm.s32 $0x2A08  }
0x4: {  	s16 =	simm.s32 $0x4088;
	s18 =	simm.s32 $0x5708;
	s20 =	simm.s32 $0x6D88  }
0x5: {  	s21 =	simm.s32 $0x1;
	s22 =	simm.s32 $0x8408;
	s23 =	simm.s32 $0x9A88  }
0x6: {  	s24 =	simm.s32 $0xB108;
	s25 =	simm.s32 $0xC788;
	s28 =	simm.s32 $0x3  }
0x7: {  	s29 =	simm.s32 $0x2;
	s0 =	sand.u32 $0x1, s0;
	s3 =	sshll.u32 s8, $0x1  }
0x8: {  	s30 =	simm.s32 $0x4;
	s11 =	smul.u32 $0x2BF20, s8;
	s3 =	sor.u32 s0, s3  }
0x9: {  	s31 =	simm.s32 $0x0;
	[smem:$0x7FF] =	sst s2;
	s4 =	smul.u32 $0x1388, s3  }
0xa: {  	_ =	strace $0x8000004A;
	s5 =	ssub.s32 $0x2, s0;
	s6 =	smul.u32 $0xAFC80, s3  }
0xb: {  	s0 =	smul.u32 $0x15F90, s0;
	s3 =	sadd.s32 $0xBC00, s1;
	s7 =	sshrl.u32 s5, $0x1  }
0xc: {  	s10 =	ssub.s32 s5, s7;
	s4 =	sshrl.u32 s4, $0x3;
	s26 =	sshrl.u32 s6, $0x3  }
0xd: {  	s10 =	smax.u32 s10, $0x1;
	s4 =	sadd.s32 s4, s1;
	s1 =	sadd.s32 $0x2F6E00, s1  }
0xe: {  	s4 =	sadd.s32 $0x6C00, s4;
	s9 =	sadd.s32 s1, s26;
	s1 =	sadd.s32 s11, s1  }
0xf: {  	s11 =	simm.s32 $0x5;
	s26 =	simm.s32 $0xDE08;
	s5 =	sadd.s32 $0x15180, s9  }
0x10: {  	s6 =	sadd.s32 $0x15450, s9;
	s7 =	sadd.s32 $0x15720, s9;
	s0 =	sadd.s32 s0, s1  }
0x11: {  	s8 =	sadd.s32 $0x159F0, s9;
	s9 =	sadd.s32 $0x15CC0, s9;
	[dreg:$0x2] =	wrdreg s0  }
.LBB2_1:
0x12: {  	[tilespmem:s2], [sflag:$0x5] =	stream.linear.gather [hbm4b:s4+s2], $0x1388, $0x38;
	[tilespmem:$0xF488] =	vst v63  }
0x13: {  	_ =	swait.ge [sflag:s11], $0x1388  }
0x14: {  	[sflag:s11] =	ssyncset.done $0x0  }
0x15: {  	[sflag:s11] =	ssyncadd.s32 $0xFFFFEC78  }
0x16: {  	[tilespmem:s13], [sflag:$0x1] =	stream.indirect.gather [hbm4b:s3+s12], $0x90, s2, s12, $0xb8;
	[tilespmem:$0xF488] =	vst v63  }
0x17: {  	_ = 	snop  }
0x18: {  	[tilespmem:s14], [sflag:$0x1] =	stream.indirect.gather [hbm4b:s3+s12], $0x90, s12, s12, $0xb8;
	[tilespmem:$0xF488] =	vst v63  }
0x19: {  	s0 =	simm.s32 $0x50  }
0x1a: {  	[tilespmem:s16], [sflag:$0x1] =	stream.indirect.gather [hbm4b:s3+s12], $0x90, s0, s12, $0xb8;
	[tilespmem:$0xF488] =	vst v63  }
0x1b: {  	s15 =	simm.s32 $0x78  }
0x1c: {  	[tilespmem:s18], [sflag:$0x1] =	stream.indirect.gather [hbm4b:s3+s12], $0x90, s15, s12, $0xb8;
	[tilespmem:$0xF488] =	vst v63  }
0x1d: {  	s17 =	simm.s32 $0xA0  }
0x1e: {  	[tilespmem:s20], [sflag:$0x1] =	stream.indirect.gather [hbm4b:s3+s12], $0x90, s17, s12, $0xb8;
	[tilespmem:$0xF488] =	vst v63  }
0x1f: {  	_ =	swait.ge [sflag:s21], $0x1680  }
0x20: {  	[sflag:s21] =	ssyncset.done $0x0  }
0x21: {  	[sflag:s21] =	ssyncadd.s32 $0xFFFFE980  }
0x22: {  	_ =	swait.ge [sflag:s21], $0x1680  }
0x23: {  	[sflag:s21] =	ssyncset.done $0x0  }
0x24: {  	[sflag:s21] =	ssyncadd.s32 $0xFFFFE980  }
0x25: {  	_ =	swait.ge [sflag:s21], $0x1680  }
0x26: {  	[sflag:s21] =	ssyncset.done $0x0  }
0x27: {  	[sflag:s21] =	ssyncadd.s32 $0xFFFFE980  }
0x28: {  	_ =	swait.ge [sflag:s21], $0x1680  }
0x29: {  	[sflag:s21] =	ssyncset.done $0x0  }
0x2a: {  	[sflag:s21] =	ssyncadd.s32 $0xFFFFE980  }
0x2b: {  	_ =	swait.ge [sflag:s21], $0x1680  }
0x2c: {  	p0 =	por $0x1, $0x1;
	[sflag:s21] =	ssyncset.done $0x0  }
0x2d: {  	s0 =	simm.s32 @!p0 $0x4;
	[sflag:s21] =	ssyncadd.s32 $0xFFFFE980  }
0x2e: {  	_ =	swait.ge @!p0 [sflag:s0], $0x1680  }
0x2f: {  	[sflag:s0] =	ssyncset.done @!p0 $0x0  }
0x30: {  	[sflag:s0] =	ssyncadd.s32 @!p0 $0xFFFFE980  }
0x31: {  	_ =	swait.ge @!p0 [sflag:s0], $0x1680  }
0x32: {  	[sflag:s0] =	ssyncset.done @!p0 $0x0  }
0x33: {  	[sflag:s0] =	ssyncadd.s32 @!p0 $0xFFFFE980  }
0x34: {  	_ =	swait.ge @!p0 [sflag:s0], $0x1680  }
0x35: {  	[sflag:s0] =	ssyncset.done @!p0 $0x0  }
0x36: {  	[sflag:s0] =	ssyncadd.s32 @!p0 $0xFFFFE980  }
0x37: {  	_ =	swait.ge @!p0 [sflag:s0], $0x1680  }
0x38: {  	[sflag:s0] =	ssyncset.done @!p0 $0x0  }
0x39: {  	[sflag:s0] =	ssyncadd.s32 @!p0 $0xFFFFE980  }
0x3a: {  	_ =	swait.ge @!p0 [sflag:s0], $0x1680  }
0x3b: {  	[sflag:s0] =	ssyncset.done @!p0 $0x0  }
0x3c: {  	s19 =	simm.s32 $0xC8;
	[sflag:s0] =	ssyncadd.s32 @!p0 $0xFFFFE980  }
0x3d: {  	[tilespmem:s22], [sflag:$0x2] =	stream.indirect.gather [hbm4b:s3+s12], $0x90, s19, s12, $0xb8;
	[tilespmem:$0xF488] =	vst v63  }
0x3e: {  	s1 =	simm.s32 $0xF0  }
0x3f: {  	[tilespmem:s23], [sflag:$0x2] =	stream.indirect.gather [hbm4b:s3+s12], $0x90, s1, s12, $0xb8;
	[tilespmem:$0xF488] =	vst v63  }
0x40: {  	s15 =	simm.s32 $0x118  }
0x41: {  	[tilespmem:s24], [sflag:$0x2] =	stream.indirect.gather [hbm4b:s3+s12], $0x90, s15, s12, $0xb8;
	[tilespmem:$0xF488] =	vst v63  }
0x42: {  	s17 =	simm.s32 $0x140  }
0x43: {  	[tilespmem:s25], [sflag:$0x2] =	stream.indirect.gather [hbm4b:s3+s12], $0x90, s17, s12, $0xb8;
	[tilespmem:$0xF488] =	vst v63  }
0x44: {  	s19 =	simm.s32 $0x168;
	s1 =	rddreg [dreg:$0x2]  }
0x45: {  	[tilespmem:s26], [sflag:$0x2] =	stream.indirect.gather [hbm4b:s3+s12], $0x90, s19, s12, $0xb8;
	[tilespmem:$0xF488] =	vst v63  }
0x46: {  	s0 =	sadd.s32 $0x0, s1  }
0x47: {  	[hbm4b:s0+s2] =	stream.linear.scatter [tilespmem:s13], [sflag:$0x3], $0x1680, $0x38;
	[tilespmem:$0xF488] =	vst v63  }
0x48: {  	s1 =	sadd.s32 $0x2D0, s0  }
0x49: {  	[hbm4b:s1+s2] =	stream.linear.scatter [tilespmem:s14], [sflag:$0x3], $0x1680, $0x38;
	[tilespmem:$0xF488] =	vst v63  }
0x4a: {  	s15 =	sadd.s32 $0x5A0, s0  }
0x4b: {  	[hbm4b:s15+s2] =	stream.linear.scatter [tilespmem:s16], [sflag:$0x3], $0x1680, $0x38;
	[tilespmem:$0xF488] =	vst v63  }
0x4c: {  	s17 =	sadd.s32 $0x870, s0  }
0x4d: {  	[hbm4b:s17+s2] =	stream.linear.scatter [tilespmem:s18], [sflag:$0x3], $0x1680, $0x38;
	[tilespmem:$0xF488] =	vst v63  }
0x4e: {  	s19 =	sadd.s32 $0xB40, s0  }
0x4f: {  	[hbm4b:s19+s2] =	stream.linear.scatter [tilespmem:s20], [sflag:$0x3], $0x1680, $0x38;
	[tilespmem:$0xF488] =	vst v63  }
0x50: {  	_ =	swait.ge [sflag:s28], $0x1680  }
0x51: {  	[sflag:s28] =	ssyncset.done $0x0  }
0x52: {  	[sflag:s28] =	ssyncadd.s32 $0xFFFFE980  }
0x53: {  	_ =	swait.ge [sflag:s28], $0x1680  }
0x54: {  	[sflag:s28] =	ssyncset.done $0x0  }
0x55: {  	[sflag:s28] =	ssyncadd.s32 $0xFFFFE980  }
0x56: {  	_ =	swait.ge [sflag:s28], $0x1680  }
0x57: {  	[sflag:s28] =	ssyncset.done $0x0  }
0x58: {  	[sflag:s28] =	ssyncadd.s32 $0xFFFFE980  }
0x59: {  	_ =	swait.ge [sflag:s28], $0x1680  }
0x5a: {  	[sflag:s28] =	ssyncset.done $0x0  }
0x5b: {  	[sflag:s28] =	ssyncadd.s32 $0xFFFFE980  }
0x5c: {  	_ =	swait.ge [sflag:s28], $0x1680  }
0x5d: {  	[sflag:s28] =	ssyncset.done $0x0  }
0x5e: {  	s15 =	simm.s32 $0x190;
	[sflag:s28] =	ssyncadd.s32 $0xFFFFE980  }
0x5f: {  	[tilespmem:s13], [sflag:$0x1] =	stream.indirect.gather [hbm4b:s3+s12], $0x90, s15, s12, $0xb8;
	[tilespmem:$0xF488] =	vst v63  }
0x60: {  	s17 =	simm.s32 $0x1B8  }
0x61: {  	[tilespmem:s14], [sflag:$0x1] =	stream.indirect.gather [hbm4b:s3+s12], $0x90, s17, s12, $0xb8;
	[tilespmem:$0xF488] =	vst v63  }
0x62: {  	s19 =	simm.s32 $0x1E0  }
0x63: {  	[tilespmem:s16], [sflag:$0x1] =	stream.indirect.gather [hbm4b:s3+s12], $0x90, s19, s12, $0xb8;
	[tilespmem:$0xF488] =	vst v63  }
0x64: {  	s15 =	simm.s32 $0x208  }
0x65: {  	[tilespmem:s18], [sflag:$0x1] =	stream.indirect.gather [hbm4b:s3+s12], $0x90, s15, s12, $0xb8;
	[tilespmem:$0xF488] =	vst v63  }
0x66: {  	s17 =	simm.s32 $0x230  }
0x67: {  	[tilespmem:s20], [sflag:$0x1] =	stream.indirect.gather [hbm4b:s3+s12], $0x90, s17, s12, $0xb8;
	[tilespmem:$0xF488] =	vst v63  }
0x68: {  	_ =	swait.ge [sflag:s29], $0x1680  }
0x69: {  	[sflag:s29] =	ssyncset.done $0x0  }
0x6a: {  	[sflag:s29] =	ssyncadd.s32 $0xFFFFE980  }
0x6b: {  	_ =	swait.ge [sflag:s29], $0x1680  }
0x6c: {  	[sflag:s29] =	ssyncset.done $0x0  }
0x6d: {  	[sflag:s29] =	ssyncadd.s32 $0xFFFFE980  }
0x6e: {  	_ =	swait.ge [sflag:s29], $0x1680  }
0x6f: {  	[sflag:s29] =	ssyncset.done $0x0  }
0x70: {  	[sflag:s29] =	ssyncadd.s32 $0xFFFFE980  }
0x71: {  	_ =	swait.ge [sflag:s29], $0x1680  }
0x72: {  	[sflag:s29] =	ssyncset.done $0x0  }
0x73: {  	[sflag:s29] =	ssyncadd.s32 $0xFFFFE980  }
0x74: {  	_ =	swait.ge [sflag:s29], $0x1680  }
0x75: {  	[sflag:s29] =	ssyncset.done $0x0  }
0x76: {  	s19 =	sadd.s32 $0xE10, s0;
	[sflag:s29] =	ssyncadd.s32 $0xFFFFE980  }
0x77: {  	[hbm4b:s19+s2] =	stream.linear.scatter [tilespmem:s22], [sflag:$0x4], $0x1680, $0x38;
	[tilespmem:$0xF488] =	vst v63  }
0x78: {  	s15 =	sadd.s32 $0x10E0, s0  }
0x79: {  	[hbm4b:s15+s2] =	stream.linear.scatter [tilespmem:s23], [sflag:$0x4], $0x1680, $0x38;
	[tilespmem:$0xF488] =	vst v63  }
0x7a: {  	s1 =	simm.s32 $0x1C20;
	s17 =	sadd.s32 $0x13B0, s0  }
0x7b: {  	[hbm4b:s17+s2] =	stream.linear.scatter [tilespmem:s24], [sflag:$0x4], $0x1680, $0x38;
	[tilespmem:$0xF488] =	vst v63  }
0x7c: {  	s19 =	sadd.s32 $0x1680, s0;
	s15 =	sadd.s32 $0x1950, s0;
	s0 =	simm.s32 $0x2A8  }
0x7d: {  	[hbm4b:s19+s2] =	stream.linear.scatter [tilespmem:s25], [sflag:$0x4], $0x1680, $0x38;
	[tilespmem:$0xF488] =	vst v63  }
.LBB2_2:
0x7e: {  	[hbm4b:s15+s2] =	stream.linear.scatter [tilespmem:s26], [sflag:$0x4], $0x1680, $0x38;
	[tilespmem:$0xF488] =	vst v63  }
0x7f: {  	_ =	swait.ge [sflag:s21], $0x1680  }
0x80: {  	[sflag:s21] =	ssyncset.done $0x0  }
0x81: {  	[sflag:s21] =	ssyncadd.s32 $0xFFFFE980  }
0x82: {  	_ =	swait.ge [sflag:s21], $0x1680  }
0x83: {  	[sflag:s21] =	ssyncset.done $0x0  }
0x84: {  	[sflag:s21] =	ssyncadd.s32 $0xFFFFE980  }
0x85: {  	_ =	swait.ge [sflag:s21], $0x1680  }
0x86: {  	[sflag:s21] =	ssyncset.done $0x0  }
0x87: {  	[sflag:s21] =	ssyncadd.s32 $0xFFFFE980  }
0x88: {  	_ =	swait.ge [sflag:s21], $0x1680  }
0x89: {  	[sflag:s21] =	ssyncset.done $0x0  }
0x8a: {  	[sflag:s21] =	ssyncadd.s32 $0xFFFFE980  }
0x8b: {  	s15 =	smov.u32 s1;
	_ =	swait.ge [sflag:s21], $0x1680  }
0x8c: {  	p1 =	seq.s32 s15, $0x0;
	[sflag:s21] =	ssyncset.done $0x0  }
0x8d: {  	s17 =	simm.s32 @!p1 $0x4;
	[sflag:s21] =	ssyncadd.s32 $0xFFFFE980  }
0x8e: {  	_ =	swait.ge @!p1 [sflag:s17], $0x1680  }
0x8f: {  	[sflag:s17] =	ssyncset.done @!p1 $0x0  }
0x90: {  	[sflag:s17] =	ssyncadd.s32 @!p1 $0xFFFFE980  }
0x91: {  	_ =	swait.ge @!p1 [sflag:s17], $0x1680  }
0x92: {  	[sflag:s17] =	ssyncset.done @!p1 $0x0  }
0x93: {  	[sflag:s17] =	ssyncadd.s32 @!p1 $0xFFFFE980  }
0x94: {  	_ =	swait.ge @!p1 [sflag:s17], $0x1680  }
0x95: {  	[sflag:s17] =	ssyncset.done @!p1 $0x0  }
0x96: {  	[sflag:s17] =	ssyncadd.s32 @!p1 $0xFFFFE980  }
0x97: {  	_ =	swait.ge @!p1 [sflag:s17], $0x1680  }
0x98: {  	[sflag:s17] =	ssyncset.done @!p1 $0x0  }
0x99: {  	[sflag:s17] =	ssyncadd.s32 @!p1 $0xFFFFE980  }
0x9a: {  	_ =	swait.ge @!p1 [sflag:s17], $0x1680  }
0x9b: {  	[sflag:s17] =	ssyncset.done @!p1 $0x0  }
0x9c: {  	s19 =	sadd.s32 $0xFFFFFFB0, s0;
	[sflag:s17] =	ssyncadd.s32 @!p1 $0xFFFFE980  }
0x9d: {  	[tilespmem:s22], [sflag:$0x2] =	stream.indirect.gather [hbm4b:s3+s12], $0x90, s19, s12, $0xb8;
	[tilespmem:$0xF488] =	vst v63  }
0x9e: {  	s19 =	sadd.s32 $0xFFFFFFD8, s0  }
0x9f: {  	[tilespmem:s23], [sflag:$0x2] =	stream.indirect.gather [hbm4b:s3+s12], $0x90, s19, s12, $0xb8;
	[tilespmem:$0xF488] =	vst v63  }
0xa0: {  	_ = 	snop  }
0xa1: {  	[tilespmem:s24], [sflag:$0x2] =	stream.indirect.gather [hbm4b:s3+s12], $0x90, s0, s12, $0xb8;
	[tilespmem:$0xF488] =	vst v63  }
0xa2: {  	s17 =	sadd.s32 $0x28, s0  }
0xa3: {  	[tilespmem:s25], [sflag:$0x2] =	stream.indirect.gather [hbm4b:s3+s12], $0x90, s17, s12, $0xb8;
	[tilespmem:$0xF488] =	vst v63  }
0xa4: {  	s19 =	rddreg [dreg:$0x2];
	s17 =	sadd.s32 $0x50, s0  }
0xa5: {  	[tilespmem:s26], [sflag:$0x2] =	stream.indirect.gather [hbm4b:s3+s12], $0x90, s17, s12, $0xb8;
	[tilespmem:$0xF488] =	vst v63  }
0xa6: {  	s15 =	sadd.s32 s15, s19  }
0xa7: {  	[hbm4b:s15+s2] =	stream.linear.scatter [tilespmem:s13], [sflag:$0x3], $0x1680, $0x38;
	[tilespmem:$0xF488] =	vst v63  }
0xa8: {  	s19 =	sadd.s32 $0x2D0, s15  }
0xa9: {  	[hbm4b:s19+s2] =	stream.linear.scatter [tilespmem:s14], [sflag:$0x3], $0x1680, $0x38;
	[tilespmem:$0xF488] =	vst v63  }
0xaa: {  	s19 =	sadd.s32 $0x5A0, s15  }
0xab: {  	[hbm4b:s19+s2] =	stream.linear.scatter [tilespmem:s16], [sflag:$0x3], $0x1680, $0x38;
	[tilespmem:$0xF488] =	vst v63  }
0xac: {  	s19 =	sadd.s32 $0x870, s15  }
0xad: {  	[hbm4b:s19+s2] =	stream.linear.scatter [tilespmem:s18], [sflag:$0x3], $0x1680, $0x38;
	[tilespmem:$0xF488] =	vst v63  }
0xae: {  	s19 =	sadd.s32 $0xB40, s15  }
0xaf: {  	[hbm4b:s19+s2] =	stream.linear.scatter [tilespmem:s20], [sflag:$0x3], $0x1680, $0x38;
	[tilespmem:$0xF488] =	vst v63  }
0xb0: {  	_ =	swait.ge [sflag:s28], $0x1680  }
0xb1: {  	[sflag:s28] =	ssyncset.done $0x0  }
0xb2: {  	[sflag:s28] =	ssyncadd.s32 $0xFFFFE980  }
0xb3: {  	_ =	swait.ge [sflag:s28], $0x1680  }
0xb4: {  	[sflag:s28] =	ssyncset.done $0x0  }
0xb5: {  	[sflag:s28] =	ssyncadd.s32 $0xFFFFE980  }
0xb6: {  	_ =	swait.ge [sflag:s28], $0x1680  }
0xb7: {  	[sflag:s28] =	ssyncset.done $0x0  }
0xb8: {  	[sflag:s28] =	ssyncadd.s32 $0xFFFFE980  }
0xb9: {  	_ =	swait.ge [sflag:s28], $0x1680  }
0xba: {  	[sflag:s28] =	ssyncset.done $0x0  }
0xbb: {  	[sflag:s28] =	ssyncadd.s32 $0xFFFFE980  }
0xbc: {  	_ =	swait.ge [sflag:s28], $0x1680  }
0xbd: {  	[sflag:s28] =	ssyncset.done $0x0  }
0xbe: {  	s19 =	sadd.s32 $0x78, s0;
	[sflag:s28] =	ssyncadd.s32 $0xFFFFE980  }
0xbf: {  	[tilespmem:s13], [sflag:$0x1] =	stream.indirect.gather [hbm4b:s3+s12], $0x90, s19, s12, $0xb8;
	[tilespmem:$0xF488] =	vst v63  }
0xc0: {  	s19 =	sadd.s32 $0xA0, s0  }
0xc1: {  	[tilespmem:s14], [sflag:$0x1] =	stream.indirect.gather [hbm4b:s3+s12], $0x90, s19, s12, $0xb8;
	[tilespmem:$0xF488] =	vst v63  }
0xc2: {  	s19 =	sadd.s32 $0xC8, s0  }
0xc3: {  	[tilespmem:s16], [sflag:$0x1] =	stream.indirect.gather [hbm4b:s3+s12], $0x90, s19, s12, $0xb8;
	[tilespmem:$0xF488] =	vst v63  }
0xc4: {  	s19 =	sadd.s32 $0xF0, s0  }
0xc5: {  	[tilespmem:s18], [sflag:$0x1] =	stream.indirect.gather [hbm4b:s3+s12], $0x90, s19, s12, $0xb8;
	[tilespmem:$0xF488] =	vst v63  }
0xc6: {  	s19 =	sadd.s32 $0x118, s0  }
0xc7: {  	[tilespmem:s20], [sflag:$0x1] =	stream.indirect.gather [hbm4b:s3+s12], $0x90, s19, s12, $0xb8;
	[tilespmem:$0xF488] =	vst v63  }
0xc8: {  	_ =	swait.ge [sflag:s29], $0x1680  }
0xc9: {  	[sflag:s29] =	ssyncset.done $0x0  }
0xca: {  	[sflag:s29] =	ssyncadd.s32 $0xFFFFE980  }
0xcb: {  	_ =	swait.ge [sflag:s29], $0x1680  }
0xcc: {  	[sflag:s29] =	ssyncset.done $0x0  }
0xcd: {  	[sflag:s29] =	ssyncadd.s32 $0xFFFFE980  }
0xce: {  	_ =	swait.ge [sflag:s29], $0x1680  }
0xcf: {  	[sflag:s29] =	ssyncset.done $0x0  }
0xd0: {  	[sflag:s29] =	ssyncadd.s32 $0xFFFFE980  }
0xd1: {  	_ =	swait.ge [sflag:s29], $0x1680  }
0xd2: {  	[sflag:s29] =	ssyncset.done $0x0  }
0xd3: {  	[sflag:s29] =	ssyncadd.s32 $0xFFFFE980  }
0xd4: {  	_ =	swait.ge [sflag:s29], $0x1680  }
0xd5: {  	[sflag:s29] =	ssyncset.done $0x0  }
0xd6: {  	s1 =	sadd.s32 $0x1C20, s1;
	s19 =	sadd.s32 $0xE10, s15;
	[sflag:s29] =	ssyncadd.s32 $0xFFFFE980  }
0xd7: {  	[hbm4b:s19+s2] =	stream.linear.scatter [tilespmem:s22], [sflag:$0x4], $0x1680, $0x38;
	[tilespmem:$0xF488] =	vst v63  }
0xd8: {  	p0 =	sne.s32 s1, $0x15180;
	s19 =	sadd.s32 $0x10E0, s15  }
0xd9: {  	[hbm4b:s19+s2] =	stream.linear.scatter [tilespmem:s23], [sflag:$0x4], $0x1680, $0x38;
	[tilespmem:$0xF488] =	vst v63  }
.Ltmp0:
0xda: {  	_ = 	snop;
	(pc) =	sbr.rel @p0 .LBB2_2-.Ltmp0, $4  }
0xdb: {  	s19 =	sadd.s32 $0x13B0, s15  }
0xdc: {  	[hbm4b:s19+s2] =	stream.linear.scatter [tilespmem:s24], [sflag:$0x4], $0x1680, $0x38;
	[tilespmem:$0xF488] =	vst v63  }
0xdd: {  	s0 =	sadd.s32 $0x190, s0;
	s19 =	sadd.s32 $0x1680, s15;
	s15 =	sadd.s32 $0x1950, s15  }
0xde: {  	[hbm4b:s19+s2] =	stream.linear.scatter [tilespmem:s25], [sflag:$0x4], $0x1680, $0x38;
	[tilespmem:$0xF488] =	vst v63  }
0xdf: {  	[hbm4b:s15+s2] =	stream.linear.scatter [tilespmem:s26], [sflag:$0x4], $0x1680, $0x38;
	[tilespmem:$0xF488] =	vst v63  }
0xe0: {  	_ =	swait.ge [sflag:s30], $0x1680  }
0xe1: {  	[sflag:s30] =	ssyncset.done $0x0  }
0xe2: {  	[sflag:s30] =	ssyncadd.s32 $0xFFFFE980  }
0xe3: {  	_ =	swait.ge [sflag:s30], $0x1680  }
0xe4: {  	[sflag:s30] =	ssyncset.done $0x0  }
0xe5: {  	[sflag:s30] =	ssyncadd.s32 $0xFFFFE980  }
0xe6: {  	_ =	swait.ge [sflag:s30], $0x1680  }
0xe7: {  	[sflag:s30] =	ssyncset.done $0x0  }
0xe8: {  	[sflag:s30] =	ssyncadd.s32 $0xFFFFE980  }
0xe9: {  	_ =	swait.ge [sflag:s30], $0x1680  }
0xea: {  	[sflag:s30] =	ssyncset.done $0x0  }
0xeb: {  	[sflag:s30] =	ssyncadd.s32 $0xFFFFE980  }
0xec: {  	_ =	swait.ge [sflag:s30], $0x1680  }
0xed: {  	[sflag:s30] =	ssyncset.done $0x0  }
0xee: {  	[sflag:s30] =	ssyncadd.s32 $0xFFFFE980  }
0xef: {  	_ =	swait.ge [sflag:s21], $0x1680  }
0xf0: {  	[sflag:s21] =	ssyncset.done $0x0  }
0xf1: {  	[sflag:s21] =	ssyncadd.s32 $0xFFFFE980  }
0xf2: {  	_ =	swait.ge [sflag:s21], $0x1680  }
0xf3: {  	[sflag:s21] =	ssyncset.done $0x0  }
0xf4: {  	[sflag:s21] =	ssyncadd.s32 $0xFFFFE980  }
0xf5: {  	_ =	swait.ge [sflag:s21], $0x1680  }
0xf6: {  	[sflag:s21] =	ssyncset.done $0x0  }
0xf7: {  	[sflag:s21] =	ssyncadd.s32 $0xFFFFE980  }
0xf8: {  	_ =	swait.ge [sflag:s21], $0x1680  }
0xf9: {  	[sflag:s21] =	ssyncset.done $0x0  }
0xfa: {  	[sflag:s21] =	ssyncadd.s32 $0xFFFFE980  }
0xfb: {  	_ =	swait.ge [sflag:s21], $0x1680  }
0xfc: {  	[sflag:s21] =	ssyncset.done $0x0  }
0xfd: {  	[sflag:s21] =	ssyncadd.s32 $0xFFFFE980  }
0xfe: {  	[hbm4b:s5+s2] =	stream.linear.scatter [tilespmem:s13], [sflag:$0x3], $0x1680, $0x38;
	[tilespmem:$0xF488] =	vst v63  }
0xff: {  	_ = 	snop  }
0x100: {  	[hbm4b:s6+s2] =	stream.linear.scatter [tilespmem:s14], [sflag:$0x3], $0x1680, $0x38;
	[tilespmem:$0xF488] =	vst v63  }
0x101: {  	_ = 	snop  }
0x102: {  	[hbm4b:s7+s2] =	stream.linear.scatter [tilespmem:s16], [sflag:$0x3], $0x1680, $0x38;
	[tilespmem:$0xF488] =	vst v63  }
0x103: {  	_ = 	snop  }
0x104: {  	[hbm4b:s8+s2] =	stream.linear.scatter [tilespmem:s18], [sflag:$0x3], $0x1680, $0x38;
	[tilespmem:$0xF488] =	vst v63  }
0x105: {  	_ = 	snop  }
0x106: {  	[hbm4b:s9+s2] =	stream.linear.scatter [tilespmem:s20], [sflag:$0x3], $0x1680, $0x38;
	[tilespmem:$0xF488] =	vst v63  }
0x107: {  	_ =	swait.ge [sflag:s28], $0x1680  }
0x108: {  	[sflag:s28] =	ssyncset.done $0x0  }
0x109: {  	[sflag:s28] =	ssyncadd.s32 $0xFFFFE980  }
0x10a: {  	_ =	swait.ge [sflag:s28], $0x1680  }
0x10b: {  	[sflag:s28] =	ssyncset.done $0x0  }
0x10c: {  	[sflag:s28] =	ssyncadd.s32 $0xFFFFE980  }
0x10d: {  	_ =	swait.ge [sflag:s28], $0x1680  }
0x10e: {  	[sflag:s28] =	ssyncset.done $0x0  }
0x10f: {  	s31 =	sadd.s32 $0x1, s31;
	[sflag:s28] =	ssyncadd.s32 $0xFFFFE980  }
0x110: {  	p0 =	sne.s32 s31, s10;
	_ =	swait.ge [sflag:s28], $0x1680  }
.Ltmp1:
0x111: {  	[sflag:s28] =	ssyncset.done $0x0;
	(pc) =	sbr.rel @p0 .LBB2_1-.Ltmp1, $4  }
0x112: {  	[sflag:s28] =	ssyncadd.s32 $0xFFFFE980  }
0x113: {  	_ =	swait.ge [sflag:s28], $0x1680  }
0x114: {  	[sflag:s28] =	ssyncset.done $0x0  }
0x115: {  	[sflag:s28] =	ssyncadd.s32 $0xFFFFE980  }
0x116: {  	_ =	sfence.sel $0x180000  }
0x117: {  	[bflag:$0x0] =	sbarrier.arrive $0xFFFF  }
0x118: {  	_ =	strace $0x9000004A  }
0x119: {  	s0 =	stileid.u32;
	[bflag:$0x2] =	sbarrier.arrive $0xFFFF  }
0x11a: {  	p0 =	sne.s32 s0, $0x0;
	s0 =	rddreg [dreg:$0x1]  }
0x11b: {  	s0 =	sadd.s32 @!p0 $0x100000, s0  }
0x11c: {  	[sflag:s0] =	ssyncadd.tile.s32 @!p0 $0x1;
	_ =	shalt  }
.Lfunc_end2:
_tile_overlayer_lowered:
.L_overlay_start_2:
0x11d: {  	(tag) =	ssettag $0x2  }
0x11e: {  	s0 =	rddreg [dreg:$0x0];
	s2 =	stileid.u32  }
0x11f: {  	s1 =	rddreg [dreg:$0x1];
	p0 =	sne.s32 s2, $0x0  }
0x120: {  	s3 =	rddreg [dreg:$0x2];
	[bflag:$0x3] =	sbarrier.arrive $0xFFFF;
	s2 =	simm.s32 @!p0 $0x1C05  }
0x121: {  	[timem:s3], [sflag:s2] =	dma.local @!p0 [hbm:s0], s1  }
0x122: {  	s0 =	simm.s32 @!p0 $0x5  }
0x123: {  	_ =	swait.ge @!p0 [sflag:s0], s1  }
0x124: {  	s1 =	ssub.s32 @!p0 $0x0, s1;
	[sflag:s0] =	ssyncset.done @!p0 $0x0  }
0x125: {  	[sflag:s0] =	ssyncadd.s32 @!p0 s1  }
0x126: {  	[bflag:$0x3] =	sbarrier.arrive $0xFFFF  }
0x127: {  	_ =	shalt  }

// kernel: kernel.9.cloned.1.call-start
scs
__scs_entry_jumppad:
0x0: {  	(pc) =	sbr.rel $0x88, $3  }
0x1: {  	(tag) =	ssettag $0x0;
	lr =	simm.s32 $0x1  }
0x2: {  	[smem:$0x3F9A] =	sst lr;
	_ =	strace $0xD0000000  }
0x3: {  	_ = 	snop  }
0x4: {  	_ = 	snop  }
0x5: {  	_ = 	snop  }
0x6: {  	_ = 	snop  }
0x7: {  	_ = 	snop  }
__scs_overlays_trampoline_lowered:
0x8: {  	[smem:$0x3FA9] =	sst s0  }
0x9: {  	[smem:$0x3FAA] =	sst s1  }
0xa: {  	[smem:$0x3FAB] =	sst s2  }
0xb: {  	[smem:$0x3FAC] =	sst s3  }
0xc: {  	[smem:$0x3FAD] =	sst s4  }
0xd: {  	[smem:$0x3FAE] =	sst s5  }
0xe: {  	[smem:$0x3FAF] =	sst s6  }
0xf: {  	[smem:$0x3FB0] =	sst s7  }
0x10: {  	[smem:$0x3FB1] =	sst s8  }
0x11: {  	[smem:$0x3FB2] =	sst s9;
	s0 =	simm.s32 @!p0 $0x0  }
0x12: {  	s1 =	sld [smem:$0x3F98];
	s0 =	simm.s32 @p0 $0x1  }
0x13: {  	[smem:$0x3FB3] =	sst s0;
	s0 =	simm.s32 @!p1 $0x0  }
0x14: {  	s2 =	sld [smem:$0x3F97];
	s0 =	simm.s32 @p1 $0x1  }
0x15: {  	[smem:$0x3FB4] =	sst s0;
	s0 =	simm.s32 @!p2 $0x0  }
0x16: {  	s3 =	sld [smem:$0x3FDB];
	s0 =	simm.s32 @p2 $0x1  }
0x17: {  	s4 =	simm.s32 $0x1BF5;
	[smem:$0x3FB6] =	sst s0  }
0x18: {  	s0 =	sld [smem:$0x3F99];
	_ =	swait.ge [sflag:s4], $0x0  }
0x19: {  	s7 =	sld [smem:$0x3F9A]  }
0x1a: {  	s8 =	sadd.s32 $0xFFFFE003, lr  }
0x1b: {  	s9 =	sadd.s32 $0xFFFFFEF7, lr;
	s5 =	simm.s32 $0xFFFFFFFF;
	p2 =	slt.u32 s8, $0xFFFFF086  }
0x1c: {  	p1 =	slt.u32 s9, $0xF7A;
	s5 =	simm.s32 @!p2 $0x0  }
0x1d: {  	s5 =	simm.s32 @p1 $0x1;
	p0 =	seq.s32 s7, s2  }
0x1e: {  	s7 =	smul.u32 @!p0 $0xF7A, s2;
	p2 =	seq.s32 @!p0 s5, $0x0  }
0x1f: {  	s9 =	smul.u32 $0xF7A, s1;
	s8 =	simm.s32 @!p0 $0x1BF5;
	p2 =	por !p2, p0  }
0x20: {  	[sflag:s8] =	ssyncset.s32 @!p0 $0xFFFFF086;
	s6 =	sadd.s32 @!p0 s3, s7;
	s7 =	simm.s32 @!p0 $0x108  }
0x21: {  	s3 =	sadd.s32 s3, s9;
	s6 =	sadd.s32 @!p0 $0x88, s6;
	s7 =	simm.s32 @p2 $0x1082  }
0x22: {  	[simem:s7], [sflag:s8] =	dma.local @!p0 [hbm:s6], $0xF7A  }
0x23: {  	s9 =	sor.u32 $0xD0000000, s2;
	s6 =	simm.s32 $0x108;
	_ =	swait.ge @!p0 [sflag:s8], $0x0  }
0x24: {  	s3 =	sadd.s32 $0x88, s3;
	s6 =	simm.s32 @!p1 $0x1082;
	[sflag:s4] =	ssyncset.s32 $0xFFFFF086  }
0x25: {  	[simem:s6], [sflag:s4] =	dma.local [hbm:s3], $0xF7A  }
0x26: {  	[smem:$0x3F9A] =	sst s1;
	(tag) =	ssettag s2;
	_ =	strace s9  }
0x27: {  	s1 =	sld [smem:$0x3FAA]  }
0x28: {  	s2 =	sld [smem:$0x3FAB]  }
0x29: {  	s4 =	sld [smem:$0x3FAD]  }
0x2a: {  	p0 =	seq.s32 s5, $0x0;
	s5 =	sld [smem:$0x3FAE]  }
0x2b: {  	s6 =	sld [smem:$0x3FAF]  }
0x2c: {  	s7 =	sld [smem:$0x3FB0]  }
0x2d: {  	s3 =	simm.s32 $0x108;
	s8 =	sld [smem:$0x3FB1]  }
0x2e: {  	s3 =	simm.s32 @!p0 $0x1082;
	s9 =	sld [smem:$0x3FB2]  }
0x2f: {  	lr =	sadd.s32 s0, s3;
	s0 =	sld [smem:$0x3FA9]  }
0x30: {  	s3 =	sld [smem:$0x3FAC]  }
0x31: {  	[smem:$0x3FB5] =	sst s10  }
0x32: {  	s10 =	sld [smem:$0x3FB3];
	_ =	sdelay $0x3  }
0x33: {  	p0 =	seq.s32 s10, $0x1;
	s10 =	sld [smem:$0x3FB5];
	_ =	sdelay $0x3  }
0x34: {  	[smem:$0x3FB5] =	sst s10  }
0x35: {  	s10 =	sld [smem:$0x3FB4];
	_ =	sdelay $0x3  }
0x36: {  	p1 =	seq.s32 s10, $0x1;
	s10 =	sld [smem:$0x3FB5];
	_ =	sdelay $0x3  }
0x37: {  	[smem:$0x3FB5] =	sst s10  }
0x38: {  	s10 =	sld [smem:$0x3FB6]  }
0x39: {  	_ = 	snop;
	(pc) =	sbr.ind lr, $3  }
0x3a: {  	_ = 	snop  }
0x3b: {  	_ = 	snop  }
0x3c: {  	p2 =	seq.s32 s10, $0x1;
	s10 =	sld [smem:$0x3FB5]  }
0x3d: {  	_ =	shalt  }
0x3e: {  	_ =	shalt  }
0x3f: {  	_ =	shalt  }
0x40: {  	_ =	shalt  }
0x41: {  	_ =	shalt  }
0x42: {  	_ =	shalt  }
0x43: {  	_ =	shalt  }
0x44: {  	_ =	shalt  }
0x45: {  	_ =	shalt  }
0x46: {  	_ =	shalt  }
0x47: {  	_ =	shalt  }
0x48: {  	_ =	shalt  }
0x49: {  	_ =	shalt  }
0x4a: {  	_ =	shalt  }
0x4b: {  	_ =	shalt  }
0x4c: {  	_ =	shalt  }
0x4d: {  	_ =	shalt  }
0x4e: {  	_ =	shalt  }
0x4f: {  	_ =	shalt  }
0x50: {  	_ =	shalt  }
0x51: {  	_ =	shalt  }
0x52: {  	_ =	shalt  }
0x53: {  	_ =	shalt  }
0x54: {  	_ =	shalt  }
0x55: {  	_ =	shalt  }
0x56: {  	_ =	shalt  }
0x57: {  	_ =	shalt  }
0x58: {  	_ =	shalt  }
0x59: {  	_ =	shalt  }
0x5a: {  	_ =	shalt  }
0x5b: {  	_ =	shalt  }
0x5c: {  	_ =	shalt  }
0x5d: {  	_ =	shalt  }
0x5e: {  	_ =	shalt  }
0x5f: {  	_ =	shalt  }
0x60: {  	_ =	shalt  }
0x61: {  	_ =	shalt  }
0x62: {  	_ =	shalt  }
0x63: {  	_ =	shalt  }
0x64: {  	_ =	shalt  }
0x65: {  	_ =	shalt  }
0x66: {  	_ =	shalt  }
0x67: {  	_ =	shalt  }
0x68: {  	_ =	shalt  }
0x69: {  	_ =	shalt  }
0x6a: {  	_ =	shalt  }
0x6b: {  	_ =	shalt  }
0x6c: {  	_ =	shalt  }
0x6d: {  	_ =	shalt  }
0x6e: {  	_ =	shalt  }
0x6f: {  	_ =	shalt  }
0x70: {  	_ =	shalt  }
0x71: {  	_ =	shalt  }
0x72: {  	_ =	shalt  }
0x73: {  	_ =	shalt  }
0x74: {  	_ =	shalt  }
0x75: {  	_ =	shalt  }
0x76: {  	_ =	shalt  }
0x77: {  	_ =	shalt  }
0x78: {  	_ =	shalt  }
0x79: {  	_ =	shalt  }
0x7a: {  	_ =	shalt  }
0x7b: {  	_ =	shalt  }
0x7c: {  	_ =	shalt  }
0x7d: {  	_ =	shalt  }
0x7e: {  	_ =	shalt  }
0x7f: {  	_ =	shalt  }
0x80: {  	_ =	shalt  }
0x81: {  	_ =	shalt  }
0x82: {  	_ =	shalt  }
0x83: {  	_ =	shalt  }
0x84: {  	_ =	shalt  }
0x85: {  	_ =	shalt  }
0x86: {  	_ =	shalt  }
0x87: {  	_ =	shalt  }
.Lfunc_end0:
.L_simem_size_0:
called_computation.1_lowered:
.L_overlay_start_0:
0x88: {  	s2 =	sld [smem:$0x3FD9]  }
0x89: {  	s3 =	sld [smem:$0x3FFE];
	_ =	sdelay $0x1  }
0x8a: {  	s1 =	srdreg.scid  }
0x8b: {  	s0 =	sand.u32 $0x1, s1  }
0x8c: {  	s16 =	sshll.u32 s0, $0xA;
	s2 =	sadd.s32 s3, s2  }
0x8d: {  	s2 =	sadd.s32 s2, s16  }
0x8e: {  	[smem:$0x3FC1] =	sst s2  }
0x8f: {  	_ = 	snop  }
0x90: {  	(tm) =	ssettm $0x1  }
0x91: {  	s17 =	sld [smem:$0x3FFB];
	_ =	sdelay $0x3  }
0x92: {  	_ =	strace s17  }
0x93: {  	s2 =	sld [smem:$0x3FFC];
	_ =	sdelay $0x3  }
0x94: {  	_ =	strace s2  }
0x95: {  	s2 =	sld [smem:$0x3FFD];
	_ =	sdelay $0x3  }
0x96: {  	_ =	strace s2  }
0x97: {  	_ =	strace $0x8FFFFFFF  }
0x98: {  	s18 =	sld [smem:$0x3FDB];
	_ =	sdelay $0x1  }
0x99: {  	s19 =	simm.s32 $_scs_section_size  }
0x9a: {  	s4 =	simm.s32 $_size__tile_overlayer_lowered;
	s5 =	simm.s32 $_tile_overlayer_lowered  }
0x9b: {  	s22 =	simm.s32 $0x1BFF;
	s21 =	sshll.u32 s5, $0x1;
	s2 =	sadd.s32 s19, s18  }
0x9c: {  	s6 =	simm.s32 $0x0;
	s20 =	sshll.u32 s4, $0x1;
	s4 =	sadd.s32 s21, s2  }
0x9d: {  	[timem:s6], [sflag:s22] =	dma.local [hbm:s4], s20  }
0x9e: {  	_ =	swait.ge [sflag:s22], s20  }
0x9f: {  	s3 =	ssub.s32 $0x0, s20;
	[sflag:s22] =	ssyncset.done $0x0  }
0xa0: {  	[sflag:s22] =	ssyncadd.s32 s3;
	_ =	sdelay $0x1  }
0xa1: {  	s23 =	simm.s32 $0x1B8B  }
0xa2: {  	_ =	swait.ge [sflag:s23], $0x1  }
0xa3: {  	[sflag:s23] =	ssyncset.done $0x0  }
0xa4: {  	s25 =	simm.s32 $0x1B8E;
	s24 =	sld [smem:$0x3FFE];
	[sflag:s23] =	ssyncadd.s32 $0xFFFFFFFF  }
0xa5: {  	s26 =	simm.s32 $execute0_lowered;
	[smem:$0x3FD2] =	sst s25  }
0xa6: {  	s4 =	sshll.u32 s26, $0x1;
	_ =	strace $0x80000046;
	[dreg:$0x1] =	wrdreg $0xFFFFFFFF  }
0xa7: {  	s28 =	simm.s32 $_size_execute0_lowered;
	s2 =	sadd.s32 s2, s4;
	[dreg:$0x0] =	wrdreg $0x0  }
0xa8: {  	s4 =	sshll.u32 s28, $0x1;
	[dreg:$0x2] =	wrdreg s2  }
0xa9: {  	[dreg:$0x3] =	wrdreg s4  }
0xaa: {  	[dreg:$0x4] =	wrdreg $0xC0  }
0xab: {  	_ =	task [dreg:s6], $0x5FFFF  }
0xac: {  	[dreg:$0x1] =	wrdreg $0xFFFFFFFF  }
0xad: {  	[dreg:$0x0] =	wrdreg $0x60  }
0xae: {  	[dreg:$0x2] =	wrdreg s24  }
0xaf: {  	[dreg:$0x3] =	wrdreg $0xA  }
0xb0: {  	_ =	task.clear_ibuf [dreg:s6], $0x4FFFF;
	_ =	strace $0x90000046  }
0xb1: {  	s29 =	simm.s32 $0xA;
	_ =	strace $0x80000048  }
0xb2: {  	_ =	swait.ge [sflag:s29], $0x1  }
0xb3: {  	[sflag:s29] =	ssyncadd.s32 $0xFFFFFFFF  }
0xb4: {  	_ =	strace $0x90000048  }
0xb5: {  	_ =	sfence  }
0xb6: {  	s30 =	sld [smem:$0x0];
	_ =	sdelay $0x2  }
0xb7: {  	s31 =	sshll.u32 s1, $0xD;
	s1 =	sshrl.u32 s1, $0x2  }
0xb8: {  	s3 =	sand.u32 $0x4000, s31;
	s1 =	sadd.s32 s1, s30  }
0xb9: {  	s0 =	sor.u32 s3, s0;
	s1 =	sshll.u32 s1, $0x11  }
0xba: {  	s0 =	sor.u32 s1, s0  }
0xbb: {  	s0 =	sadd.s32 $0x8F2B, s0  }
0xbc: {  	[sflag:s0] =	ssyncadd.remote.s32 $0x1  }
0xbd: {  	_ =	sfence.sel $0xFFFF  }
0xbe: {  	[dreg:$0x0] =	wrdreg $0xFFFFFFFF;
	(pc) =	sbr.abs _section_cstart, $3  }
0xbf: {  	[dreg:$0x1] =	wrdreg $0xFFFFFFFF  }
0xc0: {  	_ =	task.clear_ibuf [dreg:s6], $0x2FFFF;
	_ =	strace $0x9FFFFFFF  }
0xc1: {  	(tm) =	ssettm $0x7FFFFFFF  }
tec
execute0_lowered:
.L_overlay_start_1:
0x0: {  	(tag) =	ssettag $0x1  }
0x1: {  	s0 =	srdreg.scid  }
0x2: {  	s8 =	stileid.u32;
	s1 =	rddreg [dreg:$0x0];
	s2 =	simm.s32 $0x0  }
0x3: {  	s12 =	simm.s32 $0x28;
	s13 =	simm.s32 $0x1388;
	s14 =	simm.s32 $0x2A08  }
0x4: {  	s16 =	simm.s32 $0x4088;
	s18 =	simm.s32 $0x5708;
	s20 =	simm.s32 $0x6D88  }
0x5: {  	s21 =	simm.s32 $0x1;
	s22 =	simm.s32 $0x8408;
	s23 =	simm.s32 $0x9A88  }
0x6: {  	s24 =	simm.s32 $0xB108;
	s25 =	simm.s32 $0xC788;
	s28 =	simm.s32 $0x3  }
0x7: {  	s29 =	simm.s32 $0x2;
	s0 =	sand.u32 $0x1, s0;
	s3 =	sshll.u32 s8, $0x1  }
0x8: {  	s30 =	simm.s32 $0x4;
	s11 =	smul.u32 $0x2BF20, s8;
	s3 =	sor.u32 s0, s3  }
0x9: {  	s31 =	simm.s32 $0x0;
	[smem:$0x7FF] =	sst s2;
	s4 =	smul.u32 $0x1388, s3  }
0xa: {  	_ =	strace $0x80000047;
	s5 =	ssub.s32 $0x2, s0;
	s6 =	smul.u32 $0xAFC80, s3  }
0xb: {  	s0 =	smul.u32 $0x15F90, s0;
	s3 =	sadd.s32 $0xBC00, s1;
	s7 =	sshrl.u32 s5, $0x1  }
0xc: {  	s10 =	ssub.s32 s5, s7;
	s4 =	sshrl.u32 s4, $0x3;
	s26 =	sshrl.u32 s6, $0x3  }
0xd: {  	s10 =	smax.u32 s10, $0x1;
	s4 =	sadd.s32 s4, s1;
	s1 =	sadd.s32 $0x37C00, s1  }
0xe: {  	s4 =	sadd.s32 $0x1C00, s4;
	s9 =	sadd.s32 s1, s26;
	s1 =	sadd.s32 s11, s1  }
0xf: {  	s11 =	simm.s32 $0x5;
	s26 =	simm.s32 $0xDE08;
	s5 =	sadd.s32 $0x15180, s9  }
0x10: {  	s6 =	sadd.s32 $0x15450, s9;
	s7 =	sadd.s32 $0x15720, s9;
	s0 =	sadd.s32 s0, s1  }
0x11: {  	s8 =	sadd.s32 $0x159F0, s9;
	s9 =	sadd.s32 $0x15CC0, s9;
	[dreg:$0x2] =	wrdreg s0  }
.LBB2_1:
0x12: {  	[tilespmem:s2], [sflag:$0x5] =	stream.linear.gather [hbm4b:s4+s2], $0x1388, $0x38;
	[tilespmem:$0xF488] =	vst v63  }
0x13: {  	_ =	swait.ge [sflag:s11], $0x1388  }
0x14: {  	[sflag:s11] =	ssyncset.done $0x0  }
0x15: {  	[sflag:s11] =	ssyncadd.s32 $0xFFFFEC78  }
0x16: {  	[tilespmem:s13], [sflag:$0x1] =	stream.indirect.gather [hbm4b:s3+s12], $0x90, s2, s12, $0xb8;
	[tilespmem:$0xF488] =	vst v63  }
0x17: {  	_ = 	snop  }
0x18: {  	[tilespmem:s14], [sflag:$0x1] =	stream.indirect.gather [hbm4b:s3+s12], $0x90, s12, s12, $0xb8;
	[tilespmem:$0xF488] =	vst v63  }
0x19: {  	s0 =	simm.s32 $0x50  }
0x1a: {  	[tilespmem:s16], [sflag:$0x1] =	stream.indirect.gather [hbm4b:s3+s12], $0x90, s0, s12, $0xb8;
	[tilespmem:$0xF488] =	vst v63  }
0x1b: {  	s15 =	simm.s32 $0x78  }
0x1c: {  	[tilespmem:s18], [sflag:$0x1] =	stream.indirect.gather [hbm4b:s3+s12], $0x90, s15, s12, $0xb8;
	[tilespmem:$0xF488] =	vst v63  }
0x1d: {  	s17 =	simm.s32 $0xA0  }
0x1e: {  	[tilespmem:s20], [sflag:$0x1] =	stream.indirect.gather [hbm4b:s3+s12], $0x90, s17, s12, $0xb8;
	[tilespmem:$0xF488] =	vst v63  }
0x1f: {  	_ =	swait.ge [sflag:s21], $0x1680  }
0x20: {  	[sflag:s21] =	ssyncset.done $0x0  }
0x21: {  	[sflag:s21] =	ssyncadd.s32 $0xFFFFE980  }
0x22: {  	_ =	swait.ge [sflag:s21], $0x1680  }
0x23: {  	[sflag:s21] =	ssyncset.done $0x0  }
0x24: {  	[sflag:s21] =	ssyncadd.s32 $0xFFFFE980  }
0x25: {  	_ =	swait.ge [sflag:s21], $0x1680  }
0x26: {  	[sflag:s21] =	ssyncset.done $0x0  }
0x27: {  	[sflag:s21] =	ssyncadd.s32 $0xFFFFE980  }
0x28: {  	_ =	swait.ge [sflag:s21], $0x1680  }
0x29: {  	[sflag:s21] =	ssyncset.done $0x0  }
0x2a: {  	[sflag:s21] =	ssyncadd.s32 $0xFFFFE980  }
0x2b: {  	_ =	swait.ge [sflag:s21], $0x1680  }
0x2c: {  	p0 =	por $0x1, $0x1;
	[sflag:s21] =	ssyncset.done $0x0  }
0x2d: {  	s0 =	simm.s32 @!p0 $0x4;
	[sflag:s21] =	ssyncadd.s32 $0xFFFFE980  }
0x2e: {  	_ =	swait.ge @!p0 [sflag:s0], $0x1680  }
0x2f: {  	[sflag:s0] =	ssyncset.done @!p0 $0x0  }
0x30: {  	[sflag:s0] =	ssyncadd.s32 @!p0 $0xFFFFE980  }
0x31: {  	_ =	swait.ge @!p0 [sflag:s0], $0x1680  }
0x32: {  	[sflag:s0] =	ssyncset.done @!p0 $0x0  }
0x33: {  	[sflag:s0] =	ssyncadd.s32 @!p0 $0xFFFFE980  }
0x34: {  	_ =	swait.ge @!p0 [sflag:s0], $0x1680  }
0x35: {  	[sflag:s0] =	ssyncset.done @!p0 $0x0  }
0x36: {  	[sflag:s0] =	ssyncadd.s32 @!p0 $0xFFFFE980  }
0x37: {  	_ =	swait.ge @!p0 [sflag:s0], $0x1680  }
0x38: {  	[sflag:s0] =	ssyncset.done @!p0 $0x0  }
0x39: {  	[sflag:s0] =	ssyncadd.s32 @!p0 $0xFFFFE980  }
0x3a: {  	_ =	swait.ge @!p0 [sflag:s0], $0x1680  }
0x3b: {  	[sflag:s0] =	ssyncset.done @!p0 $0x0  }
0x3c: {  	s19 =	simm.s32 $0xC8;
	[sflag:s0] =	ssyncadd.s32 @!p0 $0xFFFFE980  }
0x3d: {  	[tilespmem:s22], [sflag:$0x2] =	stream.indirect.gather [hbm4b:s3+s12], $0x90, s19, s12, $0xb8;
	[tilespmem:$0xF488] =	vst v63  }
0x3e: {  	s1 =	simm.s32 $0xF0  }
0x3f: {  	[tilespmem:s23], [sflag:$0x2] =	stream.indirect.gather [hbm4b:s3+s12], $0x90, s1, s12, $0xb8;
	[tilespmem:$0xF488] =	vst v63  }
0x40: {  	s15 =	simm.s32 $0x118  }
0x41: {  	[tilespmem:s24], [sflag:$0x2] =	stream.indirect.gather [hbm4b:s3+s12], $0x90, s15, s12, $0xb8;
	[tilespmem:$0xF488] =	vst v63  }
0x42: {  	s17 =	simm.s32 $0x140  }
0x43: {  	[tilespmem:s25], [sflag:$0x2] =	stream.indirect.gather [hbm4b:s3+s12], $0x90, s17, s12, $0xb8;
	[tilespmem:$0xF488] =	vst v63  }
0x44: {  	s19 =	simm.s32 $0x168;
	s1 =	rddreg [dreg:$0x2]  }
0x45: {  	[tilespmem:s26], [sflag:$0x2] =	stream.indirect.gather [hbm4b:s3+s12], $0x90, s19, s12, $0xb8;
	[tilespmem:$0xF488] =	vst v63  }
0x46: {  	s0 =	sadd.s32 $0x0, s1  }
0x47: {  	[hbm4b:s0+s2] =	stream.linear.scatter [tilespmem:s13], [sflag:$0x3], $0x1680, $0x38;
	[tilespmem:$0xF488] =	vst v63  }
0x48: {  	s1 =	sadd.s32 $0x2D0, s0  }
0x49: {  	[hbm4b:s1+s2] =	stream.linear.scatter [tilespmem:s14], [sflag:$0x3], $0x1680, $0x38;
	[tilespmem:$0xF488] =	vst v63  }
0x4a: {  	s15 =	sadd.s32 $0x5A0, s0  }
0x4b: {  	[hbm4b:s15+s2] =	stream.linear.scatter [tilespmem:s16], [sflag:$0x3], $0x1680, $0x38;
	[tilespmem:$0xF488] =	vst v63  }
0x4c: {  	s17 =	sadd.s32 $0x870, s0  }
0x4d: {  	[hbm4b:s17+s2] =	stream.linear.scatter [tilespmem:s18], [sflag:$0x3], $0x1680, $0x38;
	[tilespmem:$0xF488] =	vst v63  }
0x4e: {  	s19 =	sadd.s32 $0xB40, s0  }
0x4f: {  	[hbm4b:s19+s2] =	stream.linear.scatter [tilespmem:s20], [sflag:$0x3], $0x1680, $0x38;
	[tilespmem:$0xF488] =	vst v63  }
0x50: {  	_ =	swait.ge [sflag:s28], $0x1680  }
0x51: {  	[sflag:s28] =	ssyncset.done $0x0  }
0x52: {  	[sflag:s28] =	ssyncadd.s32 $0xFFFFE980  }
0x53: {  	_ =	swait.ge [sflag:s28], $0x1680  }
0x54: {  	[sflag:s28] =	ssyncset.done $0x0  }
0x55: {  	[sflag:s28] =	ssyncadd.s32 $0xFFFFE980  }
0x56: {  	_ =	swait.ge [sflag:s28], $0x1680  }
0x57: {  	[sflag:s28] =	ssyncset.done $0x0  }
0x58: {  	[sflag:s28] =	ssyncadd.s32 $0xFFFFE980  }
0x59: {  	_ =	swait.ge [sflag:s28], $0x1680  }
0x5a: {  	[sflag:s28] =	ssyncset.done $0x0  }
0x5b: {  	[sflag:s28] =	ssyncadd.s32 $0xFFFFE980  }
0x5c: {  	_ =	swait.ge [sflag:s28], $0x1680  }
0x5d: {  	[sflag:s28] =	ssyncset.done $0x0  }
0x5e: {  	s15 =	simm.s32 $0x190;
	[sflag:s28] =	ssyncadd.s32 $0xFFFFE980  }
0x5f: {  	[tilespmem:s13], [sflag:$0x1] =	stream.indirect.gather [hbm4b:s3+s12], $0x90, s15, s12, $0xb8;
	[tilespmem:$0xF488] =	vst v63  }
0x60: {  	s17 =	simm.s32 $0x1B8  }
0x61: {  	[tilespmem:s14], [sflag:$0x1] =	stream.indirect.gather [hbm4b:s3+s12], $0x90, s17, s12, $0xb8;
	[tilespmem:$0xF488] =	vst v63  }
0x62: {  	s19 =	simm.s32 $0x1E0  }
0x63: {  	[tilespmem:s16], [sflag:$0x1] =	stream.indirect.gather [hbm4b:s3+s12], $0x90, s19, s12, $0xb8;
	[tilespmem:$0xF488] =	vst v63  }
0x64: {  	s15 =	simm.s32 $0x208  }
0x65: {  	[tilespmem:s18], [sflag:$0x1] =	stream.indirect.gather [hbm4b:s3+s12], $0x90, s15, s12, $0xb8;
	[tilespmem:$0xF488] =	vst v63  }
0x66: {  	s17 =	simm.s32 $0x230  }
0x67: {  	[tilespmem:s20], [sflag:$0x1] =	stream.indirect.gather [hbm4b:s3+s12], $0x90, s17, s12, $0xb8;
	[tilespmem:$0xF488] =	vst v63  }
0x68: {  	_ =	swait.ge [sflag:s29], $0x1680  }
0x69: {  	[sflag:s29] =	ssyncset.done $0x0  }
0x6a: {  	[sflag:s29] =	ssyncadd.s32 $0xFFFFE980  }
0x6b: {  	_ =	swait.ge [sflag:s29], $0x1680  }
0x6c: {  	[sflag:s29] =	ssyncset.done $0x0  }
0x6d: {  	[sflag:s29] =	ssyncadd.s32 $0xFFFFE980  }
0x6e: {  	_ =	swait.ge [sflag:s29], $0x1680  }
0x6f: {  	[sflag:s29] =	ssyncset.done $0x0  }
0x70: {  	[sflag:s29] =	ssyncadd.s32 $0xFFFFE980  }
0x71: {  	_ =	swait.ge [sflag:s29], $0x1680  }
0x72: {  	[sflag:s29] =	ssyncset.done $0x0  }
0x73: {  	[sflag:s29] =	ssyncadd.s32 $0xFFFFE980  }
0x74: {  	_ =	swait.ge [sflag:s29], $0x1680  }
0x75: {  	[sflag:s29] =	ssyncset.done $0x0  }
0x76: {  	s19 =	sadd.s32 $0xE10, s0;
	[sflag:s29] =	ssyncadd.s32 $0xFFFFE980  }
0x77: {  	[hbm4b:s19+s2] =	stream.linear.scatter [tilespmem:s22], [sflag:$0x4], $0x1680, $0x38;
	[tilespmem:$0xF488] =	vst v63  }
0x78: {  	s15 =	sadd.s32 $0x10E0, s0  }
0x79: {  	[hbm4b:s15+s2] =	stream.linear.scatter [tilespmem:s23], [sflag:$0x4], $0x1680, $0x38;
	[tilespmem:$0xF488] =	vst v63  }
0x7a: {  	s1 =	simm.s32 $0x1C20;
	s17 =	sadd.s32 $0x13B0, s0  }
0x7b: {  	[hbm4b:s17+s2] =	stream.linear.scatter [tilespmem:s24], [sflag:$0x4], $0x1680, $0x38;
	[tilespmem:$0xF488] =	vst v63  }
0x7c: {  	s19 =	sadd.s32 $0x1680, s0;
	s15 =	sadd.s32 $0x1950, s0;
	s0 =	simm.s32 $0x2A8  }
0x7d: {  	[hbm4b:s19+s2] =	stream.linear.scatter [tilespmem:s25], [sflag:$0x4], $0x1680, $0x38;
	[tilespmem:$0xF488] =	vst v63  }
.LBB2_2:
0x7e: {  	[hbm4b:s15+s2] =	stream.linear.scatter [tilespmem:s26], [sflag:$0x4], $0x1680, $0x38;
	[tilespmem:$0xF488] =	vst v63  }
0x7f: {  	_ =	swait.ge [sflag:s21], $0x1680  }
0x80: {  	[sflag:s21] =	ssyncset.done $0x0  }
0x81: {  	[sflag:s21] =	ssyncadd.s32 $0xFFFFE980  }
0x82: {  	_ =	swait.ge [sflag:s21], $0x1680  }
0x83: {  	[sflag:s21] =	ssyncset.done $0x0  }
0x84: {  	[sflag:s21] =	ssyncadd.s32 $0xFFFFE980  }
0x85: {  	_ =	swait.ge [sflag:s21], $0x1680  }
0x86: {  	[sflag:s21] =	ssyncset.done $0x0  }
0x87: {  	[sflag:s21] =	ssyncadd.s32 $0xFFFFE980  }
0x88: {  	_ =	swait.ge [sflag:s21], $0x1680  }
0x89: {  	[sflag:s21] =	ssyncset.done $0x0  }
0x8a: {  	[sflag:s21] =	ssyncadd.s32 $0xFFFFE980  }
0x8b: {  	s15 =	smov.u32 s1;
	_ =	swait.ge [sflag:s21], $0x1680  }
0x8c: {  	p1 =	seq.s32 s15, $0x0;
	[sflag:s21] =	ssyncset.done $0x0  }
0x8d: {  	s17 =	simm.s32 @!p1 $0x4;
	[sflag:s21] =	ssyncadd.s32 $0xFFFFE980  }
0x8e: {  	_ =	swait.ge @!p1 [sflag:s17], $0x1680  }
0x8f: {  	[sflag:s17] =	ssyncset.done @!p1 $0x0  }
0x90: {  	[sflag:s17] =	ssyncadd.s32 @!p1 $0xFFFFE980  }
0x91: {  	_ =	swait.ge @!p1 [sflag:s17], $0x1680  }
0x92: {  	[sflag:s17] =	ssyncset.done @!p1 $0x0  }
0x93: {  	[sflag:s17] =	ssyncadd.s32 @!p1 $0xFFFFE980  }
0x94: {  	_ =	swait.ge @!p1 [sflag:s17], $0x1680  }
0x95: {  	[sflag:s17] =	ssyncset.done @!p1 $0x0  }
0x96: {  	[sflag:s17] =	ssyncadd.s32 @!p1 $0xFFFFE980  }
0x97: {  	_ =	swait.ge @!p1 [sflag:s17], $0x1680  }
0x98: {  	[sflag:s17] =	ssyncset.done @!p1 $0x0  }
0x99: {  	[sflag:s17] =	ssyncadd.s32 @!p1 $0xFFFFE980  }
0x9a: {  	_ =	swait.ge @!p1 [sflag:s17], $0x1680  }
0x9b: {  	[sflag:s17] =	ssyncset.done @!p1 $0x0  }
0x9c: {  	s19 =	sadd.s32 $0xFFFFFFB0, s0;
	[sflag:s17] =	ssyncadd.s32 @!p1 $0xFFFFE980  }
0x9d: {  	[tilespmem:s22], [sflag:$0x2] =	stream.indirect.gather [hbm4b:s3+s12], $0x90, s19, s12, $0xb8;
	[tilespmem:$0xF488] =	vst v63  }
0x9e: {  	s19 =	sadd.s32 $0xFFFFFFD8, s0  }
0x9f: {  	[tilespmem:s23], [sflag:$0x2] =	stream.indirect.gather [hbm4b:s3+s12], $0x90, s19, s12, $0xb8;
	[tilespmem:$0xF488] =	vst v63  }
0xa0: {  	_ = 	snop  }
0xa1: {  	[tilespmem:s24], [sflag:$0x2] =	stream.indirect.gather [hbm4b:s3+s12], $0x90, s0, s12, $0xb8;
	[tilespmem:$0xF488] =	vst v63  }
0xa2: {  	s17 =	sadd.s32 $0x28, s0  }
0xa3: {  	[tilespmem:s25], [sflag:$0x2] =	stream.indirect.gather [hbm4b:s3+s12], $0x90, s17, s12, $0xb8;
	[tilespmem:$0xF488] =	vst v63  }
0xa4: {  	s19 =	rddreg [dreg:$0x2];
	s17 =	sadd.s32 $0x50, s0  }
0xa5: {  	[tilespmem:s26], [sflag:$0x2] =	stream.indirect.gather [hbm4b:s3+s12], $0x90, s17, s12, $0xb8;
	[tilespmem:$0xF488] =	vst v63  }
0xa6: {  	s15 =	sadd.s32 s15, s19  }
0xa7: {  	[hbm4b:s15+s2] =	stream.linear.scatter [tilespmem:s13], [sflag:$0x3], $0x1680, $0x38;
	[tilespmem:$0xF488] =	vst v63  }
0xa8: {  	s19 =	sadd.s32 $0x2D0, s15  }
0xa9: {  	[hbm4b:s19+s2] =	stream.linear.scatter [tilespmem:s14], [sflag:$0x3], $0x1680, $0x38;
	[tilespmem:$0xF488] =	vst v63  }
0xaa: {  	s19 =	sadd.s32 $0x5A0, s15  }
0xab: {  	[hbm4b:s19+s2] =	stream.linear.scatter [tilespmem:s16], [sflag:$0x3], $0x1680, $0x38;
	[tilespmem:$0xF488] =	vst v63  }
0xac: {  	s19 =	sadd.s32 $0x870, s15  }
0xad: {  	[hbm4b:s19+s2] =	stream.linear.scatter [tilespmem:s18], [sflag:$0x3], $0x1680, $0x38;
	[tilespmem:$0xF488] =	vst v63  }
0xae: {  	s19 =	sadd.s32 $0xB40, s15  }
0xaf: {  	[hbm4b:s19+s2] =	stream.linear.scatter [tilespmem:s20], [sflag:$0x3], $0x1680, $0x38;
	[tilespmem:$0xF488] =	vst v63  }
0xb0: {  	_ =	swait.ge [sflag:s28], $0x1680  }
0xb1: {  	[sflag:s28] =	ssyncset.done $0x0  }
0xb2: {  	[sflag:s28] =	ssyncadd.s32 $0xFFFFE980  }
0xb3: {  	_ =	swait.ge [sflag:s28], $0x1680  }
0xb4: {  	[sflag:s28] =	ssyncset.done $0x0  }
0xb5: {  	[sflag:s28] =	ssyncadd.s32 $0xFFFFE980  }
0xb6: {  	_ =	swait.ge [sflag:s28], $0x1680  }
0xb7: {  	[sflag:s28] =	ssyncset.done $0x0  }
0xb8: {  	[sflag:s28] =	ssyncadd.s32 $0xFFFFE980  }
0xb9: {  	_ =	swait.ge [sflag:s28], $0x1680  }
0xba: {  	[sflag:s28] =	ssyncset.done $0x0  }
0xbb: {  	[sflag:s28] =	ssyncadd.s32 $0xFFFFE980  }
0xbc: {  	_ =	swait.ge [sflag:s28], $0x1680  }
0xbd: {  	[sflag:s28] =	ssyncset.done $0x0  }
0xbe: {  	s19 =	sadd.s32 $0x78, s0;
	[sflag:s28] =	ssyncadd.s32 $0xFFFFE980  }
0xbf: {  	[tilespmem:s13], [sflag:$0x1] =	stream.indirect.gather [hbm4b:s3+s12], $0x90, s19, s12, $0xb8;
	[tilespmem:$0xF488] =	vst v63  }
0xc0: {  	s19 =	sadd.s32 $0xA0, s0  }
0xc1: {  	[tilespmem:s14], [sflag:$0x1] =	stream.indirect.gather [hbm4b:s3+s12], $0x90, s19, s12, $0xb8;
	[tilespmem:$0xF488] =	vst v63  }
0xc2: {  	s19 =	sadd.s32 $0xC8, s0  }
0xc3: {  	[tilespmem:s16], [sflag:$0x1] =	stream.indirect.gather [hbm4b:s3+s12], $0x90, s19, s12, $0xb8;
	[tilespmem:$0xF488] =	vst v63  }
0xc4: {  	s19 =	sadd.s32 $0xF0, s0  }
0xc5: {  	[tilespmem:s18], [sflag:$0x1] =	stream.indirect.gather [hbm4b:s3+s12], $0x90, s19, s12, $0xb8;
	[tilespmem:$0xF488] =	vst v63  }
0xc6: {  	s19 =	sadd.s32 $0x118, s0  }
0xc7: {  	[tilespmem:s20], [sflag:$0x1] =	stream.indirect.gather [hbm4b:s3+s12], $0x90, s19, s12, $0xb8;
	[tilespmem:$0xF488] =	vst v63  }
0xc8: {  	_ =	swait.ge [sflag:s29], $0x1680  }
0xc9: {  	[sflag:s29] =	ssyncset.done $0x0  }
0xca: {  	[sflag:s29] =	ssyncadd.s32 $0xFFFFE980  }
0xcb: {  	_ =	swait.ge [sflag:s29], $0x1680  }
0xcc: {  	[sflag:s29] =	ssyncset.done $0x0  }
0xcd: {  	[sflag:s29] =	ssyncadd.s32 $0xFFFFE980  }
0xce: {  	_ =	swait.ge [sflag:s29], $0x1680  }
0xcf: {  	[sflag:s29] =	ssyncset.done $0x0  }
0xd0: {  	[sflag:s29] =	ssyncadd.s32 $0xFFFFE980  }
0xd1: {  	_ =	swait.ge [sflag:s29], $0x1680  }
0xd2: {  	[sflag:s29] =	ssyncset.done $0x0  }
0xd3: {  	[sflag:s29] =	ssyncadd.s32 $0xFFFFE980  }
0xd4: {  	_ =	swait.ge [sflag:s29], $0x1680  }
0xd5: {  	[sflag:s29] =	ssyncset.done $0x0  }
0xd6: {  	s1 =	sadd.s32 $0x1C20, s1;
	s19 =	sadd.s32 $0xE10, s15;
	[sflag:s29] =	ssyncadd.s32 $0xFFFFE980  }
0xd7: {  	[hbm4b:s19+s2] =	stream.linear.scatter [tilespmem:s22], [sflag:$0x4], $0x1680, $0x38;
	[tilespmem:$0xF488] =	vst v63  }
0xd8: {  	p0 =	sne.s32 s1, $0x15180;
	s19 =	sadd.s32 $0x10E0, s15  }
0xd9: {  	[hbm4b:s19+s2] =	stream.linear.scatter [tilespmem:s23], [sflag:$0x4], $0x1680, $0x38;
	[tilespmem:$0xF488] =	vst v63  }
.Ltmp0:
0xda: {  	_ = 	snop;
	(pc) =	sbr.rel @p0 .LBB2_2-.Ltmp0, $4  }
0xdb: {  	s19 =	sadd.s32 $0x13B0, s15  }
0xdc: {  	[hbm4b:s19+s2] =	stream.linear.scatter [tilespmem:s24], [sflag:$0x4], $0x1680, $0x38;
	[tilespmem:$0xF488] =	vst v63  }
0xdd: {  	s0 =	sadd.s32 $0x190, s0;
	s19 =	sadd.s32 $0x1680, s15;
	s15 =	sadd.s32 $0x1950, s15  }
0xde: {  	[hbm4b:s19+s2] =	stream.linear.scatter [tilespmem:s25], [sflag:$0x4], $0x1680, $0x38;
	[tilespmem:$0xF488] =	vst v63  }
0xdf: {  	[hbm4b:s15+s2] =	stream.linear.scatter [tilespmem:s26], [sflag:$0x4], $0x1680, $0x38;
	[tilespmem:$0xF488] =	vst v63  }
0xe0: {  	_ =	swait.ge [sflag:s30], $0x1680  }
0xe1: {  	[sflag:s30] =	ssyncset.done $0x0  }
0xe2: {  	[sflag:s30] =	ssyncadd.s32 $0xFFFFE980  }
0xe3: {  	_ =	swait.ge [sflag:s30], $0x1680  }
0xe4: {  	[sflag:s30] =	ssyncset.done $0x0  }
0xe5: {  	[sflag:s30] =	ssyncadd.s32 $0xFFFFE980  }
0xe6: {  	_ =	swait.ge [sflag:s30], $0x1680  }
0xe7: {  	[sflag:s30] =	ssyncset.done $0x0  }
0xe8: {  	[sflag:s30] =	ssyncadd.s32 $0xFFFFE980  }
0xe9: {  	_ =	swait.ge [sflag:s30], $0x1680  }
0xea: {  	[sflag:s30] =	ssyncset.done $0x0  }
0xeb: {  	[sflag:s30] =	ssyncadd.s32 $0xFFFFE980  }
0xec: {  	_ =	swait.ge [sflag:s30], $0x1680  }
0xed: {  	[sflag:s30] =	ssyncset.done $0x0  }
0xee: {  	[sflag:s30] =	ssyncadd.s32 $0xFFFFE980  }
0xef: {  	_ =	swait.ge [sflag:s21], $0x1680  }
0xf0: {  	[sflag:s21] =	ssyncset.done $0x0  }
0xf1: {  	[sflag:s21] =	ssyncadd.s32 $0xFFFFE980  }
0xf2: {  	_ =	swait.ge [sflag:s21], $0x1680  }
0xf3: {  	[sflag:s21] =	ssyncset.done $0x0  }
0xf4: {  	[sflag:s21] =	ssyncadd.s32 $0xFFFFE980  }
0xf5: {  	_ =	swait.ge [sflag:s21], $0x1680  }
0xf6: {  	[sflag:s21] =	ssyncset.done $0x0  }
0xf7: {  	[sflag:s21] =	ssyncadd.s32 $0xFFFFE980  }
0xf8: {  	_ =	swait.ge [sflag:s21], $0x1680  }
0xf9: {  	[sflag:s21] =	ssyncset.done $0x0  }
0xfa: {  	[sflag:s21] =	ssyncadd.s32 $0xFFFFE980  }
0xfb: {  	_ =	swait.ge [sflag:s21], $0x1680  }
0xfc: {  	[sflag:s21] =	ssyncset.done $0x0  }
0xfd: {  	[sflag:s21] =	ssyncadd.s32 $0xFFFFE980  }
0xfe: {  	[hbm4b:s5+s2] =	stream.linear.scatter [tilespmem:s13], [sflag:$0x3], $0x1680, $0x38;
	[tilespmem:$0xF488] =	vst v63  }
0xff: {  	_ = 	snop  }
0x100: {  	[hbm4b:s6+s2] =	stream.linear.scatter [tilespmem:s14], [sflag:$0x3], $0x1680, $0x38;
	[tilespmem:$0xF488] =	vst v63  }
0x101: {  	_ = 	snop  }
0x102: {  	[hbm4b:s7+s2] =	stream.linear.scatter [tilespmem:s16], [sflag:$0x3], $0x1680, $0x38;
	[tilespmem:$0xF488] =	vst v63  }
0x103: {  	_ = 	snop  }
0x104: {  	[hbm4b:s8+s2] =	stream.linear.scatter [tilespmem:s18], [sflag:$0x3], $0x1680, $0x38;
	[tilespmem:$0xF488] =	vst v63  }
0x105: {  	_ = 	snop  }
0x106: {  	[hbm4b:s9+s2] =	stream.linear.scatter [tilespmem:s20], [sflag:$0x3], $0x1680, $0x38;
	[tilespmem:$0xF488] =	vst v63  }
0x107: {  	_ =	swait.ge [sflag:s28], $0x1680  }
0x108: {  	[sflag:s28] =	ssyncset.done $0x0  }
0x109: {  	[sflag:s28] =	ssyncadd.s32 $0xFFFFE980  }
0x10a: {  	_ =	swait.ge [sflag:s28], $0x1680  }
0x10b: {  	[sflag:s28] =	ssyncset.done $0x0  }
0x10c: {  	[sflag:s28] =	ssyncadd.s32 $0xFFFFE980  }
0x10d: {  	_ =	swait.ge [sflag:s28], $0x1680  }
0x10e: {  	[sflag:s28] =	ssyncset.done $0x0  }
0x10f: {  	s31 =	sadd.s32 $0x1, s31;
	[sflag:s28] =	ssyncadd.s32 $0xFFFFE980  }
0x110: {  	p0 =	sne.s32 s31, s10;
	_ =	swait.ge [sflag:s28], $0x1680  }
.Ltmp1:
0x111: {  	[sflag:s28] =	ssyncset.done $0x0;
	(pc) =	sbr.rel @p0 .LBB2_1-.Ltmp1, $4  }
0x112: {  	[sflag:s28] =	ssyncadd.s32 $0xFFFFE980  }
0x113: {  	_ =	swait.ge [sflag:s28], $0x1680  }
0x114: {  	[sflag:s28] =	ssyncset.done $0x0  }
0x115: {  	[sflag:s28] =	ssyncadd.s32 $0xFFFFE980  }
0x116: {  	_ =	sfence.sel $0x180000  }
0x117: {  	[bflag:$0x0] =	sbarrier.arrive $0xFFFF  }
0x118: {  	_ =	strace $0x90000047  }
0x119: {  	s0 =	stileid.u32;
	[bflag:$0x2] =	sbarrier.arrive $0xFFFF  }
0x11a: {  	p0 =	sne.s32 s0, $0x0;
	s0 =	rddreg [dreg:$0x1]  }
0x11b: {  	s0 =	sadd.s32 @!p0 $0x100000, s0  }
0x11c: {  	[sflag:s0] =	ssyncadd.tile.s32 @!p0 $0x1;
	_ =	shalt  }
.Lfunc_end2:
_tile_overlayer_lowered:
.L_overlay_start_2:
0x11d: {  	(tag) =	ssettag $0x2  }
0x11e: {  	s0 =	rddreg [dreg:$0x0];
	s2 =	stileid.u32  }
0x11f: {  	s1 =	rddreg [dreg:$0x1];
	p0 =	sne.s32 s2, $0x0  }
0x120: {  	s3 =	rddreg [dreg:$0x2];
	[bflag:$0x3] =	sbarrier.arrive $0xFFFF;
	s2 =	simm.s32 @!p0 $0x1C05  }
0x121: {  	[timem:s3], [sflag:s2] =	dma.local @!p0 [hbm:s0], s1  }
0x122: {  	s0 =	simm.s32 @!p0 $0x5  }
0x123: {  	_ =	swait.ge @!p0 [sflag:s0], s1  }
0x124: {  	s1 =	ssub.s32 @!p0 $0x0, s1;
	[sflag:s0] =	ssyncset.done @!p0 $0x0  }
0x125: {  	[sflag:s0] =	ssyncadd.s32 @!p0 s1  }
0x126: {  	[bflag:$0x3] =	sbarrier.arrive $0xFFFF  }
0x127: {  	_ =	shalt  }

</sc_bundles>
